<compile_context>
chip_gen: v7x
topology: tpu7x:2x2x1
jax: 0.10.2.dev20260603
libtpu: 0.0.44.dev20260713+nightly
codegen_flags: <defaults>
</compile_context>

<pallas_src>
import functools

import numpy as np
import jax
import jax.numpy as jnp
from jax import lax
from jax.experimental import pallas as pl
from jax.experimental.pallas import tpu as pltpu
from jax.experimental.pallas import tpu_sc as plsc

B = 131072
NUM_LEVELS = 16
LEVEL_DIM = 2
BASE_RES = 16
LOG2_HASHMAP = 19
HASH_SIZE = 1 << LOG2_HASHMAP
HP1 = int(np.uint32(2654435761).view(np.int32))
HP2 = int(np.uint32(805459861).view(np.int32))


def _level_offsets():
    offs, off = [], 0
    for i in range(NUM_LEVELS):
        res = int(np.ceil(BASE_RES * 2.0 ** i)) + 1
        n = min(HASH_SIZE, res ** 3)
        n = int(np.ceil(n / 8) * 8)
        offs.append(off)
        off += n
    offs.append(off)
    return offs


_OFF = _level_offsets()
_DENSE_LEVELS = 3
_DENSE_TOTAL = _OFF[_DENSE_LEVELS]

NC, NS = 2, 16
NW = NC * NS
CHUNK = B // NW
PBLK = 512
NBLK = CHUNK // PBLK
NV = PBLK // 16
NG = 8 * PBLK


def _grid_body(coords, emb, out, xyz_v,
               idx_a, w_a, val_a, idx_b, w_b, val_b,
               oblk_v, sem_a, sem_b):
    wid = lax.axis_index("s") * NC + lax.axis_index("c")
    bufs = ((idx_a, w_a, val_a, sem_a), (idx_b, w_b, val_b, sem_b))

    def pass_a(par, scale_f, off2, hashed, res, base):
        idx_v, w_v, _, _ = bufs[par]

        def body(j, _):
            o = j * 16
            x = xyz_v[pl.ds(o, 16)]
            y = xyz_v[pl.ds(PBLK + o, 16)]
            z = xyz_v[pl.ds(2 * PBLK + o, 16)]
            px = x * scale_f + 0.5
            py = y * scale_f + 0.5
            pz = z * scale_f + 0.5
            ix = px.astype(jnp.int32)
            iy = py.astype(jnp.int32)
            iz = pz.astype(jnp.int32)
            fx = px - ix.astype(jnp.float32)
            fy = py - iy.astype(jnp.float32)
            fz = pz - iz.astype(jnp.float32)
            wx0, wy0, wz0 = 1.0 - fx, 1.0 - fy, 1.0 - fz
            wxy = ((wx0 * wy0, fx * wy0), (wx0 * fy, fx * fy))
            wz = (wz0, fz)
            if hashed:
                hx = (ix, ix + 1)
                hy0 = iy * HP1
                hy = (hy0, hy0 + HP1)
                hz0 = iz * HP2
                hz = (hz0, hz0 + HP2)
            else:
                hx = (ix, ix + 1)
                hy0 = iy * res
                hy = (hy0, hy0 + res)
                hz0 = iz * (res * res)
                hz = (hz0, hz0 + res * res)
            for c in range(8):
                bx, by, bz = c & 1, (c >> 1) & 1, (c >> 2) & 1
                if hashed:
                    h = hx[bx] ^ hy[by] ^ hz[bz]
                    idx0 = lax.shift_left(
                        lax.bitwise_and(h, HASH_SIZE - 1), 1) + off2
                else:
                    idx0 = lax.shift_left(hx[bx] + hy[by] + hz[bz], 1) + off2
                w = wxy[by][bx] * wz[bz]
                kbase = c * PBLK + o
                idx_v[pl.ds(kbase, 16)] = idx0
                idx_v[pl.ds(NG + kbase, 16)] = idx0 + 1
                w_v[pl.ds(kbase, 16)] = w
            return 0

        lax.fori_loop(0, NV, body, 0)

    def fire(par):
        idx_v, _, val_v, sem = bufs[par]
        pltpu.async_copy(emb.at[idx_v], val_v, sem)

    def drain(par):
        idx_v, _, val_v, sem = bufs[par]
        pltpu.make_async_copy(emb.at[idx_v], val_v, sem).wait()

    def pass_b(par, l, base):
        _, w_v, val_v, _ = bufs[par]

        def body(j, _):
            o = j * 16
            acc0 = jnp.zeros((16,), jnp.float32)
            acc1 = jnp.zeros((16,), jnp.float32)
            for c in range(8):
                kbase = c * PBLK + o
                w = w_v[pl.ds(kbase, 16)]
                acc0 = acc0 + w * val_v[pl.ds(kbase, 16)]
                acc1 = acc1 + w * val_v[pl.ds(NG + kbase, 16)]
            oblk_v[pl.ds(o, 16)] = acc0
            oblk_v[pl.ds(PBLK + o, 16)] = acc1
            return 0

        lax.fori_loop(0, NV, body, 0)
        obase = (l * LEVEL_DIM) * B + base
        pltpu.sync_copy(oblk_v.at[pl.ds(0, PBLK)], out.at[pl.ds(obase, PBLK)])
        pltpu.sync_copy(oblk_v.at[pl.ds(PBLK, PBLK)],
                        out.at[pl.ds(obase + B, PBLK)])

    def hash_params(l):
        sc = lax.shift_left(BASE_RES, l)
        scale_f = sc.astype(jnp.float32) - 1.0
        off2 = (l - _DENSE_LEVELS) * (2 * HASH_SIZE) + 2 * _DENSE_TOTAL
        return scale_f, off2

    def do_block(b, _):
        base = wid * CHUNK + b * PBLK
        for d in range(3):
            pltpu.sync_copy(coords.at[pl.ds(d * B + base, PBLK)],
                            xyz_v.at[pl.ds(d * PBLK, PBLK)])

        for l in range(4):
            par = l & 1
            if l < _DENSE_LEVELS:
                res = BASE_RES << l
                pass_a(par, jnp.float32(res - 1), 2 * _OFF[l], False, res, base)
            else:
                scale_f, off2 = hash_params(jnp.int32(l))
                pass_a(par, scale_f, off2, True, 0, base)
            fire(par)
            if l > 0:
                drain(1 - par)
                pass_b(1 - par, l - 1, base)

        def pair(t, _):
            l0 = 4 + 2 * t
            for i, l in enumerate((l0, l0 + 1)):
                par = i
                scale_f, off2 = hash_params(l)
                pass_a(par, scale_f, off2, True, 0, base)
                fire(par)
                drain(1 - par)
                pass_b(1 - par, l - 1, base)
            return 0

        lax.fori_loop(0, (NUM_LEVELS - 4) // 2, pair, 0)

        drain(1)
        pass_b(1, NUM_LEVELS - 1, base)
        return 0

    lax.fori_loop(0, NBLK, do_block, 0)


_mesh = plsc.VectorSubcoreMesh(core_axis_name="c", subcore_axis_name="s")

_grid_call = functools.partial(
    pl.kernel,
    mesh=_mesh,
    out_type=jax.ShapeDtypeStruct((NUM_LEVELS * LEVEL_DIM * B,), jnp.float32),
    scratch_types=[
        pltpu.VMEM((3 * PBLK,), jnp.float32),
        pltpu.VMEM((2 * NG,), jnp.int32),
        pltpu.VMEM((NG,), jnp.float32),
        pltpu.VMEM((2 * NG,), jnp.float32),
        pltpu.VMEM((2 * NG,), jnp.int32),
        pltpu.VMEM((NG,), jnp.float32),
        pltpu.VMEM((2 * NG,), jnp.float32),
        pltpu.VMEM((LEVEL_DIM * PBLK,), jnp.float32),
        pltpu.SemaphoreType.DMA,
        pltpu.SemaphoreType.DMA,
    ],
)(_grid_body)


def kernel(inputs, embeddings):
    coords = inputs.T.reshape(-1)
    emb_flat = embeddings.reshape(-1)
    out = _grid_call(coords, emb_flat)
    out = out.reshape(NUM_LEVELS, LEVEL_DIM, B)
    return out.transpose(2, 0, 1).reshape(B, NUM_LEVELS * LEVEL_DIM)

# --- scband reference (transcript-rebuilt; emitter-appended) ---
"""Pipeline reference for scband-grid-encoder-44212393345206 (READ-ONLY COPY).

The authoritative reference and input builder live on the scoring server;
editing this copy changes nothing except your own understanding.
"""

import jax, jax.numpy as jnp
import numpy as np

INPUT_DIM = 3
NUM_LEVELS = 16
LEVEL_DIM = 2
PER_LEVEL_SCALE = 2.0
BASE_RES = 16
LOG2_HASHMAP = 19
ALIGN_CORNERS = False
PRIMES = np.array([1, 2654435761, 805459861], dtype=np.uint32)
B = 131072


def _compute_offsets():
    max_params = 2 ** LOG2_HASHMAP
    offsets = []
    offset = 0
    for i in range(NUM_LEVELS):
        resolution = int(np.ceil(BASE_RES * PER_LEVEL_SCALE ** i))
        if not ALIGN_CORNERS:
            resolution += 1
        params_in_level = min(max_params, resolution ** INPUT_DIM)
        params_in_level = int(np.ceil(params_in_level / 8) * 8)
        offsets.append(offset)
        offset += params_in_level
    offsets.append(offset)
    return offsets

OFFSETS = _compute_offsets()


def setup_inputs(seed: int = 0):
    key = jax.random.key(seed)
    k1, k2 = jax.random.split(key)
    inputs = jax.random.uniform(k1, (B, INPUT_DIM), dtype=jnp.float32)
    embeddings = jax.random.normal(k2, (OFFSETS[-1], LEVEL_DIM), dtype=jnp.float32) * 1e-4
    return {"inputs": inputs, "embeddings": embeddings}


def _encode_level(x, emb, level):
    # mirrors torch-ngp grid_encode_forward CUDA kernel (linear interpolation, hash grid)
    S = np.log2(PER_LEVEL_SCALE)
    scale = np.exp2(level * S) * BASE_RES - 1.0
    resolution = int(np.ceil(scale)) + 1
    hashmap_size = OFFSETS[level + 1] - OFFSETS[level]
    use_hash = (resolution ** INPUT_DIM) > hashmap_size
    pos = x * np.float32(scale) + (0.0 if ALIGN_CORNERS else 0.5)
    pos_floor = jnp.floor(pos)
    frac = pos - pos_floor
    pos_grid = pos_floor.astype(jnp.uint32)
    n = x.shape[0]
    out = jnp.zeros((n, LEVEL_DIM), dtype=emb.dtype)
    for mask in range(1 << INPUT_DIM):
        w = jnp.ones((n,), dtype=x.dtype)
        corner = []
        for d in range(INPUT_DIM):
            if (mask >> d) & 1:
                corner.append(pos_grid[:, d] + jnp.uint32(1))
                w = w * frac[:, d]
            else:
                corner.append(pos_grid[:, d])
                w = w * (1.0 - frac[:, d])
        if use_hash:
            idx = jnp.zeros((n,), dtype=jnp.uint32)
            for d in range(INPUT_DIM):
                idx = idx ^ (corner[d] * jnp.uint32(int(PRIMES[d])))
        else:
            idx = jnp.zeros((n,), dtype=jnp.uint32)
            stride = 1
            for d in range(INPUT_DIM):
                idx = idx + corner[d] * jnp.uint32(stride)
                stride *= resolution
        idx = idx % jnp.uint32(hashmap_size)
        gidx = (idx + jnp.uint32(OFFSETS[level])).astype(jnp.int32)
        vals = jnp.take(emb, gidx, axis=0)
        out = out + w[:, None] * vals
    return out


def reference(inputs, embeddings):
    outs = [_encode_level(inputs, embeddings, l) for l in range(NUM_LEVELS)]
    # matches outputs.permute(1,0,2).reshape(B, L*C)
    return jnp.concatenate(outs, axis=-1)

if __name__ == "__main__":
    import jax
    _d = setup_inputs()
    print(jax.jit(kernel)(*tuple(_d.values())))

</pallas_src>

<mosaic_0001>
#map = affine_map<(d0, d1) -> (0)>
module attributes {stable_mosaic.version = 14 : i64} {
  func.func @_grid_body(%arg0: i32, %arg1: i32, %arg2: memref<393216xf32, #tpu.memory_space<hbm>>, %arg3: memref<14262480xf32, #tpu.memory_space<hbm>>, %arg4: memref<4194304xf32, #tpu.memory_space<hbm>>, %arg5: memref<1536xf32, #tpu.memory_space<vmem>>, %arg6: memref<8192xi32, #tpu.memory_space<vmem>>, %arg7: memref<4096xf32, #tpu.memory_space<vmem>>, %arg8: memref<8192xf32, #tpu.memory_space<vmem>>, %arg9: memref<8192xi32, #tpu.memory_space<vmem>>, %arg10: memref<4096xf32, #tpu.memory_space<vmem>>, %arg11: memref<8192xf32, #tpu.memory_space<vmem>>, %arg12: memref<1024xf32, #tpu.memory_space<vmem>>, %arg13: memref<!tpu.dma_semaphore, #tpu.memory_space<semaphore_mem>>, %arg14: memref<!tpu.dma_semaphore, #tpu.memory_space<semaphore_mem>>) attributes {dimension_semantics = [#tpu.dimension_semantics<core_parallel>, #tpu.dimension_semantics<subcore_parallel>], iteration_bounds = array<i64: 2, 16>, scalar_prefetch = 0 : i64, scratch_operands = 10 : i64, tpu.core_type = #tpu.core_type<sc_vector_subcore>, window_params = [{transform_indices = #map}, {transform_indices = #map}, {transform_indices = #map}]} {
    %mul3A = arith.constant 2 : i32
    %mul3A_0 = arith.muli %arg1, %mul3A : i32
    %add3A = arith.addi %mul3A_0, %arg0 : i32
    %scan3A = arith.constant 0 : i32
    %scan3A_1 = arith.constant 0 : i32
    %scan3A_2 = arith.constant 8 : i32
    %scan3A_3 = arith.addi %scan3A_1, %scan3A_2 : i32
    %scan3A_4 = arith.constant 1 : i32
    %scan3A_5 = scf.for %scan3A_7 = %scan3A_1 to %scan3A_3 step %scan3A_4 iter_args(%scan3A_8 = %scan3A) -> (i32)  : i32 {
      %mul3A_9 = arith.constant 4096 : i32
      %mul3A_10 = arith.muli %add3A, %mul3A_9 : i32
      %mul3A_11 = arith.constant 512 : i32
      %mul3A_12 = arith.muli %scan3A_7, %mul3A_11 : i32
      %add3A_13 = arith.addi %mul3A_10, %mul3A_12 : i32
      %add3A_14 = arith.constant 0 : i32
      %add3A_15 = arith.addi %add3A_14, %add3A_13 : i32
      "tpu.region"() ({
        %run_scoped3A = tpu.sem_alloc : memref<!tpu.dma_semaphore, #tpu.memory_space<semaphore_mem>>
        %dma_start3A_127 = arith.constant 0 : i32
        %dma_start3A_128 = tpu.memref_slice %arg5[%dma_start3A_127] : memref<1536xf32, #tpu.memory_space<vmem>> -> memref<512xf32, #tpu.memory_space<vmem>>
        %dma_start3A_129 = tpu.memref_slice %arg2[%add3A_15] : memref<393216xf32, #tpu.memory_space<hbm>> -> memref<512xf32, #tpu.memory_space<hbm>>
        %dma_start3A_130 = arith.constant 0 : i32
        %dma_start3A_131 = tpu.memref_slice %arg5[%dma_start3A_130] : memref<1536xf32, #tpu.memory_space<vmem>> -> memref<512xf32, #tpu.memory_space<vmem>>
        %dma_start3A_132 = tpu.memref_slice %arg2[%add3A_15] : memref<393216xf32, #tpu.memory_space<hbm>> -> memref<512xf32, #tpu.memory_space<hbm>>
        tpu.enqueue_dma source(%dma_start3A_132 : memref<512xf32, #tpu.memory_space<hbm>>) target(%dma_start3A_131 : memref<512xf32, #tpu.memory_space<vmem>>) target_semaphore(%run_scoped3A : memref<!tpu.dma_semaphore, #tpu.memory_space<semaphore_mem>>)
        %dma_wait3A_133 = arith.constant 0 : i32
        %dma_wait3A_134 = tpu.memref_slice %arg5[%dma_wait3A_133] : memref<1536xf32, #tpu.memory_space<vmem>> -> memref<512xf32, #tpu.memory_space<vmem>>
        %dma_wait3A_135 = tpu.memref_slice %arg2[%add3A_15] : memref<393216xf32, #tpu.memory_space<hbm>> -> memref<512xf32, #tpu.memory_space<hbm>>
        %dma_wait3A_136 = arith.constant 0 : i32
        %dma_wait3A_137 = tpu.memref_slice %arg5[%dma_wait3A_136] : memref<1536xf32, #tpu.memory_space<vmem>> -> memref<512xf32, #tpu.memory_space<vmem>>
        %dma_wait3A_138 = tpu.memref_slice %arg2[%add3A_15] : memref<393216xf32, #tpu.memory_space<hbm>> -> memref<512xf32, #tpu.memory_space<hbm>>
        tpu.wait_dma2 semaphore(%run_scoped3A : memref<!tpu.dma_semaphore, #tpu.memory_space<semaphore_mem>>) src(%dma_wait3A_138 : memref<512xf32, #tpu.memory_space<hbm>>) dst(%dma_wait3A_137 : memref<512xf32, #tpu.memory_space<vmem>>)
        tpu.yield
      }) : () -> ()
      %add3A_16 = arith.constant 131072 : i32
      %add3A_17 = arith.addi %add3A_16, %add3A_13 : i32
      "tpu.region"() ({
        %run_scoped3A = tpu.sem_alloc : memref<!tpu.dma_semaphore, #tpu.memory_space<semaphore_mem>>
        %dma_start3A_127 = arith.constant 512 : i32
        %dma_start3A_128 = tpu.memref_slice %arg5[%dma_start3A_127] : memref<1536xf32, #tpu.memory_space<vmem>> -> memref<512xf32, #tpu.memory_space<vmem>>
        %dma_start3A_129 = tpu.memref_slice %arg2[%add3A_17] : memref<393216xf32, #tpu.memory_space<hbm>> -> memref<512xf32, #tpu.memory_space<hbm>>
        %dma_start3A_130 = arith.constant 512 : i32
        %dma_start3A_131 = tpu.memref_slice %arg5[%dma_start3A_130] : memref<1536xf32, #tpu.memory_space<vmem>> -> memref<512xf32, #tpu.memory_space<vmem>>
        %dma_start3A_132 = tpu.memref_slice %arg2[%add3A_17] : memref<393216xf32, #tpu.memory_space<hbm>> -> memref<512xf32, #tpu.memory_space<hbm>>
        tpu.enqueue_dma source(%dma_start3A_132 : memref<512xf32, #tpu.memory_space<hbm>>) target(%dma_start3A_131 : memref<512xf32, #tpu.memory_space<vmem>>) target_semaphore(%run_scoped3A : memref<!tpu.dma_semaphore, #tpu.memory_space<semaphore_mem>>)
        %dma_wait3A_133 = arith.constant 512 : i32
        %dma_wait3A_134 = tpu.memref_slice %arg5[%dma_wait3A_133] : memref<1536xf32, #tpu.memory_space<vmem>> -> memref<512xf32, #tpu.memory_space<vmem>>
        %dma_wait3A_135 = tpu.memref_slice %arg2[%add3A_17] : memref<393216xf32, #tpu.memory_space<hbm>> -> memref<512xf32, #tpu.memory_space<hbm>>
        %dma_wait3A_136 = arith.constant 512 : i32
        %dma_wait3A_137 = tpu.memref_slice %arg5[%dma_wait3A_136] : memref<1536xf32, #tpu.memory_space<vmem>> -> memref<512xf32, #tpu.memory_space<vmem>>
        %dma_wait3A_138 = tpu.memref_slice %arg2[%add3A_17] : memref<393216xf32, #tpu.memory_space<hbm>> -> memref<512xf32, #tpu.memory_space<hbm>>
        tpu.wait_dma2 semaphore(%run_scoped3A : memref<!tpu.dma_semaphore, #tpu.memory_space<semaphore_mem>>) src(%dma_wait3A_138 : memref<512xf32, #tpu.memory_space<hbm>>) dst(%dma_wait3A_137 : memref<512xf32, #tpu.memory_space<vmem>>)
        tpu.yield
      }) : () -> ()
      %add3A_18 = arith.constant 262144 : i32
      %add3A_19 = arith.addi %add3A_18, %add3A_13 : i32
      "tpu.region"() ({
        %run_scoped3A = tpu.sem_alloc : memref<!tpu.dma_semaphore, #tpu.memory_space<semaphore_mem>>
        %dma_start3A_127 = arith.constant 1024 : i32
        %dma_start3A_128 = tpu.memref_slice %arg5[%dma_start3A_127] : memref<1536xf32, #tpu.memory_space<vmem>> -> memref<512xf32, #tpu.memory_space<vmem>>
        %dma_start3A_129 = tpu.memref_slice %arg2[%add3A_19] : memref<393216xf32, #tpu.memory_space<hbm>> -> memref<512xf32, #tpu.memory_space<hbm>>
        %dma_start3A_130 = arith.constant 1024 : i32
        %dma_start3A_131 = tpu.memref_slice %arg5[%dma_start3A_130] : memref<1536xf32, #tpu.memory_space<vmem>> -> memref<512xf32, #tpu.memory_space<vmem>>
        %dma_start3A_132 = tpu.memref_slice %arg2[%add3A_19] : memref<393216xf32, #tpu.memory_space<hbm>> -> memref<512xf32, #tpu.memory_space<hbm>>
        tpu.enqueue_dma source(%dma_start3A_132 : memref<512xf32, #tpu.memory_space<hbm>>) target(%dma_start3A_131 : memref<512xf32, #tpu.memory_space<vmem>>) target_semaphore(%run_scoped3A : memref<!tpu.dma_semaphore, #tpu.memory_space<semaphore_mem>>)
        %dma_wait3A_133 = arith.constant 1024 : i32
        %dma_wait3A_134 = tpu.memref_slice %arg5[%dma_wait3A_133] : memref<1536xf32, #tpu.memory_space<vmem>> -> memref<512xf32, #tpu.memory_space<vmem>>
        %dma_wait3A_135 = tpu.memref_slice %arg2[%add3A_19] : memref<393216xf32, #tpu.memory_space<hbm>> -> memref<512xf32, #tpu.memory_space<hbm>>
        %dma_wait3A_136 = arith.constant 1024 : i32
        %dma_wait3A_137 = tpu.memref_slice %arg5[%dma_wait3A_136] : memref<1536xf32, #tpu.memory_space<vmem>> -> memref<512xf32, #tpu.memory_space<vmem>>
        %dma_wait3A_138 = tpu.memref_slice %arg2[%add3A_19] : memref<393216xf32, #tpu.memory_space<hbm>> -> memref<512xf32, #tpu.memory_space<hbm>>
        tpu.wait_dma2 semaphore(%run_scoped3A : memref<!tpu.dma_semaphore, #tpu.memory_space<semaphore_mem>>) src(%dma_wait3A_138 : memref<512xf32, #tpu.memory_space<hbm>>) dst(%dma_wait3A_137 : memref<512xf32, #tpu.memory_space<vmem>>)
        tpu.yield
      }) : () -> ()
      %scan3A_20 = arith.constant 1.500000e+01 : f32
      %scan3A_21 = arith.constant 0 : i32
      %scan3A_22 = arith.constant 0 : i32
      %scan3A_23 = arith.constant 32 : i32
      %scan3A_24 = arith.addi %scan3A_22, %scan3A_23 : i32
      %scan3A_25 = arith.constant 1 : i32
      %scan3A_26 = scf.for %scan3A_127 = %scan3A_22 to %scan3A_24 step %scan3A_25 iter_args(%scan3A_128 = %scan3A_21) -> (i32)  : i32 {
        %mul3A_129 = arith.constant 16 : i32
        %mul3A_130 = arith.muli %scan3A_127, %mul3A_129 : i32
        %get3A = arith.index_cast %mul3A_130 : i32 to index
        %get3A_131 = tpu.vector_load %arg5[%get3A] {strides = array<i32>} : memref<1536xf32, #tpu.memory_space<vmem>>, vector<16xf32>,
        %get3A_132 = vector.shape_cast %get3A_131 : vector<16xf32> to vector<16xf32>
        %add3A_133 = arith.constant 512 : i32
        %add3A_134 = arith.addi %add3A_133, %mul3A_130 : i32
        %get3A_135 = arith.index_cast %add3A_134 : i32 to index
        %get3A_136 = tpu.vector_load %arg5[%get3A_135] {strides = array<i32>} : memref<1536xf32, #tpu.memory_space<vmem>>, vector<16xf32>,
        %get3A_137 = vector.shape_cast %get3A_136 : vector<16xf32> to vector<16xf32>
        %add3A_138 = arith.constant 1024 : i32
        %add3A_139 = arith.addi %add3A_138, %mul3A_130 : i32
        %get3A_140 = arith.index_cast %add3A_139 : i32 to index
        %get3A_141 = tpu.vector_load %arg5[%get3A_140] {strides = array<i32>} : memref<1536xf32, #tpu.memory_space<vmem>>, vector<16xf32>,
        %get3A_142 = vector.shape_cast %get3A_141 : vector<16xf32> to vector<16xf32>
        %mul3A_143 = vector.broadcast %scan3A_20 : f32 to vector<16xf32>
        %mul3A_144 = arith.mulf %get3A_132, %mul3A_143 : vector<16xf32>
        %add3A_145 = arith.constant 5.000000e-01 : f32
        %add3A_146 = vector.broadcast %add3A_145 : f32 to vector<16xf32>
        %add3A_147 = arith.addf %mul3A_144, %add3A_146 : vector<16xf32>
        %mul3A_148 = vector.broadcast %scan3A_20 : f32 to vector<16xf32>
        %mul3A_149 = arith.mulf %get3A_137, %mul3A_148 : vector<16xf32>
        %add3A_150 = arith.constant 5.000000e-01 : f32
        %add3A_151 = vector.broadcast %add3A_150 : f32 to vector<16xf32>
        %add3A_152 = arith.addf %mul3A_149, %add3A_151 : vector<16xf32>
        %mul3A_153 = vector.broadcast %scan3A_20 : f32 to vector<16xf32>
        %mul3A_154 = arith.mulf %get3A_142, %mul3A_153 : vector<16xf32>
        %add3A_155 = arith.constant 5.000000e-01 : f32
        %add3A_156 = vector.broadcast %add3A_155 : f32 to vector<16xf32>
        %add3A_157 = arith.addf %mul3A_154, %add3A_156 : vector<16xf32>
        %convert_element_type3A_158 = arith.fptosi %add3A_147 : vector<16xf32> to vector<16xi32>
        %convert_element_type3A_159 = arith.fptosi %add3A_152 : vector<16xf32> to vector<16xi32>
        %convert_element_type3A_160 = arith.fptosi %add3A_157 : vector<16xf32> to vector<16xi32>
        %convert_element_type3A_161 = arith.sitofp %convert_element_type3A_158 : vector<16xi32> to vector<16xf32>
        %sub3A_162 = arith.subf %add3A_147, %convert_element_type3A_161 : vector<16xf32>
        %convert_element_type3A_163 = arith.sitofp %convert_element_type3A_159 : vector<16xi32> to vector<16xf32>
        %sub3A_164 = arith.subf %add3A_152, %convert_element_type3A_163 : vector<16xf32>
        %convert_element_type3A_165 = arith.sitofp %convert_element_type3A_160 : vector<16xi32> to vector<16xf32>
        %sub3A_166 = arith.subf %add3A_157, %convert_element_type3A_165 : vector<16xf32>
        %sub3A_167 = arith.constant 1.000000e+00 : f32
        %sub3A_168 = vector.broadcast %sub3A_167 : f32 to vector<16xf32>
        %sub3A_169 = arith.subf %sub3A_168, %sub3A_162 : vector<16xf32>
        %sub3A_170 = arith.constant 1.000000e+00 : f32
        %sub3A_171 = vector.broadcast %sub3A_170 : f32 to vector<16xf32>
        %sub3A_172 = arith.subf %sub3A_171, %sub3A_164 : vector<16xf32>
        %sub3A_173 = arith.constant 1.000000e+00 : f32
        %sub3A_174 = vector.broadcast %sub3A_173 : f32 to vector<16xf32>
        %sub3A_175 = arith.subf %sub3A_174, %sub3A_166 : vector<16xf32>
        %mul3A_176 = arith.mulf %sub3A_169, %sub3A_172 : vector<16xf32>
        %mul3A_177 = arith.mulf %sub3A_162, %sub3A_172 : vector<16xf32>
        %mul3A_178 = arith.mulf %sub3A_169, %sub3A_164 : vector<16xf32>
        %mul3A_179 = arith.mulf %sub3A_162, %sub3A_164 : vector<16xf32>
        %add3A_180 = arith.constant 1 : i32
        %add3A_181 = vector.broadcast %add3A_180 : i32 to vector<16xi32>
        %add3A_182 = arith.addi %convert_element_type3A_158, %add3A_181 : vector<16xi32>
        %mul3A_183 = arith.constant 16 : i32
        %mul3A_184 = vector.broadcast %mul3A_183 : i32 to vector<16xi32>
        %mul3A_185 = arith.muli %convert_element_type3A_159, %mul3A_184 : vector<16xi32>
        %add3A_186 = arith.constant 16 : i32
        %add3A_187 = vector.broadcast %add3A_186 : i32 to vector<16xi32>
        %add3A_188 = arith.addi %mul3A_185, %add3A_187 : vector<16xi32>
        %mul3A_189 = arith.constant 256 : i32
        %mul3A_190 = vector.broadcast %mul3A_189 : i32 to vector<16xi32>
        %mul3A_191 = arith.muli %convert_element_type3A_160, %mul3A_190 : vector<16xi32>
        %add3A_192 = arith.constant 256 : i32
        %add3A_193 = vector.broadcast %add3A_192 : i32 to vector<16xi32>
        %add3A_194 = arith.addi %mul3A_191, %add3A_193 : vector<16xi32>
        %add3A_195 = arith.addi %convert_element_type3A_158, %mul3A_185 : vector<16xi32>
        %add3A_196 = arith.addi %add3A_195, %mul3A_191 : vector<16xi32>
        %shift_left3A_197 = arith.constant 1 : i32
        %shift_left3A_198 = vector.broadcast %shift_left3A_197 : i32 to vector<16xi32>
        %shift_left3A_199 = arith.shli %add3A_196, %shift_left3A_198 : vector<16xi32>
        %add3A_200 = arith.constant 0 : i32
        %add3A_201 = vector.broadcast %add3A_200 : i32 to vector<16xi32>
        %add3A_202 = arith.addi %shift_left3A_199, %add3A_201 : vector<16xi32>
        %mul3A_203 = arith.mulf %mul3A_176, %sub3A_175 : vector<16xf32>
        %add3A_204 = arith.constant 0 : i32
        %add3A_205 = arith.addi %add3A_204, %mul3A_130 : i32
        %swap3A = arith.index_cast %add3A_205 : i32 to index
        %swap3A_206 = tpu.vector_load %arg6[%swap3A] {strides = array<i32>} : memref<8192xi32, #tpu.memory_space<vmem>>, vector<16xi32>,
        %swap3A_207 = vector.shape_cast %swap3A_206 : vector<16xi32> to vector<16xi32>
        %swap3A_208 = vector.shape_cast %add3A_202 : vector<16xi32> to vector<16xi32>
        tpu.vector_store %arg6[%swap3A], %swap3A_208 {strides = array<i32>} : memref<8192xi32, #tpu.memory_space<vmem>>, vector<16xi32>,
        %add3A_209 = arith.constant 1 : i32
        %add3A_210 = vector.broadcast %add3A_209 : i32 to vector<16xi32>
        %add3A_211 = arith.addi %add3A_202, %add3A_210 : vector<16xi32>
        %add3A_212 = arith.constant 4096 : i32
        %add3A_213 = arith.addi %add3A_212, %add3A_205 : i32
        %swap3A_214 = arith.index_cast %add3A_213 : i32 to index
        %swap3A_215 = tpu.vector_load %arg6[%swap3A_214] {strides = array<i32>} : memref<8192xi32, #tpu.memory_space<vmem>>, vector<16xi32>,
        %swap3A_216 = vector.shape_cast %swap3A_215 : vector<16xi32> to vector<16xi32>
        %swap3A_217 = vector.shape_cast %add3A_211 : vector<16xi32> to vector<16xi32>
        tpu.vector_store %arg6[%swap3A_214], %swap3A_217 {strides = array<i32>} : memref<8192xi32, #tpu.memory_space<vmem>>, vector<16xi32>,
        %swap3A_218 = arith.index_cast %add3A_205 : i32 to index
        %swap3A_219 = tpu.vector_load %arg7[%swap3A_218] {strides = array<i32>} : memref<4096xf32, #tpu.memory_space<vmem>>, vector<16xf32>,
        %swap3A_220 = vector.shape_cast %swap3A_219 : vector<16xf32> to vector<16xf32>
        %swap3A_221 = vector.shape_cast %mul3A_203 : vector<16xf32> to vector<16xf32>
        tpu.vector_store %arg7[%swap3A_218], %swap3A_221 {strides = array<i32>} : memref<4096xf32, #tpu.memory_space<vmem>>, vector<16xf32>,
        %add3A_222 = arith.addi %add3A_182, %mul3A_185 : vector<16xi32>
        %add3A_223 = arith.addi %add3A_222, %mul3A_191 : vector<16xi32>
        %shift_left3A_224 = arith.constant 1 : i32
        %shift_left3A_225 = vector.broadcast %shift_left3A_224 : i32 to vector<16xi32>
        %shift_left3A_226 = arith.shli %add3A_223, %shift_left3A_225 : vector<16xi32>
        %add3A_227 = arith.constant 0 : i32
        %add3A_228 = vector.broadcast %add3A_227 : i32 to vector<16xi32>
        %add3A_229 = arith.addi %shift_left3A_226, %add3A_228 : vector<16xi32>
        %mul3A_230 = arith.mulf %mul3A_177, %sub3A_175 : vector<16xf32>
        %add3A_231 = arith.constant 512 : i32
        %add3A_232 = arith.addi %add3A_231, %mul3A_130 : i32
        %swap3A_233 = arith.index_cast %add3A_232 : i32 to index
        %swap3A_234 = tpu.vector_load %arg6[%swap3A_233] {strides = array<i32>} : memref<8192xi32, #tpu.memory_space<vmem>>, vector<16xi32>,
        %swap3A_235 = vector.shape_cast %swap3A_234 : vector<16xi32> to vector<16xi32>
        %swap3A_236 = vector.shape_cast %add3A_229 : vector<16xi32> to vector<16xi32>
        tpu.vector_store %arg6[%swap3A_233], %swap3A_236 {strides = array<i32>} : memref<8192xi32, #tpu.memory_space<vmem>>, vector<16xi32>,
        %add3A_237 = arith.constant 1 : i32
        %add3A_238 = vector.broadcast %add3A_237 : i32 to vector<16xi32>
        %add3A_239 = arith.addi %add3A_229, %add3A_238 : vector<16xi32>
        %add3A_240 = arith.constant 4096 : i32
        %add3A_241 = arith.addi %add3A_240, %add3A_232 : i32
        %swap3A_242 = arith.index_cast %add3A_241 : i32 to index
        %swap3A_243 = tpu.vector_load %arg6[%swap3A_242] {strides = array<i32>} : memref<8192xi32, #tpu.memory_space<vmem>>, vector<16xi32>,
        %swap3A_244 = vector.shape_cast %swap3A_243 : vector<16xi32> to vector<16xi32>
        %swap3A_245 = vector.shape_cast %add3A_239 : vector<16xi32> to vector<16xi32>
        tpu.vector_store %arg6[%swap3A_242], %swap3A_245 {strides = array<i32>} : memref<8192xi32, #tpu.memory_space<vmem>>, vector<16xi32>,
        %swap3A_246 = arith.index_cast %add3A_232 : i32 to index
        %swap3A_247 = tpu.vector_load %arg7[%swap3A_246] {strides = array<i32>} : memref<4096xf32, #tpu.memory_space<vmem>>, vector<16xf32>,
        %swap3A_248 = vector.shape_cast %swap3A_247 : vector<16xf32> to vector<16xf32>
        %swap3A_249 = vector.shape_cast %mul3A_230 : vector<16xf32> to vector<16xf32>
        tpu.vector_store %arg7[%swap3A_246], %swap3A_249 {strides = array<i32>} : memref<4096xf32, #tpu.memory_space<vmem>>, vector<16xf32>,
        %add3A_250 = arith.addi %convert_element_type3A_158, %add3A_188 : vector<16xi32>
        %add3A_251 = arith.addi %add3A_250, %mul3A_191 : vector<16xi32>
        %shift_left3A_252 = arith.constant 1 : i32
        %shift_left3A_253 = vector.broadcast %shift_left3A_252 : i32 to vector<16xi32>
        %shift_left3A_254 = arith.shli %add3A_251, %shift_left3A_253 : vector<16xi32>
        %add3A_255 = arith.constant 0 : i32
        %add3A_256 = vector.broadcast %add3A_255 : i32 to vector<16xi32>
        %add3A_257 = arith.addi %shift_left3A_254, %add3A_256 : vector<16xi32>
        %mul3A_258 = arith.mulf %mul3A_178, %sub3A_175 : vector<16xf32>
        %add3A_259 = arith.constant 1024 : i32
        %add3A_260 = arith.addi %add3A_259, %mul3A_130 : i32
        %swap3A_261 = arith.index_cast %add3A_260 : i32 to index
        %swap3A_262 = tpu.vector_load %arg6[%swap3A_261] {strides = array<i32>} : memref<8192xi32, #tpu.memory_space<vmem>>, vector<16xi32>,
        %swap3A_263 = vector.shape_cast %swap3A_262 : vector<16xi32> to vector<16xi32>
        %swap3A_264 = vector.shape_cast %add3A_257 : vector<16xi32> to vector<16xi32>
        tpu.vector_store %arg6[%swap3A_261], %swap3A_264 {strides = array<i32>} : memref<8192xi32, #tpu.memory_space<vmem>>, vector<16xi32>,
        %add3A_265 = arith.constant 1 : i32
        %add3A_266 = vector.broadcast %add3A_265 : i32 to vector<16xi32>
        %add3A_267 = arith.addi %add3A_257, %add3A_266 : vector<16xi32>
        %add3A_268 = arith.constant 4096 : i32
        %add3A_269 = arith.addi %add3A_268, %add3A_260 : i32
        %swap3A_270 = arith.index_cast %add3A_269 : i32 to index
        %swap3A_271 = tpu.vector_load %arg6[%swap3A_270] {strides = array<i32>} : memref<8192xi32, #tpu.memory_space<vmem>>, vector<16xi32>,
        %swap3A_272 = vector.shape_cast %swap3A_271 : vector<16xi32> to vector<16xi32>
        %swap3A_273 = vector.shape_cast %add3A_267 : vector<16xi32> to vector<16xi32>
        tpu.vector_store %arg6[%swap3A_270], %swap3A_273 {strides = array<i32>} : memref<8192xi32, #tpu.memory_space<vmem>>, vector<16xi32>,
        %swap3A_274 = arith.index_cast %add3A_260 : i32 to index
        %swap3A_275 = tpu.vector_load %arg7[%swap3A_274] {strides = array<i32>} : memref<4096xf32, #tpu.memory_space<vmem>>, vector<16xf32>,
        %swap3A_276 = vector.shape_cast %swap3A_275 : vector<16xf32> to vector<16xf32>
        %swap3A_277 = vector.shape_cast %mul3A_258 : vector<16xf32> to vector<16xf32>
        tpu.vector_store %arg7[%swap3A_274], %swap3A_277 {strides = array<i32>} : memref<4096xf32, #tpu.memory_space<vmem>>, vector<16xf32>,
        %add3A_278 = arith.addi %add3A_182, %add3A_188 : vector<16xi32>
        %add3A_279 = arith.addi %add3A_278, %mul3A_191 : vector<16xi32>
        %shift_left3A_280 = arith.constant 1 : i32
        %shift_left3A_281 = vector.broadcast %shift_left3A_280 : i32 to vector<16xi32>
        %shift_left3A_282 = arith.shli %add3A_279, %shift_left3A_281 : vector<16xi32>
        %add3A_283 = arith.constant 0 : i32
        %add3A_284 = vector.broadcast %add3A_283 : i32 to vector<16xi32>
        %add3A_285 = arith.addi %shift_left3A_282, %add3A_284 : vector<16xi32>
        %mul3A_286 = arith.mulf %mul3A_179, %sub3A_175 : vector<16xf32>
        %add3A_287 = arith.constant 1536 : i32
        %add3A_288 = arith.addi %add3A_287, %mul3A_130 : i32
        %swap3A_289 = arith.index_cast %add3A_288 : i32 to index
        %swap3A_290 = tpu.vector_load %arg6[%swap3A_289] {strides = array<i32>} : memref<8192xi32, #tpu.memory_space<vmem>>, vector<16xi32>,
        %swap3A_291 = vector.shape_cast %swap3A_290 : vector<16xi32> to vector<16xi32>
        %swap3A_292 = vector.shape_cast %add3A_285 : vector<16xi32> to vector<16xi32>
        tpu.vector_store %arg6[%swap3A_289], %swap3A_292 {strides = array<i32>} : memref<8192xi32, #tpu.memory_space<vmem>>, vector<16xi32>,
        %add3A_293 = arith.constant 1 : i32
        %add3A_294 = vector.broadcast %add3A_293 : i32 to vector<16xi32>
        %add3A_295 = arith.addi %add3A_285, %add3A_294 : vector<16xi32>
        %add3A_296 = arith.constant 4096 : i32
        %add3A_297 = arith.addi %add3A_296, %add3A_288 : i32
        %swap3A_298 = arith.index_cast %add3A_297 : i32 to index
        %swap3A_299 = tpu.vector_load %arg6[%swap3A_298] {strides = array<i32>} : memref<8192xi32, #tpu.memory_space<vmem>>, vector<16xi32>,
        %swap3A_300 = vector.shape_cast %swap3A_299 : vector<16xi32> to vector<16xi32>
        %swap3A_301 = vector.shape_cast %add3A_295 : vector<16xi32> to vector<16xi32>
        tpu.vector_store %arg6[%swap3A_298], %swap3A_301 {strides = array<i32>} : memref<8192xi32, #tpu.memory_space<vmem>>, vector<16xi32>,
        %swap3A_302 = arith.index_cast %add3A_288 : i32 to index
        %swap3A_303 = tpu.vector_load %arg7[%swap3A_302] {strides = array<i32>} : memref<4096xf32, #tpu.memory_space<vmem>>, vector<16xf32>,
        %swap3A_304 = vector.shape_cast %swap3A_303 : vector<16xf32> to vector<16xf32>
        %swap3A_305 = vector.shape_cast %mul3A_286 : vector<16xf32> to vector<16xf32>
        tpu.vector_store %arg7[%swap3A_302], %swap3A_305 {strides = array<i32>} : memref<4096xf32, #tpu.memory_space<vmem>>, vector<16xf32>,
        %add3A_306 = arith.addi %convert_element_type3A_158, %mul3A_185 : vector<16xi32>
        %add3A_307 = arith.addi %add3A_306, %add3A_194 : vector<16xi32>
        %shift_left3A_308 = arith.constant 1 : i32
        %shift_left3A_309 = vector.broadcast %shift_left3A_308 : i32 to vector<16xi32>
        %shift_left3A_310 = arith.shli %add3A_307, %shift_left3A_309 : vector<16xi32>
        %add3A_311 = arith.constant 0 : i32
        %add3A_312 = vector.broadcast %add3A_311 : i32 to vector<16xi32>
        %add3A_313 = arith.addi %shift_left3A_310, %add3A_312 : vector<16xi32>
        %mul3A_314 = arith.mulf %mul3A_176, %sub3A_166 : vector<16xf32>
        %add3A_315 = arith.constant 2048 : i32
        %add3A_316 = arith.addi %add3A_315, %mul3A_130 : i32
        %swap3A_317 = arith.index_cast %add3A_316 : i32 to index
        %swap3A_318 = tpu.vector_load %arg6[%swap3A_317] {strides = array<i32>} : memref<8192xi32, #tpu.memory_space<vmem>>, vector<16xi32>,
        %swap3A_319 = vector.shape_cast %swap3A_318 : vector<16xi32> to vector<16xi32>
        %swap3A_320 = vector.shape_cast %add3A_313 : vector<16xi32> to vector<16xi32>
        tpu.vector_store %arg6[%swap3A_317], %swap3A_320 {strides = array<i32>} : memref<8192xi32, #tpu.memory_space<vmem>>, vector<16xi32>,
        %add3A_321 = arith.constant 1 : i32
        %add3A_322 = vector.broadcast %add3A_321 : i32 to vector<16xi32>
        %add3A_323 = arith.addi %add3A_313, %add3A_322 : vector<16xi32>
        %add3A_324 = arith.constant 4096 : i32
        %add3A_325 = arith.addi %add3A_324, %add3A_316 : i32
        %swap3A_326 = arith.index_cast %add3A_325 : i32 to index
        %swap3A_327 = tpu.vector_load %arg6[%swap3A_326] {strides = array<i32>} : memref<8192xi32, #tpu.memory_space<vmem>>, vector<16xi32>,
        %swap3A_328 = vector.shape_cast %swap3A_327 : vector<16xi32> to vector<16xi32>
        %swap3A_329 = vector.shape_cast %add3A_323 : vector<16xi32> to vector<16xi32>
        tpu.vector_store %arg6[%swap3A_326], %swap3A_329 {strides = array<i32>} : memref<8192xi32, #tpu.memory_space<vmem>>, vector<16xi32>,
        %swap3A_330 = arith.index_cast %add3A_316 : i32 to index
        %swap3A_331 = tpu.vector_load %arg7[%swap3A_330] {strides = array<i32>} : memref<4096xf32, #tpu.memory_space<vmem>>, vector<16xf32>,
        %swap3A_332 = vector.shape_cast %swap3A_331 : vector<16xf32> to vector<16xf32>
        %swap3A_333 = vector.shape_cast %mul3A_314 : vector<16xf32> to vector<16xf32>
        tpu.vector_store %arg7[%swap3A_330], %swap3A_333 {strides = array<i32>} : memref<4096xf32, #tpu.memory_space<vmem>>, vector<16xf32>,
        %add3A_334 = arith.addi %add3A_182, %mul3A_185 : vector<16xi32>
        %add3A_335 = arith.addi %add3A_334, %add3A_194 : vector<16xi32>
        %shift_left3A_336 = arith.constant 1 : i32
        %shift_left3A_337 = vector.broadcast %shift_left3A_336 : i32 to vector<16xi32>
        %shift_left3A_338 = arith.shli %add3A_335, %shift_left3A_337 : vector<16xi32>
        %add3A_339 = arith.constant 0 : i32
        %add3A_340 = vector.broadcast %add3A_339 : i32 to vector<16xi32>
        %add3A_341 = arith.addi %shift_left3A_338, %add3A_340 : vector<16xi32>
        %mul3A_342 = arith.mulf %mul3A_177, %sub3A_166 : vector<16xf32>
        %add3A_343 = arith.constant 2560 : i32
        %add3A_344 = arith.addi %add3A_343, %mul3A_130 : i32
        %swap3A_345 = arith.index_cast %add3A_344 : i32 to index
        %swap3A_346 = tpu.vector_load %arg6[%swap3A_345] {strides = array<i32>} : memref<8192xi32, #tpu.memory_space<vmem>>, vector<16xi32>,
        %swap3A_347 = vector.shape_cast %swap3A_346 : vector<16xi32> to vector<16xi32>
        %swap3A_348 = vector.shape_cast %add3A_341 : vector<16xi32> to vector<16xi32>
        tpu.vector_store %arg6[%swap3A_345], %swap3A_348 {strides = array<i32>} : memref<8192xi32, #tpu.memory_space<vmem>>, vector<16xi32>,
        %add3A_349 = arith.constant 1 : i32
        %add3A_350 = vector.broadcast %add3A_349 : i32 to vector<16xi32>
        %add3A_351 = arith.addi %add3A_341, %add3A_350 : vector<16xi32>
        %add3A_352 = arith.constant 4096 : i32
        %add3A_353 = arith.addi %add3A_352, %add3A_344 : i32
        %swap3A_354 = arith.index_cast %add3A_353 : i32 to index
        %swap3A_355 = tpu.vector_load %arg6[%swap3A_354] {strides = array<i32>} : memref<8192xi32, #tpu.memory_space<vmem>>, vector<16xi32>,
        %swap3A_356 = vector.shape_cast %swap3A_355 : vector<16xi32> to vector<16xi32>
        %swap3A_357 = vector.shape_cast %add3A_351 : vector<16xi32> to vector<16xi32>
        tpu.vector_store %arg6[%swap3A_354], %swap3A_357 {strides = array<i32>} : memref<8192xi32, #tpu.memory_space<vmem>>, vector<16xi32>,
        %swap3A_358 = arith.index_cast %add3A_344 : i32 to index
        %swap3A_359 = tpu.vector_load %arg7[%swap3A_358] {strides = array<i32>} : memref<4096xf32, #tpu.memory_space<vmem>>, vector<16xf32>,
        %swap3A_360 = vector.shape_cast %swap3A_359 : vector<16xf32> to vector<16xf32>
        %swap3A_361 = vector.shape_cast %mul3A_342 : vector<16xf32> to vector<16xf32>
        tpu.vector_store %arg7[%swap3A_358], %swap3A_361 {strides = array<i32>} : memref<4096xf32, #tpu.memory_space<vmem>>, vector<16xf32>,
        %add3A_362 = arith.addi %convert_element_type3A_158, %add3A_188 : vector<16xi32>
        %add3A_363 = arith.addi %add3A_362, %add3A_194 : vector<16xi32>
        %shift_left3A_364 = arith.constant 1 : i32
        %shift_left3A_365 = vector.broadcast %shift_left3A_364 : i32 to vector<16xi32>
        %shift_left3A_366 = arith.shli %add3A_363, %shift_left3A_365 : vector<16xi32>
        %add3A_367 = arith.constant 0 : i32
        %add3A_368 = vector.broadcast %add3A_367 : i32 to vector<16xi32>
        %add3A_369 = arith.addi %shift_left3A_366, %add3A_368 : vector<16xi32>
        %mul3A_370 = arith.mulf %mul3A_178, %sub3A_166 : vector<16xf32>
        %add3A_371 = arith.constant 3072 : i32
        %add3A_372 = arith.addi %add3A_371, %mul3A_130 : i32
        %swap3A_373 = arith.index_cast %add3A_372 : i32 to index
        %swap3A_374 = tpu.vector_load %arg6[%swap3A_373] {strides = array<i32>} : memref<8192xi32, #tpu.memory_space<vmem>>, vector<16xi32>,
        %swap3A_375 = vector.shape_cast %swap3A_374 : vector<16xi32> to vector<16xi32>
        %swap3A_376 = vector.shape_cast %add3A_369 : vector<16xi32> to vector<16xi32>
        tpu.vector_store %arg6[%swap3A_373], %swap3A_376 {strides = array<i32>} : memref<8192xi32, #tpu.memory_space<vmem>>, vector<16xi32>,
        %add3A_377 = arith.constant 1 : i32
        %add3A_378 = vector.broadcast %add3A_377 : i32 to vector<16xi32>
        %add3A_379 = arith.addi %add3A_369, %add3A_378 : vector<16xi32>
        %add3A_380 = arith.constant 4096 : i32
        %add3A_381 = arith.addi %add3A_380, %add3A_372 : i32
        %swap3A_382 = arith.index_cast %add3A_381 : i32 to index
        %swap3A_383 = tpu.vector_load %arg6[%swap3A_382] {strides = array<i32>} : memref<8192xi32, #tpu.memory_space<vmem>>, vector<16xi32>,
        %swap3A_384 = vector.shape_cast %swap3A_383 : vector<16xi32> to vector<16xi32>
        %swap3A_385 = vector.shape_cast %add3A_379 : vector<16xi32> to vector<16xi32>
        tpu.vector_store %arg6[%swap3A_382], %swap3A_385 {strides = array<i32>} : memref<8192xi32, #tpu.memory_space<vmem>>, vector<16xi32>,
        %swap3A_386 = arith.index_cast %add3A_372 : i32 to index
        %swap3A_387 = tpu.vector_load %arg7[%swap3A_386] {strides = array<i32>} : memref<4096xf32, #tpu.memory_space<vmem>>, vector<16xf32>,
        %swap3A_388 = vector.shape_cast %swap3A_387 : vector<16xf32> to vector<16xf32>
        %swap3A_389 = vector.shape_cast %mul3A_370 : vector<16xf32> to vector<16xf32>
        tpu.vector_store %arg7[%swap3A_386], %swap3A_389 {strides = array<i32>} : memref<4096xf32, #tpu.memory_space<vmem>>, vector<16xf32>,
        %add3A_390 = arith.addi %add3A_182, %add3A_188 : vector<16xi32>
        %add3A_391 = arith.addi %add3A_390, %add3A_194 : vector<16xi32>
        %shift_left3A_392 = arith.constant 1 : i32
        %shift_left3A_393 = vector.broadcast %shift_left3A_392 : i32 to vector<16xi32>
        %shift_left3A_394 = arith.shli %add3A_391, %shift_left3A_393 : vector<16xi32>
        %add3A_395 = arith.constant 0 : i32
        %add3A_396 = vector.broadcast %add3A_395 : i32 to vector<16xi32>
        %add3A_397 = arith.addi %shift_left3A_394, %add3A_396 : vector<16xi32>
        %mul3A_398 = arith.mulf %mul3A_179, %sub3A_166 : vector<16xf32>
        %add3A_399 = arith.constant 3584 : i32
        %add3A_400 = arith.addi %add3A_399, %mul3A_130 : i32
        %swap3A_401 = arith.index_cast %add3A_400 : i32 to index
        %swap3A_402 = tpu.vector_load %arg6[%swap3A_401] {strides = array<i32>} : memref<8192xi32, #tpu.memory_space<vmem>>, vector<16xi32>,
        %swap3A_403 = vector.shape_cast %swap3A_402 : vector<16xi32> to vector<16xi32>
        %swap3A_404 = vector.shape_cast %add3A_397 : vector<16xi32> to vector<16xi32>
        tpu.vector_store %arg6[%swap3A_401], %swap3A_404 {strides = array<i32>} : memref<8192xi32, #tpu.memory_space<vmem>>, vector<16xi32>,
        %add3A_405 = arith.constant 1 : i32
        %add3A_406 = vector.broadcast %add3A_405 : i32 to vector<16xi32>
        %add3A_407 = arith.addi %add3A_397, %add3A_406 : vector<16xi32>
        %add3A_408 = arith.constant 4096 : i32
        %add3A_409 = arith.addi %add3A_408, %add3A_400 : i32
        %swap3A_410 = arith.index_cast %add3A_409 : i32 to index
        %swap3A_411 = tpu.vector_load %arg6[%swap3A_410] {strides = array<i32>} : memref<8192xi32, #tpu.memory_space<vmem>>, vector<16xi32>,
        %swap3A_412 = vector.shape_cast %swap3A_411 : vector<16xi32> to vector<16xi32>
        %swap3A_413 = vector.shape_cast %add3A_407 : vector<16xi32> to vector<16xi32>
        tpu.vector_store %arg6[%swap3A_410], %swap3A_413 {strides = array<i32>} : memref<8192xi32, #tpu.memory_space<vmem>>, vector<16xi32>,
        %swap3A_414 = arith.index_cast %add3A_400 : i32 to index
        %swap3A_415 = tpu.vector_load %arg7[%swap3A_414] {strides = array<i32>} : memref<4096xf32, #tpu.memory_space<vmem>>, vector<16xf32>,
        %swap3A_416 = vector.shape_cast %swap3A_415 : vector<16xf32> to vector<16xf32>
        %swap3A_417 = vector.shape_cast %mul3A_398 : vector<16xf32> to vector<16xf32>
        tpu.vector_store %arg7[%swap3A_414], %swap3A_417 {strides = array<i32>} : memref<4096xf32, #tpu.memory_space<vmem>>, vector<16xf32>,
        %scan3A_418 = arith.constant 0 : i32
        scf.yield %scan3A_418 : i32
      }
      %scan3A_27 = arith.constant 32 : i32
      %dma_start3A = arith.constant 0 : i32
      %dma_start3A_28 = tpu.memref_slice %arg3[%dma_start3A] : memref<14262480xf32, #tpu.memory_space<hbm>> -> memref<14262480xf32, #tpu.memory_space<hbm>>
      tpu.enqueue_indirect_dma source(%dma_start3A_28 : memref<14262480xf32, #tpu.memory_space<hbm>>) target(%arg8 : memref<8192xf32, #tpu.memory_space<vmem>>) offsets(%arg6 : memref<8192xi32, #tpu.memory_space<vmem>>) semaphore(%arg13 : memref<!tpu.dma_semaphore, #tpu.memory_space<semaphore_mem>>)
      %scan3A_29 = arith.constant 3.100000e+01 : f32
      %scan3A_30 = arith.constant 0 : i32
      %scan3A_31 = arith.constant 0 : i32
      %scan3A_32 = arith.constant 32 : i32
      %scan3A_33 = arith.addi %scan3A_31, %scan3A_32 : i32
      %scan3A_34 = arith.constant 1 : i32
      %scan3A_35 = scf.for %scan3A_127 = %scan3A_31 to %scan3A_33 step %scan3A_34 iter_args(%scan3A_128 = %scan3A_30) -> (i32)  : i32 {
        %mul3A_129 = arith.constant 16 : i32
        %mul3A_130 = arith.muli %scan3A_127, %mul3A_129 : i32
        %get3A = arith.index_cast %mul3A_130 : i32 to index
        %get3A_131 = tpu.vector_load %arg5[%get3A] {strides = array<i32>} : memref<1536xf32, #tpu.memory_space<vmem>>, vector<16xf32>,
        %get3A_132 = vector.shape_cast %get3A_131 : vector<16xf32> to vector<16xf32>
        %add3A_133 = arith.constant 512 : i32
        %add3A_134 = arith.addi %add3A_133, %mul3A_130 : i32
        %get3A_135 = arith.index_cast %add3A_134 : i32 to index
        %get3A_136 = tpu.vector_load %arg5[%get3A_135] {strides = array<i32>} : memref<1536xf32, #tpu.memory_space<vmem>>, vector<16xf32>,
        %get3A_137 = vector.shape_cast %get3A_136 : vector<16xf32> to vector<16xf32>
        %add3A_138 = arith.constant 1024 : i32
        %add3A_139 = arith.addi %add3A_138, %mul3A_130 : i32
        %get3A_140 = arith.index_cast %add3A_139 : i32 to index
        %get3A_141 = tpu.vector_load %arg5[%get3A_140] {strides = array<i32>} : memref<1536xf32, #tpu.memory_space<vmem>>, vector<16xf32>,
        %get3A_142 = vector.shape_cast %get3A_141 : vector<16xf32> to vector<16xf32>
        %mul3A_143 = vector.broadcast %scan3A_29 : f32 to vector<16xf32>
        %mul3A_144 = arith.mulf %get3A_132, %mul3A_143 : vector<16xf32>
        %add3A_145 = arith.constant 5.000000e-01 : f32
        %add3A_146 = vector.broadcast %add3A_145 : f32 to vector<16xf32>
        %add3A_147 = arith.addf %mul3A_144, %add3A_146 : vector<16xf32>
        %mul3A_148 = vector.broadcast %scan3A_29 : f32 to vector<16xf32>
        %mul3A_149 = arith.mulf %get3A_137, %mul3A_148 : vector<16xf32>
        %add3A_150 = arith.constant 5.000000e-01 : f32
        %add3A_151 = vector.broadcast %add3A_150 : f32 to vector<16xf32>
        %add3A_152 = arith.addf %mul3A_149, %add3A_151 : vector<16xf32>
        %mul3A_153 = vector.broadcast %scan3A_29 : f32 to vector<16xf32>
        %mul3A_154 = arith.mulf %get3A_142, %mul3A_153 : vector<16xf32>
        %add3A_155 = arith.constant 5.000000e-01 : f32
        %add3A_156 = vector.broadcast %add3A_155 : f32 to vector<16xf32>
        %add3A_157 = arith.addf %mul3A_154, %add3A_156 : vector<16xf32>
        %convert_element_type3A_158 = arith.fptosi %add3A_147 : vector<16xf32> to vector<16xi32>
        %convert_element_type3A_159 = arith.fptosi %add3A_152 : vector<16xf32> to vector<16xi32>
        %convert_element_type3A_160 = arith.fptosi %add3A_157 : vector<16xf32> to vector<16xi32>
        %convert_element_type3A_161 = arith.sitofp %convert_element_type3A_158 : vector<16xi32> to vector<16xf32>
        %sub3A_162 = arith.subf %add3A_147, %convert_element_type3A_161 : vector<16xf32>
        %convert_element_type3A_163 = arith.sitofp %convert_element_type3A_159 : vector<16xi32> to vector<16xf32>
        %sub3A_164 = arith.subf %add3A_152, %convert_element_type3A_163 : vector<16xf32>
        %convert_element_type3A_165 = arith.sitofp %convert_element_type3A_160 : vector<16xi32> to vector<16xf32>
        %sub3A_166 = arith.subf %add3A_157, %convert_element_type3A_165 : vector<16xf32>
        %sub3A_167 = arith.constant 1.000000e+00 : f32
        %sub3A_168 = vector.broadcast %sub3A_167 : f32 to vector<16xf32>
        %sub3A_169 = arith.subf %sub3A_168, %sub3A_162 : vector<16xf32>
        %sub3A_170 = arith.constant 1.000000e+00 : f32
        %sub3A_171 = vector.broadcast %sub3A_170 : f32 to vector<16xf32>
        %sub3A_172 = arith.subf %sub3A_171, %sub3A_164 : vector<16xf32>
        %sub3A_173 = arith.constant 1.000000e+00 : f32
        %sub3A_174 = vector.broadcast %sub3A_173 : f32 to vector<16xf32>
        %sub3A_175 = arith.subf %sub3A_174, %sub3A_166 : vector<16xf32>
        %mul3A_176 = arith.mulf %sub3A_169, %sub3A_172 : vector<16xf32>
        %mul3A_177 = arith.mulf %sub3A_162, %sub3A_172 : vector<16xf32>
        %mul3A_178 = arith.mulf %sub3A_169, %sub3A_164 : vector<16xf32>
        %mul3A_179 = arith.mulf %sub3A_162, %sub3A_164 : vector<16xf32>
        %add3A_180 = arith.constant 1 : i32
        %add3A_181 = vector.broadcast %add3A_180 : i32 to vector<16xi32>
        %add3A_182 = arith.addi %convert_element_type3A_158, %add3A_181 : vector<16xi32>
        %mul3A_183 = arith.constant 32 : i32
        %mul3A_184 = vector.broadcast %mul3A_183 : i32 to vector<16xi32>
        %mul3A_185 = arith.muli %convert_element_type3A_159, %mul3A_184 : vector<16xi32>
        %add3A_186 = arith.constant 32 : i32
        %add3A_187 = vector.broadcast %add3A_186 : i32 to vector<16xi32>
        %add3A_188 = arith.addi %mul3A_185, %add3A_187 : vector<16xi32>
        %mul3A_189 = arith.constant 1024 : i32
        %mul3A_190 = vector.broadcast %mul3A_189 : i32 to vector<16xi32>
        %mul3A_191 = arith.muli %convert_element_type3A_160, %mul3A_190 : vector<16xi32>
        %add3A_192 = arith.constant 1024 : i32
        %add3A_193 = vector.broadcast %add3A_192 : i32 to vector<16xi32>
        %add3A_194 = arith.addi %mul3A_191, %add3A_193 : vector<16xi32>
        %add3A_195 = arith.addi %convert_element_type3A_158, %mul3A_185 : vector<16xi32>
        %add3A_196 = arith.addi %add3A_195, %mul3A_191 : vector<16xi32>
        %shift_left3A_197 = arith.constant 1 : i32
        %shift_left3A_198 = vector.broadcast %shift_left3A_197 : i32 to vector<16xi32>
        %shift_left3A_199 = arith.shli %add3A_196, %shift_left3A_198 : vector<16xi32>
        %add3A_200 = arith.constant 9840 : i32
        %add3A_201 = vector.broadcast %add3A_200 : i32 to vector<16xi32>
        %add3A_202 = arith.addi %shift_left3A_199, %add3A_201 : vector<16xi32>
        %mul3A_203 = arith.mulf %mul3A_176, %sub3A_175 : vector<16xf32>
        %add3A_204 = arith.constant 0 : i32
        %add3A_205 = arith.addi %add3A_204, %mul3A_130 : i32
        %swap3A = arith.index_cast %add3A_205 : i32 to index
        %swap3A_206 = tpu.vector_load %arg9[%swap3A] {strides = array<i32>} : memref<8192xi32, #tpu.memory_space<vmem>>, vector<16xi32>,
        %swap3A_207 = vector.shape_cast %swap3A_206 : vector<16xi32> to vector<16xi32>
        %swap3A_208 = vector.shape_cast %add3A_202 : vector<16xi32> to vector<16xi32>
        tpu.vector_store %arg9[%swap3A], %swap3A_208 {strides = array<i32>} : memref<8192xi32, #tpu.memory_space<vmem>>, vector<16xi32>,
        %add3A_209 = arith.constant 1 : i32
        %add3A_210 = vector.broadcast %add3A_209 : i32 to vector<16xi32>
        %add3A_211 = arith.addi %add3A_202, %add3A_210 : vector<16xi32>
        %add3A_212 = arith.constant 4096 : i32
        %add3A_213 = arith.addi %add3A_212, %add3A_205 : i32
        %swap3A_214 = arith.index_cast %add3A_213 : i32 to index
        %swap3A_215 = tpu.vector_load %arg9[%swap3A_214] {strides = array<i32>} : memref<8192xi32, #tpu.memory_space<vmem>>, vector<16xi32>,
        %swap3A_216 = vector.shape_cast %swap3A_215 : vector<16xi32> to vector<16xi32>
        %swap3A_217 = vector.shape_cast %add3A_211 : vector<16xi32> to vector<16xi32>
        tpu.vector_store %arg9[%swap3A_214], %swap3A_217 {strides = array<i32>} : memref<8192xi32, #tpu.memory_space<vmem>>, vector<16xi32>,
        %swap3A_218 = arith.index_cast %add3A_205 : i32 to index
        %swap3A_219 = tpu.vector_load %arg10[%swap3A_218] {strides = array<i32>} : memref<4096xf32, #tpu.memory_space<vmem>>, vector<16xf32>,
        %swap3A_220 = vector.shape_cast %swap3A_219 : vector<16xf32> to vector<16xf32>
        %swap3A_221 = vector.shape_cast %mul3A_203 : vector<16xf32> to vector<16xf32>
        tpu.vector_store %arg10[%swap3A_218], %swap3A_221 {strides = array<i32>} : memref<4096xf32, #tpu.memory_space<vmem>>, vector<16xf32>,
        %add3A_222 = arith.addi %add3A_182, %mul3A_185 : vector<16xi32>
        %add3A_223 = arith.addi %add3A_222, %mul3A_191 : vector<16xi32>
        %shift_left3A_224 = arith.constant 1 : i32
        %shift_left3A_225 = vector.broadcast %shift_left3A_224 : i32 to vector<16xi32>
        %shift_left3A_226 = arith.shli %add3A_223, %shift_left3A_225 : vector<16xi32>
        %add3A_227 = arith.constant 9840 : i32
        %add3A_228 = vector.broadcast %add3A_227 : i32 to vector<16xi32>
        %add3A_229 = arith.addi %shift_left3A_226, %add3A_228 : vector<16xi32>
        %mul3A_230 = arith.mulf %mul3A_177, %sub3A_175 : vector<16xf32>
        %add3A_231 = arith.constant 512 : i32
        %add3A_232 = arith.addi %add3A_231, %mul3A_130 : i32
        %swap3A_233 = arith.index_cast %add3A_232 : i32 to index
        %swap3A_234 = tpu.vector_load %arg9[%swap3A_233] {strides = array<i32>} : memref<8192xi32, #tpu.memory_space<vmem>>, vector<16xi32>,
        %swap3A_235 = vector.shape_cast %swap3A_234 : vector<16xi32> to vector<16xi32>
        %swap3A_236 = vector.shape_cast %add3A_229 : vector<16xi32> to vector<16xi32>
        tpu.vector_store %arg9[%swap3A_233], %swap3A_236 {strides = array<i32>} : memref<8192xi32, #tpu.memory_space<vmem>>, vector<16xi32>,
        %add3A_237 = arith.constant 1 : i32
        %add3A_238 = vector.broadcast %add3A_237 : i32 to vector<16xi32>
        %add3A_239 = arith.addi %add3A_229, %add3A_238 : vector<16xi32>
        %add3A_240 = arith.constant 4096 : i32
        %add3A_241 = arith.addi %add3A_240, %add3A_232 : i32
        %swap3A_242 = arith.index_cast %add3A_241 : i32 to index
        %swap3A_243 = tpu.vector_load %arg9[%swap3A_242] {strides = array<i32>} : memref<8192xi32, #tpu.memory_space<vmem>>, vector<16xi32>,
        %swap3A_244 = vector.shape_cast %swap3A_243 : vector<16xi32> to vector<16xi32>
        %swap3A_245 = vector.shape_cast %add3A_239 : vector<16xi32> to vector<16xi32>
        tpu.vector_store %arg9[%swap3A_242], %swap3A_245 {strides = array<i32>} : memref<8192xi32, #tpu.memory_space<vmem>>, vector<16xi32>,
        %swap3A_246 = arith.index_cast %add3A_232 : i32 to index
        %swap3A_247 = tpu.vector_load %arg10[%swap3A_246] {strides = array<i32>} : memref<4096xf32, #tpu.memory_space<vmem>>, vector<16xf32>,
        %swap3A_248 = vector.shape_cast %swap3A_247 : vector<16xf32> to vector<16xf32>
        %swap3A_249 = vector.shape_cast %mul3A_230 : vector<16xf32> to vector<16xf32>
        tpu.vector_store %arg10[%swap3A_246], %swap3A_249 {strides = array<i32>} : memref<4096xf32, #tpu.memory_space<vmem>>, vector<16xf32>,
        %add3A_250 = arith.addi %convert_element_type3A_158, %add3A_188 : vector<16xi32>
        %add3A_251 = arith.addi %add3A_250, %mul3A_191 : vector<16xi32>
        %shift_left3A_252 = arith.constant 1 : i32
        %shift_left3A_253 = vector.broadcast %shift_left3A_252 : i32 to vector<16xi32>
        %shift_left3A_254 = arith.shli %add3A_251, %shift_left3A_253 : vector<16xi32>
        %add3A_255 = arith.constant 9840 : i32
        %add3A_256 = vector.broadcast %add3A_255 : i32 to vector<16xi32>
        %add3A_257 = arith.addi %shift_left3A_254, %add3A_256 : vector<16xi32>
        %mul3A_258 = arith.mulf %mul3A_178, %sub3A_175 : vector<16xf32>
        %add3A_259 = arith.constant 1024 : i32
        %add3A_260 = arith.addi %add3A_259, %mul3A_130 : i32
        %swap3A_261 = arith.index_cast %add3A_260 : i32 to index
        %swap3A_262 = tpu.vector_load %arg9[%swap3A_261] {strides = array<i32>} : memref<8192xi32, #tpu.memory_space<vmem>>, vector<16xi32>,
        %swap3A_263 = vector.shape_cast %swap3A_262 : vector<16xi32> to vector<16xi32>
        %swap3A_264 = vector.shape_cast %add3A_257 : vector<16xi32> to vector<16xi32>
        tpu.vector_store %arg9[%swap3A_261], %swap3A_264 {strides = array<i32>} : memref<8192xi32, #tpu.memory_space<vmem>>, vector<16xi32>,
        %add3A_265 = arith.constant 1 : i32
        %add3A_266 = vector.broadcast %add3A_265 : i32 to vector<16xi32>
        %add3A_267 = arith.addi %add3A_257, %add3A_266 : vector<16xi32>
        %add3A_268 = arith.constant 4096 : i32
        %add3A_269 = arith.addi %add3A_268, %add3A_260 : i32
        %swap3A_270 = arith.index_cast %add3A_269 : i32 to index
        %swap3A_271 = tpu.vector_load %arg9[%swap3A_270] {strides = array<i32>} : memref<8192xi32, #tpu.memory_space<vmem>>, vector<16xi32>,
        %swap3A_272 = vector.shape_cast %swap3A_271 : vector<16xi32> to vector<16xi32>
        %swap3A_273 = vector.shape_cast %add3A_267 : vector<16xi32> to vector<16xi32>
        tpu.vector_store %arg9[%swap3A_270], %swap3A_273 {strides = array<i32>} : memref<8192xi32, #tpu.memory_space<vmem>>, vector<16xi32>,
        %swap3A_274 = arith.index_cast %add3A_260 : i32 to index
        %swap3A_275 = tpu.vector_load %arg10[%swap3A_274] {strides = array<i32>} : memref<4096xf32, #tpu.memory_space<vmem>>, vector<16xf32>,
        %swap3A_276 = vector.shape_cast %swap3A_275 : vector<16xf32> to vector<16xf32>
        %swap3A_277 = vector.shape_cast %mul3A_258 : vector<16xf32> to vector<16xf32>
        tpu.vector_store %arg10[%swap3A_274], %swap3A_277 {strides = array<i32>} : memref<4096xf32, #tpu.memory_space<vmem>>, vector<16xf32>,
        %add3A_278 = arith.addi %add3A_182, %add3A_188 : vector<16xi32>
        %add3A_279 = arith.addi %add3A_278, %mul3A_191 : vector<16xi32>
        %shift_left3A_280 = arith.constant 1 : i32
        %shift_left3A_281 = vector.broadcast %shift_left3A_280 : i32 to vector<16xi32>
        %shift_left3A_282 = arith.shli %add3A_279, %shift_left3A_281 : vector<16xi32>
        %add3A_283 = arith.constant 9840 : i32
        %add3A_284 = vector.broadcast %add3A_283 : i32 to vector<16xi32>
        %add3A_285 = arith.addi %shift_left3A_282, %add3A_284 : vector<16xi32>
        %mul3A_286 = arith.mulf %mul3A_179, %sub3A_175 : vector<16xf32>
        %add3A_287 = arith.constant 1536 : i32
        %add3A_288 = arith.addi %add3A_287, %mul3A_130 : i32
        %swap3A_289 = arith.index_cast %add3A_288 : i32 to index
        %swap3A_290 = tpu.vector_load %arg9[%swap3A_289] {strides = array<i32>} : memref<8192xi32, #tpu.memory_space<vmem>>, vector<16xi32>,
        %swap3A_291 = vector.shape_cast %swap3A_290 : vector<16xi32> to vector<16xi32>
        %swap3A_292 = vector.shape_cast %add3A_285 : vector<16xi32> to vector<16xi32>
        tpu.vector_store %arg9[%swap3A_289], %swap3A_292 {strides = array<i32>} : memref<8192xi32, #tpu.memory_space<vmem>>, vector<16xi32>,
        %add3A_293 = arith.constant 1 : i32
        %add3A_294 = vector.broadcast %add3A_293 : i32 to vector<16xi32>
        %add3A_295 = arith.addi %add3A_285, %add3A_294 : vector<16xi32>
        %add3A_296 = arith.constant 4096 : i32
        %add3A_297 = arith.addi %add3A_296, %add3A_288 : i32
        %swap3A_298 = arith.index_cast %add3A_297 : i32 to index
        %swap3A_299 = tpu.vector_load %arg9[%swap3A_298] {strides = array<i32>} : memref<8192xi32, #tpu.memory_space<vmem>>, vector<16xi32>,
        %swap3A_300 = vector.shape_cast %swap3A_299 : vector<16xi32> to vector<16xi32>
        %swap3A_301 = vector.shape_cast %add3A_295 : vector<16xi32> to vector<16xi32>
        tpu.vector_store %arg9[%swap3A_298], %swap3A_301 {strides = array<i32>} : memref<8192xi32, #tpu.memory_space<vmem>>, vector<16xi32>,
        %swap3A_302 = arith.index_cast %add3A_288 : i32 to index
        %swap3A_303 = tpu.vector_load %arg10[%swap3A_302] {strides = array<i32>} : memref<4096xf32, #tpu.memory_space<vmem>>, vector<16xf32>,
        %swap3A_304 = vector.shape_cast %swap3A_303 : vector<16xf32> to vector<16xf32>
        %swap3A_305 = vector.shape_cast %mul3A_286 : vector<16xf32> to vector<16xf32>
        tpu.vector_store %arg10[%swap3A_302], %swap3A_305 {strides = array<i32>} : memref<4096xf32, #tpu.memory_space<vmem>>, vector<16xf32>,
        %add3A_306 = arith.addi %convert_element_type3A_158, %mul3A_185 : vector<16xi32>
        %add3A_307 = arith.addi %add3A_306, %add3A_194 : vector<16xi32>
        %shift_left3A_308 = arith.constant 1 : i32
        %shift_left3A_309 = vector.broadcast %shift_left3A_308 : i32 to vector<16xi32>
        %shift_left3A_310 = arith.shli %add3A_307, %shift_left3A_309 : vector<16xi32>
        %add3A_311 = arith.constant 9840 : i32
        %add3A_312 = vector.broadcast %add3A_311 : i32 to vector<16xi32>
        %add3A_313 = arith.addi %shift_left3A_310, %add3A_312 : vector<16xi32>
        %mul3A_314 = arith.mulf %mul3A_176, %sub3A_166 : vector<16xf32>
        %add3A_315 = arith.constant 2048 : i32
        %add3A_316 = arith.addi %add3A_315, %mul3A_130 : i32
        %swap3A_317 = arith.index_cast %add3A_316 : i32 to index
        %swap3A_318 = tpu.vector_load %arg9[%swap3A_317] {strides = array<i32>} : memref<8192xi32, #tpu.memory_space<vmem>>, vector<16xi32>,
        %swap3A_319 = vector.shape_cast %swap3A_318 : vector<16xi32> to vector<16xi32>
        %swap3A_320 = vector.shape_cast %add3A_313 : vector<16xi32> to vector<16xi32>
        tpu.vector_store %arg9[%swap3A_317], %swap3A_320 {strides = array<i32>} : memref<8192xi32, #tpu.memory_space<vmem>>, vector<16xi32>,
        %add3A_321 = arith.constant 1 : i32
        %add3A_322 = vector.broadcast %add3A_321 : i32 to vector<16xi32>
        %add3A_323 = arith.addi %add3A_313, %add3A_322 : vector<16xi32>
        %add3A_324 = arith.constant 4096 : i32
        %add3A_325 = arith.addi %add3A_324, %add3A_316 : i32
        %swap3A_326 = arith.index_cast %add3A_325 : i32 to index
        %swap3A_327 = tpu.vector_load %arg9[%swap3A_326] {strides = array<i32>} : memref<8192xi32, #tpu.memory_space<vmem>>, vector<16xi32>,
        %swap3A_328 = vector.shape_cast %swap3A_327 : vector<16xi32> to vector<16xi32>
        %swap3A_329 = vector.shape_cast %add3A_323 : vector<16xi32> to vector<16xi32>
        tpu.vector_store %arg9[%swap3A_326], %swap3A_329 {strides = array<i32>} : memref<8192xi32, #tpu.memory_space<vmem>>, vector<16xi32>,
        %swap3A_330 = arith.index_cast %add3A_316 : i32 to index
        %swap3A_331 = tpu.vector_load %arg10[%swap3A_330] {strides = array<i32>} : memref<4096xf32, #tpu.memory_space<vmem>>, vector<16xf32>,
        %swap3A_332 = vector.shape_cast %swap3A_331 : vector<16xf32> to vector<16xf32>
        %swap3A_333 = vector.shape_cast %mul3A_314 : vector<16xf32> to vector<16xf32>
        tpu.vector_store %arg10[%swap3A_330], %swap3A_333 {strides = array<i32>} : memref<4096xf32, #tpu.memory_space<vmem>>, vector<16xf32>,
        %add3A_334 = arith.addi %add3A_182, %mul3A_185 : vector<16xi32>
        %add3A_335 = arith.addi %add3A_334, %add3A_194 : vector<16xi32>
        %shift_left3A_336 = arith.constant 1 : i32
        %shift_left3A_337 = vector.broadcast %shift_left3A_336 : i32 to vector<16xi32>
        %shift_left3A_338 = arith.shli %add3A_335, %shift_left3A_337 : vector<16xi32>
        %add3A_339 = arith.constant 9840 : i32
        %add3A_340 = vector.broadcast %add3A_339 : i32 to vector<16xi32>
        %add3A_341 = arith.addi %shift_left3A_338, %add3A_340 : vector<16xi32>
        %mul3A_342 = arith.mulf %mul3A_177, %sub3A_166 : vector<16xf32>
        %add3A_343 = arith.constant 2560 : i32
        %add3A_344 = arith.addi %add3A_343, %mul3A_130 : i32
        %swap3A_345 = arith.index_cast %add3A_344 : i32 to index
        %swap3A_346 = tpu.vector_load %arg9[%swap3A_345] {strides = array<i32>} : memref<8192xi32, #tpu.memory_space<vmem>>, vector<16xi32>,
        %swap3A_347 = vector.shape_cast %swap3A_346 : vector<16xi32> to vector<16xi32>
        %swap3A_348 = vector.shape_cast %add3A_341 : vector<16xi32> to vector<16xi32>
        tpu.vector_store %arg9[%swap3A_345], %swap3A_348 {strides = array<i32>} : memref<8192xi32, #tpu.memory_space<vmem>>, vector<16xi32>,
        %add3A_349 = arith.constant 1 : i32
        %add3A_350 = vector.broadcast %add3A_349 : i32 to vector<16xi32>
        %add3A_351 = arith.addi %add3A_341, %add3A_350 : vector<16xi32>
        %add3A_352 = arith.constant 4096 : i32
        %add3A_353 = arith.addi %add3A_352, %add3A_344 : i32
        %swap3A_354 = arith.index_cast %add3A_353 : i32 to index
        %swap3A_355 = tpu.vector_load %arg9[%swap3A_354] {strides = array<i32>} : memref<8192xi32, #tpu.memory_space<vmem>>, vector<16xi32>,
        %swap3A_356 = vector.shape_cast %swap3A_355 : vector<16xi32> to vector<16xi32>
        %swap3A_357 = vector.shape_cast %add3A_351 : vector<16xi32> to vector<16xi32>
        tpu.vector_store %arg9[%swap3A_354], %swap3A_357 {strides = array<i32>} : memref<8192xi32, #tpu.memory_space<vmem>>, vector<16xi32>,
        %swap3A_358 = arith.index_cast %add3A_344 : i32 to index
        %swap3A_359 = tpu.vector_load %arg10[%swap3A_358] {strides = array<i32>} : memref<4096xf32, #tpu.memory_space<vmem>>, vector<16xf32>,
        %swap3A_360 = vector.shape_cast %swap3A_359 : vector<16xf32> to vector<16xf32>
        %swap3A_361 = vector.shape_cast %mul3A_342 : vector<16xf32> to vector<16xf32>
        tpu.vector_store %arg10[%swap3A_358], %swap3A_361 {strides = array<i32>} : memref<4096xf32, #tpu.memory_space<vmem>>, vector<16xf32>,
        %add3A_362 = arith.addi %convert_element_type3A_158, %add3A_188 : vector<16xi32>
        %add3A_363 = arith.addi %add3A_362, %add3A_194 : vector<16xi32>
        %shift_left3A_364 = arith.constant 1 : i32
        %shift_left3A_365 = vector.broadcast %shift_left3A_364 : i32 to vector<16xi32>
        %shift_left3A_366 = arith.shli %add3A_363, %shift_left3A_365 : vector<16xi32>
        %add3A_367 = arith.constant 9840 : i32
        %add3A_368 = vector.broadcast %add3A_367 : i32 to vector<16xi32>
        %add3A_369 = arith.addi %shift_left3A_366, %add3A_368 : vector<16xi32>
        %mul3A_370 = arith.mulf %mul3A_178, %sub3A_166 : vector<16xf32>
        %add3A_371 = arith.constant 3072 : i32
        %add3A_372 = arith.addi %add3A_371, %mul3A_130 : i32
        %swap3A_373 = arith.index_cast %add3A_372 : i32 to index
        %swap3A_374 = tpu.vector_load %arg9[%swap3A_373] {strides = array<i32>} : memref<8192xi32, #tpu.memory_space<vmem>>, vector<16xi32>,
        %swap3A_375 = vector.shape_cast %swap3A_374 : vector<16xi32> to vector<16xi32>
        %swap3A_376 = vector.shape_cast %add3A_369 : vector<16xi32> to vector<16xi32>
        tpu.vector_store %arg9[%swap3A_373], %swap3A_376 {strides = array<i32>} : memref<8192xi32, #tpu.memory_space<vmem>>, vector<16xi32>,
        %add3A_377 = arith.constant 1 : i32
        %add3A_378 = vector.broadcast %add3A_377 : i32 to vector<16xi32>
        %add3A_379 = arith.addi %add3A_369, %add3A_378 : vector<16xi32>
        %add3A_380 = arith.constant 4096 : i32
        %add3A_381 = arith.addi %add3A_380, %add3A_372 : i32
        %swap3A_382 = arith.index_cast %add3A_381 : i32 to index
        %swap3A_383 = tpu.vector_load %arg9[%swap3A_382] {strides = array<i32>} : memref<8192xi32, #tpu.memory_space<vmem>>, vector<16xi32>,
        %swap3A_384 = vector.shape_cast %swap3A_383 : vector<16xi32> to vector<16xi32>
        %swap3A_385 = vector.shape_cast %add3A_379 : vector<16xi32> to vector<16xi32>
        tpu.vector_store %arg9[%swap3A_382], %swap3A_385 {strides = array<i32>} : memref<8192xi32, #tpu.memory_space<vmem>>, vector<16xi32>,
        %swap3A_386 = arith.index_cast %add3A_372 : i32 to index
        %swap3A_387 = tpu.vector_load %arg10[%swap3A_386] {strides = array<i32>} : memref<4096xf32, #tpu.memory_space<vmem>>, vector<16xf32>,
        %swap3A_388 = vector.shape_cast %swap3A_387 : vector<16xf32> to vector<16xf32>
        %swap3A_389 = vector.shape_cast %mul3A_370 : vector<16xf32> to vector<16xf32>
        tpu.vector_store %arg10[%swap3A_386], %swap3A_389 {strides = array<i32>} : memref<4096xf32, #tpu.memory_space<vmem>>, vector<16xf32>,
        %add3A_390 = arith.addi %add3A_182, %add3A_188 : vector<16xi32>
        %add3A_391 = arith.addi %add3A_390, %add3A_194 : vector<16xi32>
        %shift_left3A_392 = arith.constant 1 : i32
        %shift_left3A_393 = vector.broadcast %shift_left3A_392 : i32 to vector<16xi32>
        %shift_left3A_394 = arith.shli %add3A_391, %shift_left3A_393 : vector<16xi32>
        %add3A_395 = arith.constant 9840 : i32
        %add3A_396 = vector.broadcast %add3A_395 : i32 to vector<16xi32>
        %add3A_397 = arith.addi %shift_left3A_394, %add3A_396 : vector<16xi32>
        %mul3A_398 = arith.mulf %mul3A_179, %sub3A_166 : vector<16xf32>
        %add3A_399 = arith.constant 3584 : i32
        %add3A_400 = arith.addi %add3A_399, %mul3A_130 : i32
        %swap3A_401 = arith.index_cast %add3A_400 : i32 to index
        %swap3A_402 = tpu.vector_load %arg9[%swap3A_401] {strides = array<i32>} : memref<8192xi32, #tpu.memory_space<vmem>>, vector<16xi32>,
        %swap3A_403 = vector.shape_cast %swap3A_402 : vector<16xi32> to vector<16xi32>
        %swap3A_404 = vector.shape_cast %add3A_397 : vector<16xi32> to vector<16xi32>
        tpu.vector_store %arg9[%swap3A_401], %swap3A_404 {strides = array<i32>} : memref<8192xi32, #tpu.memory_space<vmem>>, vector<16xi32>,
        %add3A_405 = arith.constant 1 : i32
        %add3A_406 = vector.broadcast %add3A_405 : i32 to vector<16xi32>
        %add3A_407 = arith.addi %add3A_397, %add3A_406 : vector<16xi32>
        %add3A_408 = arith.constant 4096 : i32
        %add3A_409 = arith.addi %add3A_408, %add3A_400 : i32
        %swap3A_410 = arith.index_cast %add3A_409 : i32 to index
        %swap3A_411 = tpu.vector_load %arg9[%swap3A_410] {strides = array<i32>} : memref<8192xi32, #tpu.memory_space<vmem>>, vector<16xi32>,
        %swap3A_412 = vector.shape_cast %swap3A_411 : vector<16xi32> to vector<16xi32>
        %swap3A_413 = vector.shape_cast %add3A_407 : vector<16xi32> to vector<16xi32>
        tpu.vector_store %arg9[%swap3A_410], %swap3A_413 {strides = array<i32>} : memref<8192xi32, #tpu.memory_space<vmem>>, vector<16xi32>,
        %swap3A_414 = arith.index_cast %add3A_400 : i32 to index
        %swap3A_415 = tpu.vector_load %arg10[%swap3A_414] {strides = array<i32>} : memref<4096xf32, #tpu.memory_space<vmem>>, vector<16xf32>,
        %swap3A_416 = vector.shape_cast %swap3A_415 : vector<16xf32> to vector<16xf32>
        %swap3A_417 = vector.shape_cast %mul3A_398 : vector<16xf32> to vector<16xf32>
        tpu.vector_store %arg10[%swap3A_414], %swap3A_417 {strides = array<i32>} : memref<4096xf32, #tpu.memory_space<vmem>>, vector<16xf32>,
        %scan3A_418 = arith.constant 0 : i32
        scf.yield %scan3A_418 : i32
      }
      %scan3A_36 = arith.constant 32 : i32
      %dma_start3A_37 = arith.constant 0 : i32
      %dma_start3A_38 = tpu.memref_slice %arg3[%dma_start3A_37] : memref<14262480xf32, #tpu.memory_space<hbm>> -> memref<14262480xf32, #tpu.memory_space<hbm>>
      tpu.enqueue_indirect_dma source(%dma_start3A_38 : memref<14262480xf32, #tpu.memory_space<hbm>>) target(%arg11 : memref<8192xf32, #tpu.memory_space<vmem>>) offsets(%arg9 : memref<8192xi32, #tpu.memory_space<vmem>>) semaphore(%arg14 : memref<!tpu.dma_semaphore, #tpu.memory_space<semaphore_mem>>)
      %dma_wait3A = arith.constant 0 : i32
      %dma_wait3A_39 = tpu.memref_slice %arg3[%dma_wait3A] : memref<14262480xf32, #tpu.memory_space<hbm>> -> memref<14262480xf32, #tpu.memory_space<hbm>>
      tpu.wait_indirect_dma semaphore(%arg13 : memref<!tpu.dma_semaphore, #tpu.memory_space<semaphore_mem>>) src(%dma_wait3A_39 : memref<14262480xf32, #tpu.memory_space<hbm>>) dst(%arg8 : memref<8192xf32, #tpu.memory_space<vmem>>)
      %scan3A_40 = arith.constant 0 : i32
      %scan3A_41 = arith.constant 0 : i32
      %scan3A_42 = arith.constant 32 : i32
      %scan3A_43 = arith.addi %scan3A_41, %scan3A_42 : i32
      %scan3A_44 = arith.constant 1 : i32
      %scan3A_45 = scf.for %scan3A_127 = %scan3A_41 to %scan3A_43 step %scan3A_44 iter_args(%scan3A_128 = %scan3A_40) -> (i32)  : i32 {
        %mul3A_129 = arith.constant 16 : i32
        %mul3A_130 = arith.muli %scan3A_127, %mul3A_129 : i32
        %broadcast_in_dim3A = arith.constant 0.000000e+00 : f32
        %broadcast_in_dim3A_131 = vector.broadcast %broadcast_in_dim3A : f32 to vector<16xf32>
        %broadcast_in_dim3A_132 = arith.constant 0.000000e+00 : f32
        %broadcast_in_dim3A_133 = vector.broadcast %broadcast_in_dim3A_132 : f32 to vector<16xf32>
        %add3A_134 = arith.constant 0 : i32
        %add3A_135 = arith.addi %add3A_134, %mul3A_130 : i32
        %get3A = arith.index_cast %add3A_135 : i32 to index
        %get3A_136 = tpu.vector_load %arg7[%get3A] {strides = array<i32>} : memref<4096xf32, #tpu.memory_space<vmem>>, vector<16xf32>,
        %get3A_137 = vector.shape_cast %get3A_136 : vector<16xf32> to vector<16xf32>
        %get3A_138 = arith.index_cast %add3A_135 : i32 to index
        %get3A_139 = tpu.vector_load %arg8[%get3A_138] {strides = array<i32>} : memref<8192xf32, #tpu.memory_space<vmem>>, vector<16xf32>,
        %get3A_140 = vector.shape_cast %get3A_139 : vector<16xf32> to vector<16xf32>
        %mul3A_141 = arith.mulf %get3A_137, %get3A_140 : vector<16xf32>
        %add3A_142 = arith.addf %broadcast_in_dim3A_131, %mul3A_141 : vector<16xf32>
        %add3A_143 = arith.constant 4096 : i32
        %add3A_144 = arith.addi %add3A_143, %add3A_135 : i32
        %get3A_145 = arith.index_cast %add3A_144 : i32 to index
        %get3A_146 = tpu.vector_load %arg8[%get3A_145] {strides = array<i32>} : memref<8192xf32, #tpu.memory_space<vmem>>, vector<16xf32>,
        %get3A_147 = vector.shape_cast %get3A_146 : vector<16xf32> to vector<16xf32>
        %mul3A_148 = arith.mulf %get3A_137, %get3A_147 : vector<16xf32>
        %add3A_149 = arith.addf %broadcast_in_dim3A_133, %mul3A_148 : vector<16xf32>
        %add3A_150 = arith.constant 512 : i32
        %add3A_151 = arith.addi %add3A_150, %mul3A_130 : i32
        %get3A_152 = arith.index_cast %add3A_151 : i32 to index
        %get3A_153 = tpu.vector_load %arg7[%get3A_152] {strides = array<i32>} : memref<4096xf32, #tpu.memory_space<vmem>>, vector<16xf32>,
        %get3A_154 = vector.shape_cast %get3A_153 : vector<16xf32> to vector<16xf32>
        %get3A_155 = arith.index_cast %add3A_151 : i32 to index
        %get3A_156 = tpu.vector_load %arg8[%get3A_155] {strides = array<i32>} : memref<8192xf32, #tpu.memory_space<vmem>>, vector<16xf32>,
        %get3A_157 = vector.shape_cast %get3A_156 : vector<16xf32> to vector<16xf32>
        %mul3A_158 = arith.mulf %get3A_154, %get3A_157 : vector<16xf32>
        %add3A_159 = arith.addf %add3A_142, %mul3A_158 : vector<16xf32>
        %add3A_160 = arith.constant 4096 : i32
        %add3A_161 = arith.addi %add3A_160, %add3A_151 : i32
        %get3A_162 = arith.index_cast %add3A_161 : i32 to index
        %get3A_163 = tpu.vector_load %arg8[%get3A_162] {strides = array<i32>} : memref<8192xf32, #tpu.memory_space<vmem>>, vector<16xf32>,
        %get3A_164 = vector.shape_cast %get3A_163 : vector<16xf32> to vector<16xf32>
        %mul3A_165 = arith.mulf %get3A_154, %get3A_164 : vector<16xf32>
        %add3A_166 = arith.addf %add3A_149, %mul3A_165 : vector<16xf32>
        %add3A_167 = arith.constant 1024 : i32
        %add3A_168 = arith.addi %add3A_167, %mul3A_130 : i32
        %get3A_169 = arith.index_cast %add3A_168 : i32 to index
        %get3A_170 = tpu.vector_load %arg7[%get3A_169] {strides = array<i32>} : memref<4096xf32, #tpu.memory_space<vmem>>, vector<16xf32>,
        %get3A_171 = vector.shape_cast %get3A_170 : vector<16xf32> to vector<16xf32>
        %get3A_172 = arith.index_cast %add3A_168 : i32 to index
        %get3A_173 = tpu.vector_load %arg8[%get3A_172] {strides = array<i32>} : memref<8192xf32, #tpu.memory_space<vmem>>, vector<16xf32>,
        %get3A_174 = vector.shape_cast %get3A_173 : vector<16xf32> to vector<16xf32>
        %mul3A_175 = arith.mulf %get3A_171, %get3A_174 : vector<16xf32>
        %add3A_176 = arith.addf %add3A_159, %mul3A_175 : vector<16xf32>
        %add3A_177 = arith.constant 4096 : i32
        %add3A_178 = arith.addi %add3A_177, %add3A_168 : i32
        %get3A_179 = arith.index_cast %add3A_178 : i32 to index
        %get3A_180 = tpu.vector_load %arg8[%get3A_179] {strides = array<i32>} : memref<8192xf32, #tpu.memory_space<vmem>>, vector<16xf32>,
        %get3A_181 = vector.shape_cast %get3A_180 : vector<16xf32> to vector<16xf32>
        %mul3A_182 = arith.mulf %get3A_171, %get3A_181 : vector<16xf32>
        %add3A_183 = arith.addf %add3A_166, %mul3A_182 : vector<16xf32>
        %add3A_184 = arith.constant 1536 : i32
        %add3A_185 = arith.addi %add3A_184, %mul3A_130 : i32
        %get3A_186 = arith.index_cast %add3A_185 : i32 to index
        %get3A_187 = tpu.vector_load %arg7[%get3A_186] {strides = array<i32>} : memref<4096xf32, #tpu.memory_space<vmem>>, vector<16xf32>,
        %get3A_188 = vector.shape_cast %get3A_187 : vector<16xf32> to vector<16xf32>
        %get3A_189 = arith.index_cast %add3A_185 : i32 to index
        %get3A_190 = tpu.vector_load %arg8[%get3A_189] {strides = array<i32>} : memref<8192xf32, #tpu.memory_space<vmem>>, vector<16xf32>,
        %get3A_191 = vector.shape_cast %get3A_190 : vector<16xf32> to vector<16xf32>
        %mul3A_192 = arith.mulf %get3A_188, %get3A_191 : vector<16xf32>
        %add3A_193 = arith.addf %add3A_176, %mul3A_192 : vector<16xf32>
        %add3A_194 = arith.constant 4096 : i32
        %add3A_195 = arith.addi %add3A_194, %add3A_185 : i32
        %get3A_196 = arith.index_cast %add3A_195 : i32 to index
        %get3A_197 = tpu.vector_load %arg8[%get3A_196] {strides = array<i32>} : memref<8192xf32, #tpu.memory_space<vmem>>, vector<16xf32>,
        %get3A_198 = vector.shape_cast %get3A_197 : vector<16xf32> to vector<16xf32>
        %mul3A_199 = arith.mulf %get3A_188, %get3A_198 : vector<16xf32>
        %add3A_200 = arith.addf %add3A_183, %mul3A_199 : vector<16xf32>
        %add3A_201 = arith.constant 2048 : i32
        %add3A_202 = arith.addi %add3A_201, %mul3A_130 : i32
        %get3A_203 = arith.index_cast %add3A_202 : i32 to index
        %get3A_204 = tpu.vector_load %arg7[%get3A_203] {strides = array<i32>} : memref<4096xf32, #tpu.memory_space<vmem>>, vector<16xf32>,
        %get3A_205 = vector.shape_cast %get3A_204 : vector<16xf32> to vector<16xf32>
        %get3A_206 = arith.index_cast %add3A_202 : i32 to index
        %get3A_207 = tpu.vector_load %arg8[%get3A_206] {strides = array<i32>} : memref<8192xf32, #tpu.memory_space<vmem>>, vector<16xf32>,
        %get3A_208 = vector.shape_cast %get3A_207 : vector<16xf32> to vector<16xf32>
        %mul3A_209 = arith.mulf %get3A_205, %get3A_208 : vector<16xf32>
        %add3A_210 = arith.addf %add3A_193, %mul3A_209 : vector<16xf32>
        %add3A_211 = arith.constant 4096 : i32
        %add3A_212 = arith.addi %add3A_211, %add3A_202 : i32
        %get3A_213 = arith.index_cast %add3A_212 : i32 to index
        %get3A_214 = tpu.vector_load %arg8[%get3A_213] {strides = array<i32>} : memref<8192xf32, #tpu.memory_space<vmem>>, vector<16xf32>,
        %get3A_215 = vector.shape_cast %get3A_214 : vector<16xf32> to vector<16xf32>
        %mul3A_216 = arith.mulf %get3A_205, %get3A_215 : vector<16xf32>
        %add3A_217 = arith.addf %add3A_200, %mul3A_216 : vector<16xf32>
        %add3A_218 = arith.constant 2560 : i32
        %add3A_219 = arith.addi %add3A_218, %mul3A_130 : i32
        %get3A_220 = arith.index_cast %add3A_219 : i32 to index
        %get3A_221 = tpu.vector_load %arg7[%get3A_220] {strides = array<i32>} : memref<4096xf32, #tpu.memory_space<vmem>>, vector<16xf32>,
        %get3A_222 = vector.shape_cast %get3A_221 : vector<16xf32> to vector<16xf32>
        %get3A_223 = arith.index_cast %add3A_219 : i32 to index
        %get3A_224 = tpu.vector_load %arg8[%get3A_223] {strides = array<i32>} : memref<8192xf32, #tpu.memory_space<vmem>>, vector<16xf32>,
        %get3A_225 = vector.shape_cast %get3A_224 : vector<16xf32> to vector<16xf32>
        %mul3A_226 = arith.mulf %get3A_222, %get3A_225 : vector<16xf32>
        %add3A_227 = arith.addf %add3A_210, %mul3A_226 : vector<16xf32>
        %add3A_228 = arith.constant 4096 : i32
        %add3A_229 = arith.addi %add3A_228, %add3A_219 : i32
        %get3A_230 = arith.index_cast %add3A_229 : i32 to index
        %get3A_231 = tpu.vector_load %arg8[%get3A_230] {strides = array<i32>} : memref<8192xf32, #tpu.memory_space<vmem>>, vector<16xf32>,
        %get3A_232 = vector.shape_cast %get3A_231 : vector<16xf32> to vector<16xf32>
        %mul3A_233 = arith.mulf %get3A_222, %get3A_232 : vector<16xf32>
        %add3A_234 = arith.addf %add3A_217, %mul3A_233 : vector<16xf32>
        %add3A_235 = arith.constant 3072 : i32
        %add3A_236 = arith.addi %add3A_235, %mul3A_130 : i32
        %get3A_237 = arith.index_cast %add3A_236 : i32 to index
        %get3A_238 = tpu.vector_load %arg7[%get3A_237] {strides = array<i32>} : memref<4096xf32, #tpu.memory_space<vmem>>, vector<16xf32>,
        %get3A_239 = vector.shape_cast %get3A_238 : vector<16xf32> to vector<16xf32>
        %get3A_240 = arith.index_cast %add3A_236 : i32 to index
        %get3A_241 = tpu.vector_load %arg8[%get3A_240] {strides = array<i32>} : memref<8192xf32, #tpu.memory_space<vmem>>, vector<16xf32>,
        %get3A_242 = vector.shape_cast %get3A_241 : vector<16xf32> to vector<16xf32>
        %mul3A_243 = arith.mulf %get3A_239, %get3A_242 : vector<16xf32>
        %add3A_244 = arith.addf %add3A_227, %mul3A_243 : vector<16xf32>
        %add3A_245 = arith.constant 4096 : i32
        %add3A_246 = arith.addi %add3A_245, %add3A_236 : i32
        %get3A_247 = arith.index_cast %add3A_246 : i32 to index
        %get3A_248 = tpu.vector_load %arg8[%get3A_247] {strides = array<i32>} : memref<8192xf32, #tpu.memory_space<vmem>>, vector<16xf32>,
        %get3A_249 = vector.shape_cast %get3A_248 : vector<16xf32> to vector<16xf32>
        %mul3A_250 = arith.mulf %get3A_239, %get3A_249 : vector<16xf32>
        %add3A_251 = arith.addf %add3A_234, %mul3A_250 : vector<16xf32>
        %add3A_252 = arith.constant 3584 : i32
        %add3A_253 = arith.addi %add3A_252, %mul3A_130 : i32
        %get3A_254 = arith.index_cast %add3A_253 : i32 to index
        %get3A_255 = tpu.vector_load %arg7[%get3A_254] {strides = array<i32>} : memref<4096xf32, #tpu.memory_space<vmem>>, vector<16xf32>,
        %get3A_256 = vector.shape_cast %get3A_255 : vector<16xf32> to vector<16xf32>
        %get3A_257 = arith.index_cast %add3A_253 : i32 to index
        %get3A_258 = tpu.vector_load %arg8[%get3A_257] {strides = array<i32>} : memref<8192xf32, #tpu.memory_space<vmem>>, vector<16xf32>,
        %get3A_259 = vector.shape_cast %get3A_258 : vector<16xf32> to vector<16xf32>
        %mul3A_260 = arith.mulf %get3A_256, %get3A_259 : vector<16xf32>
        %add3A_261 = arith.addf %add3A_244, %mul3A_260 : vector<16xf32>
        %add3A_262 = arith.constant 4096 : i32
        %add3A_263 = arith.addi %add3A_262, %add3A_253 : i32
        %get3A_264 = arith.index_cast %add3A_263 : i32 to index
        %get3A_265 = tpu.vector_load %arg8[%get3A_264] {strides = array<i32>} : memref<8192xf32, #tpu.memory_space<vmem>>, vector<16xf32>,
        %get3A_266 = vector.shape_cast %get3A_265 : vector<16xf32> to vector<16xf32>
        %mul3A_267 = arith.mulf %get3A_256, %get3A_266 : vector<16xf32>
        %add3A_268 = arith.addf %add3A_251, %mul3A_267 : vector<16xf32>
        %swap3A = arith.index_cast %mul3A_130 : i32 to index
        %swap3A_269 = tpu.vector_load %arg12[%swap3A] {strides = array<i32>} : memref<1024xf32, #tpu.memory_space<vmem>>, vector<16xf32>,
        %swap3A_270 = vector.shape_cast %swap3A_269 : vector<16xf32> to vector<16xf32>
        %swap3A_271 = vector.shape_cast %add3A_261 : vector<16xf32> to vector<16xf32>
        tpu.vector_store %arg12[%swap3A], %swap3A_271 {strides = array<i32>} : memref<1024xf32, #tpu.memory_space<vmem>>, vector<16xf32>,
        %add3A_272 = arith.constant 512 : i32
        %add3A_273 = arith.addi %add3A_272, %mul3A_130 : i32
        %swap3A_274 = arith.index_cast %add3A_273 : i32 to index
        %swap3A_275 = tpu.vector_load %arg12[%swap3A_274] {strides = array<i32>} : memref<1024xf32, #tpu.memory_space<vmem>>, vector<16xf32>,
        %swap3A_276 = vector.shape_cast %swap3A_275 : vector<16xf32> to vector<16xf32>
        %swap3A_277 = vector.shape_cast %add3A_268 : vector<16xf32> to vector<16xf32>
        tpu.vector_store %arg12[%swap3A_274], %swap3A_277 {strides = array<i32>} : memref<1024xf32, #tpu.memory_space<vmem>>, vector<16xf32>,
        %scan3A_278 = arith.constant 0 : i32
        scf.yield %scan3A_278 : i32
      }
      %scan3A_46 = arith.constant 32 : i32
      %add3A_47 = arith.constant 0 : i32
      %add3A_48 = arith.addi %add3A_47, %add3A_13 : i32
      "tpu.region"() ({
        %run_scoped3A = tpu.sem_alloc : memref<!tpu.dma_semaphore, #tpu.memory_space<semaphore_mem>>
        %dma_start3A_127 = arith.constant 0 : i32
        %dma_start3A_128 = tpu.memref_slice %arg12[%dma_start3A_127] : memref<1024xf32, #tpu.memory_space<vmem>> -> memref<512xf32, #tpu.memory_space<vmem>>
        %dma_start3A_129 = tpu.memref_slice %arg4[%add3A_48] : memref<4194304xf32, #tpu.memory_space<hbm>> -> memref<512xf32, #tpu.memory_space<hbm>>
        %dma_start3A_130 = tpu.memref_slice %arg4[%add3A_48] : memref<4194304xf32, #tpu.memory_space<hbm>> -> memref<512xf32, #tpu.memory_space<hbm>>
        %dma_start3A_131 = arith.constant 0 : i32
        %dma_start3A_132 = tpu.memref_slice %arg12[%dma_start3A_131] : memref<1024xf32, #tpu.memory_space<vmem>> -> memref<512xf32, #tpu.memory_space<vmem>>
        tpu.enqueue_dma source(%dma_start3A_132 : memref<512xf32, #tpu.memory_space<vmem>>) target(%dma_start3A_130 : memref<512xf32, #tpu.memory_space<hbm>>) target_semaphore(%run_scoped3A : memref<!tpu.dma_semaphore, #tpu.memory_space<semaphore_mem>>)
        %dma_wait3A_133 = arith.constant 0 : i32
        %dma_wait3A_134 = tpu.memref_slice %arg12[%dma_wait3A_133] : memref<1024xf32, #tpu.memory_space<vmem>> -> memref<512xf32, #tpu.memory_space<vmem>>
        %dma_wait3A_135 = tpu.memref_slice %arg4[%add3A_48] : memref<4194304xf32, #tpu.memory_space<hbm>> -> memref<512xf32, #tpu.memory_space<hbm>>
        %dma_wait3A_136 = tpu.memref_slice %arg4[%add3A_48] : memref<4194304xf32, #tpu.memory_space<hbm>> -> memref<512xf32, #tpu.memory_space<hbm>>
        %dma_wait3A_137 = arith.constant 0 : i32
        %dma_wait3A_138 = tpu.memref_slice %arg12[%dma_wait3A_137] : memref<1024xf32, #tpu.memory_space<vmem>> -> memref<512xf32, #tpu.memory_space<vmem>>
        tpu.wait_dma2 semaphore(%run_scoped3A : memref<!tpu.dma_semaphore, #tpu.memory_space<semaphore_mem>>) src(%dma_wait3A_138 : memref<512xf32, #tpu.memory_space<vmem>>) dst(%dma_wait3A_136 : memref<512xf32, #tpu.memory_space<hbm>>)
        tpu.yield
      }) : () -> ()
      %add3A_49 = arith.constant 131072 : i32
      %add3A_50 = arith.addi %add3A_48, %add3A_49 : i32
      "tpu.region"() ({
        %run_scoped3A = tpu.sem_alloc : memref<!tpu.dma_semaphore, #tpu.memory_space<semaphore_mem>>
        %dma_start3A_127 = arith.constant 512 : i32
        %dma_start3A_128 = tpu.memref_slice %arg12[%dma_start3A_127] : memref<1024xf32, #tpu.memory_space<vmem>> -> memref<512xf32, #tpu.memory_space<vmem>>
        %dma_start3A_129 = tpu.memref_slice %arg4[%add3A_50] : memref<4194304xf32, #tpu.memory_space<hbm>> -> memref<512xf32, #tpu.memory_space<hbm>>
        %dma_start3A_130 = tpu.memref_slice %arg4[%add3A_50] : memref<4194304xf32, #tpu.memory_space<hbm>> -> memref<512xf32, #tpu.memory_space<hbm>>
        %dma_start3A_131 = arith.constant 512 : i32
        %dma_start3A_132 = tpu.memref_slice %arg12[%dma_start3A_131] : memref<1024xf32, #tpu.memory_space<vmem>> -> memref<512xf32, #tpu.memory_space<vmem>>
        tpu.enqueue_dma source(%dma_start3A_132 : memref<512xf32, #tpu.memory_space<vmem>>) target(%dma_start3A_130 : memref<512xf32, #tpu.memory_space<hbm>>) target_semaphore(%run_scoped3A : memref<!tpu.dma_semaphore, #tpu.memory_space<semaphore_mem>>)
        %dma_wait3A_133 = arith.constant 512 : i32
        %dma_wait3A_134 = tpu.memref_slice %arg12[%dma_wait3A_133] : memref<1024xf32, #tpu.memory_space<vmem>> -> memref<512xf32, #tpu.memory_space<vmem>>
        %dma_wait3A_135 = tpu.memref_slice %arg4[%add3A_50] : memref<4194304xf32, #tpu.memory_space<hbm>> -> memref<512xf32, #tpu.memory_space<hbm>>
        %dma_wait3A_136 = tpu.memref_slice %arg4[%add3A_50] : memref<4194304xf32, #tpu.memory_space<hbm>> -> memref<512xf32, #tpu.memory_space<hbm>>
        %dma_wait3A_137 = arith.constant 512 : i32
        %dma_wait3A_138 = tpu.memref_slice %arg12[%dma_wait3A_137] : memref<1024xf32, #tpu.memory_space<vmem>> -> memref<512xf32, #tpu.memory_space<vmem>>
        tpu.wait_dma2 semaphore(%run_scoped3A : memref<!tpu.dma_semaphore, #tpu.memory_space<semaphore_mem>>) src(%dma_wait3A_138 : memref<512xf32, #tpu.memory_space<vmem>>) dst(%dma_wait3A_136 : memref<512xf32, #tpu.memory_space<hbm>>)
        tpu.yield
      }) : () -> ()
      %scan3A_51 = arith.constant 6.300000e+01 : f32
      %scan3A_52 = arith.constant 0 : i32
      %scan3A_53 = arith.constant 0 : i32
      %scan3A_54 = arith.constant 32 : i32
      %scan3A_55 = arith.addi %scan3A_53, %scan3A_54 : i32
      %scan3A_56 = arith.constant 1 : i32
      %scan3A_57 = scf.for %scan3A_127 = %scan3A_53 to %scan3A_55 step %scan3A_56 iter_args(%scan3A_128 = %scan3A_52) -> (i32)  : i32 {
        %mul3A_129 = arith.constant 16 : i32
        %mul3A_130 = arith.muli %scan3A_127, %mul3A_129 : i32
        %get3A = arith.index_cast %mul3A_130 : i32 to index
        %get3A_131 = tpu.vector_load %arg5[%get3A] {strides = array<i32>} : memref<1536xf32, #tpu.memory_space<vmem>>, vector<16xf32>,
        %get3A_132 = vector.shape_cast %get3A_131 : vector<16xf32> to vector<16xf32>
        %add3A_133 = arith.constant 512 : i32
        %add3A_134 = arith.addi %add3A_133, %mul3A_130 : i32
        %get3A_135 = arith.index_cast %add3A_134 : i32 to index
        %get3A_136 = tpu.vector_load %arg5[%get3A_135] {strides = array<i32>} : memref<1536xf32, #tpu.memory_space<vmem>>, vector<16xf32>,
        %get3A_137 = vector.shape_cast %get3A_136 : vector<16xf32> to vector<16xf32>
        %add3A_138 = arith.constant 1024 : i32
        %add3A_139 = arith.addi %add3A_138, %mul3A_130 : i32
        %get3A_140 = arith.index_cast %add3A_139 : i32 to index
        %get3A_141 = tpu.vector_load %arg5[%get3A_140] {strides = array<i32>} : memref<1536xf32, #tpu.memory_space<vmem>>, vector<16xf32>,
        %get3A_142 = vector.shape_cast %get3A_141 : vector<16xf32> to vector<16xf32>
        %mul3A_143 = vector.broadcast %scan3A_51 : f32 to vector<16xf32>
        %mul3A_144 = arith.mulf %get3A_132, %mul3A_143 : vector<16xf32>
        %add3A_145 = arith.constant 5.000000e-01 : f32
        %add3A_146 = vector.broadcast %add3A_145 : f32 to vector<16xf32>
        %add3A_147 = arith.addf %mul3A_144, %add3A_146 : vector<16xf32>
        %mul3A_148 = vector.broadcast %scan3A_51 : f32 to vector<16xf32>
        %mul3A_149 = arith.mulf %get3A_137, %mul3A_148 : vector<16xf32>
        %add3A_150 = arith.constant 5.000000e-01 : f32
        %add3A_151 = vector.broadcast %add3A_150 : f32 to vector<16xf32>
        %add3A_152 = arith.addf %mul3A_149, %add3A_151 : vector<16xf32>
        %mul3A_153 = vector.broadcast %scan3A_51 : f32 to vector<16xf32>
        %mul3A_154 = arith.mulf %get3A_142, %mul3A_153 : vector<16xf32>
        %add3A_155 = arith.constant 5.000000e-01 : f32
        %add3A_156 = vector.broadcast %add3A_155 : f32 to vector<16xf32>
        %add3A_157 = arith.addf %mul3A_154, %add3A_156 : vector<16xf32>
        %convert_element_type3A_158 = arith.fptosi %add3A_147 : vector<16xf32> to vector<16xi32>
        %convert_element_type3A_159 = arith.fptosi %add3A_152 : vector<16xf32> to vector<16xi32>
        %convert_element_type3A_160 = arith.fptosi %add3A_157 : vector<16xf32> to vector<16xi32>
        %convert_element_type3A_161 = arith.sitofp %convert_element_type3A_158 : vector<16xi32> to vector<16xf32>
        %sub3A_162 = arith.subf %add3A_147, %convert_element_type3A_161 : vector<16xf32>
        %convert_element_type3A_163 = arith.sitofp %convert_element_type3A_159 : vector<16xi32> to vector<16xf32>
        %sub3A_164 = arith.subf %add3A_152, %convert_element_type3A_163 : vector<16xf32>
        %convert_element_type3A_165 = arith.sitofp %convert_element_type3A_160 : vector<16xi32> to vector<16xf32>
        %sub3A_166 = arith.subf %add3A_157, %convert_element_type3A_165 : vector<16xf32>
        %sub3A_167 = arith.constant 1.000000e+00 : f32
        %sub3A_168 = vector.broadcast %sub3A_167 : f32 to vector<16xf32>
        %sub3A_169 = arith.subf %sub3A_168, %sub3A_162 : vector<16xf32>
        %sub3A_170 = arith.constant 1.000000e+00 : f32
        %sub3A_171 = vector.broadcast %sub3A_170 : f32 to vector<16xf32>
        %sub3A_172 = arith.subf %sub3A_171, %sub3A_164 : vector<16xf32>
        %sub3A_173 = arith.constant 1.000000e+00 : f32
        %sub3A_174 = vector.broadcast %sub3A_173 : f32 to vector<16xf32>
        %sub3A_175 = arith.subf %sub3A_174, %sub3A_166 : vector<16xf32>
        %mul3A_176 = arith.mulf %sub3A_169, %sub3A_172 : vector<16xf32>
        %mul3A_177 = arith.mulf %sub3A_162, %sub3A_172 : vector<16xf32>
        %mul3A_178 = arith.mulf %sub3A_169, %sub3A_164 : vector<16xf32>
        %mul3A_179 = arith.mulf %sub3A_162, %sub3A_164 : vector<16xf32>
        %add3A_180 = arith.constant 1 : i32
        %add3A_181 = vector.broadcast %add3A_180 : i32 to vector<16xi32>
        %add3A_182 = arith.addi %convert_element_type3A_158, %add3A_181 : vector<16xi32>
        %mul3A_183 = arith.constant 64 : i32
        %mul3A_184 = vector.broadcast %mul3A_183 : i32 to vector<16xi32>
        %mul3A_185 = arith.muli %convert_element_type3A_159, %mul3A_184 : vector<16xi32>
        %add3A_186 = arith.constant 64 : i32
        %add3A_187 = vector.broadcast %add3A_186 : i32 to vector<16xi32>
        %add3A_188 = arith.addi %mul3A_185, %add3A_187 : vector<16xi32>
        %mul3A_189 = arith.constant 4096 : i32
        %mul3A_190 = vector.broadcast %mul3A_189 : i32 to vector<16xi32>
        %mul3A_191 = arith.muli %convert_element_type3A_160, %mul3A_190 : vector<16xi32>
        %add3A_192 = arith.constant 4096 : i32
        %add3A_193 = vector.broadcast %add3A_192 : i32 to vector<16xi32>
        %add3A_194 = arith.addi %mul3A_191, %add3A_193 : vector<16xi32>
        %add3A_195 = arith.addi %convert_element_type3A_158, %mul3A_185 : vector<16xi32>
        %add3A_196 = arith.addi %add3A_195, %mul3A_191 : vector<16xi32>
        %shift_left3A_197 = arith.constant 1 : i32
        %shift_left3A_198 = vector.broadcast %shift_left3A_197 : i32 to vector<16xi32>
        %shift_left3A_199 = arith.shli %add3A_196, %shift_left3A_198 : vector<16xi32>
        %add3A_200 = arith.constant 81728 : i32
        %add3A_201 = vector.broadcast %add3A_200 : i32 to vector<16xi32>
        %add3A_202 = arith.addi %shift_left3A_199, %add3A_201 : vector<16xi32>
        %mul3A_203 = arith.mulf %mul3A_176, %sub3A_175 : vector<16xf32>
        %add3A_204 = arith.constant 0 : i32
        %add3A_205 = arith.addi %add3A_204, %mul3A_130 : i32
        %swap3A = arith.index_cast %add3A_205 : i32 to index
        %swap3A_206 = tpu.vector_load %arg6[%swap3A] {strides = array<i32>} : memref<8192xi32, #tpu.memory_space<vmem>>, vector<16xi32>,
        %swap3A_207 = vector.shape_cast %swap3A_206 : vector<16xi32> to vector<16xi32>
        %swap3A_208 = vector.shape_cast %add3A_202 : vector<16xi32> to vector<16xi32>
        tpu.vector_store %arg6[%swap3A], %swap3A_208 {strides = array<i32>} : memref<8192xi32, #tpu.memory_space<vmem>>, vector<16xi32>,
        %add3A_209 = arith.constant 1 : i32
        %add3A_210 = vector.broadcast %add3A_209 : i32 to vector<16xi32>
        %add3A_211 = arith.addi %add3A_202, %add3A_210 : vector<16xi32>
        %add3A_212 = arith.constant 4096 : i32
        %add3A_213 = arith.addi %add3A_212, %add3A_205 : i32
        %swap3A_214 = arith.index_cast %add3A_213 : i32 to index
        %swap3A_215 = tpu.vector_load %arg6[%swap3A_214] {strides = array<i32>} : memref<8192xi32, #tpu.memory_space<vmem>>, vector<16xi32>,
        %swap3A_216 = vector.shape_cast %swap3A_215 : vector<16xi32> to vector<16xi32>
        %swap3A_217 = vector.shape_cast %add3A_211 : vector<16xi32> to vector<16xi32>
        tpu.vector_store %arg6[%swap3A_214], %swap3A_217 {strides = array<i32>} : memref<8192xi32, #tpu.memory_space<vmem>>, vector<16xi32>,
        %swap3A_218 = arith.index_cast %add3A_205 : i32 to index
        %swap3A_219 = tpu.vector_load %arg7[%swap3A_218] {strides = array<i32>} : memref<4096xf32, #tpu.memory_space<vmem>>, vector<16xf32>,
        %swap3A_220 = vector.shape_cast %swap3A_219 : vector<16xf32> to vector<16xf32>
        %swap3A_221 = vector.shape_cast %mul3A_203 : vector<16xf32> to vector<16xf32>
        tpu.vector_store %arg7[%swap3A_218], %swap3A_221 {strides = array<i32>} : memref<4096xf32, #tpu.memory_space<vmem>>, vector<16xf32>,
        %add3A_222 = arith.addi %add3A_182, %mul3A_185 : vector<16xi32>
        %add3A_223 = arith.addi %add3A_222, %mul3A_191 : vector<16xi32>
        %shift_left3A_224 = arith.constant 1 : i32
        %shift_left3A_225 = vector.broadcast %shift_left3A_224 : i32 to vector<16xi32>
        %shift_left3A_226 = arith.shli %add3A_223, %shift_left3A_225 : vector<16xi32>
        %add3A_227 = arith.constant 81728 : i32
        %add3A_228 = vector.broadcast %add3A_227 : i32 to vector<16xi32>
        %add3A_229 = arith.addi %shift_left3A_226, %add3A_228 : vector<16xi32>
        %mul3A_230 = arith.mulf %mul3A_177, %sub3A_175 : vector<16xf32>
        %add3A_231 = arith.constant 512 : i32
        %add3A_232 = arith.addi %add3A_231, %mul3A_130 : i32
        %swap3A_233 = arith.index_cast %add3A_232 : i32 to index
        %swap3A_234 = tpu.vector_load %arg6[%swap3A_233] {strides = array<i32>} : memref<8192xi32, #tpu.memory_space<vmem>>, vector<16xi32>,
        %swap3A_235 = vector.shape_cast %swap3A_234 : vector<16xi32> to vector<16xi32>
        %swap3A_236 = vector.shape_cast %add3A_229 : vector<16xi32> to vector<16xi32>
        tpu.vector_store %arg6[%swap3A_233], %swap3A_236 {strides = array<i32>} : memref<8192xi32, #tpu.memory_space<vmem>>, vector<16xi32>,
        %add3A_237 = arith.constant 1 : i32
        %add3A_238 = vector.broadcast %add3A_237 : i32 to vector<16xi32>
        %add3A_239 = arith.addi %add3A_229, %add3A_238 : vector<16xi32>
        %add3A_240 = arith.constant 4096 : i32
        %add3A_241 = arith.addi %add3A_240, %add3A_232 : i32
        %swap3A_242 = arith.index_cast %add3A_241 : i32 to index
        %swap3A_243 = tpu.vector_load %arg6[%swap3A_242] {strides = array<i32>} : memref<8192xi32, #tpu.memory_space<vmem>>, vector<16xi32>,
        %swap3A_244 = vector.shape_cast %swap3A_243 : vector<16xi32> to vector<16xi32>
        %swap3A_245 = vector.shape_cast %add3A_239 : vector<16xi32> to vector<16xi32>
        tpu.vector_store %arg6[%swap3A_242], %swap3A_245 {strides = array<i32>} : memref<8192xi32, #tpu.memory_space<vmem>>, vector<16xi32>,
        %swap3A_246 = arith.index_cast %add3A_232 : i32 to index
        %swap3A_247 = tpu.vector_load %arg7[%swap3A_246] {strides = array<i32>} : memref<4096xf32, #tpu.memory_space<vmem>>, vector<16xf32>,
        %swap3A_248 = vector.shape_cast %swap3A_247 : vector<16xf32> to vector<16xf32>
        %swap3A_249 = vector.shape_cast %mul3A_230 : vector<16xf32> to vector<16xf32>
        tpu.vector_store %arg7[%swap3A_246], %swap3A_249 {strides = array<i32>} : memref<4096xf32, #tpu.memory_space<vmem>>, vector<16xf32>,
        %add3A_250 = arith.addi %convert_element_type3A_158, %add3A_188 : vector<16xi32>
        %add3A_251 = arith.addi %add3A_250, %mul3A_191 : vector<16xi32>
        %shift_left3A_252 = arith.constant 1 : i32
        %shift_left3A_253 = vector.broadcast %shift_left3A_252 : i32 to vector<16xi32>
        %shift_left3A_254 = arith.shli %add3A_251, %shift_left3A_253 : vector<16xi32>
        %add3A_255 = arith.constant 81728 : i32
        %add3A_256 = vector.broadcast %add3A_255 : i32 to vector<16xi32>
        %add3A_257 = arith.addi %shift_left3A_254, %add3A_256 : vector<16xi32>
        %mul3A_258 = arith.mulf %mul3A_178, %sub3A_175 : vector<16xf32>
        %add3A_259 = arith.constant 1024 : i32
        %add3A_260 = arith.addi %add3A_259, %mul3A_130 : i32
        %swap3A_261 = arith.index_cast %add3A_260 : i32 to index
        %swap3A_262 = tpu.vector_load %arg6[%swap3A_261] {strides = array<i32>} : memref<8192xi32, #tpu.memory_space<vmem>>, vector<16xi32>,
        %swap3A_263 = vector.shape_cast %swap3A_262 : vector<16xi32> to vector<16xi32>
        %swap3A_264 = vector.shape_cast %add3A_257 : vector<16xi32> to vector<16xi32>
        tpu.vector_store %arg6[%swap3A_261], %swap3A_264 {strides = array<i32>} : memref<8192xi32, #tpu.memory_space<vmem>>, vector<16xi32>,
        %add3A_265 = arith.constant 1 : i32
        %add3A_266 = vector.broadcast %add3A_265 : i32 to vector<16xi32>
        %add3A_267 = arith.addi %add3A_257, %add3A_266 : vector<16xi32>
        %add3A_268 = arith.constant 4096 : i32
        %add3A_269 = arith.addi %add3A_268, %add3A_260 : i32
        %swap3A_270 = arith.index_cast %add3A_269 : i32 to index
        %swap3A_271 = tpu.vector_load %arg6[%swap3A_270] {strides = array<i32>} : memref<8192xi32, #tpu.memory_space<vmem>>, vector<16xi32>,
        %swap3A_272 = vector.shape_cast %swap3A_271 : vector<16xi32> to vector<16xi32>
        %swap3A_273 = vector.shape_cast %add3A_267 : vector<16xi32> to vector<16xi32>
        tpu.vector_store %arg6[%swap3A_270], %swap3A_273 {strides = array<i32>} : memref<8192xi32, #tpu.memory_space<vmem>>, vector<16xi32>,
        %swap3A_274 = arith.index_cast %add3A_260 : i32 to index
        %swap3A_275 = tpu.vector_load %arg7[%swap3A_274] {strides = array<i32>} : memref<4096xf32, #tpu.memory_space<vmem>>, vector<16xf32>,
        %swap3A_276 = vector.shape_cast %swap3A_275 : vector<16xf32> to vector<16xf32>
        %swap3A_277 = vector.shape_cast %mul3A_258 : vector<16xf32> to vector<16xf32>
        tpu.vector_store %arg7[%swap3A_274], %swap3A_277 {strides = array<i32>} : memref<4096xf32, #tpu.memory_space<vmem>>, vector<16xf32>,
        %add3A_278 = arith.addi %add3A_182, %add3A_188 : vector<16xi32>
        %add3A_279 = arith.addi %add3A_278, %mul3A_191 : vector<16xi32>
        %shift_left3A_280 = arith.constant 1 : i32
        %shift_left3A_281 = vector.broadcast %shift_left3A_280 : i32 to vector<16xi32>
        %shift_left3A_282 = arith.shli %add3A_279, %shift_left3A_281 : vector<16xi32>
        %add3A_283 = arith.constant 81728 : i32
        %add3A_284 = vector.broadcast %add3A_283 : i32 to vector<16xi32>
        %add3A_285 = arith.addi %shift_left3A_282, %add3A_284 : vector<16xi32>
        %mul3A_286 = arith.mulf %mul3A_179, %sub3A_175 : vector<16xf32>
        %add3A_287 = arith.constant 1536 : i32
        %add3A_288 = arith.addi %add3A_287, %mul3A_130 : i32
        %swap3A_289 = arith.index_cast %add3A_288 : i32 to index
        %swap3A_290 = tpu.vector_load %arg6[%swap3A_289] {strides = array<i32>} : memref<8192xi32, #tpu.memory_space<vmem>>, vector<16xi32>,
        %swap3A_291 = vector.shape_cast %swap3A_290 : vector<16xi32> to vector<16xi32>
        %swap3A_292 = vector.shape_cast %add3A_285 : vector<16xi32> to vector<16xi32>
        tpu.vector_store %arg6[%swap3A_289], %swap3A_292 {strides = array<i32>} : memref<8192xi32, #tpu.memory_space<vmem>>, vector<16xi32>,
        %add3A_293 = arith.constant 1 : i32
        %add3A_294 = vector.broadcast %add3A_293 : i32 to vector<16xi32>
        %add3A_295 = arith.addi %add3A_285, %add3A_294 : vector<16xi32>
        %add3A_296 = arith.constant 4096 : i32
        %add3A_297 = arith.addi %add3A_296, %add3A_288 : i32
        %swap3A_298 = arith.index_cast %add3A_297 : i32 to index
        %swap3A_299 = tpu.vector_load %arg6[%swap3A_298] {strides = array<i32>} : memref<8192xi32, #tpu.memory_space<vmem>>, vector<16xi32>,
        %swap3A_300 = vector.shape_cast %swap3A_299 : vector<16xi32> to vector<16xi32>
        %swap3A_301 = vector.shape_cast %add3A_295 : vector<16xi32> to vector<16xi32>
        tpu.vector_store %arg6[%swap3A_298], %swap3A_301 {strides = array<i32>} : memref<8192xi32, #tpu.memory_space<vmem>>, vector<16xi32>,
        %swap3A_302 = arith.index_cast %add3A_288 : i32 to index
        %swap3A_303 = tpu.vector_load %arg7[%swap3A_302] {strides = array<i32>} : memref<4096xf32, #tpu.memory_space<vmem>>, vector<16xf32>,
        %swap3A_304 = vector.shape_cast %swap3A_303 : vector<16xf32> to vector<16xf32>
        %swap3A_305 = vector.shape_cast %mul3A_286 : vector<16xf32> to vector<16xf32>
        tpu.vector_store %arg7[%swap3A_302], %swap3A_305 {strides = array<i32>} : memref<4096xf32, #tpu.memory_space<vmem>>, vector<16xf32>,
        %add3A_306 = arith.addi %convert_element_type3A_158, %mul3A_185 : vector<16xi32>
        %add3A_307 = arith.addi %add3A_306, %add3A_194 : vector<16xi32>
        %shift_left3A_308 = arith.constant 1 : i32
        %shift_left3A_309 = vector.broadcast %shift_left3A_308 : i32 to vector<16xi32>
        %shift_left3A_310 = arith.shli %add3A_307, %shift_left3A_309 : vector<16xi32>
        %add3A_311 = arith.constant 81728 : i32
        %add3A_312 = vector.broadcast %add3A_311 : i32 to vector<16xi32>
        %add3A_313 = arith.addi %shift_left3A_310, %add3A_312 : vector<16xi32>
        %mul3A_314 = arith.mulf %mul3A_176, %sub3A_166 : vector<16xf32>
        %add3A_315 = arith.constant 2048 : i32
        %add3A_316 = arith.addi %add3A_315, %mul3A_130 : i32
        %swap3A_317 = arith.index_cast %add3A_316 : i32 to index
        %swap3A_318 = tpu.vector_load %arg6[%swap3A_317] {strides = array<i32>} : memref<8192xi32, #tpu.memory_space<vmem>>, vector<16xi32>,
        %swap3A_319 = vector.shape_cast %swap3A_318 : vector<16xi32> to vector<16xi32>
        %swap3A_320 = vector.shape_cast %add3A_313 : vector<16xi32> to vector<16xi32>
        tpu.vector_store %arg6[%swap3A_317], %swap3A_320 {strides = array<i32>} : memref<8192xi32, #tpu.memory_space<vmem>>, vector<16xi32>,
        %add3A_321 = arith.constant 1 : i32
        %add3A_322 = vector.broadcast %add3A_321 : i32 to vector<16xi32>
        %add3A_323 = arith.addi %add3A_313, %add3A_322 : vector<16xi32>
        %add3A_324 = arith.constant 4096 : i32
        %add3A_325 = arith.addi %add3A_324, %add3A_316 : i32
        %swap3A_326 = arith.index_cast %add3A_325 : i32 to index
        %swap3A_327 = tpu.vector_load %arg6[%swap3A_326] {strides = array<i32>} : memref<8192xi32, #tpu.memory_space<vmem>>, vector<16xi32>,
        %swap3A_328 = vector.shape_cast %swap3A_327 : vector<16xi32> to vector<16xi32>
        %swap3A_329 = vector.shape_cast %add3A_323 : vector<16xi32> to vector<16xi32>
        tpu.vector_store %arg6[%swap3A_326], %swap3A_329 {strides = array<i32>} : memref<8192xi32, #tpu.memory_space<vmem>>, vector<16xi32>,
        %swap3A_330 = arith.index_cast %add3A_316 : i32 to index
        %swap3A_331 = tpu.vector_load %arg7[%swap3A_330] {strides = array<i32>} : memref<4096xf32, #tpu.memory_space<vmem>>, vector<16xf32>,
        %swap3A_332 = vector.shape_cast %swap3A_331 : vector<16xf32> to vector<16xf32>
        %swap3A_333 = vector.shape_cast %mul3A_314 : vector<16xf32> to vector<16xf32>
        tpu.vector_store %arg7[%swap3A_330], %swap3A_333 {strides = array<i32>} : memref<4096xf32, #tpu.memory_space<vmem>>, vector<16xf32>,
        %add3A_334 = arith.addi %add3A_182, %mul3A_185 : vector<16xi32>
        %add3A_335 = arith.addi %add3A_334, %add3A_194 : vector<16xi32>
        %shift_left3A_336 = arith.constant 1 : i32
        %shift_left3A_337 = vector.broadcast %shift_left3A_336 : i32 to vector<16xi32>
        %shift_left3A_338 = arith.shli %add3A_335, %shift_left3A_337 : vector<16xi32>
        %add3A_339 = arith.constant 81728 : i32
        %add3A_340 = vector.broadcast %add3A_339 : i32 to vector<16xi32>
        %add3A_341 = arith.addi %shift_left3A_338, %add3A_340 : vector<16xi32>
        %mul3A_342 = arith.mulf %mul3A_177, %sub3A_166 : vector<16xf32>
        %add3A_343 = arith.constant 2560 : i32
        %add3A_344 = arith.addi %add3A_343, %mul3A_130 : i32
        %swap3A_345 = arith.index_cast %add3A_344 : i32 to index
        %swap3A_346 = tpu.vector_load %arg6[%swap3A_345] {strides = array<i32>} : memref<8192xi32, #tpu.memory_space<vmem>>, vector<16xi32>,
        %swap3A_347 = vector.shape_cast %swap3A_346 : vector<16xi32> to vector<16xi32>
        %swap3A_348 = vector.shape_cast %add3A_341 : vector<16xi32> to vector<16xi32>
        tpu.vector_store %arg6[%swap3A_345], %swap3A_348 {strides = array<i32>} : memref<8192xi32, #tpu.memory_space<vmem>>, vector<16xi32>,
        %add3A_349 = arith.constant 1 : i32
        %add3A_350 = vector.broadcast %add3A_349 : i32 to vector<16xi32>
        %add3A_351 = arith.addi %add3A_341, %add3A_350 : vector<16xi32>
        %add3A_352 = arith.constant 4096 : i32
        %add3A_353 = arith.addi %add3A_352, %add3A_344 : i32
        %swap3A_354 = arith.index_cast %add3A_353 : i32 to index
        %swap3A_355 = tpu.vector_load %arg6[%swap3A_354] {strides = array<i32>} : memref<8192xi32, #tpu.memory_space<vmem>>, vector<16xi32>,
        %swap3A_356 = vector.shape_cast %swap3A_355 : vector<16xi32> to vector<16xi32>
        %swap3A_357 = vector.shape_cast %add3A_351 : vector<16xi32> to vector<16xi32>
        tpu.vector_store %arg6[%swap3A_354], %swap3A_357 {strides = array<i32>} : memref<8192xi32, #tpu.memory_space<vmem>>, vector<16xi32>,
        %swap3A_358 = arith.index_cast %add3A_344 : i32 to index
        %swap3A_359 = tpu.vector_load %arg7[%swap3A_358] {strides = array<i32>} : memref<4096xf32, #tpu.memory_space<vmem>>, vector<16xf32>,
        %swap3A_360 = vector.shape_cast %swap3A_359 : vector<16xf32> to vector<16xf32>
        %swap3A_361 = vector.shape_cast %mul3A_342 : vector<16xf32> to vector<16xf32>
        tpu.vector_store %arg7[%swap3A_358], %swap3A_361 {strides = array<i32>} : memref<4096xf32, #tpu.memory_space<vmem>>, vector<16xf32>,
        %add3A_362 = arith.addi %convert_element_type3A_158, %add3A_188 : vector<16xi32>
        %add3A_363 = arith.addi %add3A_362, %add3A_194 : vector<16xi32>
        %shift_left3A_364 = arith.constant 1 : i32
        %shift_left3A_365 = vector.broadcast %shift_left3A_364 : i32 to vector<16xi32>
        %shift_left3A_366 = arith.shli %add3A_363, %shift_left3A_365 : vector<16xi32>
        %add3A_367 = arith.constant 81728 : i32
        %add3A_368 = vector.broadcast %add3A_367 : i32 to vector<16xi32>
        %add3A_369 = arith.addi %shift_left3A_366, %add3A_368 : vector<16xi32>
        %mul3A_370 = arith.mulf %mul3A_178, %sub3A_166 : vector<16xf32>
        %add3A_371 = arith.constant 3072 : i32
        %add3A_372 = arith.addi %add3A_371, %mul3A_130 : i32
        %swap3A_373 = arith.index_cast %add3A_372 : i32 to index
        %swap3A_374 = tpu.vector_load %arg6[%swap3A_373] {strides = array<i32>} : memref<8192xi32, #tpu.memory_space<vmem>>, vector<16xi32>,
        %swap3A_375 = vector.shape_cast %swap3A_374 : vector<16xi32> to vector<16xi32>
        %swap3A_376 = vector.shape_cast %add3A_369 : vector<16xi32> to vector<16xi32>
        tpu.vector_store %arg6[%swap3A_373], %swap3A_376 {strides = array<i32>} : memref<8192xi32, #tpu.memory_space<vmem>>, vector<16xi32>,
        %add3A_377 = arith.constant 1 : i32
        %add3A_378 = vector.broadcast %add3A_377 : i32 to vector<16xi32>
        %add3A_379 = arith.addi %add3A_369, %add3A_378 : vector<16xi32>
        %add3A_380 = arith.constant 4096 : i32
        %add3A_381 = arith.addi %add3A_380, %add3A_372 : i32
        %swap3A_382 = arith.index_cast %add3A_381 : i32 to index
        %swap3A_383 = tpu.vector_load %arg6[%swap3A_382] {strides = array<i32>} : memref<8192xi32, #tpu.memory_space<vmem>>, vector<16xi32>,
        %swap3A_384 = vector.shape_cast %swap3A_383 : vector<16xi32> to vector<16xi32>
        %swap3A_385 = vector.shape_cast %add3A_379 : vector<16xi32> to vector<16xi32>
        tpu.vector_store %arg6[%swap3A_382], %swap3A_385 {strides = array<i32>} : memref<8192xi32, #tpu.memory_space<vmem>>, vector<16xi32>,
        %swap3A_386 = arith.index_cast %add3A_372 : i32 to index
        %swap3A_387 = tpu.vector_load %arg7[%swap3A_386] {strides = array<i32>} : memref<4096xf32, #tpu.memory_space<vmem>>, vector<16xf32>,
        %swap3A_388 = vector.shape_cast %swap3A_387 : vector<16xf32> to vector<16xf32>
        %swap3A_389 = vector.shape_cast %mul3A_370 : vector<16xf32> to vector<16xf32>
        tpu.vector_store %arg7[%swap3A_386], %swap3A_389 {strides = array<i32>} : memref<4096xf32, #tpu.memory_space<vmem>>, vector<16xf32>,
        %add3A_390 = arith.addi %add3A_182, %add3A_188 : vector<16xi32>
        %add3A_391 = arith.addi %add3A_390, %add3A_194 : vector<16xi32>
        %shift_left3A_392 = arith.constant 1 : i32
        %shift_left3A_393 = vector.broadcast %shift_left3A_392 : i32 to vector<16xi32>
        %shift_left3A_394 = arith.shli %add3A_391, %shift_left3A_393 : vector<16xi32>
        %add3A_395 = arith.constant 81728 : i32
        %add3A_396 = vector.broadcast %add3A_395 : i32 to vector<16xi32>
        %add3A_397 = arith.addi %shift_left3A_394, %add3A_396 : vector<16xi32>
        %mul3A_398 = arith.mulf %mul3A_179, %sub3A_166 : vector<16xf32>
        %add3A_399 = arith.constant 3584 : i32
        %add3A_400 = arith.addi %add3A_399, %mul3A_130 : i32
        %swap3A_401 = arith.index_cast %add3A_400 : i32 to index
        %swap3A_402 = tpu.vector_load %arg6[%swap3A_401] {strides = array<i32>} : memref<8192xi32, #tpu.memory_space<vmem>>, vector<16xi32>,
        %swap3A_403 = vector.shape_cast %swap3A_402 : vector<16xi32> to vector<16xi32>
        %swap3A_404 = vector.shape_cast %add3A_397 : vector<16xi32> to vector<16xi32>
        tpu.vector_store %arg6[%swap3A_401], %swap3A_404 {strides = array<i32>} : memref<8192xi32, #tpu.memory_space<vmem>>, vector<16xi32>,
        %add3A_405 = arith.constant 1 : i32
        %add3A_406 = vector.broadcast %add3A_405 : i32 to vector<16xi32>
        %add3A_407 = arith.addi %add3A_397, %add3A_406 : vector<16xi32>
        %add3A_408 = arith.constant 4096 : i32
        %add3A_409 = arith.addi %add3A_408, %add3A_400 : i32
        %swap3A_410 = arith.index_cast %add3A_409 : i32 to index
        %swap3A_411 = tpu.vector_load %arg6[%swap3A_410] {strides = array<i32>} : memref<8192xi32, #tpu.memory_space<vmem>>, vector<16xi32>,
        %swap3A_412 = vector.shape_cast %swap3A_411 : vector<16xi32> to vector<16xi32>
        %swap3A_413 = vector.shape_cast %add3A_407 : vector<16xi32> to vector<16xi32>
        tpu.vector_store %arg6[%swap3A_410], %swap3A_413 {strides = array<i32>} : memref<8192xi32, #tpu.memory_space<vmem>>, vector<16xi32>,
        %swap3A_414 = arith.index_cast %add3A_400 : i32 to index
        %swap3A_415 = tpu.vector_load %arg7[%swap3A_414] {strides = array<i32>} : memref<4096xf32, #tpu.memory_space<vmem>>, vector<16xf32>,
        %swap3A_416 = vector.shape_cast %swap3A_415 : vector<16xf32> to vector<16xf32>
        %swap3A_417 = vector.shape_cast %mul3A_398 : vector<16xf32> to vector<16xf32>
        tpu.vector_store %arg7[%swap3A_414], %swap3A_417 {strides = array<i32>} : memref<4096xf32, #tpu.memory_space<vmem>>, vector<16xf32>,
        %scan3A_418 = arith.constant 0 : i32
        scf.yield %scan3A_418 : i32
      }
      %scan3A_58 = arith.constant 32 : i32
      %dma_start3A_59 = arith.constant 0 : i32
      %dma_start3A_60 = tpu.memref_slice %arg3[%dma_start3A_59] : memref<14262480xf32, #tpu.memory_space<hbm>> -> memref<14262480xf32, #tpu.memory_space<hbm>>
      tpu.enqueue_indirect_dma source(%dma_start3A_60 : memref<14262480xf32, #tpu.memory_space<hbm>>) target(%arg8 : memref<8192xf32, #tpu.memory_space<vmem>>) offsets(%arg6 : memref<8192xi32, #tpu.memory_space<vmem>>) semaphore(%arg13 : memref<!tpu.dma_semaphore, #tpu.memory_space<semaphore_mem>>)
      %dma_wait3A_61 = arith.constant 0 : i32
      %dma_wait3A_62 = tpu.memref_slice %arg3[%dma_wait3A_61] : memref<14262480xf32, #tpu.memory_space<hbm>> -> memref<14262480xf32, #tpu.memory_space<hbm>>
      tpu.wait_indirect_dma semaphore(%arg14 : memref<!tpu.dma_semaphore, #tpu.memory_space<semaphore_mem>>) src(%dma_wait3A_62 : memref<14262480xf32, #tpu.memory_space<hbm>>) dst(%arg11 : memref<8192xf32, #tpu.memory_space<vmem>>)
      %scan3A_63 = arith.constant 0 : i32
      %scan3A_64 = arith.constant 0 : i32
      %scan3A_65 = arith.constant 32 : i32
      %scan3A_66 = arith.addi %scan3A_64, %scan3A_65 : i32
      %scan3A_67 = arith.constant 1 : i32
      %scan3A_68 = scf.for %scan3A_127 = %scan3A_64 to %scan3A_66 step %scan3A_67 iter_args(%scan3A_128 = %scan3A_63) -> (i32)  : i32 {
        %mul3A_129 = arith.constant 16 : i32
        %mul3A_130 = arith.muli %scan3A_127, %mul3A_129 : i32
        %broadcast_in_dim3A = arith.constant 0.000000e+00 : f32
        %broadcast_in_dim3A_131 = vector.broadcast %broadcast_in_dim3A : f32 to vector<16xf32>
        %broadcast_in_dim3A_132 = arith.constant 0.000000e+00 : f32
        %broadcast_in_dim3A_133 = vector.broadcast %broadcast_in_dim3A_132 : f32 to vector<16xf32>
        %add3A_134 = arith.constant 0 : i32
        %add3A_135 = arith.addi %add3A_134, %mul3A_130 : i32
        %get3A = arith.index_cast %add3A_135 : i32 to index
        %get3A_136 = tpu.vector_load %arg10[%get3A] {strides = array<i32>} : memref<4096xf32, #tpu.memory_space<vmem>>, vector<16xf32>,
        %get3A_137 = vector.shape_cast %get3A_136 : vector<16xf32> to vector<16xf32>
        %get3A_138 = arith.index_cast %add3A_135 : i32 to index
        %get3A_139 = tpu.vector_load %arg11[%get3A_138] {strides = array<i32>} : memref<8192xf32, #tpu.memory_space<vmem>>, vector<16xf32>,
        %get3A_140 = vector.shape_cast %get3A_139 : vector<16xf32> to vector<16xf32>
        %mul3A_141 = arith.mulf %get3A_137, %get3A_140 : vector<16xf32>
        %add3A_142 = arith.addf %broadcast_in_dim3A_131, %mul3A_141 : vector<16xf32>
        %add3A_143 = arith.constant 4096 : i32
        %add3A_144 = arith.addi %add3A_143, %add3A_135 : i32
        %get3A_145 = arith.index_cast %add3A_144 : i32 to index
        %get3A_146 = tpu.vector_load %arg11[%get3A_145] {strides = array<i32>} : memref<8192xf32, #tpu.memory_space<vmem>>, vector<16xf32>,
        %get3A_147 = vector.shape_cast %get3A_146 : vector<16xf32> to vector<16xf32>
        %mul3A_148 = arith.mulf %get3A_137, %get3A_147 : vector<16xf32>
        %add3A_149 = arith.addf %broadcast_in_dim3A_133, %mul3A_148 : vector<16xf32>
        %add3A_150 = arith.constant 512 : i32
        %add3A_151 = arith.addi %add3A_150, %mul3A_130 : i32
        %get3A_152 = arith.index_cast %add3A_151 : i32 to index
        %get3A_153 = tpu.vector_load %arg10[%get3A_152] {strides = array<i32>} : memref<4096xf32, #tpu.memory_space<vmem>>, vector<16xf32>,
        %get3A_154 = vector.shape_cast %get3A_153 : vector<16xf32> to vector<16xf32>
        %get3A_155 = arith.index_cast %add3A_151 : i32 to index
        %get3A_156 = tpu.vector_load %arg11[%get3A_155] {strides = array<i32>} : memref<8192xf32, #tpu.memory_space<vmem>>, vector<16xf32>,
        %get3A_157 = vector.shape_cast %get3A_156 : vector<16xf32> to vector<16xf32>
        %mul3A_158 = arith.mulf %get3A_154, %get3A_157 : vector<16xf32>
        %add3A_159 = arith.addf %add3A_142, %mul3A_158 : vector<16xf32>
        %add3A_160 = arith.constant 4096 : i32
        %add3A_161 = arith.addi %add3A_160, %add3A_151 : i32
        %get3A_162 = arith.index_cast %add3A_161 : i32 to index
        %get3A_163 = tpu.vector_load %arg11[%get3A_162] {strides = array<i32>} : memref<8192xf32, #tpu.memory_space<vmem>>, vector<16xf32>,
        %get3A_164 = vector.shape_cast %get3A_163 : vector<16xf32> to vector<16xf32>
        %mul3A_165 = arith.mulf %get3A_154, %get3A_164 : vector<16xf32>
        %add3A_166 = arith.addf %add3A_149, %mul3A_165 : vector<16xf32>
        %add3A_167 = arith.constant 1024 : i32
        %add3A_168 = arith.addi %add3A_167, %mul3A_130 : i32
        %get3A_169 = arith.index_cast %add3A_168 : i32 to index
        %get3A_170 = tpu.vector_load %arg10[%get3A_169] {strides = array<i32>} : memref<4096xf32, #tpu.memory_space<vmem>>, vector<16xf32>,
        %get3A_171 = vector.shape_cast %get3A_170 : vector<16xf32> to vector<16xf32>
        %get3A_172 = arith.index_cast %add3A_168 : i32 to index
        %get3A_173 = tpu.vector_load %arg11[%get3A_172] {strides = array<i32>} : memref<8192xf32, #tpu.memory_space<vmem>>, vector<16xf32>,
        %get3A_174 = vector.shape_cast %get3A_173 : vector<16xf32> to vector<16xf32>
        %mul3A_175 = arith.mulf %get3A_171, %get3A_174 : vector<16xf32>
        %add3A_176 = arith.addf %add3A_159, %mul3A_175 : vector<16xf32>
        %add3A_177 = arith.constant 4096 : i32
        %add3A_178 = arith.addi %add3A_177, %add3A_168 : i32
        %get3A_179 = arith.index_cast %add3A_178 : i32 to index
        %get3A_180 = tpu.vector_load %arg11[%get3A_179] {strides = array<i32>} : memref<8192xf32, #tpu.memory_space<vmem>>, vector<16xf32>,
        %get3A_181 = vector.shape_cast %get3A_180 : vector<16xf32> to vector<16xf32>
        %mul3A_182 = arith.mulf %get3A_171, %get3A_181 : vector<16xf32>
        %add3A_183 = arith.addf %add3A_166, %mul3A_182 : vector<16xf32>
        %add3A_184 = arith.constant 1536 : i32
        %add3A_185 = arith.addi %add3A_184, %mul3A_130 : i32
        %get3A_186 = arith.index_cast %add3A_185 : i32 to index
        %get3A_187 = tpu.vector_load %arg10[%get3A_186] {strides = array<i32>} : memref<4096xf32, #tpu.memory_space<vmem>>, vector<16xf32>,
        %get3A_188 = vector.shape_cast %get3A_187 : vector<16xf32> to vector<16xf32>
        %get3A_189 = arith.index_cast %add3A_185 : i32 to index
        %get3A_190 = tpu.vector_load %arg11[%get3A_189] {strides = array<i32>} : memref<8192xf32, #tpu.memory_space<vmem>>, vector<16xf32>,
        %get3A_191 = vector.shape_cast %get3A_190 : vector<16xf32> to vector<16xf32>
        %mul3A_192 = arith.mulf %get3A_188, %get3A_191 : vector<16xf32>
        %add3A_193 = arith.addf %add3A_176, %mul3A_192 : vector<16xf32>
        %add3A_194 = arith.constant 4096 : i32
        %add3A_195 = arith.addi %add3A_194, %add3A_185 : i32
        %get3A_196 = arith.index_cast %add3A_195 : i32 to index
        %get3A_197 = tpu.vector_load %arg11[%get3A_196] {strides = array<i32>} : memref<8192xf32, #tpu.memory_space<vmem>>, vector<16xf32>,
        %get3A_198 = vector.shape_cast %get3A_197 : vector<16xf32> to vector<16xf32>
        %mul3A_199 = arith.mulf %get3A_188, %get3A_198 : vector<16xf32>
        %add3A_200 = arith.addf %add3A_183, %mul3A_199 : vector<16xf32>
        %add3A_201 = arith.constant 2048 : i32
        %add3A_202 = arith.addi %add3A_201, %mul3A_130 : i32
        %get3A_203 = arith.index_cast %add3A_202 : i32 to index
        %get3A_204 = tpu.vector_load %arg10[%get3A_203] {strides = array<i32>} : memref<4096xf32, #tpu.memory_space<vmem>>, vector<16xf32>,
        %get3A_205 = vector.shape_cast %get3A_204 : vector<16xf32> to vector<16xf32>
        %get3A_206 = arith.index_cast %add3A_202 : i32 to index
        %get3A_207 = tpu.vector_load %arg11[%get3A_206] {strides = array<i32>} : memref<8192xf32, #tpu.memory_space<vmem>>, vector<16xf32>,
        %get3A_208 = vector.shape_cast %get3A_207 : vector<16xf32> to vector<16xf32>
        %mul3A_209 = arith.mulf %get3A_205, %get3A_208 : vector<16xf32>
        %add3A_210 = arith.addf %add3A_193, %mul3A_209 : vector<16xf32>
        %add3A_211 = arith.constant 4096 : i32
        %add3A_212 = arith.addi %add3A_211, %add3A_202 : i32
        %get3A_213 = arith.index_cast %add3A_212 : i32 to index
        %get3A_214 = tpu.vector_load %arg11[%get3A_213] {strides = array<i32>} : memref<8192xf32, #tpu.memory_space<vmem>>, vector<16xf32>,
        %get3A_215 = vector.shape_cast %get3A_214 : vector<16xf32> to vector<16xf32>
        %mul3A_216 = arith.mulf %get3A_205, %get3A_215 : vector<16xf32>
        %add3A_217 = arith.addf %add3A_200, %mul3A_216 : vector<16xf32>
        %add3A_218 = arith.constant 2560 : i32
        %add3A_219 = arith.addi %add3A_218, %mul3A_130 : i32
        %get3A_220 = arith.index_cast %add3A_219 : i32 to index
        %get3A_221 = tpu.vector_load %arg10[%get3A_220] {strides = array<i32>} : memref<4096xf32, #tpu.memory_space<vmem>>, vector<16xf32>,
        %get3A_222 = vector.shape_cast %get3A_221 : vector<16xf32> to vector<16xf32>
        %get3A_223 = arith.index_cast %add3A_219 : i32 to index
        %get3A_224 = tpu.vector_load %arg11[%get3A_223] {strides = array<i32>} : memref<8192xf32, #tpu.memory_space<vmem>>, vector<16xf32>,
        %get3A_225 = vector.shape_cast %get3A_224 : vector<16xf32> to vector<16xf32>
        %mul3A_226 = arith.mulf %get3A_222, %get3A_225 : vector<16xf32>
        %add3A_227 = arith.addf %add3A_210, %mul3A_226 : vector<16xf32>
        %add3A_228 = arith.constant 4096 : i32
        %add3A_229 = arith.addi %add3A_228, %add3A_219 : i32
        %get3A_230 = arith.index_cast %add3A_229 : i32 to index
        %get3A_231 = tpu.vector_load %arg11[%get3A_230] {strides = array<i32>} : memref<8192xf32, #tpu.memory_space<vmem>>, vector<16xf32>,
        %get3A_232 = vector.shape_cast %get3A_231 : vector<16xf32> to vector<16xf32>
        %mul3A_233 = arith.mulf %get3A_222, %get3A_232 : vector<16xf32>
        %add3A_234 = arith.addf %add3A_217, %mul3A_233 : vector<16xf32>
        %add3A_235 = arith.constant 3072 : i32
        %add3A_236 = arith.addi %add3A_235, %mul3A_130 : i32
        %get3A_237 = arith.index_cast %add3A_236 : i32 to index
        %get3A_238 = tpu.vector_load %arg10[%get3A_237] {strides = array<i32>} : memref<4096xf32, #tpu.memory_space<vmem>>, vector<16xf32>,
        %get3A_239 = vector.shape_cast %get3A_238 : vector<16xf32> to vector<16xf32>
        %get3A_240 = arith.index_cast %add3A_236 : i32 to index
        %get3A_241 = tpu.vector_load %arg11[%get3A_240] {strides = array<i32>} : memref<8192xf32, #tpu.memory_space<vmem>>, vector<16xf32>,
        %get3A_242 = vector.shape_cast %get3A_241 : vector<16xf32> to vector<16xf32>
        %mul3A_243 = arith.mulf %get3A_239, %get3A_242 : vector<16xf32>
        %add3A_244 = arith.addf %add3A_227, %mul3A_243 : vector<16xf32>
        %add3A_245 = arith.constant 4096 : i32
        %add3A_246 = arith.addi %add3A_245, %add3A_236 : i32
        %get3A_247 = arith.index_cast %add3A_246 : i32 to index
        %get3A_248 = tpu.vector_load %arg11[%get3A_247] {strides = array<i32>} : memref<8192xf32, #tpu.memory_space<vmem>>, vector<16xf32>,
        %get3A_249 = vector.shape_cast %get3A_248 : vector<16xf32> to vector<16xf32>
        %mul3A_250 = arith.mulf %get3A_239, %get3A_249 : vector<16xf32>
        %add3A_251 = arith.addf %add3A_234, %mul3A_250 : vector<16xf32>
        %add3A_252 = arith.constant 3584 : i32
        %add3A_253 = arith.addi %add3A_252, %mul3A_130 : i32
        %get3A_254 = arith.index_cast %add3A_253 : i32 to index
        %get3A_255 = tpu.vector_load %arg10[%get3A_254] {strides = array<i32>} : memref<4096xf32, #tpu.memory_space<vmem>>, vector<16xf32>,
        %get3A_256 = vector.shape_cast %get3A_255 : vector<16xf32> to vector<16xf32>
        %get3A_257 = arith.index_cast %add3A_253 : i32 to index
        %get3A_258 = tpu.vector_load %arg11[%get3A_257] {strides = array<i32>} : memref<8192xf32, #tpu.memory_space<vmem>>, vector<16xf32>,
        %get3A_259 = vector.shape_cast %get3A_258 : vector<16xf32> to vector<16xf32>
        %mul3A_260 = arith.mulf %get3A_256, %get3A_259 : vector<16xf32>
        %add3A_261 = arith.addf %add3A_244, %mul3A_260 : vector<16xf32>
        %add3A_262 = arith.constant 4096 : i32
        %add3A_263 = arith.addi %add3A_262, %add3A_253 : i32
        %get3A_264 = arith.index_cast %add3A_263 : i32 to index
        %get3A_265 = tpu.vector_load %arg11[%get3A_264] {strides = array<i32>} : memref<8192xf32, #tpu.memory_space<vmem>>, vector<16xf32>,
        %get3A_266 = vector.shape_cast %get3A_265 : vector<16xf32> to vector<16xf32>
        %mul3A_267 = arith.mulf %get3A_256, %get3A_266 : vector<16xf32>
        %add3A_268 = arith.addf %add3A_251, %mul3A_267 : vector<16xf32>
        %swap3A = arith.index_cast %mul3A_130 : i32 to index
        %swap3A_269 = tpu.vector_load %arg12[%swap3A] {strides = array<i32>} : memref<1024xf32, #tpu.memory_space<vmem>>, vector<16xf32>,
        %swap3A_270 = vector.shape_cast %swap3A_269 : vector<16xf32> to vector<16xf32>
        %swap3A_271 = vector.shape_cast %add3A_261 : vector<16xf32> to vector<16xf32>
        tpu.vector_store %arg12[%swap3A], %swap3A_271 {strides = array<i32>} : memref<1024xf32, #tpu.memory_space<vmem>>, vector<16xf32>,
        %add3A_272 = arith.constant 512 : i32
        %add3A_273 = arith.addi %add3A_272, %mul3A_130 : i32
        %swap3A_274 = arith.index_cast %add3A_273 : i32 to index
        %swap3A_275 = tpu.vector_load %arg12[%swap3A_274] {strides = array<i32>} : memref<1024xf32, #tpu.memory_space<vmem>>, vector<16xf32>,
        %swap3A_276 = vector.shape_cast %swap3A_275 : vector<16xf32> to vector<16xf32>
        %swap3A_277 = vector.shape_cast %add3A_268 : vector<16xf32> to vector<16xf32>
        tpu.vector_store %arg12[%swap3A_274], %swap3A_277 {strides = array<i32>} : memref<1024xf32, #tpu.memory_space<vmem>>, vector<16xf32>,
        %scan3A_278 = arith.constant 0 : i32
        scf.yield %scan3A_278 : i32
      }
      %scan3A_69 = arith.constant 32 : i32
      %add3A_70 = arith.constant 262144 : i32
      %add3A_71 = arith.addi %add3A_70, %add3A_13 : i32
      "tpu.region"() ({
        %run_scoped3A = tpu.sem_alloc : memref<!tpu.dma_semaphore, #tpu.memory_space<semaphore_mem>>
        %dma_start3A_127 = arith.constant 0 : i32
        %dma_start3A_128 = tpu.memref_slice %arg12[%dma_start3A_127] : memref<1024xf32, #tpu.memory_space<vmem>> -> memref<512xf32, #tpu.memory_space<vmem>>
        %dma_start3A_129 = tpu.memref_slice %arg4[%add3A_71] : memref<4194304xf32, #tpu.memory_space<hbm>> -> memref<512xf32, #tpu.memory_space<hbm>>
        %dma_start3A_130 = tpu.memref_slice %arg4[%add3A_71] : memref<4194304xf32, #tpu.memory_space<hbm>> -> memref<512xf32, #tpu.memory_space<hbm>>
        %dma_start3A_131 = arith.constant 0 : i32
        %dma_start3A_132 = tpu.memref_slice %arg12[%dma_start3A_131] : memref<1024xf32, #tpu.memory_space<vmem>> -> memref<512xf32, #tpu.memory_space<vmem>>
        tpu.enqueue_dma source(%dma_start3A_132 : memref<512xf32, #tpu.memory_space<vmem>>) target(%dma_start3A_130 : memref<512xf32, #tpu.memory_space<hbm>>) target_semaphore(%run_scoped3A : memref<!tpu.dma_semaphore, #tpu.memory_space<semaphore_mem>>)
        %dma_wait3A_133 = arith.constant 0 : i32
        %dma_wait3A_134 = tpu.memref_slice %arg12[%dma_wait3A_133] : memref<1024xf32, #tpu.memory_space<vmem>> -> memref<512xf32, #tpu.memory_space<vmem>>
        %dma_wait3A_135 = tpu.memref_slice %arg4[%add3A_71] : memref<4194304xf32, #tpu.memory_space<hbm>> -> memref<512xf32, #tpu.memory_space<hbm>>
        %dma_wait3A_136 = tpu.memref_slice %arg4[%add3A_71] : memref<4194304xf32, #tpu.memory_space<hbm>> -> memref<512xf32, #tpu.memory_space<hbm>>
        %dma_wait3A_137 = arith.constant 0 : i32
        %dma_wait3A_138 = tpu.memref_slice %arg12[%dma_wait3A_137] : memref<1024xf32, #tpu.memory_space<vmem>> -> memref<512xf32, #tpu.memory_space<vmem>>
        tpu.wait_dma2 semaphore(%run_scoped3A : memref<!tpu.dma_semaphore, #tpu.memory_space<semaphore_mem>>) src(%dma_wait3A_138 : memref<512xf32, #tpu.memory_space<vmem>>) dst(%dma_wait3A_136 : memref<512xf32, #tpu.memory_space<hbm>>)
        tpu.yield
      }) : () -> ()
      %add3A_72 = arith.constant 131072 : i32
      %add3A_73 = arith.addi %add3A_71, %add3A_72 : i32
      "tpu.region"() ({
        %run_scoped3A = tpu.sem_alloc : memref<!tpu.dma_semaphore, #tpu.memory_space<semaphore_mem>>
        %dma_start3A_127 = arith.constant 512 : i32
        %dma_start3A_128 = tpu.memref_slice %arg12[%dma_start3A_127] : memref<1024xf32, #tpu.memory_space<vmem>> -> memref<512xf32, #tpu.memory_space<vmem>>
        %dma_start3A_129 = tpu.memref_slice %arg4[%add3A_73] : memref<4194304xf32, #tpu.memory_space<hbm>> -> memref<512xf32, #tpu.memory_space<hbm>>
        %dma_start3A_130 = tpu.memref_slice %arg4[%add3A_73] : memref<4194304xf32, #tpu.memory_space<hbm>> -> memref<512xf32, #tpu.memory_space<hbm>>
        %dma_start3A_131 = arith.constant 512 : i32
        %dma_start3A_132 = tpu.memref_slice %arg12[%dma_start3A_131] : memref<1024xf32, #tpu.memory_space<vmem>> -> memref<512xf32, #tpu.memory_space<vmem>>
        tpu.enqueue_dma source(%dma_start3A_132 : memref<512xf32, #tpu.memory_space<vmem>>) target(%dma_start3A_130 : memref<512xf32, #tpu.memory_space<hbm>>) target_semaphore(%run_scoped3A : memref<!tpu.dma_semaphore, #tpu.memory_space<semaphore_mem>>)
        %dma_wait3A_133 = arith.constant 512 : i32
        %dma_wait3A_134 = tpu.memref_slice %arg12[%dma_wait3A_133] : memref<1024xf32, #tpu.memory_space<vmem>> -> memref<512xf32, #tpu.memory_space<vmem>>
        %dma_wait3A_135 = tpu.memref_slice %arg4[%add3A_73] : memref<4194304xf32, #tpu.memory_space<hbm>> -> memref<512xf32, #tpu.memory_space<hbm>>
        %dma_wait3A_136 = tpu.memref_slice %arg4[%add3A_73] : memref<4194304xf32, #tpu.memory_space<hbm>> -> memref<512xf32, #tpu.memory_space<hbm>>
        %dma_wait3A_137 = arith.constant 512 : i32
        %dma_wait3A_138 = tpu.memref_slice %arg12[%dma_wait3A_137] : memref<1024xf32, #tpu.memory_space<vmem>> -> memref<512xf32, #tpu.memory_space<vmem>>
        tpu.wait_dma2 semaphore(%run_scoped3A : memref<!tpu.dma_semaphore, #tpu.memory_space<semaphore_mem>>) src(%dma_wait3A_138 : memref<512xf32, #tpu.memory_space<vmem>>) dst(%dma_wait3A_136 : memref<512xf32, #tpu.memory_space<hbm>>)
        tpu.yield
      }) : () -> ()
      %shift_left3A = arith.constant 16 : i32
      %shift_left3A_74 = arith.constant 3 : i32
      %shift_left3A_75 = arith.shli %shift_left3A, %shift_left3A_74 : i32
      %convert_element_type3A = arith.sitofp %shift_left3A_75 : i32 to f32
      %sub3A = arith.constant 1.000000e+00 : f32
      %sub3A_76 = arith.subf %convert_element_type3A, %sub3A : f32
      %sub3A_77 = arith.constant 3 : i32
      %sub3A_78 = arith.constant 3 : i32
      %sub3A_79 = arith.subi %sub3A_77, %sub3A_78 : i32
      %mul3A_80 = arith.constant 1048576 : i32
      %mul3A_81 = arith.muli %sub3A_79, %mul3A_80 : i32
      %add3A_82 = arith.constant 630992 : i32
      %add3A_83 = arith.addi %mul3A_81, %add3A_82 : i32
      %scan3A_84 = arith.constant 0 : i32
      %scan3A_85 = arith.constant 0 : i32
      %scan3A_86 = arith.constant 32 : i32
      %scan3A_87 = arith.addi %scan3A_85, %scan3A_86 : i32
      %scan3A_88 = arith.constant 1 : i32
      %scan3A_89 = scf.for %scan3A_127 = %scan3A_85 to %scan3A_87 step %scan3A_88 iter_args(%scan3A_128 = %scan3A_84) -> (i32)  : i32 {
        %mul3A_129 = arith.constant 16 : i32
        %mul3A_130 = arith.muli %scan3A_127, %mul3A_129 : i32
        %get3A = arith.index_cast %mul3A_130 : i32 to index
        %get3A_131 = tpu.vector_load %arg5[%get3A] {strides = array<i32>} : memref<1536xf32, #tpu.memory_space<vmem>>, vector<16xf32>,
        %get3A_132 = vector.shape_cast %get3A_131 : vector<16xf32> to vector<16xf32>
        %add3A_133 = arith.constant 512 : i32
        %add3A_134 = arith.addi %add3A_133, %mul3A_130 : i32
        %get3A_135 = arith.index_cast %add3A_134 : i32 to index
        %get3A_136 = tpu.vector_load %arg5[%get3A_135] {strides = array<i32>} : memref<1536xf32, #tpu.memory_space<vmem>>, vector<16xf32>,
        %get3A_137 = vector.shape_cast %get3A_136 : vector<16xf32> to vector<16xf32>
        %add3A_138 = arith.constant 1024 : i32
        %add3A_139 = arith.addi %add3A_138, %mul3A_130 : i32
        %get3A_140 = arith.index_cast %add3A_139 : i32 to index
        %get3A_141 = tpu.vector_load %arg5[%get3A_140] {strides = array<i32>} : memref<1536xf32, #tpu.memory_space<vmem>>, vector<16xf32>,
        %get3A_142 = vector.shape_cast %get3A_141 : vector<16xf32> to vector<16xf32>
        %mul3A_143 = vector.broadcast %sub3A_76 : f32 to vector<16xf32>
        %mul3A_144 = arith.mulf %get3A_132, %mul3A_143 : vector<16xf32>
        %add3A_145 = arith.constant 5.000000e-01 : f32
        %add3A_146 = vector.broadcast %add3A_145 : f32 to vector<16xf32>
        %add3A_147 = arith.addf %mul3A_144, %add3A_146 : vector<16xf32>
        %mul3A_148 = vector.broadcast %sub3A_76 : f32 to vector<16xf32>
        %mul3A_149 = arith.mulf %get3A_137, %mul3A_148 : vector<16xf32>
        %add3A_150 = arith.constant 5.000000e-01 : f32
        %add3A_151 = vector.broadcast %add3A_150 : f32 to vector<16xf32>
        %add3A_152 = arith.addf %mul3A_149, %add3A_151 : vector<16xf32>
        %mul3A_153 = vector.broadcast %sub3A_76 : f32 to vector<16xf32>
        %mul3A_154 = arith.mulf %get3A_142, %mul3A_153 : vector<16xf32>
        %add3A_155 = arith.constant 5.000000e-01 : f32
        %add3A_156 = vector.broadcast %add3A_155 : f32 to vector<16xf32>
        %add3A_157 = arith.addf %mul3A_154, %add3A_156 : vector<16xf32>
        %convert_element_type3A_158 = arith.fptosi %add3A_147 : vector<16xf32> to vector<16xi32>
        %convert_element_type3A_159 = arith.fptosi %add3A_152 : vector<16xf32> to vector<16xi32>
        %convert_element_type3A_160 = arith.fptosi %add3A_157 : vector<16xf32> to vector<16xi32>
        %convert_element_type3A_161 = arith.sitofp %convert_element_type3A_158 : vector<16xi32> to vector<16xf32>
        %sub3A_162 = arith.subf %add3A_147, %convert_element_type3A_161 : vector<16xf32>
        %convert_element_type3A_163 = arith.sitofp %convert_element_type3A_159 : vector<16xi32> to vector<16xf32>
        %sub3A_164 = arith.subf %add3A_152, %convert_element_type3A_163 : vector<16xf32>
        %convert_element_type3A_165 = arith.sitofp %convert_element_type3A_160 : vector<16xi32> to vector<16xf32>
        %sub3A_166 = arith.subf %add3A_157, %convert_element_type3A_165 : vector<16xf32>
        %sub3A_167 = arith.constant 1.000000e+00 : f32
        %sub3A_168 = vector.broadcast %sub3A_167 : f32 to vector<16xf32>
        %sub3A_169 = arith.subf %sub3A_168, %sub3A_162 : vector<16xf32>
        %sub3A_170 = arith.constant 1.000000e+00 : f32
        %sub3A_171 = vector.broadcast %sub3A_170 : f32 to vector<16xf32>
        %sub3A_172 = arith.subf %sub3A_171, %sub3A_164 : vector<16xf32>
        %sub3A_173 = arith.constant 1.000000e+00 : f32
        %sub3A_174 = vector.broadcast %sub3A_173 : f32 to vector<16xf32>
        %sub3A_175 = arith.subf %sub3A_174, %sub3A_166 : vector<16xf32>
        %mul3A_176 = arith.mulf %sub3A_169, %sub3A_172 : vector<16xf32>
        %mul3A_177 = arith.mulf %sub3A_162, %sub3A_172 : vector<16xf32>
        %mul3A_178 = arith.mulf %sub3A_169, %sub3A_164 : vector<16xf32>
        %mul3A_179 = arith.mulf %sub3A_162, %sub3A_164 : vector<16xf32>
        %add3A_180 = arith.constant 1 : i32
        %add3A_181 = vector.broadcast %add3A_180 : i32 to vector<16xi32>
        %add3A_182 = arith.addi %convert_element_type3A_158, %add3A_181 : vector<16xi32>
        %mul3A_183 = arith.constant -1640531535 : i32
        %mul3A_184 = vector.broadcast %mul3A_183 : i32 to vector<16xi32>
        %mul3A_185 = arith.muli %convert_element_type3A_159, %mul3A_184 : vector<16xi32>
        %add3A_186 = arith.constant -1640531535 : i32
        %add3A_187 = vector.broadcast %add3A_186 : i32 to vector<16xi32>
        %add3A_188 = arith.addi %mul3A_185, %add3A_187 : vector<16xi32>
        %mul3A_189 = arith.constant 805459861 : i32
        %mul3A_190 = vector.broadcast %mul3A_189 : i32 to vector<16xi32>
        %mul3A_191 = arith.muli %convert_element_type3A_160, %mul3A_190 : vector<16xi32>
        %add3A_192 = arith.constant 805459861 : i32
        %add3A_193 = vector.broadcast %add3A_192 : i32 to vector<16xi32>
        %add3A_194 = arith.addi %mul3A_191, %add3A_193 : vector<16xi32>
        %xor3A = arith.xori %convert_element_type3A_158, %mul3A_185 : vector<16xi32>
        %xor3A_195 = arith.xori %xor3A, %mul3A_191 : vector<16xi32>
        %and3A = arith.constant 524287 : i32
        %and3A_196 = vector.broadcast %and3A : i32 to vector<16xi32>
        %and3A_197 = arith.andi %xor3A_195, %and3A_196 : vector<16xi32>
        %shift_left3A_198 = arith.constant 1 : i32
        %shift_left3A_199 = vector.broadcast %shift_left3A_198 : i32 to vector<16xi32>
        %shift_left3A_200 = arith.shli %and3A_197, %shift_left3A_199 : vector<16xi32>
        %add3A_201 = vector.broadcast %add3A_83 : i32 to vector<16xi32>
        %add3A_202 = arith.addi %shift_left3A_200, %add3A_201 : vector<16xi32>
        %mul3A_203 = arith.mulf %mul3A_176, %sub3A_175 : vector<16xf32>
        %add3A_204 = arith.constant 0 : i32
        %add3A_205 = arith.addi %add3A_204, %mul3A_130 : i32
        %swap3A = arith.index_cast %add3A_205 : i32 to index
        %swap3A_206 = tpu.vector_load %arg9[%swap3A] {strides = array<i32>} : memref<8192xi32, #tpu.memory_space<vmem>>, vector<16xi32>,
        %swap3A_207 = vector.shape_cast %swap3A_206 : vector<16xi32> to vector<16xi32>
        %swap3A_208 = vector.shape_cast %add3A_202 : vector<16xi32> to vector<16xi32>
        tpu.vector_store %arg9[%swap3A], %swap3A_208 {strides = array<i32>} : memref<8192xi32, #tpu.memory_space<vmem>>, vector<16xi32>,
        %add3A_209 = arith.constant 1 : i32
        %add3A_210 = vector.broadcast %add3A_209 : i32 to vector<16xi32>
        %add3A_211 = arith.addi %add3A_202, %add3A_210 : vector<16xi32>
        %add3A_212 = arith.constant 4096 : i32
        %add3A_213 = arith.addi %add3A_212, %add3A_205 : i32
        %swap3A_214 = arith.index_cast %add3A_213 : i32 to index
        %swap3A_215 = tpu.vector_load %arg9[%swap3A_214] {strides = array<i32>} : memref<8192xi32, #tpu.memory_space<vmem>>, vector<16xi32>,
        %swap3A_216 = vector.shape_cast %swap3A_215 : vector<16xi32> to vector<16xi32>
        %swap3A_217 = vector.shape_cast %add3A_211 : vector<16xi32> to vector<16xi32>
        tpu.vector_store %arg9[%swap3A_214], %swap3A_217 {strides = array<i32>} : memref<8192xi32, #tpu.memory_space<vmem>>, vector<16xi32>,
        %swap3A_218 = arith.index_cast %add3A_205 : i32 to index
        %swap3A_219 = tpu.vector_load %arg10[%swap3A_218] {strides = array<i32>} : memref<4096xf32, #tpu.memory_space<vmem>>, vector<16xf32>,
        %swap3A_220 = vector.shape_cast %swap3A_219 : vector<16xf32> to vector<16xf32>
        %swap3A_221 = vector.shape_cast %mul3A_203 : vector<16xf32> to vector<16xf32>
        tpu.vector_store %arg10[%swap3A_218], %swap3A_221 {strides = array<i32>} : memref<4096xf32, #tpu.memory_space<vmem>>, vector<16xf32>,
        %xor3A_222 = arith.xori %add3A_182, %mul3A_185 : vector<16xi32>
        %xor3A_223 = arith.xori %xor3A_222, %mul3A_191 : vector<16xi32>
        %and3A_224 = arith.constant 524287 : i32
        %and3A_225 = vector.broadcast %and3A_224 : i32 to vector<16xi32>
        %and3A_226 = arith.andi %xor3A_223, %and3A_225 : vector<16xi32>
        %shift_left3A_227 = arith.constant 1 : i32
        %shift_left3A_228 = vector.broadcast %shift_left3A_227 : i32 to vector<16xi32>
        %shift_left3A_229 = arith.shli %and3A_226, %shift_left3A_228 : vector<16xi32>
        %add3A_230 = vector.broadcast %add3A_83 : i32 to vector<16xi32>
        %add3A_231 = arith.addi %shift_left3A_229, %add3A_230 : vector<16xi32>
        %mul3A_232 = arith.mulf %mul3A_177, %sub3A_175 : vector<16xf32>
        %add3A_233 = arith.constant 512 : i32
        %add3A_234 = arith.addi %add3A_233, %mul3A_130 : i32
        %swap3A_235 = arith.index_cast %add3A_234 : i32 to index
        %swap3A_236 = tpu.vector_load %arg9[%swap3A_235] {strides = array<i32>} : memref<8192xi32, #tpu.memory_space<vmem>>, vector<16xi32>,
        %swap3A_237 = vector.shape_cast %swap3A_236 : vector<16xi32> to vector<16xi32>
        %swap3A_238 = vector.shape_cast %add3A_231 : vector<16xi32> to vector<16xi32>
        tpu.vector_store %arg9[%swap3A_235], %swap3A_238 {strides = array<i32>} : memref<8192xi32, #tpu.memory_space<vmem>>, vector<16xi32>,
        %add3A_239 = arith.constant 1 : i32
        %add3A_240 = vector.broadcast %add3A_239 : i32 to vector<16xi32>
        %add3A_241 = arith.addi %add3A_231, %add3A_240 : vector<16xi32>
        %add3A_242 = arith.constant 4096 : i32
        %add3A_243 = arith.addi %add3A_242, %add3A_234 : i32
        %swap3A_244 = arith.index_cast %add3A_243 : i32 to index
        %swap3A_245 = tpu.vector_load %arg9[%swap3A_244] {strides = array<i32>} : memref<8192xi32, #tpu.memory_space<vmem>>, vector<16xi32>,
        %swap3A_246 = vector.shape_cast %swap3A_245 : vector<16xi32> to vector<16xi32>
        %swap3A_247 = vector.shape_cast %add3A_241 : vector<16xi32> to vector<16xi32>
        tpu.vector_store %arg9[%swap3A_244], %swap3A_247 {strides = array<i32>} : memref<8192xi32, #tpu.memory_space<vmem>>, vector<16xi32>,
        %swap3A_248 = arith.index_cast %add3A_234 : i32 to index
        %swap3A_249 = tpu.vector_load %arg10[%swap3A_248] {strides = array<i32>} : memref<4096xf32, #tpu.memory_space<vmem>>, vector<16xf32>,
        %swap3A_250 = vector.shape_cast %swap3A_249 : vector<16xf32> to vector<16xf32>
        %swap3A_251 = vector.shape_cast %mul3A_232 : vector<16xf32> to vector<16xf32>
        tpu.vector_store %arg10[%swap3A_248], %swap3A_251 {strides = array<i32>} : memref<4096xf32, #tpu.memory_space<vmem>>, vector<16xf32>,
        %xor3A_252 = arith.xori %convert_element_type3A_158, %add3A_188 : vector<16xi32>
        %xor3A_253 = arith.xori %xor3A_252, %mul3A_191 : vector<16xi32>
        %and3A_254 = arith.constant 524287 : i32
        %and3A_255 = vector.broadcast %and3A_254 : i32 to vector<16xi32>
        %and3A_256 = arith.andi %xor3A_253, %and3A_255 : vector<16xi32>
        %shift_left3A_257 = arith.constant 1 : i32
        %shift_left3A_258 = vector.broadcast %shift_left3A_257 : i32 to vector<16xi32>
        %shift_left3A_259 = arith.shli %and3A_256, %shift_left3A_258 : vector<16xi32>
        %add3A_260 = vector.broadcast %add3A_83 : i32 to vector<16xi32>
        %add3A_261 = arith.addi %shift_left3A_259, %add3A_260 : vector<16xi32>
        %mul3A_262 = arith.mulf %mul3A_178, %sub3A_175 : vector<16xf32>
        %add3A_263 = arith.constant 1024 : i32
        %add3A_264 = arith.addi %add3A_263, %mul3A_130 : i32
        %swap3A_265 = arith.index_cast %add3A_264 : i32 to index
        %swap3A_266 = tpu.vector_load %arg9[%swap3A_265] {strides = array<i32>} : memref<8192xi32, #tpu.memory_space<vmem>>, vector<16xi32>,
        %swap3A_267 = vector.shape_cast %swap3A_266 : vector<16xi32> to vector<16xi32>
        %swap3A_268 = vector.shape_cast %add3A_261 : vector<16xi32> to vector<16xi32>
        tpu.vector_store %arg9[%swap3A_265], %swap3A_268 {strides = array<i32>} : memref<8192xi32, #tpu.memory_space<vmem>>, vector<16xi32>,
        %add3A_269 = arith.constant 1 : i32
        %add3A_270 = vector.broadcast %add3A_269 : i32 to vector<16xi32>
        %add3A_271 = arith.addi %add3A_261, %add3A_270 : vector<16xi32>
        %add3A_272 = arith.constant 4096 : i32
        %add3A_273 = arith.addi %add3A_272, %add3A_264 : i32
        %swap3A_274 = arith.index_cast %add3A_273 : i32 to index
        %swap3A_275 = tpu.vector_load %arg9[%swap3A_274] {strides = array<i32>} : memref<8192xi32, #tpu.memory_space<vmem>>, vector<16xi32>,
        %swap3A_276 = vector.shape_cast %swap3A_275 : vector<16xi32> to vector<16xi32>
        %swap3A_277 = vector.shape_cast %add3A_271 : vector<16xi32> to vector<16xi32>
        tpu.vector_store %arg9[%swap3A_274], %swap3A_277 {strides = array<i32>} : memref<8192xi32, #tpu.memory_space<vmem>>, vector<16xi32>,
        %swap3A_278 = arith.index_cast %add3A_264 : i32 to index
        %swap3A_279 = tpu.vector_load %arg10[%swap3A_278] {strides = array<i32>} : memref<4096xf32, #tpu.memory_space<vmem>>, vector<16xf32>,
        %swap3A_280 = vector.shape_cast %swap3A_279 : vector<16xf32> to vector<16xf32>
        %swap3A_281 = vector.shape_cast %mul3A_262 : vector<16xf32> to vector<16xf32>
        tpu.vector_store %arg10[%swap3A_278], %swap3A_281 {strides = array<i32>} : memref<4096xf32, #tpu.memory_space<vmem>>, vector<16xf32>,
        %xor3A_282 = arith.xori %add3A_182, %add3A_188 : vector<16xi32>
        %xor3A_283 = arith.xori %xor3A_282, %mul3A_191 : vector<16xi32>
        %and3A_284 = arith.constant 524287 : i32
        %and3A_285 = vector.broadcast %and3A_284 : i32 to vector<16xi32>
        %and3A_286 = arith.andi %xor3A_283, %and3A_285 : vector<16xi32>
        %shift_left3A_287 = arith.constant 1 : i32
        %shift_left3A_288 = vector.broadcast %shift_left3A_287 : i32 to vector<16xi32>
        %shift_left3A_289 = arith.shli %and3A_286, %shift_left3A_288 : vector<16xi32>
        %add3A_290 = vector.broadcast %add3A_83 : i32 to vector<16xi32>
        %add3A_291 = arith.addi %shift_left3A_289, %add3A_290 : vector<16xi32>
        %mul3A_292 = arith.mulf %mul3A_179, %sub3A_175 : vector<16xf32>
        %add3A_293 = arith.constant 1536 : i32
        %add3A_294 = arith.addi %add3A_293, %mul3A_130 : i32
        %swap3A_295 = arith.index_cast %add3A_294 : i32 to index
        %swap3A_296 = tpu.vector_load %arg9[%swap3A_295] {strides = array<i32>} : memref<8192xi32, #tpu.memory_space<vmem>>, vector<16xi32>,
        %swap3A_297 = vector.shape_cast %swap3A_296 : vector<16xi32> to vector<16xi32>
        %swap3A_298 = vector.shape_cast %add3A_291 : vector<16xi32> to vector<16xi32>
        tpu.vector_store %arg9[%swap3A_295], %swap3A_298 {strides = array<i32>} : memref<8192xi32, #tpu.memory_space<vmem>>, vector<16xi32>,
        %add3A_299 = arith.constant 1 : i32
        %add3A_300 = vector.broadcast %add3A_299 : i32 to vector<16xi32>
        %add3A_301 = arith.addi %add3A_291, %add3A_300 : vector<16xi32>
        %add3A_302 = arith.constant 4096 : i32
        %add3A_303 = arith.addi %add3A_302, %add3A_294 : i32
        %swap3A_304 = arith.index_cast %add3A_303 : i32 to index
        %swap3A_305 = tpu.vector_load %arg9[%swap3A_304] {strides = array<i32>} : memref<8192xi32, #tpu.memory_space<vmem>>, vector<16xi32>,
        %swap3A_306 = vector.shape_cast %swap3A_305 : vector<16xi32> to vector<16xi32>
        %swap3A_307 = vector.shape_cast %add3A_301 : vector<16xi32> to vector<16xi32>
        tpu.vector_store %arg9[%swap3A_304], %swap3A_307 {strides = array<i32>} : memref<8192xi32, #tpu.memory_space<vmem>>, vector<16xi32>,
        %swap3A_308 = arith.index_cast %add3A_294 : i32 to index
        %swap3A_309 = tpu.vector_load %arg10[%swap3A_308] {strides = array<i32>} : memref<4096xf32, #tpu.memory_space<vmem>>, vector<16xf32>,
        %swap3A_310 = vector.shape_cast %swap3A_309 : vector<16xf32> to vector<16xf32>
        %swap3A_311 = vector.shape_cast %mul3A_292 : vector<16xf32> to vector<16xf32>
        tpu.vector_store %arg10[%swap3A_308], %swap3A_311 {strides = array<i32>} : memref<4096xf32, #tpu.memory_space<vmem>>, vector<16xf32>,
        %xor3A_312 = arith.xori %convert_element_type3A_158, %mul3A_185 : vector<16xi32>
        %xor3A_313 = arith.xori %xor3A_312, %add3A_194 : vector<16xi32>
        %and3A_314 = arith.constant 524287 : i32
        %and3A_315 = vector.broadcast %and3A_314 : i32 to vector<16xi32>
        %and3A_316 = arith.andi %xor3A_313, %and3A_315 : vector<16xi32>
        %shift_left3A_317 = arith.constant 1 : i32
        %shift_left3A_318 = vector.broadcast %shift_left3A_317 : i32 to vector<16xi32>
        %shift_left3A_319 = arith.shli %and3A_316, %shift_left3A_318 : vector<16xi32>
        %add3A_320 = vector.broadcast %add3A_83 : i32 to vector<16xi32>
        %add3A_321 = arith.addi %shift_left3A_319, %add3A_320 : vector<16xi32>
        %mul3A_322 = arith.mulf %mul3A_176, %sub3A_166 : vector<16xf32>
        %add3A_323 = arith.constant 2048 : i32
        %add3A_324 = arith.addi %add3A_323, %mul3A_130 : i32
        %swap3A_325 = arith.index_cast %add3A_324 : i32 to index
        %swap3A_326 = tpu.vector_load %arg9[%swap3A_325] {strides = array<i32>} : memref<8192xi32, #tpu.memory_space<vmem>>, vector<16xi32>,
        %swap3A_327 = vector.shape_cast %swap3A_326 : vector<16xi32> to vector<16xi32>
        %swap3A_328 = vector.shape_cast %add3A_321 : vector<16xi32> to vector<16xi32>
        tpu.vector_store %arg9[%swap3A_325], %swap3A_328 {strides = array<i32>} : memref<8192xi32, #tpu.memory_space<vmem>>, vector<16xi32>,
        %add3A_329 = arith.constant 1 : i32
        %add3A_330 = vector.broadcast %add3A_329 : i32 to vector<16xi32>
        %add3A_331 = arith.addi %add3A_321, %add3A_330 : vector<16xi32>
        %add3A_332 = arith.constant 4096 : i32
        %add3A_333 = arith.addi %add3A_332, %add3A_324 : i32
        %swap3A_334 = arith.index_cast %add3A_333 : i32 to index
        %swap3A_335 = tpu.vector_load %arg9[%swap3A_334] {strides = array<i32>} : memref<8192xi32, #tpu.memory_space<vmem>>, vector<16xi32>,
        %swap3A_336 = vector.shape_cast %swap3A_335 : vector<16xi32> to vector<16xi32>
        %swap3A_337 = vector.shape_cast %add3A_331 : vector<16xi32> to vector<16xi32>
        tpu.vector_store %arg9[%swap3A_334], %swap3A_337 {strides = array<i32>} : memref<8192xi32, #tpu.memory_space<vmem>>, vector<16xi32>,
        %swap3A_338 = arith.index_cast %add3A_324 : i32 to index
        %swap3A_339 = tpu.vector_load %arg10[%swap3A_338] {strides = array<i32>} : memref<4096xf32, #tpu.memory_space<vmem>>, vector<16xf32>,
        %swap3A_340 = vector.shape_cast %swap3A_339 : vector<16xf32> to vector<16xf32>
        %swap3A_341 = vector.shape_cast %mul3A_322 : vector<16xf32> to vector<16xf32>
        tpu.vector_store %arg10[%swap3A_338], %swap3A_341 {strides = array<i32>} : memref<4096xf32, #tpu.memory_space<vmem>>, vector<16xf32>,
        %xor3A_342 = arith.xori %add3A_182, %mul3A_185 : vector<16xi32>
        %xor3A_343 = arith.xori %xor3A_342, %add3A_194 : vector<16xi32>
        %and3A_344 = arith.constant 524287 : i32
        %and3A_345 = vector.broadcast %and3A_344 : i32 to vector<16xi32>
        %and3A_346 = arith.andi %xor3A_343, %and3A_345 : vector<16xi32>
        %shift_left3A_347 = arith.constant 1 : i32
        %shift_left3A_348 = vector.broadcast %shift_left3A_347 : i32 to vector<16xi32>
        %shift_left3A_349 = arith.shli %and3A_346, %shift_left3A_348 : vector<16xi32>
        %add3A_350 = vector.broadcast %add3A_83 : i32 to vector<16xi32>
        %add3A_351 = arith.addi %shift_left3A_349, %add3A_350 : vector<16xi32>
        %mul3A_352 = arith.mulf %mul3A_177, %sub3A_166 : vector<16xf32>
        %add3A_353 = arith.constant 2560 : i32
        %add3A_354 = arith.addi %add3A_353, %mul3A_130 : i32
        %swap3A_355 = arith.index_cast %add3A_354 : i32 to index
        %swap3A_356 = tpu.vector_load %arg9[%swap3A_355] {strides = array<i32>} : memref<8192xi32, #tpu.memory_space<vmem>>, vector<16xi32>,
        %swap3A_357 = vector.shape_cast %swap3A_356 : vector<16xi32> to vector<16xi32>
        %swap3A_358 = vector.shape_cast %add3A_351 : vector<16xi32> to vector<16xi32>
        tpu.vector_store %arg9[%swap3A_355], %swap3A_358 {strides = array<i32>} : memref<8192xi32, #tpu.memory_space<vmem>>, vector<16xi32>,
        %add3A_359 = arith.constant 1 : i32
        %add3A_360 = vector.broadcast %add3A_359 : i32 to vector<16xi32>
        %add3A_361 = arith.addi %add3A_351, %add3A_360 : vector<16xi32>
        %add3A_362 = arith.constant 4096 : i32
        %add3A_363 = arith.addi %add3A_362, %add3A_354 : i32
        %swap3A_364 = arith.index_cast %add3A_363 : i32 to index
        %swap3A_365 = tpu.vector_load %arg9[%swap3A_364] {strides = array<i32>} : memref<8192xi32, #tpu.memory_space<vmem>>, vector<16xi32>,
        %swap3A_366 = vector.shape_cast %swap3A_365 : vector<16xi32> to vector<16xi32>
        %swap3A_367 = vector.shape_cast %add3A_361 : vector<16xi32> to vector<16xi32>
        tpu.vector_store %arg9[%swap3A_364], %swap3A_367 {strides = array<i32>} : memref<8192xi32, #tpu.memory_space<vmem>>, vector<16xi32>,
        %swap3A_368 = arith.index_cast %add3A_354 : i32 to index
        %swap3A_369 = tpu.vector_load %arg10[%swap3A_368] {strides = array<i32>} : memref<4096xf32, #tpu.memory_space<vmem>>, vector<16xf32>,
        %swap3A_370 = vector.shape_cast %swap3A_369 : vector<16xf32> to vector<16xf32>
        %swap3A_371 = vector.shape_cast %mul3A_352 : vector<16xf32> to vector<16xf32>
        tpu.vector_store %arg10[%swap3A_368], %swap3A_371 {strides = array<i32>} : memref<4096xf32, #tpu.memory_space<vmem>>, vector<16xf32>,
        %xor3A_372 = arith.xori %convert_element_type3A_158, %add3A_188 : vector<16xi32>
        %xor3A_373 = arith.xori %xor3A_372, %add3A_194 : vector<16xi32>
        %and3A_374 = arith.constant 524287 : i32
        %and3A_375 = vector.broadcast %and3A_374 : i32 to vector<16xi32>
        %and3A_376 = arith.andi %xor3A_373, %and3A_375 : vector<16xi32>
        %shift_left3A_377 = arith.constant 1 : i32
        %shift_left3A_378 = vector.broadcast %shift_left3A_377 : i32 to vector<16xi32>
        %shift_left3A_379 = arith.shli %and3A_376, %shift_left3A_378 : vector<16xi32>
        %add3A_380 = vector.broadcast %add3A_83 : i32 to vector<16xi32>
        %add3A_381 = arith.addi %shift_left3A_379, %add3A_380 : vector<16xi32>
        %mul3A_382 = arith.mulf %mul3A_178, %sub3A_166 : vector<16xf32>
        %add3A_383 = arith.constant 3072 : i32
        %add3A_384 = arith.addi %add3A_383, %mul3A_130 : i32
        %swap3A_385 = arith.index_cast %add3A_384 : i32 to index
        %swap3A_386 = tpu.vector_load %arg9[%swap3A_385] {strides = array<i32>} : memref<8192xi32, #tpu.memory_space<vmem>>, vector<16xi32>,
        %swap3A_387 = vector.shape_cast %swap3A_386 : vector<16xi32> to vector<16xi32>
        %swap3A_388 = vector.shape_cast %add3A_381 : vector<16xi32> to vector<16xi32>
        tpu.vector_store %arg9[%swap3A_385], %swap3A_388 {strides = array<i32>} : memref<8192xi32, #tpu.memory_space<vmem>>, vector<16xi32>,
        %add3A_389 = arith.constant 1 : i32
        %add3A_390 = vector.broadcast %add3A_389 : i32 to vector<16xi32>
        %add3A_391 = arith.addi %add3A_381, %add3A_390 : vector<16xi32>
        %add3A_392 = arith.constant 4096 : i32
        %add3A_393 = arith.addi %add3A_392, %add3A_384 : i32
        %swap3A_394 = arith.index_cast %add3A_393 : i32 to index
        %swap3A_395 = tpu.vector_load %arg9[%swap3A_394] {strides = array<i32>} : memref<8192xi32, #tpu.memory_space<vmem>>, vector<16xi32>,
        %swap3A_396 = vector.shape_cast %swap3A_395 : vector<16xi32> to vector<16xi32>
        %swap3A_397 = vector.shape_cast %add3A_391 : vector<16xi32> to vector<16xi32>
        tpu.vector_store %arg9[%swap3A_394], %swap3A_397 {strides = array<i32>} : memref<8192xi32, #tpu.memory_space<vmem>>, vector<16xi32>,
        %swap3A_398 = arith.index_cast %add3A_384 : i32 to index
        %swap3A_399 = tpu.vector_load %arg10[%swap3A_398] {strides = array<i32>} : memref<4096xf32, #tpu.memory_space<vmem>>, vector<16xf32>,
        %swap3A_400 = vector.shape_cast %swap3A_399 : vector<16xf32> to vector<16xf32>
        %swap3A_401 = vector.shape_cast %mul3A_382 : vector<16xf32> to vector<16xf32>
        tpu.vector_store %arg10[%swap3A_398], %swap3A_401 {strides = array<i32>} : memref<4096xf32, #tpu.memory_space<vmem>>, vector<16xf32>,
        %xor3A_402 = arith.xori %add3A_182, %add3A_188 : vector<16xi32>
        %xor3A_403 = arith.xori %xor3A_402, %add3A_194 : vector<16xi32>
        %and3A_404 = arith.constant 524287 : i32
        %and3A_405 = vector.broadcast %and3A_404 : i32 to vector<16xi32>
        %and3A_406 = arith.andi %xor3A_403, %and3A_405 : vector<16xi32>
        %shift_left3A_407 = arith.constant 1 : i32
        %shift_left3A_408 = vector.broadcast %shift_left3A_407 : i32 to vector<16xi32>
        %shift_left3A_409 = arith.shli %and3A_406, %shift_left3A_408 : vector<16xi32>
        %add3A_410 = vector.broadcast %add3A_83 : i32 to vector<16xi32>
        %add3A_411 = arith.addi %shift_left3A_409, %add3A_410 : vector<16xi32>
        %mul3A_412 = arith.mulf %mul3A_179, %sub3A_166 : vector<16xf32>
        %add3A_413 = arith.constant 3584 : i32
        %add3A_414 = arith.addi %add3A_413, %mul3A_130 : i32
        %swap3A_415 = arith.index_cast %add3A_414 : i32 to index
        %swap3A_416 = tpu.vector_load %arg9[%swap3A_415] {strides = array<i32>} : memref<8192xi32, #tpu.memory_space<vmem>>, vector<16xi32>,
        %swap3A_417 = vector.shape_cast %swap3A_416 : vector<16xi32> to vector<16xi32>
        %swap3A_418 = vector.shape_cast %add3A_411 : vector<16xi32> to vector<16xi32>
        tpu.vector_store %arg9[%swap3A_415], %swap3A_418 {strides = array<i32>} : memref<8192xi32, #tpu.memory_space<vmem>>, vector<16xi32>,
        %add3A_419 = arith.constant 1 : i32
        %add3A_420 = vector.broadcast %add3A_419 : i32 to vector<16xi32>
        %add3A_421 = arith.addi %add3A_411, %add3A_420 : vector<16xi32>
        %add3A_422 = arith.constant 4096 : i32
        %add3A_423 = arith.addi %add3A_422, %add3A_414 : i32
        %swap3A_424 = arith.index_cast %add3A_423 : i32 to index
        %swap3A_425 = tpu.vector_load %arg9[%swap3A_424] {strides = array<i32>} : memref<8192xi32, #tpu.memory_space<vmem>>, vector<16xi32>,
        %swap3A_426 = vector.shape_cast %swap3A_425 : vector<16xi32> to vector<16xi32>
        %swap3A_427 = vector.shape_cast %add3A_421 : vector<16xi32> to vector<16xi32>
        tpu.vector_store %arg9[%swap3A_424], %swap3A_427 {strides = array<i32>} : memref<8192xi32, #tpu.memory_space<vmem>>, vector<16xi32>,
        %swap3A_428 = arith.index_cast %add3A_414 : i32 to index
        %swap3A_429 = tpu.vector_load %arg10[%swap3A_428] {strides = array<i32>} : memref<4096xf32, #tpu.memory_space<vmem>>, vector<16xf32>,
        %swap3A_430 = vector.shape_cast %swap3A_429 : vector<16xf32> to vector<16xf32>
        %swap3A_431 = vector.shape_cast %mul3A_412 : vector<16xf32> to vector<16xf32>
        tpu.vector_store %arg10[%swap3A_428], %swap3A_431 {strides = array<i32>} : memref<4096xf32, #tpu.memory_space<vmem>>, vector<16xf32>,
        %scan3A_432 = arith.constant 0 : i32
        scf.yield %scan3A_432 : i32
      }
      %scan3A_90 = arith.constant 32 : i32
      %dma_start3A_91 = arith.constant 0 : i32
      %dma_start3A_92 = tpu.memref_slice %arg3[%dma_start3A_91] : memref<14262480xf32, #tpu.memory_space<hbm>> -> memref<14262480xf32, #tpu.memory_space<hbm>>
      tpu.enqueue_indirect_dma source(%dma_start3A_92 : memref<14262480xf32, #tpu.memory_space<hbm>>) target(%arg11 : memref<8192xf32, #tpu.memory_space<vmem>>) offsets(%arg9 : memref<8192xi32, #tpu.memory_space<vmem>>) semaphore(%arg14 : memref<!tpu.dma_semaphore, #tpu.memory_space<semaphore_mem>>)
      %dma_wait3A_93 = arith.constant 0 : i32
      %dma_wait3A_94 = tpu.memref_slice %arg3[%dma_wait3A_93] : memref<14262480xf32, #tpu.memory_space<hbm>> -> memref<14262480xf32, #tpu.memory_space<hbm>>
      tpu.wait_indirect_dma semaphore(%arg13 : memref<!tpu.dma_semaphore, #tpu.memory_space<semaphore_mem>>) src(%dma_wait3A_94 : memref<14262480xf32, #tpu.memory_space<hbm>>) dst(%arg8 : memref<8192xf32, #tpu.memory_space<vmem>>)
      %scan3A_95 = arith.constant 0 : i32
      %scan3A_96 = arith.constant 0 : i32
      %scan3A_97 = arith.constant 32 : i32
      %scan3A_98 = arith.addi %scan3A_96, %scan3A_97 : i32
      %scan3A_99 = arith.constant 1 : i32
      %scan3A_100 = scf.for %scan3A_127 = %scan3A_96 to %scan3A_98 step %scan3A_99 iter_args(%scan3A_128 = %scan3A_95) -> (i32)  : i32 {
        %mul3A_129 = arith.constant 16 : i32
        %mul3A_130 = arith.muli %scan3A_127, %mul3A_129 : i32
        %broadcast_in_dim3A = arith.constant 0.000000e+00 : f32
        %broadcast_in_dim3A_131 = vector.broadcast %broadcast_in_dim3A : f32 to vector<16xf32>
        %broadcast_in_dim3A_132 = arith.constant 0.000000e+00 : f32
        %broadcast_in_dim3A_133 = vector.broadcast %broadcast_in_dim3A_132 : f32 to vector<16xf32>
        %add3A_134 = arith.constant 0 : i32
        %add3A_135 = arith.addi %add3A_134, %mul3A_130 : i32
        %get3A = arith.index_cast %add3A_135 : i32 to index
        %get3A_136 = tpu.vector_load %arg7[%get3A] {strides = array<i32>} : memref<4096xf32, #tpu.memory_space<vmem>>, vector<16xf32>,
        %get3A_137 = vector.shape_cast %get3A_136 : vector<16xf32> to vector<16xf32>
        %get3A_138 = arith.index_cast %add3A_135 : i32 to index
        %get3A_139 = tpu.vector_load %arg8[%get3A_138] {strides = array<i32>} : memref<8192xf32, #tpu.memory_space<vmem>>, vector<16xf32>,
        %get3A_140 = vector.shape_cast %get3A_139 : vector<16xf32> to vector<16xf32>
        %mul3A_141 = arith.mulf %get3A_137, %get3A_140 : vector<16xf32>
        %add3A_142 = arith.addf %broadcast_in_dim3A_131, %mul3A_141 : vector<16xf32>
        %add3A_143 = arith.constant 4096 : i32
        %add3A_144 = arith.addi %add3A_143, %add3A_135 : i32
        %get3A_145 = arith.index_cast %add3A_144 : i32 to index
        %get3A_146 = tpu.vector_load %arg8[%get3A_145] {strides = array<i32>} : memref<8192xf32, #tpu.memory_space<vmem>>, vector<16xf32>,
        %get3A_147 = vector.shape_cast %get3A_146 : vector<16xf32> to vector<16xf32>
        %mul3A_148 = arith.mulf %get3A_137, %get3A_147 : vector<16xf32>
        %add3A_149 = arith.addf %broadcast_in_dim3A_133, %mul3A_148 : vector<16xf32>
        %add3A_150 = arith.constant 512 : i32
        %add3A_151 = arith.addi %add3A_150, %mul3A_130 : i32
        %get3A_152 = arith.index_cast %add3A_151 : i32 to index
        %get3A_153 = tpu.vector_load %arg7[%get3A_152] {strides = array<i32>} : memref<4096xf32, #tpu.memory_space<vmem>>, vector<16xf32>,
        %get3A_154 = vector.shape_cast %get3A_153 : vector<16xf32> to vector<16xf32>
        %get3A_155 = arith.index_cast %add3A_151 : i32 to index
        %get3A_156 = tpu.vector_load %arg8[%get3A_155] {strides = array<i32>} : memref<8192xf32, #tpu.memory_space<vmem>>, vector<16xf32>,
        %get3A_157 = vector.shape_cast %get3A_156 : vector<16xf32> to vector<16xf32>
        %mul3A_158 = arith.mulf %get3A_154, %get3A_157 : vector<16xf32>
        %add3A_159 = arith.addf %add3A_142, %mul3A_158 : vector<16xf32>
        %add3A_160 = arith.constant 4096 : i32
        %add3A_161 = arith.addi %add3A_160, %add3A_151 : i32
        %get3A_162 = arith.index_cast %add3A_161 : i32 to index
        %get3A_163 = tpu.vector_load %arg8[%get3A_162] {strides = array<i32>} : memref<8192xf32, #tpu.memory_space<vmem>>, vector<16xf32>,
        %get3A_164 = vector.shape_cast %get3A_163 : vector<16xf32> to vector<16xf32>
        %mul3A_165 = arith.mulf %get3A_154, %get3A_164 : vector<16xf32>
        %add3A_166 = arith.addf %add3A_149, %mul3A_165 : vector<16xf32>
        %add3A_167 = arith.constant 1024 : i32
        %add3A_168 = arith.addi %add3A_167, %mul3A_130 : i32
        %get3A_169 = arith.index_cast %add3A_168 : i32 to index
        %get3A_170 = tpu.vector_load %arg7[%get3A_169] {strides = array<i32>} : memref<4096xf32, #tpu.memory_space<vmem>>, vector<16xf32>,
        %get3A_171 = vector.shape_cast %get3A_170 : vector<16xf32> to vector<16xf32>
        %get3A_172 = arith.index_cast %add3A_168 : i32 to index
        %get3A_173 = tpu.vector_load %arg8[%get3A_172] {strides = array<i32>} : memref<8192xf32, #tpu.memory_space<vmem>>, vector<16xf32>,
        %get3A_174 = vector.shape_cast %get3A_173 : vector<16xf32> to vector<16xf32>
        %mul3A_175 = arith.mulf %get3A_171, %get3A_174 : vector<16xf32>
        %add3A_176 = arith.addf %add3A_159, %mul3A_175 : vector<16xf32>
        %add3A_177 = arith.constant 4096 : i32
        %add3A_178 = arith.addi %add3A_177, %add3A_168 : i32
        %get3A_179 = arith.index_cast %add3A_178 : i32 to index
        %get3A_180 = tpu.vector_load %arg8[%get3A_179] {strides = array<i32>} : memref<8192xf32, #tpu.memory_space<vmem>>, vector<16xf32>,
        %get3A_181 = vector.shape_cast %get3A_180 : vector<16xf32> to vector<16xf32>
        %mul3A_182 = arith.mulf %get3A_171, %get3A_181 : vector<16xf32>
        %add3A_183 = arith.addf %add3A_166, %mul3A_182 : vector<16xf32>
        %add3A_184 = arith.constant 1536 : i32
        %add3A_185 = arith.addi %add3A_184, %mul3A_130 : i32
        %get3A_186 = arith.index_cast %add3A_185 : i32 to index
        %get3A_187 = tpu.vector_load %arg7[%get3A_186] {strides = array<i32>} : memref<4096xf32, #tpu.memory_space<vmem>>, vector<16xf32>,
        %get3A_188 = vector.shape_cast %get3A_187 : vector<16xf32> to vector<16xf32>
        %get3A_189 = arith.index_cast %add3A_185 : i32 to index
        %get3A_190 = tpu.vector_load %arg8[%get3A_189] {strides = array<i32>} : memref<8192xf32, #tpu.memory_space<vmem>>, vector<16xf32>,
        %get3A_191 = vector.shape_cast %get3A_190 : vector<16xf32> to vector<16xf32>
        %mul3A_192 = arith.mulf %get3A_188, %get3A_191 : vector<16xf32>
        %add3A_193 = arith.addf %add3A_176, %mul3A_192 : vector<16xf32>
        %add3A_194 = arith.constant 4096 : i32
        %add3A_195 = arith.addi %add3A_194, %add3A_185 : i32
        %get3A_196 = arith.index_cast %add3A_195 : i32 to index
        %get3A_197 = tpu.vector_load %arg8[%get3A_196] {strides = array<i32>} : memref<8192xf32, #tpu.memory_space<vmem>>, vector<16xf32>,
        %get3A_198 = vector.shape_cast %get3A_197 : vector<16xf32> to vector<16xf32>
        %mul3A_199 = arith.mulf %get3A_188, %get3A_198 : vector<16xf32>
        %add3A_200 = arith.addf %add3A_183, %mul3A_199 : vector<16xf32>
        %add3A_201 = arith.constant 2048 : i32
        %add3A_202 = arith.addi %add3A_201, %mul3A_130 : i32
        %get3A_203 = arith.index_cast %add3A_202 : i32 to index
        %get3A_204 = tpu.vector_load %arg7[%get3A_203] {strides = array<i32>} : memref<4096xf32, #tpu.memory_space<vmem>>, vector<16xf32>,
        %get3A_205 = vector.shape_cast %get3A_204 : vector<16xf32> to vector<16xf32>
        %get3A_206 = arith.index_cast %add3A_202 : i32 to index
        %get3A_207 = tpu.vector_load %arg8[%get3A_206] {strides = array<i32>} : memref<8192xf32, #tpu.memory_space<vmem>>, vector<16xf32>,
        %get3A_208 = vector.shape_cast %get3A_207 : vector<16xf32> to vector<16xf32>
        %mul3A_209 = arith.mulf %get3A_205, %get3A_208 : vector<16xf32>
        %add3A_210 = arith.addf %add3A_193, %mul3A_209 : vector<16xf32>
        %add3A_211 = arith.constant 4096 : i32
        %add3A_212 = arith.addi %add3A_211, %add3A_202 : i32
        %get3A_213 = arith.index_cast %add3A_212 : i32 to index
        %get3A_214 = tpu.vector_load %arg8[%get3A_213] {strides = array<i32>} : memref<8192xf32, #tpu.memory_space<vmem>>, vector<16xf32>,
        %get3A_215 = vector.shape_cast %get3A_214 : vector<16xf32> to vector<16xf32>
        %mul3A_216 = arith.mulf %get3A_205, %get3A_215 : vector<16xf32>
        %add3A_217 = arith.addf %add3A_200, %mul3A_216 : vector<16xf32>
        %add3A_218 = arith.constant 2560 : i32
        %add3A_219 = arith.addi %add3A_218, %mul3A_130 : i32
        %get3A_220 = arith.index_cast %add3A_219 : i32 to index
        %get3A_221 = tpu.vector_load %arg7[%get3A_220] {strides = array<i32>} : memref<4096xf32, #tpu.memory_space<vmem>>, vector<16xf32>,
        %get3A_222 = vector.shape_cast %get3A_221 : vector<16xf32> to vector<16xf32>
        %get3A_223 = arith.index_cast %add3A_219 : i32 to index
        %get3A_224 = tpu.vector_load %arg8[%get3A_223] {strides = array<i32>} : memref<8192xf32, #tpu.memory_space<vmem>>, vector<16xf32>,
        %get3A_225 = vector.shape_cast %get3A_224 : vector<16xf32> to vector<16xf32>
        %mul3A_226 = arith.mulf %get3A_222, %get3A_225 : vector<16xf32>
        %add3A_227 = arith.addf %add3A_210, %mul3A_226 : vector<16xf32>
        %add3A_228 = arith.constant 4096 : i32
        %add3A_229 = arith.addi %add3A_228, %add3A_219 : i32
        %get3A_230 = arith.index_cast %add3A_229 : i32 to index
        %get3A_231 = tpu.vector_load %arg8[%get3A_230] {strides = array<i32>} : memref<8192xf32, #tpu.memory_space<vmem>>, vector<16xf32>,
        %get3A_232 = vector.shape_cast %get3A_231 : vector<16xf32> to vector<16xf32>
        %mul3A_233 = arith.mulf %get3A_222, %get3A_232 : vector<16xf32>
        %add3A_234 = arith.addf %add3A_217, %mul3A_233 : vector<16xf32>
        %add3A_235 = arith.constant 3072 : i32
        %add3A_236 = arith.addi %add3A_235, %mul3A_130 : i32
        %get3A_237 = arith.index_cast %add3A_236 : i32 to index
        %get3A_238 = tpu.vector_load %arg7[%get3A_237] {strides = array<i32>} : memref<4096xf32, #tpu.memory_space<vmem>>, vector<16xf32>,
        %get3A_239 = vector.shape_cast %get3A_238 : vector<16xf32> to vector<16xf32>
        %get3A_240 = arith.index_cast %add3A_236 : i32 to index
        %get3A_241 = tpu.vector_load %arg8[%get3A_240] {strides = array<i32>} : memref<8192xf32, #tpu.memory_space<vmem>>, vector<16xf32>,
        %get3A_242 = vector.shape_cast %get3A_241 : vector<16xf32> to vector<16xf32>
        %mul3A_243 = arith.mulf %get3A_239, %get3A_242 : vector<16xf32>
        %add3A_244 = arith.addf %add3A_227, %mul3A_243 : vector<16xf32>
        %add3A_245 = arith.constant 4096 : i32
        %add3A_246 = arith.addi %add3A_245, %add3A_236 : i32
        %get3A_247 = arith.index_cast %add3A_246 : i32 to index
        %get3A_248 = tpu.vector_load %arg8[%get3A_247] {strides = array<i32>} : memref<8192xf32, #tpu.memory_space<vmem>>, vector<16xf32>,
        %get3A_249 = vector.shape_cast %get3A_248 : vector<16xf32> to vector<16xf32>
        %mul3A_250 = arith.mulf %get3A_239, %get3A_249 : vector<16xf32>
        %add3A_251 = arith.addf %add3A_234, %mul3A_250 : vector<16xf32>
        %add3A_252 = arith.constant 3584 : i32
        %add3A_253 = arith.addi %add3A_252, %mul3A_130 : i32
        %get3A_254 = arith.index_cast %add3A_253 : i32 to index
        %get3A_255 = tpu.vector_load %arg7[%get3A_254] {strides = array<i32>} : memref<4096xf32, #tpu.memory_space<vmem>>, vector<16xf32>,
        %get3A_256 = vector.shape_cast %get3A_255 : vector<16xf32> to vector<16xf32>
        %get3A_257 = arith.index_cast %add3A_253 : i32 to index
        %get3A_258 = tpu.vector_load %arg8[%get3A_257] {strides = array<i32>} : memref<8192xf32, #tpu.memory_space<vmem>>, vector<16xf32>,
        %get3A_259 = vector.shape_cast %get3A_258 : vector<16xf32> to vector<16xf32>
        %mul3A_260 = arith.mulf %get3A_256, %get3A_259 : vector<16xf32>
        %add3A_261 = arith.addf %add3A_244, %mul3A_260 : vector<16xf32>
        %add3A_262 = arith.constant 4096 : i32
        %add3A_263 = arith.addi %add3A_262, %add3A_253 : i32
        %get3A_264 = arith.index_cast %add3A_263 : i32 to index
        %get3A_265 = tpu.vector_load %arg8[%get3A_264] {strides = array<i32>} : memref<8192xf32, #tpu.memory_space<vmem>>, vector<16xf32>,
        %get3A_266 = vector.shape_cast %get3A_265 : vector<16xf32> to vector<16xf32>
        %mul3A_267 = arith.mulf %get3A_256, %get3A_266 : vector<16xf32>
        %add3A_268 = arith.addf %add3A_251, %mul3A_267 : vector<16xf32>
        %swap3A = arith.index_cast %mul3A_130 : i32 to index
        %swap3A_269 = tpu.vector_load %arg12[%swap3A] {strides = array<i32>} : memref<1024xf32, #tpu.memory_space<vmem>>, vector<16xf32>,
        %swap3A_270 = vector.shape_cast %swap3A_269 : vector<16xf32> to vector<16xf32>
        %swap3A_271 = vector.shape_cast %add3A_261 : vector<16xf32> to vector<16xf32>
        tpu.vector_store %arg12[%swap3A], %swap3A_271 {strides = array<i32>} : memref<1024xf32, #tpu.memory_space<vmem>>, vector<16xf32>,
        %add3A_272 = arith.constant 512 : i32
        %add3A_273 = arith.addi %add3A_272, %mul3A_130 : i32
        %swap3A_274 = arith.index_cast %add3A_273 : i32 to index
        %swap3A_275 = tpu.vector_load %arg12[%swap3A_274] {strides = array<i32>} : memref<1024xf32, #tpu.memory_space<vmem>>, vector<16xf32>,
        %swap3A_276 = vector.shape_cast %swap3A_275 : vector<16xf32> to vector<16xf32>
        %swap3A_277 = vector.shape_cast %add3A_268 : vector<16xf32> to vector<16xf32>
        tpu.vector_store %arg12[%swap3A_274], %swap3A_277 {strides = array<i32>} : memref<1024xf32, #tpu.memory_space<vmem>>, vector<16xf32>,
        %scan3A_278 = arith.constant 0 : i32
        scf.yield %scan3A_278 : i32
      }
      %scan3A_101 = arith.constant 32 : i32
      %add3A_102 = arith.constant 524288 : i32
      %add3A_103 = arith.addi %add3A_102, %add3A_13 : i32
      "tpu.region"() ({
        %run_scoped3A = tpu.sem_alloc : memref<!tpu.dma_semaphore, #tpu.memory_space<semaphore_mem>>
        %dma_start3A_127 = arith.constant 0 : i32
        %dma_start3A_128 = tpu.memref_slice %arg12[%dma_start3A_127] : memref<1024xf32, #tpu.memory_space<vmem>> -> memref<512xf32, #tpu.memory_space<vmem>>
        %dma_start3A_129 = tpu.memref_slice %arg4[%add3A_103] : memref<4194304xf32, #tpu.memory_space<hbm>> -> memref<512xf32, #tpu.memory_space<hbm>>
        %dma_start3A_130 = tpu.memref_slice %arg4[%add3A_103] : memref<4194304xf32, #tpu.memory_space<hbm>> -> memref<512xf32, #tpu.memory_space<hbm>>
        %dma_start3A_131 = arith.constant 0 : i32
        %dma_start3A_132 = tpu.memref_slice %arg12[%dma_start3A_131] : memref<1024xf32, #tpu.memory_space<vmem>> -> memref<512xf32, #tpu.memory_space<vmem>>
        tpu.enqueue_dma source(%dma_start3A_132 : memref<512xf32, #tpu.memory_space<vmem>>) target(%dma_start3A_130 : memref<512xf32, #tpu.memory_space<hbm>>) target_semaphore(%run_scoped3A : memref<!tpu.dma_semaphore, #tpu.memory_space<semaphore_mem>>)
        %dma_wait3A_133 = arith.constant 0 : i32
        %dma_wait3A_134 = tpu.memref_slice %arg12[%dma_wait3A_133] : memref<1024xf32, #tpu.memory_space<vmem>> -> memref<512xf32, #tpu.memory_space<vmem>>
        %dma_wait3A_135 = tpu.memref_slice %arg4[%add3A_103] : memref<4194304xf32, #tpu.memory_space<hbm>> -> memref<512xf32, #tpu.memory_space<hbm>>
        %dma_wait3A_136 = tpu.memref_slice %arg4[%add3A_103] : memref<4194304xf32, #tpu.memory_space<hbm>> -> memref<512xf32, #tpu.memory_space<hbm>>
        %dma_wait3A_137 = arith.constant 0 : i32
        %dma_wait3A_138 = tpu.memref_slice %arg12[%dma_wait3A_137] : memref<1024xf32, #tpu.memory_space<vmem>> -> memref<512xf32, #tpu.memory_space<vmem>>
        tpu.wait_dma2 semaphore(%run_scoped3A : memref<!tpu.dma_semaphore, #tpu.memory_space<semaphore_mem>>) src(%dma_wait3A_138 : memref<512xf32, #tpu.memory_space<vmem>>) dst(%dma_wait3A_136 : memref<512xf32, #tpu.memory_space<hbm>>)
        tpu.yield
      }) : () -> ()
      %add3A_104 = arith.constant 131072 : i32
      %add3A_105 = arith.addi %add3A_103, %add3A_104 : i32
      "tpu.region"() ({
        %run_scoped3A = tpu.sem_alloc : memref<!tpu.dma_semaphore, #tpu.memory_space<semaphore_mem>>
        %dma_start3A_127 = arith.constant 512 : i32
        %dma_start3A_128 = tpu.memref_slice %arg12[%dma_start3A_127] : memref<1024xf32, #tpu.memory_space<vmem>> -> memref<512xf32, #tpu.memory_space<vmem>>
        %dma_start3A_129 = tpu.memref_slice %arg4[%add3A_105] : memref<4194304xf32, #tpu.memory_space<hbm>> -> memref<512xf32, #tpu.memory_space<hbm>>
        %dma_start3A_130 = tpu.memref_slice %arg4[%add3A_105] : memref<4194304xf32, #tpu.memory_space<hbm>> -> memref<512xf32, #tpu.memory_space<hbm>>
        %dma_start3A_131 = arith.constant 512 : i32
        %dma_start3A_132 = tpu.memref_slice %arg12[%dma_start3A_131] : memref<1024xf32, #tpu.memory_space<vmem>> -> memref<512xf32, #tpu.memory_space<vmem>>
        tpu.enqueue_dma source(%dma_start3A_132 : memref<512xf32, #tpu.memory_space<vmem>>) target(%dma_start3A_130 : memref<512xf32, #tpu.memory_space<hbm>>) target_semaphore(%run_scoped3A : memref<!tpu.dma_semaphore, #tpu.memory_space<semaphore_mem>>)
        %dma_wait3A_133 = arith.constant 512 : i32
        %dma_wait3A_134 = tpu.memref_slice %arg12[%dma_wait3A_133] : memref<1024xf32, #tpu.memory_space<vmem>> -> memref<512xf32, #tpu.memory_space<vmem>>
        %dma_wait3A_135 = tpu.memref_slice %arg4[%add3A_105] : memref<4194304xf32, #tpu.memory_space<hbm>> -> memref<512xf32, #tpu.memory_space<hbm>>
        %dma_wait3A_136 = tpu.memref_slice %arg4[%add3A_105] : memref<4194304xf32, #tpu.memory_space<hbm>> -> memref<512xf32, #tpu.memory_space<hbm>>
        %dma_wait3A_137 = arith.constant 512 : i32
        %dma_wait3A_138 = tpu.memref_slice %arg12[%dma_wait3A_137] : memref<1024xf32, #tpu.memory_space<vmem>> -> memref<512xf32, #tpu.memory_space<vmem>>
        tpu.wait_dma2 semaphore(%run_scoped3A : memref<!tpu.dma_semaphore, #tpu.memory_space<semaphore_mem>>) src(%dma_wait3A_138 : memref<512xf32, #tpu.memory_space<vmem>>) dst(%dma_wait3A_136 : memref<512xf32, #tpu.memory_space<hbm>>)
        tpu.yield
      }) : () -> ()
      %scan3A_106 = arith.constant 0 : i32
      %scan3A_107 = arith.constant 0 : i32
      %scan3A_108 = arith.constant 6 : i32
      %scan3A_109 = arith.addi %scan3A_107, %scan3A_108 : i32
      %scan3A_110 = arith.constant 1 : i32
      %scan3A_111 = scf.for %scan3A_127 = %scan3A_107 to %scan3A_109 step %scan3A_110 iter_args(%scan3A_128 = %scan3A_106) -> (i32)  : i32 {
        %mul3A_129 = arith.constant 2 : i32
        %mul3A_130 = arith.muli %mul3A_129, %scan3A_127 : i32
        %add3A_131 = arith.constant 4 : i32
        %add3A_132 = arith.addi %add3A_131, %mul3A_130 : i32
        %add3A_133 = arith.constant 1 : i32
        %add3A_134 = arith.addi %add3A_132, %add3A_133 : i32
        %shift_left3A_135 = arith.constant 16 : i32
        %shift_left3A_136 = arith.shli %shift_left3A_135, %add3A_132 : i32
        %convert_element_type3A_137 = arith.sitofp %shift_left3A_136 : i32 to f32
        %sub3A_138 = arith.constant 1.000000e+00 : f32
        %sub3A_139 = arith.subf %convert_element_type3A_137, %sub3A_138 : f32
        %sub3A_140 = arith.constant 3 : i32
        %sub3A_141 = arith.subi %add3A_132, %sub3A_140 : i32
        %mul3A_142 = arith.constant 1048576 : i32
        %mul3A_143 = arith.muli %sub3A_141, %mul3A_142 : i32
        %add3A_144 = arith.constant 630992 : i32
        %add3A_145 = arith.addi %mul3A_143, %add3A_144 : i32
        %scan3A_146 = arith.constant 0 : i32
        %scan3A_147 = arith.constant 0 : i32
        %scan3A_148 = arith.constant 32 : i32
        %scan3A_149 = arith.addi %scan3A_147, %scan3A_148 : i32
        %scan3A_150 = arith.constant 1 : i32
        %scan3A_151 = scf.for %scan3A_212 = %scan3A_147 to %scan3A_149 step %scan3A_150 iter_args(%scan3A_213 = %scan3A_146) -> (i32)  : i32 {
          %mul3A_214 = arith.constant 16 : i32
          %mul3A_215 = arith.muli %scan3A_212, %mul3A_214 : i32
          %get3A = arith.index_cast %mul3A_215 : i32 to index
          %get3A_216 = tpu.vector_load %arg5[%get3A] {strides = array<i32>} : memref<1536xf32, #tpu.memory_space<vmem>>, vector<16xf32>,
          %get3A_217 = vector.shape_cast %get3A_216 : vector<16xf32> to vector<16xf32>
          %add3A_218 = arith.constant 512 : i32
          %add3A_219 = arith.addi %add3A_218, %mul3A_215 : i32
          %get3A_220 = arith.index_cast %add3A_219 : i32 to index
          %get3A_221 = tpu.vector_load %arg5[%get3A_220] {strides = array<i32>} : memref<1536xf32, #tpu.memory_space<vmem>>, vector<16xf32>,
          %get3A_222 = vector.shape_cast %get3A_221 : vector<16xf32> to vector<16xf32>
          %add3A_223 = arith.constant 1024 : i32
          %add3A_224 = arith.addi %add3A_223, %mul3A_215 : i32
          %get3A_225 = arith.index_cast %add3A_224 : i32 to index
          %get3A_226 = tpu.vector_load %arg5[%get3A_225] {strides = array<i32>} : memref<1536xf32, #tpu.memory_space<vmem>>, vector<16xf32>,
          %get3A_227 = vector.shape_cast %get3A_226 : vector<16xf32> to vector<16xf32>
          %mul3A_228 = vector.broadcast %sub3A_139 : f32 to vector<16xf32>
          %mul3A_229 = arith.mulf %get3A_217, %mul3A_228 : vector<16xf32>
          %add3A_230 = arith.constant 5.000000e-01 : f32
          %add3A_231 = vector.broadcast %add3A_230 : f32 to vector<16xf32>
          %add3A_232 = arith.addf %mul3A_229, %add3A_231 : vector<16xf32>
          %mul3A_233 = vector.broadcast %sub3A_139 : f32 to vector<16xf32>
          %mul3A_234 = arith.mulf %get3A_222, %mul3A_233 : vector<16xf32>
          %add3A_235 = arith.constant 5.000000e-01 : f32
          %add3A_236 = vector.broadcast %add3A_235 : f32 to vector<16xf32>
          %add3A_237 = arith.addf %mul3A_234, %add3A_236 : vector<16xf32>
          %mul3A_238 = vector.broadcast %sub3A_139 : f32 to vector<16xf32>
          %mul3A_239 = arith.mulf %get3A_227, %mul3A_238 : vector<16xf32>
          %add3A_240 = arith.constant 5.000000e-01 : f32
          %add3A_241 = vector.broadcast %add3A_240 : f32 to vector<16xf32>
          %add3A_242 = arith.addf %mul3A_239, %add3A_241 : vector<16xf32>
          %convert_element_type3A_243 = arith.fptosi %add3A_232 : vector<16xf32> to vector<16xi32>
          %convert_element_type3A_244 = arith.fptosi %add3A_237 : vector<16xf32> to vector<16xi32>
          %convert_element_type3A_245 = arith.fptosi %add3A_242 : vector<16xf32> to vector<16xi32>
          %convert_element_type3A_246 = arith.sitofp %convert_element_type3A_243 : vector<16xi32> to vector<16xf32>
          %sub3A_247 = arith.subf %add3A_232, %convert_element_type3A_246 : vector<16xf32>
          %convert_element_type3A_248 = arith.sitofp %convert_element_type3A_244 : vector<16xi32> to vector<16xf32>
          %sub3A_249 = arith.subf %add3A_237, %convert_element_type3A_248 : vector<16xf32>
          %convert_element_type3A_250 = arith.sitofp %convert_element_type3A_245 : vector<16xi32> to vector<16xf32>
          %sub3A_251 = arith.subf %add3A_242, %convert_element_type3A_250 : vector<16xf32>
          %sub3A_252 = arith.constant 1.000000e+00 : f32
          %sub3A_253 = vector.broadcast %sub3A_252 : f32 to vector<16xf32>
          %sub3A_254 = arith.subf %sub3A_253, %sub3A_247 : vector<16xf32>
          %sub3A_255 = arith.constant 1.000000e+00 : f32
          %sub3A_256 = vector.broadcast %sub3A_255 : f32 to vector<16xf32>
          %sub3A_257 = arith.subf %sub3A_256, %sub3A_249 : vector<16xf32>
          %sub3A_258 = arith.constant 1.000000e+00 : f32
          %sub3A_259 = vector.broadcast %sub3A_258 : f32 to vector<16xf32>
          %sub3A_260 = arith.subf %sub3A_259, %sub3A_251 : vector<16xf32>
          %mul3A_261 = arith.mulf %sub3A_254, %sub3A_257 : vector<16xf32>
          %mul3A_262 = arith.mulf %sub3A_247, %sub3A_257 : vector<16xf32>
          %mul3A_263 = arith.mulf %sub3A_254, %sub3A_249 : vector<16xf32>
          %mul3A_264 = arith.mulf %sub3A_247, %sub3A_249 : vector<16xf32>
          %add3A_265 = arith.constant 1 : i32
          %add3A_266 = vector.broadcast %add3A_265 : i32 to vector<16xi32>
          %add3A_267 = arith.addi %convert_element_type3A_243, %add3A_266 : vector<16xi32>
          %mul3A_268 = arith.constant -1640531535 : i32
          %mul3A_269 = vector.broadcast %mul3A_268 : i32 to vector<16xi32>
          %mul3A_270 = arith.muli %convert_element_type3A_244, %mul3A_269 : vector<16xi32>
          %add3A_271 = arith.constant -1640531535 : i32
          %add3A_272 = vector.broadcast %add3A_271 : i32 to vector<16xi32>
          %add3A_273 = arith.addi %mul3A_270, %add3A_272 : vector<16xi32>
          %mul3A_274 = arith.constant 805459861 : i32
          %mul3A_275 = vector.broadcast %mul3A_274 : i32 to vector<16xi32>
          %mul3A_276 = arith.muli %convert_element_type3A_245, %mul3A_275 : vector<16xi32>
          %add3A_277 = arith.constant 805459861 : i32
          %add3A_278 = vector.broadcast %add3A_277 : i32 to vector<16xi32>
          %add3A_279 = arith.addi %mul3A_276, %add3A_278 : vector<16xi32>
          %xor3A = arith.xori %convert_element_type3A_243, %mul3A_270 : vector<16xi32>
          %xor3A_280 = arith.xori %xor3A, %mul3A_276 : vector<16xi32>
          %and3A = arith.constant 524287 : i32
          %and3A_281 = vector.broadcast %and3A : i32 to vector<16xi32>
          %and3A_282 = arith.andi %xor3A_280, %and3A_281 : vector<16xi32>
          %shift_left3A_283 = arith.constant 1 : i32
          %shift_left3A_284 = vector.broadcast %shift_left3A_283 : i32 to vector<16xi32>
          %shift_left3A_285 = arith.shli %and3A_282, %shift_left3A_284 : vector<16xi32>
          %add3A_286 = vector.broadcast %add3A_145 : i32 to vector<16xi32>
          %add3A_287 = arith.addi %shift_left3A_285, %add3A_286 : vector<16xi32>
          %mul3A_288 = arith.mulf %mul3A_261, %sub3A_260 : vector<16xf32>
          %add3A_289 = arith.constant 0 : i32
          %add3A_290 = arith.addi %add3A_289, %mul3A_215 : i32
          %swap3A = arith.index_cast %add3A_290 : i32 to index
          %swap3A_291 = tpu.vector_load %arg6[%swap3A] {strides = array<i32>} : memref<8192xi32, #tpu.memory_space<vmem>>, vector<16xi32>,
          %swap3A_292 = vector.shape_cast %swap3A_291 : vector<16xi32> to vector<16xi32>
          %swap3A_293 = vector.shape_cast %add3A_287 : vector<16xi32> to vector<16xi32>
          tpu.vector_store %arg6[%swap3A], %swap3A_293 {strides = array<i32>} : memref<8192xi32, #tpu.memory_space<vmem>>, vector<16xi32>,
          %add3A_294 = arith.constant 1 : i32
          %add3A_295 = vector.broadcast %add3A_294 : i32 to vector<16xi32>
          %add3A_296 = arith.addi %add3A_287, %add3A_295 : vector<16xi32>
          %add3A_297 = arith.constant 4096 : i32
          %add3A_298 = arith.addi %add3A_297, %add3A_290 : i32
          %swap3A_299 = arith.index_cast %add3A_298 : i32 to index
          %swap3A_300 = tpu.vector_load %arg6[%swap3A_299] {strides = array<i32>} : memref<8192xi32, #tpu.memory_space<vmem>>, vector<16xi32>,
          %swap3A_301 = vector.shape_cast %swap3A_300 : vector<16xi32> to vector<16xi32>
          %swap3A_302 = vector.shape_cast %add3A_296 : vector<16xi32> to vector<16xi32>
          tpu.vector_store %arg6[%swap3A_299], %swap3A_302 {strides = array<i32>} : memref<8192xi32, #tpu.memory_space<vmem>>, vector<16xi32>,
          %swap3A_303 = arith.index_cast %add3A_290 : i32 to index
          %swap3A_304 = tpu.vector_load %arg7[%swap3A_303] {strides = array<i32>} : memref<4096xf32, #tpu.memory_space<vmem>>, vector<16xf32>,
          %swap3A_305 = vector.shape_cast %swap3A_304 : vector<16xf32> to vector<16xf32>
          %swap3A_306 = vector.shape_cast %mul3A_288 : vector<16xf32> to vector<16xf32>
          tpu.vector_store %arg7[%swap3A_303], %swap3A_306 {strides = array<i32>} : memref<4096xf32, #tpu.memory_space<vmem>>, vector<16xf32>,
          %xor3A_307 = arith.xori %add3A_267, %mul3A_270 : vector<16xi32>
          %xor3A_308 = arith.xori %xor3A_307, %mul3A_276 : vector<16xi32>
          %and3A_309 = arith.constant 524287 : i32
          %and3A_310 = vector.broadcast %and3A_309 : i32 to vector<16xi32>
          %and3A_311 = arith.andi %xor3A_308, %and3A_310 : vector<16xi32>
          %shift_left3A_312 = arith.constant 1 : i32
          %shift_left3A_313 = vector.broadcast %shift_left3A_312 : i32 to vector<16xi32>
          %shift_left3A_314 = arith.shli %and3A_311, %shift_left3A_313 : vector<16xi32>
          %add3A_315 = vector.broadcast %add3A_145 : i32 to vector<16xi32>
          %add3A_316 = arith.addi %shift_left3A_314, %add3A_315 : vector<16xi32>
          %mul3A_317 = arith.mulf %mul3A_262, %sub3A_260 : vector<16xf32>
          %add3A_318 = arith.constant 512 : i32
          %add3A_319 = arith.addi %add3A_318, %mul3A_215 : i32
          %swap3A_320 = arith.index_cast %add3A_319 : i32 to index
          %swap3A_321 = tpu.vector_load %arg6[%swap3A_320] {strides = array<i32>} : memref<8192xi32, #tpu.memory_space<vmem>>, vector<16xi32>,
          %swap3A_322 = vector.shape_cast %swap3A_321 : vector<16xi32> to vector<16xi32>
          %swap3A_323 = vector.shape_cast %add3A_316 : vector<16xi32> to vector<16xi32>
          tpu.vector_store %arg6[%swap3A_320], %swap3A_323 {strides = array<i32>} : memref<8192xi32, #tpu.memory_space<vmem>>, vector<16xi32>,
          %add3A_324 = arith.constant 1 : i32
          %add3A_325 = vector.broadcast %add3A_324 : i32 to vector<16xi32>
          %add3A_326 = arith.addi %add3A_316, %add3A_325 : vector<16xi32>
          %add3A_327 = arith.constant 4096 : i32
          %add3A_328 = arith.addi %add3A_327, %add3A_319 : i32
          %swap3A_329 = arith.index_cast %add3A_328 : i32 to index
          %swap3A_330 = tpu.vector_load %arg6[%swap3A_329] {strides = array<i32>} : memref<8192xi32, #tpu.memory_space<vmem>>, vector<16xi32>,
          %swap3A_331 = vector.shape_cast %swap3A_330 : vector<16xi32> to vector<16xi32>
          %swap3A_332 = vector.shape_cast %add3A_326 : vector<16xi32> to vector<16xi32>
          tpu.vector_store %arg6[%swap3A_329], %swap3A_332 {strides = array<i32>} : memref<8192xi32, #tpu.memory_space<vmem>>, vector<16xi32>,
          %swap3A_333 = arith.index_cast %add3A_319 : i32 to index
          %swap3A_334 = tpu.vector_load %arg7[%swap3A_333] {strides = array<i32>} : memref<4096xf32, #tpu.memory_space<vmem>>, vector<16xf32>,
          %swap3A_335 = vector.shape_cast %swap3A_334 : vector<16xf32> to vector<16xf32>
          %swap3A_336 = vector.shape_cast %mul3A_317 : vector<16xf32> to vector<16xf32>
          tpu.vector_store %arg7[%swap3A_333], %swap3A_336 {strides = array<i32>} : memref<4096xf32, #tpu.memory_space<vmem>>, vector<16xf32>,
          %xor3A_337 = arith.xori %convert_element_type3A_243, %add3A_273 : vector<16xi32>
          %xor3A_338 = arith.xori %xor3A_337, %mul3A_276 : vector<16xi32>
          %and3A_339 = arith.constant 524287 : i32
          %and3A_340 = vector.broadcast %and3A_339 : i32 to vector<16xi32>
          %and3A_341 = arith.andi %xor3A_338, %and3A_340 : vector<16xi32>
          %shift_left3A_342 = arith.constant 1 : i32
          %shift_left3A_343 = vector.broadcast %shift_left3A_342 : i32 to vector<16xi32>
          %shift_left3A_344 = arith.shli %and3A_341, %shift_left3A_343 : vector<16xi32>
          %add3A_345 = vector.broadcast %add3A_145 : i32 to vector<16xi32>
          %add3A_346 = arith.addi %shift_left3A_344, %add3A_345 : vector<16xi32>
          %mul3A_347 = arith.mulf %mul3A_263, %sub3A_260 : vector<16xf32>
          %add3A_348 = arith.constant 1024 : i32
          %add3A_349 = arith.addi %add3A_348, %mul3A_215 : i32
          %swap3A_350 = arith.index_cast %add3A_349 : i32 to index
          %swap3A_351 = tpu.vector_load %arg6[%swap3A_350] {strides = array<i32>} : memref<8192xi32, #tpu.memory_space<vmem>>, vector<16xi32>,
          %swap3A_352 = vector.shape_cast %swap3A_351 : vector<16xi32> to vector<16xi32>
          %swap3A_353 = vector.shape_cast %add3A_346 : vector<16xi32> to vector<16xi32>
          tpu.vector_store %arg6[%swap3A_350], %swap3A_353 {strides = array<i32>} : memref<8192xi32, #tpu.memory_space<vmem>>, vector<16xi32>,
          %add3A_354 = arith.constant 1 : i32
          %add3A_355 = vector.broadcast %add3A_354 : i32 to vector<16xi32>
          %add3A_356 = arith.addi %add3A_346, %add3A_355 : vector<16xi32>
          %add3A_357 = arith.constant 4096 : i32
          %add3A_358 = arith.addi %add3A_357, %add3A_349 : i32
          %swap3A_359 = arith.index_cast %add3A_358 : i32 to index
          %swap3A_360 = tpu.vector_load %arg6[%swap3A_359] {strides = array<i32>} : memref<8192xi32, #tpu.memory_space<vmem>>, vector<16xi32>,
          %swap3A_361 = vector.shape_cast %swap3A_360 : vector<16xi32> to vector<16xi32>
          %swap3A_362 = vector.shape_cast %add3A_356 : vector<16xi32> to vector<16xi32>
          tpu.vector_store %arg6[%swap3A_359], %swap3A_362 {strides = array<i32>} : memref<8192xi32, #tpu.memory_space<vmem>>, vector<16xi32>,
          %swap3A_363 = arith.index_cast %add3A_349 : i32 to index
          %swap3A_364 = tpu.vector_load %arg7[%swap3A_363] {strides = array<i32>} : memref<4096xf32, #tpu.memory_space<vmem>>, vector<16xf32>,
          %swap3A_365 = vector.shape_cast %swap3A_364 : vector<16xf32> to vector<16xf32>
          %swap3A_366 = vector.shape_cast %mul3A_347 : vector<16xf32> to vector<16xf32>
          tpu.vector_store %arg7[%swap3A_363], %swap3A_366 {strides = array<i32>} : memref<4096xf32, #tpu.memory_space<vmem>>, vector<16xf32>,
          %xor3A_367 = arith.xori %add3A_267, %add3A_273 : vector<16xi32>
          %xor3A_368 = arith.xori %xor3A_367, %mul3A_276 : vector<16xi32>
          %and3A_369 = arith.constant 524287 : i32
          %and3A_370 = vector.broadcast %and3A_369 : i32 to vector<16xi32>
          %and3A_371 = arith.andi %xor3A_368, %and3A_370 : vector<16xi32>
          %shift_left3A_372 = arith.constant 1 : i32
          %shift_left3A_373 = vector.broadcast %shift_left3A_372 : i32 to vector<16xi32>
          %shift_left3A_374 = arith.shli %and3A_371, %shift_left3A_373 : vector<16xi32>
          %add3A_375 = vector.broadcast %add3A_145 : i32 to vector<16xi32>
          %add3A_376 = arith.addi %shift_left3A_374, %add3A_375 : vector<16xi32>
          %mul3A_377 = arith.mulf %mul3A_264, %sub3A_260 : vector<16xf32>
          %add3A_378 = arith.constant 1536 : i32
          %add3A_379 = arith.addi %add3A_378, %mul3A_215 : i32
          %swap3A_380 = arith.index_cast %add3A_379 : i32 to index
          %swap3A_381 = tpu.vector_load %arg6[%swap3A_380] {strides = array<i32>} : memref<8192xi32, #tpu.memory_space<vmem>>, vector<16xi32>,
          %swap3A_382 = vector.shape_cast %swap3A_381 : vector<16xi32> to vector<16xi32>
          %swap3A_383 = vector.shape_cast %add3A_376 : vector<16xi32> to vector<16xi32>
          tpu.vector_store %arg6[%swap3A_380], %swap3A_383 {strides = array<i32>} : memref<8192xi32, #tpu.memory_space<vmem>>, vector<16xi32>,
          %add3A_384 = arith.constant 1 : i32
          %add3A_385 = vector.broadcast %add3A_384 : i32 to vector<16xi32>
          %add3A_386 = arith.addi %add3A_376, %add3A_385 : vector<16xi32>
          %add3A_387 = arith.constant 4096 : i32
          %add3A_388 = arith.addi %add3A_387, %add3A_379 : i32
          %swap3A_389 = arith.index_cast %add3A_388 : i32 to index
          %swap3A_390 = tpu.vector_load %arg6[%swap3A_389] {strides = array<i32>} : memref<8192xi32, #tpu.memory_space<vmem>>, vector<16xi32>,
          %swap3A_391 = vector.shape_cast %swap3A_390 : vector<16xi32> to vector<16xi32>
          %swap3A_392 = vector.shape_cast %add3A_386 : vector<16xi32> to vector<16xi32>
          tpu.vector_store %arg6[%swap3A_389], %swap3A_392 {strides = array<i32>} : memref<8192xi32, #tpu.memory_space<vmem>>, vector<16xi32>,
          %swap3A_393 = arith.index_cast %add3A_379 : i32 to index
          %swap3A_394 = tpu.vector_load %arg7[%swap3A_393] {strides = array<i32>} : memref<4096xf32, #tpu.memory_space<vmem>>, vector<16xf32>,
          %swap3A_395 = vector.shape_cast %swap3A_394 : vector<16xf32> to vector<16xf32>
          %swap3A_396 = vector.shape_cast %mul3A_377 : vector<16xf32> to vector<16xf32>
          tpu.vector_store %arg7[%swap3A_393], %swap3A_396 {strides = array<i32>} : memref<4096xf32, #tpu.memory_space<vmem>>, vector<16xf32>,
          %xor3A_397 = arith.xori %convert_element_type3A_243, %mul3A_270 : vector<16xi32>
          %xor3A_398 = arith.xori %xor3A_397, %add3A_279 : vector<16xi32>
          %and3A_399 = arith.constant 524287 : i32
          %and3A_400 = vector.broadcast %and3A_399 : i32 to vector<16xi32>
          %and3A_401 = arith.andi %xor3A_398, %and3A_400 : vector<16xi32>
          %shift_left3A_402 = arith.constant 1 : i32
          %shift_left3A_403 = vector.broadcast %shift_left3A_402 : i32 to vector<16xi32>
          %shift_left3A_404 = arith.shli %and3A_401, %shift_left3A_403 : vector<16xi32>
          %add3A_405 = vector.broadcast %add3A_145 : i32 to vector<16xi32>
          %add3A_406 = arith.addi %shift_left3A_404, %add3A_405 : vector<16xi32>
          %mul3A_407 = arith.mulf %mul3A_261, %sub3A_251 : vector<16xf32>
          %add3A_408 = arith.constant 2048 : i32
          %add3A_409 = arith.addi %add3A_408, %mul3A_215 : i32
          %swap3A_410 = arith.index_cast %add3A_409 : i32 to index
          %swap3A_411 = tpu.vector_load %arg6[%swap3A_410] {strides = array<i32>} : memref<8192xi32, #tpu.memory_space<vmem>>, vector<16xi32>,
          %swap3A_412 = vector.shape_cast %swap3A_411 : vector<16xi32> to vector<16xi32>
          %swap3A_413 = vector.shape_cast %add3A_406 : vector<16xi32> to vector<16xi32>
          tpu.vector_store %arg6[%swap3A_410], %swap3A_413 {strides = array<i32>} : memref<8192xi32, #tpu.memory_space<vmem>>, vector<16xi32>,
          %add3A_414 = arith.constant 1 : i32
          %add3A_415 = vector.broadcast %add3A_414 : i32 to vector<16xi32>
          %add3A_416 = arith.addi %add3A_406, %add3A_415 : vector<16xi32>
          %add3A_417 = arith.constant 4096 : i32
          %add3A_418 = arith.addi %add3A_417, %add3A_409 : i32
          %swap3A_419 = arith.index_cast %add3A_418 : i32 to index
          %swap3A_420 = tpu.vector_load %arg6[%swap3A_419] {strides = array<i32>} : memref<8192xi32, #tpu.memory_space<vmem>>, vector<16xi32>,
          %swap3A_421 = vector.shape_cast %swap3A_420 : vector<16xi32> to vector<16xi32>
          %swap3A_422 = vector.shape_cast %add3A_416 : vector<16xi32> to vector<16xi32>
          tpu.vector_store %arg6[%swap3A_419], %swap3A_422 {strides = array<i32>} : memref<8192xi32, #tpu.memory_space<vmem>>, vector<16xi32>,
          %swap3A_423 = arith.index_cast %add3A_409 : i32 to index
          %swap3A_424 = tpu.vector_load %arg7[%swap3A_423] {strides = array<i32>} : memref<4096xf32, #tpu.memory_space<vmem>>, vector<16xf32>,
          %swap3A_425 = vector.shape_cast %swap3A_424 : vector<16xf32> to vector<16xf32>
          %swap3A_426 = vector.shape_cast %mul3A_407 : vector<16xf32> to vector<16xf32>
          tpu.vector_store %arg7[%swap3A_423], %swap3A_426 {strides = array<i32>} : memref<4096xf32, #tpu.memory_space<vmem>>, vector<16xf32>,
          %xor3A_427 = arith.xori %add3A_267, %mul3A_270 : vector<16xi32>
          %xor3A_428 = arith.xori %xor3A_427, %add3A_279 : vector<16xi32>
          %and3A_429 = arith.constant 524287 : i32
          %and3A_430 = vector.broadcast %and3A_429 : i32 to vector<16xi32>
          %and3A_431 = arith.andi %xor3A_428, %and3A_430 : vector<16xi32>
          %shift_left3A_432 = arith.constant 1 : i32
          %shift_left3A_433 = vector.broadcast %shift_left3A_432 : i32 to vector<16xi32>
          %shift_left3A_434 = arith.shli %and3A_431, %shift_left3A_433 : vector<16xi32>
          %add3A_435 = vector.broadcast %add3A_145 : i32 to vector<16xi32>
          %add3A_436 = arith.addi %shift_left3A_434, %add3A_435 : vector<16xi32>
          %mul3A_437 = arith.mulf %mul3A_262, %sub3A_251 : vector<16xf32>
          %add3A_438 = arith.constant 2560 : i32
          %add3A_439 = arith.addi %add3A_438, %mul3A_215 : i32
          %swap3A_440 = arith.index_cast %add3A_439 : i32 to index
          %swap3A_441 = tpu.vector_load %arg6[%swap3A_440] {strides = array<i32>} : memref<8192xi32, #tpu.memory_space<vmem>>, vector<16xi32>,
          %swap3A_442 = vector.shape_cast %swap3A_441 : vector<16xi32> to vector<16xi32>
          %swap3A_443 = vector.shape_cast %add3A_436 : vector<16xi32> to vector<16xi32>
          tpu.vector_store %arg6[%swap3A_440], %swap3A_443 {strides = array<i32>} : memref<8192xi32, #tpu.memory_space<vmem>>, vector<16xi32>,
          %add3A_444 = arith.constant 1 : i32
          %add3A_445 = vector.broadcast %add3A_444 : i32 to vector<16xi32>
          %add3A_446 = arith.addi %add3A_436, %add3A_445 : vector<16xi32>
          %add3A_447 = arith.constant 4096 : i32
          %add3A_448 = arith.addi %add3A_447, %add3A_439 : i32
          %swap3A_449 = arith.index_cast %add3A_448 : i32 to index
          %swap3A_450 = tpu.vector_load %arg6[%swap3A_449] {strides = array<i32>} : memref<8192xi32, #tpu.memory_space<vmem>>, vector<16xi32>,
          %swap3A_451 = vector.shape_cast %swap3A_450 : vector<16xi32> to vector<16xi32>
          %swap3A_452 = vector.shape_cast %add3A_446 : vector<16xi32> to vector<16xi32>
          tpu.vector_store %arg6[%swap3A_449], %swap3A_452 {strides = array<i32>} : memref<8192xi32, #tpu.memory_space<vmem>>, vector<16xi32>,
          %swap3A_453 = arith.index_cast %add3A_439 : i32 to index
          %swap3A_454 = tpu.vector_load %arg7[%swap3A_453] {strides = array<i32>} : memref<4096xf32, #tpu.memory_space<vmem>>, vector<16xf32>,
          %swap3A_455 = vector.shape_cast %swap3A_454 : vector<16xf32> to vector<16xf32>
          %swap3A_456 = vector.shape_cast %mul3A_437 : vector<16xf32> to vector<16xf32>
          tpu.vector_store %arg7[%swap3A_453], %swap3A_456 {strides = array<i32>} : memref<4096xf32, #tpu.memory_space<vmem>>, vector<16xf32>,
          %xor3A_457 = arith.xori %convert_element_type3A_243, %add3A_273 : vector<16xi32>
          %xor3A_458 = arith.xori %xor3A_457, %add3A_279 : vector<16xi32>
          %and3A_459 = arith.constant 524287 : i32
          %and3A_460 = vector.broadcast %and3A_459 : i32 to vector<16xi32>
          %and3A_461 = arith.andi %xor3A_458, %and3A_460 : vector<16xi32>
          %shift_left3A_462 = arith.constant 1 : i32
          %shift_left3A_463 = vector.broadcast %shift_left3A_462 : i32 to vector<16xi32>
          %shift_left3A_464 = arith.shli %and3A_461, %shift_left3A_463 : vector<16xi32>
          %add3A_465 = vector.broadcast %add3A_145 : i32 to vector<16xi32>
          %add3A_466 = arith.addi %shift_left3A_464, %add3A_465 : vector<16xi32>
          %mul3A_467 = arith.mulf %mul3A_263, %sub3A_251 : vector<16xf32>
          %add3A_468 = arith.constant 3072 : i32
          %add3A_469 = arith.addi %add3A_468, %mul3A_215 : i32
          %swap3A_470 = arith.index_cast %add3A_469 : i32 to index
          %swap3A_471 = tpu.vector_load %arg6[%swap3A_470] {strides = array<i32>} : memref<8192xi32, #tpu.memory_space<vmem>>, vector<16xi32>,
          %swap3A_472 = vector.shape_cast %swap3A_471 : vector<16xi32> to vector<16xi32>
          %swap3A_473 = vector.shape_cast %add3A_466 : vector<16xi32> to vector<16xi32>
          tpu.vector_store %arg6[%swap3A_470], %swap3A_473 {strides = array<i32>} : memref<8192xi32, #tpu.memory_space<vmem>>, vector<16xi32>,
          %add3A_474 = arith.constant 1 : i32
          %add3A_475 = vector.broadcast %add3A_474 : i32 to vector<16xi32>
          %add3A_476 = arith.addi %add3A_466, %add3A_475 : vector<16xi32>
          %add3A_477 = arith.constant 4096 : i32
          %add3A_478 = arith.addi %add3A_477, %add3A_469 : i32
          %swap3A_479 = arith.index_cast %add3A_478 : i32 to index
          %swap3A_480 = tpu.vector_load %arg6[%swap3A_479] {strides = array<i32>} : memref<8192xi32, #tpu.memory_space<vmem>>, vector<16xi32>,
          %swap3A_481 = vector.shape_cast %swap3A_480 : vector<16xi32> to vector<16xi32>
          %swap3A_482 = vector.shape_cast %add3A_476 : vector<16xi32> to vector<16xi32>
          tpu.vector_store %arg6[%swap3A_479], %swap3A_482 {strides = array<i32>} : memref<8192xi32, #tpu.memory_space<vmem>>, vector<16xi32>,
          %swap3A_483 = arith.index_cast %add3A_469 : i32 to index
          %swap3A_484 = tpu.vector_load %arg7[%swap3A_483] {strides = array<i32>} : memref<4096xf32, #tpu.memory_space<vmem>>, vector<16xf32>,
          %swap3A_485 = vector.shape_cast %swap3A_484 : vector<16xf32> to vector<16xf32>
          %swap3A_486 = vector.shape_cast %mul3A_467 : vector<16xf32> to vector<16xf32>
          tpu.vector_store %arg7[%swap3A_483], %swap3A_486 {strides = array<i32>} : memref<4096xf32, #tpu.memory_space<vmem>>, vector<16xf32>,
          %xor3A_487 = arith.xori %add3A_267, %add3A_273 : vector<16xi32>
          %xor3A_488 = arith.xori %xor3A_487, %add3A_279 : vector<16xi32>
          %and3A_489 = arith.constant 524287 : i32
          %and3A_490 = vector.broadcast %and3A_489 : i32 to vector<16xi32>
          %and3A_491 = arith.andi %xor3A_488, %and3A_490 : vector<16xi32>
          %shift_left3A_492 = arith.constant 1 : i32
          %shift_left3A_493 = vector.broadcast %shift_left3A_492 : i32 to vector<16xi32>
          %shift_left3A_494 = arith.shli %and3A_491, %shift_left3A_493 : vector<16xi32>
          %add3A_495 = vector.broadcast %add3A_145 : i32 to vector<16xi32>
          %add3A_496 = arith.addi %shift_left3A_494, %add3A_495 : vector<16xi32>
          %mul3A_497 = arith.mulf %mul3A_264, %sub3A_251 : vector<16xf32>
          %add3A_498 = arith.constant 3584 : i32
          %add3A_499 = arith.addi %add3A_498, %mul3A_215 : i32
          %swap3A_500 = arith.index_cast %add3A_499 : i32 to index
          %swap3A_501 = tpu.vector_load %arg6[%swap3A_500] {strides = array<i32>} : memref<8192xi32, #tpu.memory_space<vmem>>, vector<16xi32>,
          %swap3A_502 = vector.shape_cast %swap3A_501 : vector<16xi32> to vector<16xi32>
          %swap3A_503 = vector.shape_cast %add3A_496 : vector<16xi32> to vector<16xi32>
          tpu.vector_store %arg6[%swap3A_500], %swap3A_503 {strides = array<i32>} : memref<8192xi32, #tpu.memory_space<vmem>>, vector<16xi32>,
          %add3A_504 = arith.constant 1 : i32
          %add3A_505 = vector.broadcast %add3A_504 : i32 to vector<16xi32>
          %add3A_506 = arith.addi %add3A_496, %add3A_505 : vector<16xi32>
          %add3A_507 = arith.constant 4096 : i32
          %add3A_508 = arith.addi %add3A_507, %add3A_499 : i32
          %swap3A_509 = arith.index_cast %add3A_508 : i32 to index
          %swap3A_510 = tpu.vector_load %arg6[%swap3A_509] {strides = array<i32>} : memref<8192xi32, #tpu.memory_space<vmem>>, vector<16xi32>,
          %swap3A_511 = vector.shape_cast %swap3A_510 : vector<16xi32> to vector<16xi32>
          %swap3A_512 = vector.shape_cast %add3A_506 : vector<16xi32> to vector<16xi32>
          tpu.vector_store %arg6[%swap3A_509], %swap3A_512 {strides = array<i32>} : memref<8192xi32, #tpu.memory_space<vmem>>, vector<16xi32>,
          %swap3A_513 = arith.index_cast %add3A_499 : i32 to index
          %swap3A_514 = tpu.vector_load %arg7[%swap3A_513] {strides = array<i32>} : memref<4096xf32, #tpu.memory_space<vmem>>, vector<16xf32>,
          %swap3A_515 = vector.shape_cast %swap3A_514 : vector<16xf32> to vector<16xf32>
          %swap3A_516 = vector.shape_cast %mul3A_497 : vector<16xf32> to vector<16xf32>
          tpu.vector_store %arg7[%swap3A_513], %swap3A_516 {strides = array<i32>} : memref<4096xf32, #tpu.memory_space<vmem>>, vector<16xf32>,
          %scan3A_517 = arith.constant 0 : i32
          scf.yield %scan3A_517 : i32
        }
        %scan3A_152 = arith.constant 32 : i32
        %dma_start3A_153 = arith.constant 0 : i32
        %dma_start3A_154 = tpu.memref_slice %arg3[%dma_start3A_153] : memref<14262480xf32, #tpu.memory_space<hbm>> -> memref<14262480xf32, #tpu.memory_space<hbm>>
        tpu.enqueue_indirect_dma source(%dma_start3A_154 : memref<14262480xf32, #tpu.memory_space<hbm>>) target(%arg8 : memref<8192xf32, #tpu.memory_space<vmem>>) offsets(%arg6 : memref<8192xi32, #tpu.memory_space<vmem>>) semaphore(%arg13 : memref<!tpu.dma_semaphore, #tpu.memory_space<semaphore_mem>>)
        %dma_wait3A_155 = arith.constant 0 : i32
        %dma_wait3A_156 = tpu.memref_slice %arg3[%dma_wait3A_155] : memref<14262480xf32, #tpu.memory_space<hbm>> -> memref<14262480xf32, #tpu.memory_space<hbm>>
        tpu.wait_indirect_dma semaphore(%arg14 : memref<!tpu.dma_semaphore, #tpu.memory_space<semaphore_mem>>) src(%dma_wait3A_156 : memref<14262480xf32, #tpu.memory_space<hbm>>) dst(%arg11 : memref<8192xf32, #tpu.memory_space<vmem>>)
        %sub3A_157 = arith.constant 1 : i32
        %sub3A_158 = arith.subi %add3A_132, %sub3A_157 : i32
        %scan3A_159 = arith.constant 0 : i32
        %scan3A_160 = arith.constant 0 : i32
        %scan3A_161 = arith.constant 32 : i32
        %scan3A_162 = arith.addi %scan3A_160, %scan3A_161 : i32
        %scan3A_163 = arith.constant 1 : i32
        %scan3A_164 = scf.for %scan3A_212 = %scan3A_160 to %scan3A_162 step %scan3A_163 iter_args(%scan3A_213 = %scan3A_159) -> (i32)  : i32 {
          %mul3A_214 = arith.constant 16 : i32
          %mul3A_215 = arith.muli %scan3A_212, %mul3A_214 : i32
          %broadcast_in_dim3A = arith.constant 0.000000e+00 : f32
          %broadcast_in_dim3A_216 = vector.broadcast %broadcast_in_dim3A : f32 to vector<16xf32>
          %broadcast_in_dim3A_217 = arith.constant 0.000000e+00 : f32
          %broadcast_in_dim3A_218 = vector.broadcast %broadcast_in_dim3A_217 : f32 to vector<16xf32>
          %add3A_219 = arith.constant 0 : i32
          %add3A_220 = arith.addi %add3A_219, %mul3A_215 : i32
          %get3A = arith.index_cast %add3A_220 : i32 to index
          %get3A_221 = tpu.vector_load %arg10[%get3A] {strides = array<i32>} : memref<4096xf32, #tpu.memory_space<vmem>>, vector<16xf32>,
          %get3A_222 = vector.shape_cast %get3A_221 : vector<16xf32> to vector<16xf32>
          %get3A_223 = arith.index_cast %add3A_220 : i32 to index
          %get3A_224 = tpu.vector_load %arg11[%get3A_223] {strides = array<i32>} : memref<8192xf32, #tpu.memory_space<vmem>>, vector<16xf32>,
          %get3A_225 = vector.shape_cast %get3A_224 : vector<16xf32> to vector<16xf32>
          %mul3A_226 = arith.mulf %get3A_222, %get3A_225 : vector<16xf32>
          %add3A_227 = arith.addf %broadcast_in_dim3A_216, %mul3A_226 : vector<16xf32>
          %add3A_228 = arith.constant 4096 : i32
          %add3A_229 = arith.addi %add3A_228, %add3A_220 : i32
          %get3A_230 = arith.index_cast %add3A_229 : i32 to index
          %get3A_231 = tpu.vector_load %arg11[%get3A_230] {strides = array<i32>} : memref<8192xf32, #tpu.memory_space<vmem>>, vector<16xf32>,
          %get3A_232 = vector.shape_cast %get3A_231 : vector<16xf32> to vector<16xf32>
          %mul3A_233 = arith.mulf %get3A_222, %get3A_232 : vector<16xf32>
          %add3A_234 = arith.addf %broadcast_in_dim3A_218, %mul3A_233 : vector<16xf32>
          %add3A_235 = arith.constant 512 : i32
          %add3A_236 = arith.addi %add3A_235, %mul3A_215 : i32
          %get3A_237 = arith.index_cast %add3A_236 : i32 to index
          %get3A_238 = tpu.vector_load %arg10[%get3A_237] {strides = array<i32>} : memref<4096xf32, #tpu.memory_space<vmem>>, vector<16xf32>,
          %get3A_239 = vector.shape_cast %get3A_238 : vector<16xf32> to vector<16xf32>
          %get3A_240 = arith.index_cast %add3A_236 : i32 to index
          %get3A_241 = tpu.vector_load %arg11[%get3A_240] {strides = array<i32>} : memref<8192xf32, #tpu.memory_space<vmem>>, vector<16xf32>,
          %get3A_242 = vector.shape_cast %get3A_241 : vector<16xf32> to vector<16xf32>
          %mul3A_243 = arith.mulf %get3A_239, %get3A_242 : vector<16xf32>
          %add3A_244 = arith.addf %add3A_227, %mul3A_243 : vector<16xf32>
          %add3A_245 = arith.constant 4096 : i32
          %add3A_246 = arith.addi %add3A_245, %add3A_236 : i32
          %get3A_247 = arith.index_cast %add3A_246 : i32 to index
          %get3A_248 = tpu.vector_load %arg11[%get3A_247] {strides = array<i32>} : memref<8192xf32, #tpu.memory_space<vmem>>, vector<16xf32>,
          %get3A_249 = vector.shape_cast %get3A_248 : vector<16xf32> to vector<16xf32>
          %mul3A_250 = arith.mulf %get3A_239, %get3A_249 : vector<16xf32>
          %add3A_251 = arith.addf %add3A_234, %mul3A_250 : vector<16xf32>
          %add3A_252 = arith.constant 1024 : i32
          %add3A_253 = arith.addi %add3A_252, %mul3A_215 : i32
          %get3A_254 = arith.index_cast %add3A_253 : i32 to index
          %get3A_255 = tpu.vector_load %arg10[%get3A_254] {strides = array<i32>} : memref<4096xf32, #tpu.memory_space<vmem>>, vector<16xf32>,
          %get3A_256 = vector.shape_cast %get3A_255 : vector<16xf32> to vector<16xf32>
          %get3A_257 = arith.index_cast %add3A_253 : i32 to index
          %get3A_258 = tpu.vector_load %arg11[%get3A_257] {strides = array<i32>} : memref<8192xf32, #tpu.memory_space<vmem>>, vector<16xf32>,
          %get3A_259 = vector.shape_cast %get3A_258 : vector<16xf32> to vector<16xf32>
          %mul3A_260 = arith.mulf %get3A_256, %get3A_259 : vector<16xf32>
          %add3A_261 = arith.addf %add3A_244, %mul3A_260 : vector<16xf32>
          %add3A_262 = arith.constant 4096 : i32
          %add3A_263 = arith.addi %add3A_262, %add3A_253 : i32
          %get3A_264 = arith.index_cast %add3A_263 : i32 to index
          %get3A_265 = tpu.vector_load %arg11[%get3A_264] {strides = array<i32>} : memref<8192xf32, #tpu.memory_space<vmem>>, vector<16xf32>,
          %get3A_266 = vector.shape_cast %get3A_265 : vector<16xf32> to vector<16xf32>
          %mul3A_267 = arith.mulf %get3A_256, %get3A_266 : vector<16xf32>
          %add3A_268 = arith.addf %add3A_251, %mul3A_267 : vector<16xf32>
          %add3A_269 = arith.constant 1536 : i32
          %add3A_270 = arith.addi %add3A_269, %mul3A_215 : i32
          %get3A_271 = arith.index_cast %add3A_270 : i32 to index
          %get3A_272 = tpu.vector_load %arg10[%get3A_271] {strides = array<i32>} : memref<4096xf32, #tpu.memory_space<vmem>>, vector<16xf32>,
          %get3A_273 = vector.shape_cast %get3A_272 : vector<16xf32> to vector<16xf32>
          %get3A_274 = arith.index_cast %add3A_270 : i32 to index
          %get3A_275 = tpu.vector_load %arg11[%get3A_274] {strides = array<i32>} : memref<8192xf32, #tpu.memory_space<vmem>>, vector<16xf32>,
          %get3A_276 = vector.shape_cast %get3A_275 : vector<16xf32> to vector<16xf32>
          %mul3A_277 = arith.mulf %get3A_273, %get3A_276 : vector<16xf32>
          %add3A_278 = arith.addf %add3A_261, %mul3A_277 : vector<16xf32>
          %add3A_279 = arith.constant 4096 : i32
          %add3A_280 = arith.addi %add3A_279, %add3A_270 : i32
          %get3A_281 = arith.index_cast %add3A_280 : i32 to index
          %get3A_282 = tpu.vector_load %arg11[%get3A_281] {strides = array<i32>} : memref<8192xf32, #tpu.memory_space<vmem>>, vector<16xf32>,
          %get3A_283 = vector.shape_cast %get3A_282 : vector<16xf32> to vector<16xf32>
          %mul3A_284 = arith.mulf %get3A_273, %get3A_283 : vector<16xf32>
          %add3A_285 = arith.addf %add3A_268, %mul3A_284 : vector<16xf32>
          %add3A_286 = arith.constant 2048 : i32
          %add3A_287 = arith.addi %add3A_286, %mul3A_215 : i32
          %get3A_288 = arith.index_cast %add3A_287 : i32 to index
          %get3A_289 = tpu.vector_load %arg10[%get3A_288] {strides = array<i32>} : memref<4096xf32, #tpu.memory_space<vmem>>, vector<16xf32>,
          %get3A_290 = vector.shape_cast %get3A_289 : vector<16xf32> to vector<16xf32>
          %get3A_291 = arith.index_cast %add3A_287 : i32 to index
          %get3A_292 = tpu.vector_load %arg11[%get3A_291] {strides = array<i32>} : memref<8192xf32, #tpu.memory_space<vmem>>, vector<16xf32>,
          %get3A_293 = vector.shape_cast %get3A_292 : vector<16xf32> to vector<16xf32>
          %mul3A_294 = arith.mulf %get3A_290, %get3A_293 : vector<16xf32>
          %add3A_295 = arith.addf %add3A_278, %mul3A_294 : vector<16xf32>
          %add3A_296 = arith.constant 4096 : i32
          %add3A_297 = arith.addi %add3A_296, %add3A_287 : i32
          %get3A_298 = arith.index_cast %add3A_297 : i32 to index
          %get3A_299 = tpu.vector_load %arg11[%get3A_298] {strides = array<i32>} : memref<8192xf32, #tpu.memory_space<vmem>>, vector<16xf32>,
          %get3A_300 = vector.shape_cast %get3A_299 : vector<16xf32> to vector<16xf32>
          %mul3A_301 = arith.mulf %get3A_290, %get3A_300 : vector<16xf32>
          %add3A_302 = arith.addf %add3A_285, %mul3A_301 : vector<16xf32>
          %add3A_303 = arith.constant 2560 : i32
          %add3A_304 = arith.addi %add3A_303, %mul3A_215 : i32
          %get3A_305 = arith.index_cast %add3A_304 : i32 to index
          %get3A_306 = tpu.vector_load %arg10[%get3A_305] {strides = array<i32>} : memref<4096xf32, #tpu.memory_space<vmem>>, vector<16xf32>,
          %get3A_307 = vector.shape_cast %get3A_306 : vector<16xf32> to vector<16xf32>
          %get3A_308 = arith.index_cast %add3A_304 : i32 to index
          %get3A_309 = tpu.vector_load %arg11[%get3A_308] {strides = array<i32>} : memref<8192xf32, #tpu.memory_space<vmem>>, vector<16xf32>,
          %get3A_310 = vector.shape_cast %get3A_309 : vector<16xf32> to vector<16xf32>
          %mul3A_311 = arith.mulf %get3A_307, %get3A_310 : vector<16xf32>
          %add3A_312 = arith.addf %add3A_295, %mul3A_311 : vector<16xf32>
          %add3A_313 = arith.constant 4096 : i32
          %add3A_314 = arith.addi %add3A_313, %add3A_304 : i32
          %get3A_315 = arith.index_cast %add3A_314 : i32 to index
          %get3A_316 = tpu.vector_load %arg11[%get3A_315] {strides = array<i32>} : memref<8192xf32, #tpu.memory_space<vmem>>, vector<16xf32>,
          %get3A_317 = vector.shape_cast %get3A_316 : vector<16xf32> to vector<16xf32>
          %mul3A_318 = arith.mulf %get3A_307, %get3A_317 : vector<16xf32>
          %add3A_319 = arith.addf %add3A_302, %mul3A_318 : vector<16xf32>
          %add3A_320 = arith.constant 3072 : i32
          %add3A_321 = arith.addi %add3A_320, %mul3A_215 : i32
          %get3A_322 = arith.index_cast %add3A_321 : i32 to index
          %get3A_323 = tpu.vector_load %arg10[%get3A_322] {strides = array<i32>} : memref<4096xf32, #tpu.memory_space<vmem>>, vector<16xf32>,
          %get3A_324 = vector.shape_cast %get3A_323 : vector<16xf32> to vector<16xf32>
          %get3A_325 = arith.index_cast %add3A_321 : i32 to index
          %get3A_326 = tpu.vector_load %arg11[%get3A_325] {strides = array<i32>} : memref<8192xf32, #tpu.memory_space<vmem>>, vector<16xf32>,
          %get3A_327 = vector.shape_cast %get3A_326 : vector<16xf32> to vector<16xf32>
          %mul3A_328 = arith.mulf %get3A_324, %get3A_327 : vector<16xf32>
          %add3A_329 = arith.addf %add3A_312, %mul3A_328 : vector<16xf32>
          %add3A_330 = arith.constant 4096 : i32
          %add3A_331 = arith.addi %add3A_330, %add3A_321 : i32
          %get3A_332 = arith.index_cast %add3A_331 : i32 to index
          %get3A_333 = tpu.vector_load %arg11[%get3A_332] {strides = array<i32>} : memref<8192xf32, #tpu.memory_space<vmem>>, vector<16xf32>,
          %get3A_334 = vector.shape_cast %get3A_333 : vector<16xf32> to vector<16xf32>
          %mul3A_335 = arith.mulf %get3A_324, %get3A_334 : vector<16xf32>
          %add3A_336 = arith.addf %add3A_319, %mul3A_335 : vector<16xf32>
          %add3A_337 = arith.constant 3584 : i32
          %add3A_338 = arith.addi %add3A_337, %mul3A_215 : i32
          %get3A_339 = arith.index_cast %add3A_338 : i32 to index
          %get3A_340 = tpu.vector_load %arg10[%get3A_339] {strides = array<i32>} : memref<4096xf32, #tpu.memory_space<vmem>>, vector<16xf32>,
          %get3A_341 = vector.shape_cast %get3A_340 : vector<16xf32> to vector<16xf32>
          %get3A_342 = arith.index_cast %add3A_338 : i32 to index
          %get3A_343 = tpu.vector_load %arg11[%get3A_342] {strides = array<i32>} : memref<8192xf32, #tpu.memory_space<vmem>>, vector<16xf32>,
          %get3A_344 = vector.shape_cast %get3A_343 : vector<16xf32> to vector<16xf32>
          %mul3A_345 = arith.mulf %get3A_341, %get3A_344 : vector<16xf32>
          %add3A_346 = arith.addf %add3A_329, %mul3A_345 : vector<16xf32>
          %add3A_347 = arith.constant 4096 : i32
          %add3A_348 = arith.addi %add3A_347, %add3A_338 : i32
          %get3A_349 = arith.index_cast %add3A_348 : i32 to index
          %get3A_350 = tpu.vector_load %arg11[%get3A_349] {strides = array<i32>} : memref<8192xf32, #tpu.memory_space<vmem>>, vector<16xf32>,
          %get3A_351 = vector.shape_cast %get3A_350 : vector<16xf32> to vector<16xf32>
          %mul3A_352 = arith.mulf %get3A_341, %get3A_351 : vector<16xf32>
          %add3A_353 = arith.addf %add3A_336, %mul3A_352 : vector<16xf32>
          %swap3A = arith.index_cast %mul3A_215 : i32 to index
          %swap3A_354 = tpu.vector_load %arg12[%swap3A] {strides = array<i32>} : memref<1024xf32, #tpu.memory_space<vmem>>, vector<16xf32>,
          %swap3A_355 = vector.shape_cast %swap3A_354 : vector<16xf32> to vector<16xf32>
          %swap3A_356 = vector.shape_cast %add3A_346 : vector<16xf32> to vector<16xf32>
          tpu.vector_store %arg12[%swap3A], %swap3A_356 {strides = array<i32>} : memref<1024xf32, #tpu.memory_space<vmem>>, vector<16xf32>,
          %add3A_357 = arith.constant 512 : i32
          %add3A_358 = arith.addi %add3A_357, %mul3A_215 : i32
          %swap3A_359 = arith.index_cast %add3A_358 : i32 to index
          %swap3A_360 = tpu.vector_load %arg12[%swap3A_359] {strides = array<i32>} : memref<1024xf32, #tpu.memory_space<vmem>>, vector<16xf32>,
          %swap3A_361 = vector.shape_cast %swap3A_360 : vector<16xf32> to vector<16xf32>
          %swap3A_362 = vector.shape_cast %add3A_353 : vector<16xf32> to vector<16xf32>
          tpu.vector_store %arg12[%swap3A_359], %swap3A_362 {strides = array<i32>} : memref<1024xf32, #tpu.memory_space<vmem>>, vector<16xf32>,
          %scan3A_363 = arith.constant 0 : i32
          scf.yield %scan3A_363 : i32
        }
        %scan3A_165 = arith.constant 32 : i32
        %mul3A_166 = arith.constant 2 : i32
        %mul3A_167 = arith.muli %sub3A_158, %mul3A_166 : i32
        %mul3A_168 = arith.constant 131072 : i32
        %mul3A_169 = arith.muli %mul3A_167, %mul3A_168 : i32
        %add3A_170 = arith.addi %mul3A_169, %add3A_13 : i32
        "tpu.region"() ({
          %run_scoped3A = tpu.sem_alloc : memref<!tpu.dma_semaphore, #tpu.memory_space<semaphore_mem>>
          %dma_start3A_212 = arith.constant 0 : i32
          %dma_start3A_213 = tpu.memref_slice %arg12[%dma_start3A_212] : memref<1024xf32, #tpu.memory_space<vmem>> -> memref<512xf32, #tpu.memory_space<vmem>>
          %dma_start3A_214 = tpu.memref_slice %arg4[%add3A_170] : memref<4194304xf32, #tpu.memory_space<hbm>> -> memref<512xf32, #tpu.memory_space<hbm>>
          %dma_start3A_215 = tpu.memref_slice %arg4[%add3A_170] : memref<4194304xf32, #tpu.memory_space<hbm>> -> memref<512xf32, #tpu.memory_space<hbm>>
          %dma_start3A_216 = arith.constant 0 : i32
          %dma_start3A_217 = tpu.memref_slice %arg12[%dma_start3A_216] : memref<1024xf32, #tpu.memory_space<vmem>> -> memref<512xf32, #tpu.memory_space<vmem>>
          tpu.enqueue_dma source(%dma_start3A_217 : memref<512xf32, #tpu.memory_space<vmem>>) target(%dma_start3A_215 : memref<512xf32, #tpu.memory_space<hbm>>) target_semaphore(%run_scoped3A : memref<!tpu.dma_semaphore, #tpu.memory_space<semaphore_mem>>)
          %dma_wait3A_218 = arith.constant 0 : i32
          %dma_wait3A_219 = tpu.memref_slice %arg12[%dma_wait3A_218] : memref<1024xf32, #tpu.memory_space<vmem>> -> memref<512xf32, #tpu.memory_space<vmem>>
          %dma_wait3A_220 = tpu.memref_slice %arg4[%add3A_170] : memref<4194304xf32, #tpu.memory_space<hbm>> -> memref<512xf32, #tpu.memory_space<hbm>>
          %dma_wait3A_221 = tpu.memref_slice %arg4[%add3A_170] : memref<4194304xf32, #tpu.memory_space<hbm>> -> memref<512xf32, #tpu.memory_space<hbm>>
          %dma_wait3A_222 = arith.constant 0 : i32
          %dma_wait3A_223 = tpu.memref_slice %arg12[%dma_wait3A_222] : memref<1024xf32, #tpu.memory_space<vmem>> -> memref<512xf32, #tpu.memory_space<vmem>>
          tpu.wait_dma2 semaphore(%run_scoped3A : memref<!tpu.dma_semaphore, #tpu.memory_space<semaphore_mem>>) src(%dma_wait3A_223 : memref<512xf32, #tpu.memory_space<vmem>>) dst(%dma_wait3A_221 : memref<512xf32, #tpu.memory_space<hbm>>)
          tpu.yield
        }) : () -> ()
        %add3A_171 = arith.constant 131072 : i32
        %add3A_172 = arith.addi %add3A_170, %add3A_171 : i32
        "tpu.region"() ({
          %run_scoped3A = tpu.sem_alloc : memref<!tpu.dma_semaphore, #tpu.memory_space<semaphore_mem>>
          %dma_start3A_212 = arith.constant 512 : i32
          %dma_start3A_213 = tpu.memref_slice %arg12[%dma_start3A_212] : memref<1024xf32, #tpu.memory_space<vmem>> -> memref<512xf32, #tpu.memory_space<vmem>>
          %dma_start3A_214 = tpu.memref_slice %arg4[%add3A_172] : memref<4194304xf32, #tpu.memory_space<hbm>> -> memref<512xf32, #tpu.memory_space<hbm>>
          %dma_start3A_215 = tpu.memref_slice %arg4[%add3A_172] : memref<4194304xf32, #tpu.memory_space<hbm>> -> memref<512xf32, #tpu.memory_space<hbm>>
          %dma_start3A_216 = arith.constant 512 : i32
          %dma_start3A_217 = tpu.memref_slice %arg12[%dma_start3A_216] : memref<1024xf32, #tpu.memory_space<vmem>> -> memref<512xf32, #tpu.memory_space<vmem>>
          tpu.enqueue_dma source(%dma_start3A_217 : memref<512xf32, #tpu.memory_space<vmem>>) target(%dma_start3A_215 : memref<512xf32, #tpu.memory_space<hbm>>) target_semaphore(%run_scoped3A : memref<!tpu.dma_semaphore, #tpu.memory_space<semaphore_mem>>)
          %dma_wait3A_218 = arith.constant 512 : i32
          %dma_wait3A_219 = tpu.memref_slice %arg12[%dma_wait3A_218] : memref<1024xf32, #tpu.memory_space<vmem>> -> memref<512xf32, #tpu.memory_space<vmem>>
          %dma_wait3A_220 = tpu.memref_slice %arg4[%add3A_172] : memref<4194304xf32, #tpu.memory_space<hbm>> -> memref<512xf32, #tpu.memory_space<hbm>>
          %dma_wait3A_221 = tpu.memref_slice %arg4[%add3A_172] : memref<4194304xf32, #tpu.memory_space<hbm>> -> memref<512xf32, #tpu.memory_space<hbm>>
          %dma_wait3A_222 = arith.constant 512 : i32
          %dma_wait3A_223 = tpu.memref_slice %arg12[%dma_wait3A_222] : memref<1024xf32, #tpu.memory_space<vmem>> -> memref<512xf32, #tpu.memory_space<vmem>>
          tpu.wait_dma2 semaphore(%run_scoped3A : memref<!tpu.dma_semaphore, #tpu.memory_space<semaphore_mem>>) src(%dma_wait3A_223 : memref<512xf32, #tpu.memory_space<vmem>>) dst(%dma_wait3A_221 : memref<512xf32, #tpu.memory_space<hbm>>)
          tpu.yield
        }) : () -> ()
        %shift_left3A_173 = arith.constant 16 : i32
        %shift_left3A_174 = arith.shli %shift_left3A_173, %add3A_134 : i32
        %convert_element_type3A_175 = arith.sitofp %shift_left3A_174 : i32 to f32
        %sub3A_176 = arith.constant 1.000000e+00 : f32
        %sub3A_177 = arith.subf %convert_element_type3A_175, %sub3A_176 : f32
        %sub3A_178 = arith.constant 3 : i32
        %sub3A_179 = arith.subi %add3A_134, %sub3A_178 : i32
        %mul3A_180 = arith.constant 1048576 : i32
        %mul3A_181 = arith.muli %sub3A_179, %mul3A_180 : i32
        %add3A_182 = arith.constant 630992 : i32
        %add3A_183 = arith.addi %mul3A_181, %add3A_182 : i32
        %scan3A_184 = arith.constant 0 : i32
        %scan3A_185 = arith.constant 0 : i32
        %scan3A_186 = arith.constant 32 : i32
        %scan3A_187 = arith.addi %scan3A_185, %scan3A_186 : i32
        %scan3A_188 = arith.constant 1 : i32
        %scan3A_189 = scf.for %scan3A_212 = %scan3A_185 to %scan3A_187 step %scan3A_188 iter_args(%scan3A_213 = %scan3A_184) -> (i32)  : i32 {
          %mul3A_214 = arith.constant 16 : i32
          %mul3A_215 = arith.muli %scan3A_212, %mul3A_214 : i32
          %get3A = arith.index_cast %mul3A_215 : i32 to index
          %get3A_216 = tpu.vector_load %arg5[%get3A] {strides = array<i32>} : memref<1536xf32, #tpu.memory_space<vmem>>, vector<16xf32>,
          %get3A_217 = vector.shape_cast %get3A_216 : vector<16xf32> to vector<16xf32>
          %add3A_218 = arith.constant 512 : i32
          %add3A_219 = arith.addi %add3A_218, %mul3A_215 : i32
          %get3A_220 = arith.index_cast %add3A_219 : i32 to index
          %get3A_221 = tpu.vector_load %arg5[%get3A_220] {strides = array<i32>} : memref<1536xf32, #tpu.memory_space<vmem>>, vector<16xf32>,
          %get3A_222 = vector.shape_cast %get3A_221 : vector<16xf32> to vector<16xf32>
          %add3A_223 = arith.constant 1024 : i32
          %add3A_224 = arith.addi %add3A_223, %mul3A_215 : i32
          %get3A_225 = arith.index_cast %add3A_224 : i32 to index
          %get3A_226 = tpu.vector_load %arg5[%get3A_225] {strides = array<i32>} : memref<1536xf32, #tpu.memory_space<vmem>>, vector<16xf32>,
          %get3A_227 = vector.shape_cast %get3A_226 : vector<16xf32> to vector<16xf32>
          %mul3A_228 = vector.broadcast %sub3A_177 : f32 to vector<16xf32>
          %mul3A_229 = arith.mulf %get3A_217, %mul3A_228 : vector<16xf32>
          %add3A_230 = arith.constant 5.000000e-01 : f32
          %add3A_231 = vector.broadcast %add3A_230 : f32 to vector<16xf32>
          %add3A_232 = arith.addf %mul3A_229, %add3A_231 : vector<16xf32>
          %mul3A_233 = vector.broadcast %sub3A_177 : f32 to vector<16xf32>
          %mul3A_234 = arith.mulf %get3A_222, %mul3A_233 : vector<16xf32>
          %add3A_235 = arith.constant 5.000000e-01 : f32
          %add3A_236 = vector.broadcast %add3A_235 : f32 to vector<16xf32>
          %add3A_237 = arith.addf %mul3A_234, %add3A_236 : vector<16xf32>
          %mul3A_238 = vector.broadcast %sub3A_177 : f32 to vector<16xf32>
          %mul3A_239 = arith.mulf %get3A_227, %mul3A_238 : vector<16xf32>
          %add3A_240 = arith.constant 5.000000e-01 : f32
          %add3A_241 = vector.broadcast %add3A_240 : f32 to vector<16xf32>
          %add3A_242 = arith.addf %mul3A_239, %add3A_241 : vector<16xf32>
          %convert_element_type3A_243 = arith.fptosi %add3A_232 : vector<16xf32> to vector<16xi32>
          %convert_element_type3A_244 = arith.fptosi %add3A_237 : vector<16xf32> to vector<16xi32>
          %convert_element_type3A_245 = arith.fptosi %add3A_242 : vector<16xf32> to vector<16xi32>
          %convert_element_type3A_246 = arith.sitofp %convert_element_type3A_243 : vector<16xi32> to vector<16xf32>
          %sub3A_247 = arith.subf %add3A_232, %convert_element_type3A_246 : vector<16xf32>
          %convert_element_type3A_248 = arith.sitofp %convert_element_type3A_244 : vector<16xi32> to vector<16xf32>
          %sub3A_249 = arith.subf %add3A_237, %convert_element_type3A_248 : vector<16xf32>
          %convert_element_type3A_250 = arith.sitofp %convert_element_type3A_245 : vector<16xi32> to vector<16xf32>
          %sub3A_251 = arith.subf %add3A_242, %convert_element_type3A_250 : vector<16xf32>
          %sub3A_252 = arith.constant 1.000000e+00 : f32
          %sub3A_253 = vector.broadcast %sub3A_252 : f32 to vector<16xf32>
          %sub3A_254 = arith.subf %sub3A_253, %sub3A_247 : vector<16xf32>
          %sub3A_255 = arith.constant 1.000000e+00 : f32
          %sub3A_256 = vector.broadcast %sub3A_255 : f32 to vector<16xf32>
          %sub3A_257 = arith.subf %sub3A_256, %sub3A_249 : vector<16xf32>
          %sub3A_258 = arith.constant 1.000000e+00 : f32
          %sub3A_259 = vector.broadcast %sub3A_258 : f32 to vector<16xf32>
          %sub3A_260 = arith.subf %sub3A_259, %sub3A_251 : vector<16xf32>
          %mul3A_261 = arith.mulf %sub3A_254, %sub3A_257 : vector<16xf32>
          %mul3A_262 = arith.mulf %sub3A_247, %sub3A_257 : vector<16xf32>
          %mul3A_263 = arith.mulf %sub3A_254, %sub3A_249 : vector<16xf32>
          %mul3A_264 = arith.mulf %sub3A_247, %sub3A_249 : vector<16xf32>
          %add3A_265 = arith.constant 1 : i32
          %add3A_266 = vector.broadcast %add3A_265 : i32 to vector<16xi32>
          %add3A_267 = arith.addi %convert_element_type3A_243, %add3A_266 : vector<16xi32>
          %mul3A_268 = arith.constant -1640531535 : i32
          %mul3A_269 = vector.broadcast %mul3A_268 : i32 to vector<16xi32>
          %mul3A_270 = arith.muli %convert_element_type3A_244, %mul3A_269 : vector<16xi32>
          %add3A_271 = arith.constant -1640531535 : i32
          %add3A_272 = vector.broadcast %add3A_271 : i32 to vector<16xi32>
          %add3A_273 = arith.addi %mul3A_270, %add3A_272 : vector<16xi32>
          %mul3A_274 = arith.constant 805459861 : i32
          %mul3A_275 = vector.broadcast %mul3A_274 : i32 to vector<16xi32>
          %mul3A_276 = arith.muli %convert_element_type3A_245, %mul3A_275 : vector<16xi32>
          %add3A_277 = arith.constant 805459861 : i32
          %add3A_278 = vector.broadcast %add3A_277 : i32 to vector<16xi32>
          %add3A_279 = arith.addi %mul3A_276, %add3A_278 : vector<16xi32>
          %xor3A = arith.xori %convert_element_type3A_243, %mul3A_270 : vector<16xi32>
          %xor3A_280 = arith.xori %xor3A, %mul3A_276 : vector<16xi32>
          %and3A = arith.constant 524287 : i32
          %and3A_281 = vector.broadcast %and3A : i32 to vector<16xi32>
          %and3A_282 = arith.andi %xor3A_280, %and3A_281 : vector<16xi32>
          %shift_left3A_283 = arith.constant 1 : i32
          %shift_left3A_284 = vector.broadcast %shift_left3A_283 : i32 to vector<16xi32>
          %shift_left3A_285 = arith.shli %and3A_282, %shift_left3A_284 : vector<16xi32>
          %add3A_286 = vector.broadcast %add3A_183 : i32 to vector<16xi32>
          %add3A_287 = arith.addi %shift_left3A_285, %add3A_286 : vector<16xi32>
          %mul3A_288 = arith.mulf %mul3A_261, %sub3A_260 : vector<16xf32>
          %add3A_289 = arith.constant 0 : i32
          %add3A_290 = arith.addi %add3A_289, %mul3A_215 : i32
          %swap3A = arith.index_cast %add3A_290 : i32 to index
          %swap3A_291 = tpu.vector_load %arg9[%swap3A] {strides = array<i32>} : memref<8192xi32, #tpu.memory_space<vmem>>, vector<16xi32>,
          %swap3A_292 = vector.shape_cast %swap3A_291 : vector<16xi32> to vector<16xi32>
          %swap3A_293 = vector.shape_cast %add3A_287 : vector<16xi32> to vector<16xi32>
          tpu.vector_store %arg9[%swap3A], %swap3A_293 {strides = array<i32>} : memref<8192xi32, #tpu.memory_space<vmem>>, vector<16xi32>,
          %add3A_294 = arith.constant 1 : i32
          %add3A_295 = vector.broadcast %add3A_294 : i32 to vector<16xi32>
          %add3A_296 = arith.addi %add3A_287, %add3A_295 : vector<16xi32>
          %add3A_297 = arith.constant 4096 : i32
          %add3A_298 = arith.addi %add3A_297, %add3A_290 : i32
          %swap3A_299 = arith.index_cast %add3A_298 : i32 to index
          %swap3A_300 = tpu.vector_load %arg9[%swap3A_299] {strides = array<i32>} : memref<8192xi32, #tpu.memory_space<vmem>>, vector<16xi32>,
          %swap3A_301 = vector.shape_cast %swap3A_300 : vector<16xi32> to vector<16xi32>
          %swap3A_302 = vector.shape_cast %add3A_296 : vector<16xi32> to vector<16xi32>
          tpu.vector_store %arg9[%swap3A_299], %swap3A_302 {strides = array<i32>} : memref<8192xi32, #tpu.memory_space<vmem>>, vector<16xi32>,
          %swap3A_303 = arith.index_cast %add3A_290 : i32 to index
          %swap3A_304 = tpu.vector_load %arg10[%swap3A_303] {strides = array<i32>} : memref<4096xf32, #tpu.memory_space<vmem>>, vector<16xf32>,
          %swap3A_305 = vector.shape_cast %swap3A_304 : vector<16xf32> to vector<16xf32>
          %swap3A_306 = vector.shape_cast %mul3A_288 : vector<16xf32> to vector<16xf32>
          tpu.vector_store %arg10[%swap3A_303], %swap3A_306 {strides = array<i32>} : memref<4096xf32, #tpu.memory_space<vmem>>, vector<16xf32>,
          %xor3A_307 = arith.xori %add3A_267, %mul3A_270 : vector<16xi32>
          %xor3A_308 = arith.xori %xor3A_307, %mul3A_276 : vector<16xi32>
          %and3A_309 = arith.constant 524287 : i32
          %and3A_310 = vector.broadcast %and3A_309 : i32 to vector<16xi32>
          %and3A_311 = arith.andi %xor3A_308, %and3A_310 : vector<16xi32>
          %shift_left3A_312 = arith.constant 1 : i32
          %shift_left3A_313 = vector.broadcast %shift_left3A_312 : i32 to vector<16xi32>
          %shift_left3A_314 = arith.shli %and3A_311, %shift_left3A_313 : vector<16xi32>
          %add3A_315 = vector.broadcast %add3A_183 : i32 to vector<16xi32>
          %add3A_316 = arith.addi %shift_left3A_314, %add3A_315 : vector<16xi32>
          %mul3A_317 = arith.mulf %mul3A_262, %sub3A_260 : vector<16xf32>
          %add3A_318 = arith.constant 512 : i32
          %add3A_319 = arith.addi %add3A_318, %mul3A_215 : i32
          %swap3A_320 = arith.index_cast %add3A_319 : i32 to index
          %swap3A_321 = tpu.vector_load %arg9[%swap3A_320] {strides = array<i32>} : memref<8192xi32, #tpu.memory_space<vmem>>, vector<16xi32>,
          %swap3A_322 = vector.shape_cast %swap3A_321 : vector<16xi32> to vector<16xi32>
          %swap3A_323 = vector.shape_cast %add3A_316 : vector<16xi32> to vector<16xi32>
          tpu.vector_store %arg9[%swap3A_320], %swap3A_323 {strides = array<i32>} : memref<8192xi32, #tpu.memory_space<vmem>>, vector<16xi32>,
          %add3A_324 = arith.constant 1 : i32
          %add3A_325 = vector.broadcast %add3A_324 : i32 to vector<16xi32>
          %add3A_326 = arith.addi %add3A_316, %add3A_325 : vector<16xi32>
          %add3A_327 = arith.constant 4096 : i32
          %add3A_328 = arith.addi %add3A_327, %add3A_319 : i32
          %swap3A_329 = arith.index_cast %add3A_328 : i32 to index
          %swap3A_330 = tpu.vector_load %arg9[%swap3A_329] {strides = array<i32>} : memref<8192xi32, #tpu.memory_space<vmem>>, vector<16xi32>,
          %swap3A_331 = vector.shape_cast %swap3A_330 : vector<16xi32> to vector<16xi32>
          %swap3A_332 = vector.shape_cast %add3A_326 : vector<16xi32> to vector<16xi32>
          tpu.vector_store %arg9[%swap3A_329], %swap3A_332 {strides = array<i32>} : memref<8192xi32, #tpu.memory_space<vmem>>, vector<16xi32>,
          %swap3A_333 = arith.index_cast %add3A_319 : i32 to index
          %swap3A_334 = tpu.vector_load %arg10[%swap3A_333] {strides = array<i32>} : memref<4096xf32, #tpu.memory_space<vmem>>, vector<16xf32>,
          %swap3A_335 = vector.shape_cast %swap3A_334 : vector<16xf32> to vector<16xf32>
          %swap3A_336 = vector.shape_cast %mul3A_317 : vector<16xf32> to vector<16xf32>
          tpu.vector_store %arg10[%swap3A_333], %swap3A_336 {strides = array<i32>} : memref<4096xf32, #tpu.memory_space<vmem>>, vector<16xf32>,
          %xor3A_337 = arith.xori %convert_element_type3A_243, %add3A_273 : vector<16xi32>
          %xor3A_338 = arith.xori %xor3A_337, %mul3A_276 : vector<16xi32>
          %and3A_339 = arith.constant 524287 : i32
          %and3A_340 = vector.broadcast %and3A_339 : i32 to vector<16xi32>
          %and3A_341 = arith.andi %xor3A_338, %and3A_340 : vector<16xi32>
          %shift_left3A_342 = arith.constant 1 : i32
          %shift_left3A_343 = vector.broadcast %shift_left3A_342 : i32 to vector<16xi32>
          %shift_left3A_344 = arith.shli %and3A_341, %shift_left3A_343 : vector<16xi32>
          %add3A_345 = vector.broadcast %add3A_183 : i32 to vector<16xi32>
          %add3A_346 = arith.addi %shift_left3A_344, %add3A_345 : vector<16xi32>
          %mul3A_347 = arith.mulf %mul3A_263, %sub3A_260 : vector<16xf32>
          %add3A_348 = arith.constant 1024 : i32
          %add3A_349 = arith.addi %add3A_348, %mul3A_215 : i32
          %swap3A_350 = arith.index_cast %add3A_349 : i32 to index
          %swap3A_351 = tpu.vector_load %arg9[%swap3A_350] {strides = array<i32>} : memref<8192xi32, #tpu.memory_space<vmem>>, vector<16xi32>,
          %swap3A_352 = vector.shape_cast %swap3A_351 : vector<16xi32> to vector<16xi32>
          %swap3A_353 = vector.shape_cast %add3A_346 : vector<16xi32> to vector<16xi32>
          tpu.vector_store %arg9[%swap3A_350], %swap3A_353 {strides = array<i32>} : memref<8192xi32, #tpu.memory_space<vmem>>, vector<16xi32>,
          %add3A_354 = arith.constant 1 : i32
          %add3A_355 = vector.broadcast %add3A_354 : i32 to vector<16xi32>
          %add3A_356 = arith.addi %add3A_346, %add3A_355 : vector<16xi32>
          %add3A_357 = arith.constant 4096 : i32
          %add3A_358 = arith.addi %add3A_357, %add3A_349 : i32
          %swap3A_359 = arith.index_cast %add3A_358 : i32 to index
          %swap3A_360 = tpu.vector_load %arg9[%swap3A_359] {strides = array<i32>} : memref<8192xi32, #tpu.memory_space<vmem>>, vector<16xi32>,
          %swap3A_361 = vector.shape_cast %swap3A_360 : vector<16xi32> to vector<16xi32>
          %swap3A_362 = vector.shape_cast %add3A_356 : vector<16xi32> to vector<16xi32>
          tpu.vector_store %arg9[%swap3A_359], %swap3A_362 {strides = array<i32>} : memref<8192xi32, #tpu.memory_space<vmem>>, vector<16xi32>,
          %swap3A_363 = arith.index_cast %add3A_349 : i32 to index
          %swap3A_364 = tpu.vector_load %arg10[%swap3A_363] {strides = array<i32>} : memref<4096xf32, #tpu.memory_space<vmem>>, vector<16xf32>,
          %swap3A_365 = vector.shape_cast %swap3A_364 : vector<16xf32> to vector<16xf32>
          %swap3A_366 = vector.shape_cast %mul3A_347 : vector<16xf32> to vector<16xf32>
          tpu.vector_store %arg10[%swap3A_363], %swap3A_366 {strides = array<i32>} : memref<4096xf32, #tpu.memory_space<vmem>>, vector<16xf32>,
          %xor3A_367 = arith.xori %add3A_267, %add3A_273 : vector<16xi32>
          %xor3A_368 = arith.xori %xor3A_367, %mul3A_276 : vector<16xi32>
          %and3A_369 = arith.constant 524287 : i32
          %and3A_370 = vector.broadcast %and3A_369 : i32 to vector<16xi32>
          %and3A_371 = arith.andi %xor3A_368, %and3A_370 : vector<16xi32>
          %shift_left3A_372 = arith.constant 1 : i32
          %shift_left3A_373 = vector.broadcast %shift_left3A_372 : i32 to vector<16xi32>
          %shift_left3A_374 = arith.shli %and3A_371, %shift_left3A_373 : vector<16xi32>
          %add3A_375 = vector.broadcast %add3A_183 : i32 to vector<16xi32>
          %add3A_376 = arith.addi %shift_left3A_374, %add3A_375 : vector<16xi32>
          %mul3A_377 = arith.mulf %mul3A_264, %sub3A_260 : vector<16xf32>
          %add3A_378 = arith.constant 1536 : i32
          %add3A_379 = arith.addi %add3A_378, %mul3A_215 : i32
          %swap3A_380 = arith.index_cast %add3A_379 : i32 to index
          %swap3A_381 = tpu.vector_load %arg9[%swap3A_380] {strides = array<i32>} : memref<8192xi32, #tpu.memory_space<vmem>>, vector<16xi32>,
          %swap3A_382 = vector.shape_cast %swap3A_381 : vector<16xi32> to vector<16xi32>
          %swap3A_383 = vector.shape_cast %add3A_376 : vector<16xi32> to vector<16xi32>
          tpu.vector_store %arg9[%swap3A_380], %swap3A_383 {strides = array<i32>} : memref<8192xi32, #tpu.memory_space<vmem>>, vector<16xi32>,
          %add3A_384 = arith.constant 1 : i32
          %add3A_385 = vector.broadcast %add3A_384 : i32 to vector<16xi32>
          %add3A_386 = arith.addi %add3A_376, %add3A_385 : vector<16xi32>
          %add3A_387 = arith.constant 4096 : i32
          %add3A_388 = arith.addi %add3A_387, %add3A_379 : i32
          %swap3A_389 = arith.index_cast %add3A_388 : i32 to index
          %swap3A_390 = tpu.vector_load %arg9[%swap3A_389] {strides = array<i32>} : memref<8192xi32, #tpu.memory_space<vmem>>, vector<16xi32>,
          %swap3A_391 = vector.shape_cast %swap3A_390 : vector<16xi32> to vector<16xi32>
          %swap3A_392 = vector.shape_cast %add3A_386 : vector<16xi32> to vector<16xi32>
          tpu.vector_store %arg9[%swap3A_389], %swap3A_392 {strides = array<i32>} : memref<8192xi32, #tpu.memory_space<vmem>>, vector<16xi32>,
          %swap3A_393 = arith.index_cast %add3A_379 : i32 to index
          %swap3A_394 = tpu.vector_load %arg10[%swap3A_393] {strides = array<i32>} : memref<4096xf32, #tpu.memory_space<vmem>>, vector<16xf32>,
          %swap3A_395 = vector.shape_cast %swap3A_394 : vector<16xf32> to vector<16xf32>
          %swap3A_396 = vector.shape_cast %mul3A_377 : vector<16xf32> to vector<16xf32>
          tpu.vector_store %arg10[%swap3A_393], %swap3A_396 {strides = array<i32>} : memref<4096xf32, #tpu.memory_space<vmem>>, vector<16xf32>,
          %xor3A_397 = arith.xori %convert_element_type3A_243, %mul3A_270 : vector<16xi32>
          %xor3A_398 = arith.xori %xor3A_397, %add3A_279 : vector<16xi32>
          %and3A_399 = arith.constant 524287 : i32
          %and3A_400 = vector.broadcast %and3A_399 : i32 to vector<16xi32>
          %and3A_401 = arith.andi %xor3A_398, %and3A_400 : vector<16xi32>
          %shift_left3A_402 = arith.constant 1 : i32
          %shift_left3A_403 = vector.broadcast %shift_left3A_402 : i32 to vector<16xi32>
          %shift_left3A_404 = arith.shli %and3A_401, %shift_left3A_403 : vector<16xi32>
          %add3A_405 = vector.broadcast %add3A_183 : i32 to vector<16xi32>
          %add3A_406 = arith.addi %shift_left3A_404, %add3A_405 : vector<16xi32>
          %mul3A_407 = arith.mulf %mul3A_261, %sub3A_251 : vector<16xf32>
          %add3A_408 = arith.constant 2048 : i32
          %add3A_409 = arith.addi %add3A_408, %mul3A_215 : i32
          %swap3A_410 = arith.index_cast %add3A_409 : i32 to index
          %swap3A_411 = tpu.vector_load %arg9[%swap3A_410] {strides = array<i32>} : memref<8192xi32, #tpu.memory_space<vmem>>, vector<16xi32>,
          %swap3A_412 = vector.shape_cast %swap3A_411 : vector<16xi32> to vector<16xi32>
          %swap3A_413 = vector.shape_cast %add3A_406 : vector<16xi32> to vector<16xi32>
          tpu.vector_store %arg9[%swap3A_410], %swap3A_413 {strides = array<i32>} : memref<8192xi32, #tpu.memory_space<vmem>>, vector<16xi32>,
          %add3A_414 = arith.constant 1 : i32
          %add3A_415 = vector.broadcast %add3A_414 : i32 to vector<16xi32>
          %add3A_416 = arith.addi %add3A_406, %add3A_415 : vector<16xi32>
          %add3A_417 = arith.constant 4096 : i32
          %add3A_418 = arith.addi %add3A_417, %add3A_409 : i32
          %swap3A_419 = arith.index_cast %add3A_418 : i32 to index
          %swap3A_420 = tpu.vector_load %arg9[%swap3A_419] {strides = array<i32>} : memref<8192xi32, #tpu.memory_space<vmem>>, vector<16xi32>,
          %swap3A_421 = vector.shape_cast %swap3A_420 : vector<16xi32> to vector<16xi32>
          %swap3A_422 = vector.shape_cast %add3A_416 : vector<16xi32> to vector<16xi32>
          tpu.vector_store %arg9[%swap3A_419], %swap3A_422 {strides = array<i32>} : memref<8192xi32, #tpu.memory_space<vmem>>, vector<16xi32>,
          %swap3A_423 = arith.index_cast %add3A_409 : i32 to index
          %swap3A_424 = tpu.vector_load %arg10[%swap3A_423] {strides = array<i32>} : memref<4096xf32, #tpu.memory_space<vmem>>, vector<16xf32>,
          %swap3A_425 = vector.shape_cast %swap3A_424 : vector<16xf32> to vector<16xf32>
          %swap3A_426 = vector.shape_cast %mul3A_407 : vector<16xf32> to vector<16xf32>
          tpu.vector_store %arg10[%swap3A_423], %swap3A_426 {strides = array<i32>} : memref<4096xf32, #tpu.memory_space<vmem>>, vector<16xf32>,
          %xor3A_427 = arith.xori %add3A_267, %mul3A_270 : vector<16xi32>
          %xor3A_428 = arith.xori %xor3A_427, %add3A_279 : vector<16xi32>
          %and3A_429 = arith.constant 524287 : i32
          %and3A_430 = vector.broadcast %and3A_429 : i32 to vector<16xi32>
          %and3A_431 = arith.andi %xor3A_428, %and3A_430 : vector<16xi32>
          %shift_left3A_432 = arith.constant 1 : i32
          %shift_left3A_433 = vector.broadcast %shift_left3A_432 : i32 to vector<16xi32>
          %shift_left3A_434 = arith.shli %and3A_431, %shift_left3A_433 : vector<16xi32>
          %add3A_435 = vector.broadcast %add3A_183 : i32 to vector<16xi32>
          %add3A_436 = arith.addi %shift_left3A_434, %add3A_435 : vector<16xi32>
          %mul3A_437 = arith.mulf %mul3A_262, %sub3A_251 : vector<16xf32>
          %add3A_438 = arith.constant 2560 : i32
          %add3A_439 = arith.addi %add3A_438, %mul3A_215 : i32
          %swap3A_440 = arith.index_cast %add3A_439 : i32 to index
          %swap3A_441 = tpu.vector_load %arg9[%swap3A_440] {strides = array<i32>} : memref<8192xi32, #tpu.memory_space<vmem>>, vector<16xi32>,
          %swap3A_442 = vector.shape_cast %swap3A_441 : vector<16xi32> to vector<16xi32>
          %swap3A_443 = vector.shape_cast %add3A_436 : vector<16xi32> to vector<16xi32>
          tpu.vector_store %arg9[%swap3A_440], %swap3A_443 {strides = array<i32>} : memref<8192xi32, #tpu.memory_space<vmem>>, vector<16xi32>,
          %add3A_444 = arith.constant 1 : i32
          %add3A_445 = vector.broadcast %add3A_444 : i32 to vector<16xi32>
          %add3A_446 = arith.addi %add3A_436, %add3A_445 : vector<16xi32>
          %add3A_447 = arith.constant 4096 : i32
          %add3A_448 = arith.addi %add3A_447, %add3A_439 : i32
          %swap3A_449 = arith.index_cast %add3A_448 : i32 to index
          %swap3A_450 = tpu.vector_load %arg9[%swap3A_449] {strides = array<i32>} : memref<8192xi32, #tpu.memory_space<vmem>>, vector<16xi32>,
          %swap3A_451 = vector.shape_cast %swap3A_450 : vector<16xi32> to vector<16xi32>
          %swap3A_452 = vector.shape_cast %add3A_446 : vector<16xi32> to vector<16xi32>
          tpu.vector_store %arg9[%swap3A_449], %swap3A_452 {strides = array<i32>} : memref<8192xi32, #tpu.memory_space<vmem>>, vector<16xi32>,
          %swap3A_453 = arith.index_cast %add3A_439 : i32 to index
          %swap3A_454 = tpu.vector_load %arg10[%swap3A_453] {strides = array<i32>} : memref<4096xf32, #tpu.memory_space<vmem>>, vector<16xf32>,
          %swap3A_455 = vector.shape_cast %swap3A_454 : vector<16xf32> to vector<16xf32>
          %swap3A_456 = vector.shape_cast %mul3A_437 : vector<16xf32> to vector<16xf32>
          tpu.vector_store %arg10[%swap3A_453], %swap3A_456 {strides = array<i32>} : memref<4096xf32, #tpu.memory_space<vmem>>, vector<16xf32>,
          %xor3A_457 = arith.xori %convert_element_type3A_243, %add3A_273 : vector<16xi32>
          %xor3A_458 = arith.xori %xor3A_457, %add3A_279 : vector<16xi32>
          %and3A_459 = arith.constant 524287 : i32
          %and3A_460 = vector.broadcast %and3A_459 : i32 to vector<16xi32>
          %and3A_461 = arith.andi %xor3A_458, %and3A_460 : vector<16xi32>
          %shift_left3A_462 = arith.constant 1 : i32
          %shift_left3A_463 = vector.broadcast %shift_left3A_462 : i32 to vector<16xi32>
          %shift_left3A_464 = arith.shli %and3A_461, %shift_left3A_463 : vector<16xi32>
          %add3A_465 = vector.broadcast %add3A_183 : i32 to vector<16xi32>
          %add3A_466 = arith.addi %shift_left3A_464, %add3A_465 : vector<16xi32>
          %mul3A_467 = arith.mulf %mul3A_263, %sub3A_251 : vector<16xf32>
          %add3A_468 = arith.constant 3072 : i32
          %add3A_469 = arith.addi %add3A_468, %mul3A_215 : i32
          %swap3A_470 = arith.index_cast %add3A_469 : i32 to index
          %swap3A_471 = tpu.vector_load %arg9[%swap3A_470] {strides = array<i32>} : memref<8192xi32, #tpu.memory_space<vmem>>, vector<16xi32>,
          %swap3A_472 = vector.shape_cast %swap3A_471 : vector<16xi32> to vector<16xi32>
          %swap3A_473 = vector.shape_cast %add3A_466 : vector<16xi32> to vector<16xi32>
          tpu.vector_store %arg9[%swap3A_470], %swap3A_473 {strides = array<i32>} : memref<8192xi32, #tpu.memory_space<vmem>>, vector<16xi32>,
          %add3A_474 = arith.constant 1 : i32
          %add3A_475 = vector.broadcast %add3A_474 : i32 to vector<16xi32>
          %add3A_476 = arith.addi %add3A_466, %add3A_475 : vector<16xi32>
          %add3A_477 = arith.constant 4096 : i32
          %add3A_478 = arith.addi %add3A_477, %add3A_469 : i32
          %swap3A_479 = arith.index_cast %add3A_478 : i32 to index
          %swap3A_480 = tpu.vector_load %arg9[%swap3A_479] {strides = array<i32>} : memref<8192xi32, #tpu.memory_space<vmem>>, vector<16xi32>,
          %swap3A_481 = vector.shape_cast %swap3A_480 : vector<16xi32> to vector<16xi32>
          %swap3A_482 = vector.shape_cast %add3A_476 : vector<16xi32> to vector<16xi32>
          tpu.vector_store %arg9[%swap3A_479], %swap3A_482 {strides = array<i32>} : memref<8192xi32, #tpu.memory_space<vmem>>, vector<16xi32>,
          %swap3A_483 = arith.index_cast %add3A_469 : i32 to index
          %swap3A_484 = tpu.vector_load %arg10[%swap3A_483] {strides = array<i32>} : memref<4096xf32, #tpu.memory_space<vmem>>, vector<16xf32>,
          %swap3A_485 = vector.shape_cast %swap3A_484 : vector<16xf32> to vector<16xf32>
          %swap3A_486 = vector.shape_cast %mul3A_467 : vector<16xf32> to vector<16xf32>
          tpu.vector_store %arg10[%swap3A_483], %swap3A_486 {strides = array<i32>} : memref<4096xf32, #tpu.memory_space<vmem>>, vector<16xf32>,
          %xor3A_487 = arith.xori %add3A_267, %add3A_273 : vector<16xi32>
          %xor3A_488 = arith.xori %xor3A_487, %add3A_279 : vector<16xi32>
          %and3A_489 = arith.constant 524287 : i32
          %and3A_490 = vector.broadcast %and3A_489 : i32 to vector<16xi32>
          %and3A_491 = arith.andi %xor3A_488, %and3A_490 : vector<16xi32>
          %shift_left3A_492 = arith.constant 1 : i32
          %shift_left3A_493 = vector.broadcast %shift_left3A_492 : i32 to vector<16xi32>
          %shift_left3A_494 = arith.shli %and3A_491, %shift_left3A_493 : vector<16xi32>
          %add3A_495 = vector.broadcast %add3A_183 : i32 to vector<16xi32>
          %add3A_496 = arith.addi %shift_left3A_494, %add3A_495 : vector<16xi32>
          %mul3A_497 = arith.mulf %mul3A_264, %sub3A_251 : vector<16xf32>
          %add3A_498 = arith.constant 3584 : i32
          %add3A_499 = arith.addi %add3A_498, %mul3A_215 : i32
          %swap3A_500 = arith.index_cast %add3A_499 : i32 to index
          %swap3A_501 = tpu.vector_load %arg9[%swap3A_500] {strides = array<i32>} : memref<8192xi32, #tpu.memory_space<vmem>>, vector<16xi32>,
          %swap3A_502 = vector.shape_cast %swap3A_501 : vector<16xi32> to vector<16xi32>
          %swap3A_503 = vector.shape_cast %add3A_496 : vector<16xi32> to vector<16xi32>
          tpu.vector_store %arg9[%swap3A_500], %swap3A_503 {strides = array<i32>} : memref<8192xi32, #tpu.memory_space<vmem>>, vector<16xi32>,
          %add3A_504 = arith.constant 1 : i32
          %add3A_505 = vector.broadcast %add3A_504 : i32 to vector<16xi32>
          %add3A_506 = arith.addi %add3A_496, %add3A_505 : vector<16xi32>
          %add3A_507 = arith.constant 4096 : i32
          %add3A_508 = arith.addi %add3A_507, %add3A_499 : i32
          %swap3A_509 = arith.index_cast %add3A_508 : i32 to index
          %swap3A_510 = tpu.vector_load %arg9[%swap3A_509] {strides = array<i32>} : memref<8192xi32, #tpu.memory_space<vmem>>, vector<16xi32>,
          %swap3A_511 = vector.shape_cast %swap3A_510 : vector<16xi32> to vector<16xi32>
          %swap3A_512 = vector.shape_cast %add3A_506 : vector<16xi32> to vector<16xi32>
          tpu.vector_store %arg9[%swap3A_509], %swap3A_512 {strides = array<i32>} : memref<8192xi32, #tpu.memory_space<vmem>>, vector<16xi32>,
          %swap3A_513 = arith.index_cast %add3A_499 : i32 to index
          %swap3A_514 = tpu.vector_load %arg10[%swap3A_513] {strides = array<i32>} : memref<4096xf32, #tpu.memory_space<vmem>>, vector<16xf32>,
          %swap3A_515 = vector.shape_cast %swap3A_514 : vector<16xf32> to vector<16xf32>
          %swap3A_516 = vector.shape_cast %mul3A_497 : vector<16xf32> to vector<16xf32>
          tpu.vector_store %arg10[%swap3A_513], %swap3A_516 {strides = array<i32>} : memref<4096xf32, #tpu.memory_space<vmem>>, vector<16xf32>,
          %scan3A_517 = arith.constant 0 : i32
          scf.yield %scan3A_517 : i32
        }
        %scan3A_190 = arith.constant 32 : i32
        %dma_start3A_191 = arith.constant 0 : i32
        %dma_start3A_192 = tpu.memref_slice %arg3[%dma_start3A_191] : memref<14262480xf32, #tpu.memory_space<hbm>> -> memref<14262480xf32, #tpu.memory_space<hbm>>
        tpu.enqueue_indirect_dma source(%dma_start3A_192 : memref<14262480xf32, #tpu.memory_space<hbm>>) target(%arg11 : memref<8192xf32, #tpu.memory_space<vmem>>) offsets(%arg9 : memref<8192xi32, #tpu.memory_space<vmem>>) semaphore(%arg14 : memref<!tpu.dma_semaphore, #tpu.memory_space<semaphore_mem>>)
        %dma_wait3A_193 = arith.constant 0 : i32
        %dma_wait3A_194 = tpu.memref_slice %arg3[%dma_wait3A_193] : memref<14262480xf32, #tpu.memory_space<hbm>> -> memref<14262480xf32, #tpu.memory_space<hbm>>
        tpu.wait_indirect_dma semaphore(%arg13 : memref<!tpu.dma_semaphore, #tpu.memory_space<semaphore_mem>>) src(%dma_wait3A_194 : memref<14262480xf32, #tpu.memory_space<hbm>>) dst(%arg8 : memref<8192xf32, #tpu.memory_space<vmem>>)
        %sub3A_195 = arith.constant 1 : i32
        %sub3A_196 = arith.subi %add3A_134, %sub3A_195 : i32
        %scan3A_197 = arith.constant 0 : i32
        %scan3A_198 = arith.constant 0 : i32
        %scan3A_199 = arith.constant 32 : i32
        %scan3A_200 = arith.addi %scan3A_198, %scan3A_199 : i32
        %scan3A_201 = arith.constant 1 : i32
        %scan3A_202 = scf.for %scan3A_212 = %scan3A_198 to %scan3A_200 step %scan3A_201 iter_args(%scan3A_213 = %scan3A_197) -> (i32)  : i32 {
          %mul3A_214 = arith.constant 16 : i32
          %mul3A_215 = arith.muli %scan3A_212, %mul3A_214 : i32
          %broadcast_in_dim3A = arith.constant 0.000000e+00 : f32
          %broadcast_in_dim3A_216 = vector.broadcast %broadcast_in_dim3A : f32 to vector<16xf32>
          %broadcast_in_dim3A_217 = arith.constant 0.000000e+00 : f32
          %broadcast_in_dim3A_218 = vector.broadcast %broadcast_in_dim3A_217 : f32 to vector<16xf32>
          %add3A_219 = arith.constant 0 : i32
          %add3A_220 = arith.addi %add3A_219, %mul3A_215 : i32
          %get3A = arith.index_cast %add3A_220 : i32 to index
          %get3A_221 = tpu.vector_load %arg7[%get3A] {strides = array<i32>} : memref<4096xf32, #tpu.memory_space<vmem>>, vector<16xf32>,
          %get3A_222 = vector.shape_cast %get3A_221 : vector<16xf32> to vector<16xf32>
          %get3A_223 = arith.index_cast %add3A_220 : i32 to index
          %get3A_224 = tpu.vector_load %arg8[%get3A_223] {strides = array<i32>} : memref<8192xf32, #tpu.memory_space<vmem>>, vector<16xf32>,
          %get3A_225 = vector.shape_cast %get3A_224 : vector<16xf32> to vector<16xf32>
          %mul3A_226 = arith.mulf %get3A_222, %get3A_225 : vector<16xf32>
          %add3A_227 = arith.addf %broadcast_in_dim3A_216, %mul3A_226 : vector<16xf32>
          %add3A_228 = arith.constant 4096 : i32
          %add3A_229 = arith.addi %add3A_228, %add3A_220 : i32
          %get3A_230 = arith.index_cast %add3A_229 : i32 to index
          %get3A_231 = tpu.vector_load %arg8[%get3A_230] {strides = array<i32>} : memref<8192xf32, #tpu.memory_space<vmem>>, vector<16xf32>,
          %get3A_232 = vector.shape_cast %get3A_231 : vector<16xf32> to vector<16xf32>
          %mul3A_233 = arith.mulf %get3A_222, %get3A_232 : vector<16xf32>
          %add3A_234 = arith.addf %broadcast_in_dim3A_218, %mul3A_233 : vector<16xf32>
          %add3A_235 = arith.constant 512 : i32
          %add3A_236 = arith.addi %add3A_235, %mul3A_215 : i32
          %get3A_237 = arith.index_cast %add3A_236 : i32 to index
          %get3A_238 = tpu.vector_load %arg7[%get3A_237] {strides = array<i32>} : memref<4096xf32, #tpu.memory_space<vmem>>, vector<16xf32>,
          %get3A_239 = vector.shape_cast %get3A_238 : vector<16xf32> to vector<16xf32>
          %get3A_240 = arith.index_cast %add3A_236 : i32 to index
          %get3A_241 = tpu.vector_load %arg8[%get3A_240] {strides = array<i32>} : memref<8192xf32, #tpu.memory_space<vmem>>, vector<16xf32>,
          %get3A_242 = vector.shape_cast %get3A_241 : vector<16xf32> to vector<16xf32>
          %mul3A_243 = arith.mulf %get3A_239, %get3A_242 : vector<16xf32>
          %add3A_244 = arith.addf %add3A_227, %mul3A_243 : vector<16xf32>
          %add3A_245 = arith.constant 4096 : i32
          %add3A_246 = arith.addi %add3A_245, %add3A_236 : i32
          %get3A_247 = arith.index_cast %add3A_246 : i32 to index
          %get3A_248 = tpu.vector_load %arg8[%get3A_247] {strides = array<i32>} : memref<8192xf32, #tpu.memory_space<vmem>>, vector<16xf32>,
          %get3A_249 = vector.shape_cast %get3A_248 : vector<16xf32> to vector<16xf32>
          %mul3A_250 = arith.mulf %get3A_239, %get3A_249 : vector<16xf32>
          %add3A_251 = arith.addf %add3A_234, %mul3A_250 : vector<16xf32>
          %add3A_252 = arith.constant 1024 : i32
          %add3A_253 = arith.addi %add3A_252, %mul3A_215 : i32
          %get3A_254 = arith.index_cast %add3A_253 : i32 to index
          %get3A_255 = tpu.vector_load %arg7[%get3A_254] {strides = array<i32>} : memref<4096xf32, #tpu.memory_space<vmem>>, vector<16xf32>,
          %get3A_256 = vector.shape_cast %get3A_255 : vector<16xf32> to vector<16xf32>
          %get3A_257 = arith.index_cast %add3A_253 : i32 to index
          %get3A_258 = tpu.vector_load %arg8[%get3A_257] {strides = array<i32>} : memref<8192xf32, #tpu.memory_space<vmem>>, vector<16xf32>,
          %get3A_259 = vector.shape_cast %get3A_258 : vector<16xf32> to vector<16xf32>
          %mul3A_260 = arith.mulf %get3A_256, %get3A_259 : vector<16xf32>
          %add3A_261 = arith.addf %add3A_244, %mul3A_260 : vector<16xf32>
          %add3A_262 = arith.constant 4096 : i32
          %add3A_263 = arith.addi %add3A_262, %add3A_253 : i32
          %get3A_264 = arith.index_cast %add3A_263 : i32 to index
          %get3A_265 = tpu.vector_load %arg8[%get3A_264] {strides = array<i32>} : memref<8192xf32, #tpu.memory_space<vmem>>, vector<16xf32>,
          %get3A_266 = vector.shape_cast %get3A_265 : vector<16xf32> to vector<16xf32>
          %mul3A_267 = arith.mulf %get3A_256, %get3A_266 : vector<16xf32>
          %add3A_268 = arith.addf %add3A_251, %mul3A_267 : vector<16xf32>
          %add3A_269 = arith.constant 1536 : i32
          %add3A_270 = arith.addi %add3A_269, %mul3A_215 : i32
          %get3A_271 = arith.index_cast %add3A_270 : i32 to index
          %get3A_272 = tpu.vector_load %arg7[%get3A_271] {strides = array<i32>} : memref<4096xf32, #tpu.memory_space<vmem>>, vector<16xf32>,
          %get3A_273 = vector.shape_cast %get3A_272 : vector<16xf32> to vector<16xf32>
          %get3A_274 = arith.index_cast %add3A_270 : i32 to index
          %get3A_275 = tpu.vector_load %arg8[%get3A_274] {strides = array<i32>} : memref<8192xf32, #tpu.memory_space<vmem>>, vector<16xf32>,
          %get3A_276 = vector.shape_cast %get3A_275 : vector<16xf32> to vector<16xf32>
          %mul3A_277 = arith.mulf %get3A_273, %get3A_276 : vector<16xf32>
          %add3A_278 = arith.addf %add3A_261, %mul3A_277 : vector<16xf32>
          %add3A_279 = arith.constant 4096 : i32
          %add3A_280 = arith.addi %add3A_279, %add3A_270 : i32
          %get3A_281 = arith.index_cast %add3A_280 : i32 to index
          %get3A_282 = tpu.vector_load %arg8[%get3A_281] {strides = array<i32>} : memref<8192xf32, #tpu.memory_space<vmem>>, vector<16xf32>,
          %get3A_283 = vector.shape_cast %get3A_282 : vector<16xf32> to vector<16xf32>
          %mul3A_284 = arith.mulf %get3A_273, %get3A_283 : vector<16xf32>
          %add3A_285 = arith.addf %add3A_268, %mul3A_284 : vector<16xf32>
          %add3A_286 = arith.constant 2048 : i32
          %add3A_287 = arith.addi %add3A_286, %mul3A_215 : i32
          %get3A_288 = arith.index_cast %add3A_287 : i32 to index
          %get3A_289 = tpu.vector_load %arg7[%get3A_288] {strides = array<i32>} : memref<4096xf32, #tpu.memory_space<vmem>>, vector<16xf32>,
          %get3A_290 = vector.shape_cast %get3A_289 : vector<16xf32> to vector<16xf32>
          %get3A_291 = arith.index_cast %add3A_287 : i32 to index
          %get3A_292 = tpu.vector_load %arg8[%get3A_291] {strides = array<i32>} : memref<8192xf32, #tpu.memory_space<vmem>>, vector<16xf32>,
          %get3A_293 = vector.shape_cast %get3A_292 : vector<16xf32> to vector<16xf32>
          %mul3A_294 = arith.mulf %get3A_290, %get3A_293 : vector<16xf32>
          %add3A_295 = arith.addf %add3A_278, %mul3A_294 : vector<16xf32>
          %add3A_296 = arith.constant 4096 : i32
          %add3A_297 = arith.addi %add3A_296, %add3A_287 : i32
          %get3A_298 = arith.index_cast %add3A_297 : i32 to index
          %get3A_299 = tpu.vector_load %arg8[%get3A_298] {strides = array<i32>} : memref<8192xf32, #tpu.memory_space<vmem>>, vector<16xf32>,
          %get3A_300 = vector.shape_cast %get3A_299 : vector<16xf32> to vector<16xf32>
          %mul3A_301 = arith.mulf %get3A_290, %get3A_300 : vector<16xf32>
          %add3A_302 = arith.addf %add3A_285, %mul3A_301 : vector<16xf32>
          %add3A_303 = arith.constant 2560 : i32
          %add3A_304 = arith.addi %add3A_303, %mul3A_215 : i32
          %get3A_305 = arith.index_cast %add3A_304 : i32 to index
          %get3A_306 = tpu.vector_load %arg7[%get3A_305] {strides = array<i32>} : memref<4096xf32, #tpu.memory_space<vmem>>, vector<16xf32>,
          %get3A_307 = vector.shape_cast %get3A_306 : vector<16xf32> to vector<16xf32>
          %get3A_308 = arith.index_cast %add3A_304 : i32 to index
          %get3A_309 = tpu.vector_load %arg8[%get3A_308] {strides = array<i32>} : memref<8192xf32, #tpu.memory_space<vmem>>, vector<16xf32>,
          %get3A_310 = vector.shape_cast %get3A_309 : vector<16xf32> to vector<16xf32>
          %mul3A_311 = arith.mulf %get3A_307, %get3A_310 : vector<16xf32>
          %add3A_312 = arith.addf %add3A_295, %mul3A_311 : vector<16xf32>
          %add3A_313 = arith.constant 4096 : i32
          %add3A_314 = arith.addi %add3A_313, %add3A_304 : i32
          %get3A_315 = arith.index_cast %add3A_314 : i32 to index
          %get3A_316 = tpu.vector_load %arg8[%get3A_315] {strides = array<i32>} : memref<8192xf32, #tpu.memory_space<vmem>>, vector<16xf32>,
          %get3A_317 = vector.shape_cast %get3A_316 : vector<16xf32> to vector<16xf32>
          %mul3A_318 = arith.mulf %get3A_307, %get3A_317 : vector<16xf32>
          %add3A_319 = arith.addf %add3A_302, %mul3A_318 : vector<16xf32>
          %add3A_320 = arith.constant 3072 : i32
          %add3A_321 = arith.addi %add3A_320, %mul3A_215 : i32
          %get3A_322 = arith.index_cast %add3A_321 : i32 to index
          %get3A_323 = tpu.vector_load %arg7[%get3A_322] {strides = array<i32>} : memref<4096xf32, #tpu.memory_space<vmem>>, vector<16xf32>,
          %get3A_324 = vector.shape_cast %get3A_323 : vector<16xf32> to vector<16xf32>
          %get3A_325 = arith.index_cast %add3A_321 : i32 to index
          %get3A_326 = tpu.vector_load %arg8[%get3A_325] {strides = array<i32>} : memref<8192xf32, #tpu.memory_space<vmem>>, vector<16xf32>,
          %get3A_327 = vector.shape_cast %get3A_326 : vector<16xf32> to vector<16xf32>
          %mul3A_328 = arith.mulf %get3A_324, %get3A_327 : vector<16xf32>
          %add3A_329 = arith.addf %add3A_312, %mul3A_328 : vector<16xf32>
          %add3A_330 = arith.constant 4096 : i32
          %add3A_331 = arith.addi %add3A_330, %add3A_321 : i32
          %get3A_332 = arith.index_cast %add3A_331 : i32 to index
          %get3A_333 = tpu.vector_load %arg8[%get3A_332] {strides = array<i32>} : memref<8192xf32, #tpu.memory_space<vmem>>, vector<16xf32>,
          %get3A_334 = vector.shape_cast %get3A_333 : vector<16xf32> to vector<16xf32>
          %mul3A_335 = arith.mulf %get3A_324, %get3A_334 : vector<16xf32>
          %add3A_336 = arith.addf %add3A_319, %mul3A_335 : vector<16xf32>
          %add3A_337 = arith.constant 3584 : i32
          %add3A_338 = arith.addi %add3A_337, %mul3A_215 : i32
          %get3A_339 = arith.index_cast %add3A_338 : i32 to index
          %get3A_340 = tpu.vector_load %arg7[%get3A_339] {strides = array<i32>} : memref<4096xf32, #tpu.memory_space<vmem>>, vector<16xf32>,
          %get3A_341 = vector.shape_cast %get3A_340 : vector<16xf32> to vector<16xf32>
          %get3A_342 = arith.index_cast %add3A_338 : i32 to index
          %get3A_343 = tpu.vector_load %arg8[%get3A_342] {strides = array<i32>} : memref<8192xf32, #tpu.memory_space<vmem>>, vector<16xf32>,
          %get3A_344 = vector.shape_cast %get3A_343 : vector<16xf32> to vector<16xf32>
          %mul3A_345 = arith.mulf %get3A_341, %get3A_344 : vector<16xf32>
          %add3A_346 = arith.addf %add3A_329, %mul3A_345 : vector<16xf32>
          %add3A_347 = arith.constant 4096 : i32
          %add3A_348 = arith.addi %add3A_347, %add3A_338 : i32
          %get3A_349 = arith.index_cast %add3A_348 : i32 to index
          %get3A_350 = tpu.vector_load %arg8[%get3A_349] {strides = array<i32>} : memref<8192xf32, #tpu.memory_space<vmem>>, vector<16xf32>,
          %get3A_351 = vector.shape_cast %get3A_350 : vector<16xf32> to vector<16xf32>
          %mul3A_352 = arith.mulf %get3A_341, %get3A_351 : vector<16xf32>
          %add3A_353 = arith.addf %add3A_336, %mul3A_352 : vector<16xf32>
          %swap3A = arith.index_cast %mul3A_215 : i32 to index
          %swap3A_354 = tpu.vector_load %arg12[%swap3A] {strides = array<i32>} : memref<1024xf32, #tpu.memory_space<vmem>>, vector<16xf32>,
          %swap3A_355 = vector.shape_cast %swap3A_354 : vector<16xf32> to vector<16xf32>
          %swap3A_356 = vector.shape_cast %add3A_346 : vector<16xf32> to vector<16xf32>
          tpu.vector_store %arg12[%swap3A], %swap3A_356 {strides = array<i32>} : memref<1024xf32, #tpu.memory_space<vmem>>, vector<16xf32>,
          %add3A_357 = arith.constant 512 : i32
          %add3A_358 = arith.addi %add3A_357, %mul3A_215 : i32
          %swap3A_359 = arith.index_cast %add3A_358 : i32 to index
          %swap3A_360 = tpu.vector_load %arg12[%swap3A_359] {strides = array<i32>} : memref<1024xf32, #tpu.memory_space<vmem>>, vector<16xf32>,
          %swap3A_361 = vector.shape_cast %swap3A_360 : vector<16xf32> to vector<16xf32>
          %swap3A_362 = vector.shape_cast %add3A_353 : vector<16xf32> to vector<16xf32>
          tpu.vector_store %arg12[%swap3A_359], %swap3A_362 {strides = array<i32>} : memref<1024xf32, #tpu.memory_space<vmem>>, vector<16xf32>,
          %scan3A_363 = arith.constant 0 : i32
          scf.yield %scan3A_363 : i32
        }
        %scan3A_203 = arith.constant 32 : i32
        %mul3A_204 = arith.constant 2 : i32
        %mul3A_205 = arith.muli %sub3A_196, %mul3A_204 : i32
        %mul3A_206 = arith.constant 131072 : i32
        %mul3A_207 = arith.muli %mul3A_205, %mul3A_206 : i32
        %add3A_208 = arith.addi %mul3A_207, %add3A_13 : i32
        "tpu.region"() ({
          %run_scoped3A = tpu.sem_alloc : memref<!tpu.dma_semaphore, #tpu.memory_space<semaphore_mem>>
          %dma_start3A_212 = arith.constant 0 : i32
          %dma_start3A_213 = tpu.memref_slice %arg12[%dma_start3A_212] : memref<1024xf32, #tpu.memory_space<vmem>> -> memref<512xf32, #tpu.memory_space<vmem>>
          %dma_start3A_214 = tpu.memref_slice %arg4[%add3A_208] : memref<4194304xf32, #tpu.memory_space<hbm>> -> memref<512xf32, #tpu.memory_space<hbm>>
          %dma_start3A_215 = tpu.memref_slice %arg4[%add3A_208] : memref<4194304xf32, #tpu.memory_space<hbm>> -> memref<512xf32, #tpu.memory_space<hbm>>
          %dma_start3A_216 = arith.constant 0 : i32
          %dma_start3A_217 = tpu.memref_slice %arg12[%dma_start3A_216] : memref<1024xf32, #tpu.memory_space<vmem>> -> memref<512xf32, #tpu.memory_space<vmem>>
          tpu.enqueue_dma source(%dma_start3A_217 : memref<512xf32, #tpu.memory_space<vmem>>) target(%dma_start3A_215 : memref<512xf32, #tpu.memory_space<hbm>>) target_semaphore(%run_scoped3A : memref<!tpu.dma_semaphore, #tpu.memory_space<semaphore_mem>>)
          %dma_wait3A_218 = arith.constant 0 : i32
          %dma_wait3A_219 = tpu.memref_slice %arg12[%dma_wait3A_218] : memref<1024xf32, #tpu.memory_space<vmem>> -> memref<512xf32, #tpu.memory_space<vmem>>
          %dma_wait3A_220 = tpu.memref_slice %arg4[%add3A_208] : memref<4194304xf32, #tpu.memory_space<hbm>> -> memref<512xf32, #tpu.memory_space<hbm>>
          %dma_wait3A_221 = tpu.memref_slice %arg4[%add3A_208] : memref<4194304xf32, #tpu.memory_space<hbm>> -> memref<512xf32, #tpu.memory_space<hbm>>
          %dma_wait3A_222 = arith.constant 0 : i32
          %dma_wait3A_223 = tpu.memref_slice %arg12[%dma_wait3A_222] : memref<1024xf32, #tpu.memory_space<vmem>> -> memref<512xf32, #tpu.memory_space<vmem>>
          tpu.wait_dma2 semaphore(%run_scoped3A : memref<!tpu.dma_semaphore, #tpu.memory_space<semaphore_mem>>) src(%dma_wait3A_223 : memref<512xf32, #tpu.memory_space<vmem>>) dst(%dma_wait3A_221 : memref<512xf32, #tpu.memory_space<hbm>>)
          tpu.yield
        }) : () -> ()
        %add3A_209 = arith.constant 131072 : i32
        %add3A_210 = arith.addi %add3A_208, %add3A_209 : i32
        "tpu.region"() ({
          %run_scoped3A = tpu.sem_alloc : memref<!tpu.dma_semaphore, #tpu.memory_space<semaphore_mem>>
          %dma_start3A_212 = arith.constant 512 : i32
          %dma_start3A_213 = tpu.memref_slice %arg12[%dma_start3A_212] : memref<1024xf32, #tpu.memory_space<vmem>> -> memref<512xf32, #tpu.memory_space<vmem>>
          %dma_start3A_214 = tpu.memref_slice %arg4[%add3A_210] : memref<4194304xf32, #tpu.memory_space<hbm>> -> memref<512xf32, #tpu.memory_space<hbm>>
          %dma_start3A_215 = tpu.memref_slice %arg4[%add3A_210] : memref<4194304xf32, #tpu.memory_space<hbm>> -> memref<512xf32, #tpu.memory_space<hbm>>
          %dma_start3A_216 = arith.constant 512 : i32
          %dma_start3A_217 = tpu.memref_slice %arg12[%dma_start3A_216] : memref<1024xf32, #tpu.memory_space<vmem>> -> memref<512xf32, #tpu.memory_space<vmem>>
          tpu.enqueue_dma source(%dma_start3A_217 : memref<512xf32, #tpu.memory_space<vmem>>) target(%dma_start3A_215 : memref<512xf32, #tpu.memory_space<hbm>>) target_semaphore(%run_scoped3A : memref<!tpu.dma_semaphore, #tpu.memory_space<semaphore_mem>>)
          %dma_wait3A_218 = arith.constant 512 : i32
          %dma_wait3A_219 = tpu.memref_slice %arg12[%dma_wait3A_218] : memref<1024xf32, #tpu.memory_space<vmem>> -> memref<512xf32, #tpu.memory_space<vmem>>
          %dma_wait3A_220 = tpu.memref_slice %arg4[%add3A_210] : memref<4194304xf32, #tpu.memory_space<hbm>> -> memref<512xf32, #tpu.memory_space<hbm>>
          %dma_wait3A_221 = tpu.memref_slice %arg4[%add3A_210] : memref<4194304xf32, #tpu.memory_space<hbm>> -> memref<512xf32, #tpu.memory_space<hbm>>
          %dma_wait3A_222 = arith.constant 512 : i32
          %dma_wait3A_223 = tpu.memref_slice %arg12[%dma_wait3A_222] : memref<1024xf32, #tpu.memory_space<vmem>> -> memref<512xf32, #tpu.memory_space<vmem>>
          tpu.wait_dma2 semaphore(%run_scoped3A : memref<!tpu.dma_semaphore, #tpu.memory_space<semaphore_mem>>) src(%dma_wait3A_223 : memref<512xf32, #tpu.memory_space<vmem>>) dst(%dma_wait3A_221 : memref<512xf32, #tpu.memory_space<hbm>>)
          tpu.yield
        }) : () -> ()
        %scan3A_211 = arith.constant 0 : i32
        scf.yield %scan3A_211 : i32
      }
      %scan3A_112 = arith.constant 6 : i32
      %dma_wait3A_113 = arith.constant 0 : i32
      %dma_wait3A_114 = tpu.memref_slice %arg3[%dma_wait3A_113] : memref<14262480xf32, #tpu.memory_space<hbm>> -> memref<14262480xf32, #tpu.memory_space<hbm>>
      tpu.wait_indirect_dma semaphore(%arg14 : memref<!tpu.dma_semaphore, #tpu.memory_space<semaphore_mem>>) src(%dma_wait3A_114 : memref<14262480xf32, #tpu.memory_space<hbm>>) dst(%arg11 : memref<8192xf32, #tpu.memory_space<vmem>>)
      %scan3A_115 = arith.constant 0 : i32
      %scan3A_116 = arith.constant 0 : i32
      %scan3A_117 = arith.constant 32 : i32
      %scan3A_118 = arith.addi %scan3A_116, %scan3A_117 : i32
      %scan3A_119 = arith.constant 1 : i32
      %scan3A_120 = scf.for %scan3A_127 = %scan3A_116 to %scan3A_118 step %scan3A_119 iter_args(%scan3A_128 = %scan3A_115) -> (i32)  : i32 {
        %mul3A_129 = arith.constant 16 : i32
        %mul3A_130 = arith.muli %scan3A_127, %mul3A_129 : i32
        %broadcast_in_dim3A = arith.constant 0.000000e+00 : f32
        %broadcast_in_dim3A_131 = vector.broadcast %broadcast_in_dim3A : f32 to vector<16xf32>
        %broadcast_in_dim3A_132 = arith.constant 0.000000e+00 : f32
        %broadcast_in_dim3A_133 = vector.broadcast %broadcast_in_dim3A_132 : f32 to vector<16xf32>
        %add3A_134 = arith.constant 0 : i32
        %add3A_135 = arith.addi %add3A_134, %mul3A_130 : i32
        %get3A = arith.index_cast %add3A_135 : i32 to index
        %get3A_136 = tpu.vector_load %arg10[%get3A] {strides = array<i32>} : memref<4096xf32, #tpu.memory_space<vmem>>, vector<16xf32>,
        %get3A_137 = vector.shape_cast %get3A_136 : vector<16xf32> to vector<16xf32>
        %get3A_138 = arith.index_cast %add3A_135 : i32 to index
        %get3A_139 = tpu.vector_load %arg11[%get3A_138] {strides = array<i32>} : memref<8192xf32, #tpu.memory_space<vmem>>, vector<16xf32>,
        %get3A_140 = vector.shape_cast %get3A_139 : vector<16xf32> to vector<16xf32>
        %mul3A_141 = arith.mulf %get3A_137, %get3A_140 : vector<16xf32>
        %add3A_142 = arith.addf %broadcast_in_dim3A_131, %mul3A_141 : vector<16xf32>
        %add3A_143 = arith.constant 4096 : i32
        %add3A_144 = arith.addi %add3A_143, %add3A_135 : i32
        %get3A_145 = arith.index_cast %add3A_144 : i32 to index
        %get3A_146 = tpu.vector_load %arg11[%get3A_145] {strides = array<i32>} : memref<8192xf32, #tpu.memory_space<vmem>>, vector<16xf32>,
        %get3A_147 = vector.shape_cast %get3A_146 : vector<16xf32> to vector<16xf32>
        %mul3A_148 = arith.mulf %get3A_137, %get3A_147 : vector<16xf32>
        %add3A_149 = arith.addf %broadcast_in_dim3A_133, %mul3A_148 : vector<16xf32>
        %add3A_150 = arith.constant 512 : i32
        %add3A_151 = arith.addi %add3A_150, %mul3A_130 : i32
        %get3A_152 = arith.index_cast %add3A_151 : i32 to index
        %get3A_153 = tpu.vector_load %arg10[%get3A_152] {strides = array<i32>} : memref<4096xf32, #tpu.memory_space<vmem>>, vector<16xf32>,
        %get3A_154 = vector.shape_cast %get3A_153 : vector<16xf32> to vector<16xf32>
        %get3A_155 = arith.index_cast %add3A_151 : i32 to index
        %get3A_156 = tpu.vector_load %arg11[%get3A_155] {strides = array<i32>} : memref<8192xf32, #tpu.memory_space<vmem>>, vector<16xf32>,
        %get3A_157 = vector.shape_cast %get3A_156 : vector<16xf32> to vector<16xf32>
        %mul3A_158 = arith.mulf %get3A_154, %get3A_157 : vector<16xf32>
        %add3A_159 = arith.addf %add3A_142, %mul3A_158 : vector<16xf32>
        %add3A_160 = arith.constant 4096 : i32
        %add3A_161 = arith.addi %add3A_160, %add3A_151 : i32
        %get3A_162 = arith.index_cast %add3A_161 : i32 to index
        %get3A_163 = tpu.vector_load %arg11[%get3A_162] {strides = array<i32>} : memref<8192xf32, #tpu.memory_space<vmem>>, vector<16xf32>,
        %get3A_164 = vector.shape_cast %get3A_163 : vector<16xf32> to vector<16xf32>
        %mul3A_165 = arith.mulf %get3A_154, %get3A_164 : vector<16xf32>
        %add3A_166 = arith.addf %add3A_149, %mul3A_165 : vector<16xf32>
        %add3A_167 = arith.constant 1024 : i32
        %add3A_168 = arith.addi %add3A_167, %mul3A_130 : i32
        %get3A_169 = arith.index_cast %add3A_168 : i32 to index
        %get3A_170 = tpu.vector_load %arg10[%get3A_169] {strides = array<i32>} : memref<4096xf32, #tpu.memory_space<vmem>>, vector<16xf32>,
        %get3A_171 = vector.shape_cast %get3A_170 : vector<16xf32> to vector<16xf32>
        %get3A_172 = arith.index_cast %add3A_168 : i32 to index
        %get3A_173 = tpu.vector_load %arg11[%get3A_172] {strides = array<i32>} : memref<8192xf32, #tpu.memory_space<vmem>>, vector<16xf32>,
        %get3A_174 = vector.shape_cast %get3A_173 : vector<16xf32> to vector<16xf32>
        %mul3A_175 = arith.mulf %get3A_171, %get3A_174 : vector<16xf32>
        %add3A_176 = arith.addf %add3A_159, %mul3A_175 : vector<16xf32>
        %add3A_177 = arith.constant 4096 : i32
        %add3A_178 = arith.addi %add3A_177, %add3A_168 : i32
        %get3A_179 = arith.index_cast %add3A_178 : i32 to index
        %get3A_180 = tpu.vector_load %arg11[%get3A_179] {strides = array<i32>} : memref<8192xf32, #tpu.memory_space<vmem>>, vector<16xf32>,
        %get3A_181 = vector.shape_cast %get3A_180 : vector<16xf32> to vector<16xf32>
        %mul3A_182 = arith.mulf %get3A_171, %get3A_181 : vector<16xf32>
        %add3A_183 = arith.addf %add3A_166, %mul3A_182 : vector<16xf32>
        %add3A_184 = arith.constant 1536 : i32
        %add3A_185 = arith.addi %add3A_184, %mul3A_130 : i32
        %get3A_186 = arith.index_cast %add3A_185 : i32 to index
        %get3A_187 = tpu.vector_load %arg10[%get3A_186] {strides = array<i32>} : memref<4096xf32, #tpu.memory_space<vmem>>, vector<16xf32>,
        %get3A_188 = vector.shape_cast %get3A_187 : vector<16xf32> to vector<16xf32>
        %get3A_189 = arith.index_cast %add3A_185 : i32 to index
        %get3A_190 = tpu.vector_load %arg11[%get3A_189] {strides = array<i32>} : memref<8192xf32, #tpu.memory_space<vmem>>, vector<16xf32>,
        %get3A_191 = vector.shape_cast %get3A_190 : vector<16xf32> to vector<16xf32>
        %mul3A_192 = arith.mulf %get3A_188, %get3A_191 : vector<16xf32>
        %add3A_193 = arith.addf %add3A_176, %mul3A_192 : vector<16xf32>
        %add3A_194 = arith.constant 4096 : i32
        %add3A_195 = arith.addi %add3A_194, %add3A_185 : i32
        %get3A_196 = arith.index_cast %add3A_195 : i32 to index
        %get3A_197 = tpu.vector_load %arg11[%get3A_196] {strides = array<i32>} : memref<8192xf32, #tpu.memory_space<vmem>>, vector<16xf32>,
        %get3A_198 = vector.shape_cast %get3A_197 : vector<16xf32> to vector<16xf32>
        %mul3A_199 = arith.mulf %get3A_188, %get3A_198 : vector<16xf32>
        %add3A_200 = arith.addf %add3A_183, %mul3A_199 : vector<16xf32>
        %add3A_201 = arith.constant 2048 : i32
        %add3A_202 = arith.addi %add3A_201, %mul3A_130 : i32
        %get3A_203 = arith.index_cast %add3A_202 : i32 to index
        %get3A_204 = tpu.vector_load %arg10[%get3A_203] {strides = array<i32>} : memref<4096xf32, #tpu.memory_space<vmem>>, vector<16xf32>,
        %get3A_205 = vector.shape_cast %get3A_204 : vector<16xf32> to vector<16xf32>
        %get3A_206 = arith.index_cast %add3A_202 : i32 to index
        %get3A_207 = tpu.vector_load %arg11[%get3A_206] {strides = array<i32>} : memref<8192xf32, #tpu.memory_space<vmem>>, vector<16xf32>,
        %get3A_208 = vector.shape_cast %get3A_207 : vector<16xf32> to vector<16xf32>
        %mul3A_209 = arith.mulf %get3A_205, %get3A_208 : vector<16xf32>
        %add3A_210 = arith.addf %add3A_193, %mul3A_209 : vector<16xf32>
        %add3A_211 = arith.constant 4096 : i32
        %add3A_212 = arith.addi %add3A_211, %add3A_202 : i32
        %get3A_213 = arith.index_cast %add3A_212 : i32 to index
        %get3A_214 = tpu.vector_load %arg11[%get3A_213] {strides = array<i32>} : memref<8192xf32, #tpu.memory_space<vmem>>, vector<16xf32>,
        %get3A_215 = vector.shape_cast %get3A_214 : vector<16xf32> to vector<16xf32>
        %mul3A_216 = arith.mulf %get3A_205, %get3A_215 : vector<16xf32>
        %add3A_217 = arith.addf %add3A_200, %mul3A_216 : vector<16xf32>
        %add3A_218 = arith.constant 2560 : i32
        %add3A_219 = arith.addi %add3A_218, %mul3A_130 : i32
        %get3A_220 = arith.index_cast %add3A_219 : i32 to index
        %get3A_221 = tpu.vector_load %arg10[%get3A_220] {strides = array<i32>} : memref<4096xf32, #tpu.memory_space<vmem>>, vector<16xf32>,
        %get3A_222 = vector.shape_cast %get3A_221 : vector<16xf32> to vector<16xf32>
        %get3A_223 = arith.index_cast %add3A_219 : i32 to index
        %get3A_224 = tpu.vector_load %arg11[%get3A_223] {strides = array<i32>} : memref<8192xf32, #tpu.memory_space<vmem>>, vector<16xf32>,
        %get3A_225 = vector.shape_cast %get3A_224 : vector<16xf32> to vector<16xf32>
        %mul3A_226 = arith.mulf %get3A_222, %get3A_225 : vector<16xf32>
        %add3A_227 = arith.addf %add3A_210, %mul3A_226 : vector<16xf32>
        %add3A_228 = arith.constant 4096 : i32
        %add3A_229 = arith.addi %add3A_228, %add3A_219 : i32
        %get3A_230 = arith.index_cast %add3A_229 : i32 to index
        %get3A_231 = tpu.vector_load %arg11[%get3A_230] {strides = array<i32>} : memref<8192xf32, #tpu.memory_space<vmem>>, vector<16xf32>,
        %get3A_232 = vector.shape_cast %get3A_231 : vector<16xf32> to vector<16xf32>
        %mul3A_233 = arith.mulf %get3A_222, %get3A_232 : vector<16xf32>
        %add3A_234 = arith.addf %add3A_217, %mul3A_233 : vector<16xf32>
        %add3A_235 = arith.constant 3072 : i32
        %add3A_236 = arith.addi %add3A_235, %mul3A_130 : i32
        %get3A_237 = arith.index_cast %add3A_236 : i32 to index
        %get3A_238 = tpu.vector_load %arg10[%get3A_237] {strides = array<i32>} : memref<4096xf32, #tpu.memory_space<vmem>>, vector<16xf32>,
        %get3A_239 = vector.shape_cast %get3A_238 : vector<16xf32> to vector<16xf32>
        %get3A_240 = arith.index_cast %add3A_236 : i32 to index
        %get3A_241 = tpu.vector_load %arg11[%get3A_240] {strides = array<i32>} : memref<8192xf32, #tpu.memory_space<vmem>>, vector<16xf32>,
        %get3A_242 = vector.shape_cast %get3A_241 : vector<16xf32> to vector<16xf32>
        %mul3A_243 = arith.mulf %get3A_239, %get3A_242 : vector<16xf32>
        %add3A_244 = arith.addf %add3A_227, %mul3A_243 : vector<16xf32>
        %add3A_245 = arith.constant 4096 : i32
        %add3A_246 = arith.addi %add3A_245, %add3A_236 : i32
        %get3A_247 = arith.index_cast %add3A_246 : i32 to index
        %get3A_248 = tpu.vector_load %arg11[%get3A_247] {strides = array<i32>} : memref<8192xf32, #tpu.memory_space<vmem>>, vector<16xf32>,
        %get3A_249 = vector.shape_cast %get3A_248 : vector<16xf32> to vector<16xf32>
        %mul3A_250 = arith.mulf %get3A_239, %get3A_249 : vector<16xf32>
        %add3A_251 = arith.addf %add3A_234, %mul3A_250 : vector<16xf32>
        %add3A_252 = arith.constant 3584 : i32
        %add3A_253 = arith.addi %add3A_252, %mul3A_130 : i32
        %get3A_254 = arith.index_cast %add3A_253 : i32 to index
        %get3A_255 = tpu.vector_load %arg10[%get3A_254] {strides = array<i32>} : memref<4096xf32, #tpu.memory_space<vmem>>, vector<16xf32>,
        %get3A_256 = vector.shape_cast %get3A_255 : vector<16xf32> to vector<16xf32>
        %get3A_257 = arith.index_cast %add3A_253 : i32 to index
        %get3A_258 = tpu.vector_load %arg11[%get3A_257] {strides = array<i32>} : memref<8192xf32, #tpu.memory_space<vmem>>, vector<16xf32>,
        %get3A_259 = vector.shape_cast %get3A_258 : vector<16xf32> to vector<16xf32>
        %mul3A_260 = arith.mulf %get3A_256, %get3A_259 : vector<16xf32>
        %add3A_261 = arith.addf %add3A_244, %mul3A_260 : vector<16xf32>
        %add3A_262 = arith.constant 4096 : i32
        %add3A_263 = arith.addi %add3A_262, %add3A_253 : i32
        %get3A_264 = arith.index_cast %add3A_263 : i32 to index
        %get3A_265 = tpu.vector_load %arg11[%get3A_264] {strides = array<i32>} : memref<8192xf32, #tpu.memory_space<vmem>>, vector<16xf32>,
        %get3A_266 = vector.shape_cast %get3A_265 : vector<16xf32> to vector<16xf32>
        %mul3A_267 = arith.mulf %get3A_256, %get3A_266 : vector<16xf32>
        %add3A_268 = arith.addf %add3A_251, %mul3A_267 : vector<16xf32>
        %swap3A = arith.index_cast %mul3A_130 : i32 to index
        %swap3A_269 = tpu.vector_load %arg12[%swap3A] {strides = array<i32>} : memref<1024xf32, #tpu.memory_space<vmem>>, vector<16xf32>,
        %swap3A_270 = vector.shape_cast %swap3A_269 : vector<16xf32> to vector<16xf32>
        %swap3A_271 = vector.shape_cast %add3A_261 : vector<16xf32> to vector<16xf32>
        tpu.vector_store %arg12[%swap3A], %swap3A_271 {strides = array<i32>} : memref<1024xf32, #tpu.memory_space<vmem>>, vector<16xf32>,
        %add3A_272 = arith.constant 512 : i32
        %add3A_273 = arith.addi %add3A_272, %mul3A_130 : i32
        %swap3A_274 = arith.index_cast %add3A_273 : i32 to index
        %swap3A_275 = tpu.vector_load %arg12[%swap3A_274] {strides = array<i32>} : memref<1024xf32, #tpu.memory_space<vmem>>, vector<16xf32>,
        %swap3A_276 = vector.shape_cast %swap3A_275 : vector<16xf32> to vector<16xf32>
        %swap3A_277 = vector.shape_cast %add3A_268 : vector<16xf32> to vector<16xf32>
        tpu.vector_store %arg12[%swap3A_274], %swap3A_277 {strides = array<i32>} : memref<1024xf32, #tpu.memory_space<vmem>>, vector<16xf32>,
        %scan3A_278 = arith.constant 0 : i32
        scf.yield %scan3A_278 : i32
      }
      %scan3A_121 = arith.constant 32 : i32
      %add3A_122 = arith.constant 3932160 : i32
      %add3A_123 = arith.addi %add3A_122, %add3A_13 : i32
      "tpu.region"() ({
        %run_scoped3A = tpu.sem_alloc : memref<!tpu.dma_semaphore, #tpu.memory_space<semaphore_mem>>
        %dma_start3A_127 = arith.constant 0 : i32
        %dma_start3A_128 = tpu.memref_slice %arg12[%dma_start3A_127] : memref<1024xf32, #tpu.memory_space<vmem>> -> memref<512xf32, #tpu.memory_space<vmem>>
        %dma_start3A_129 = tpu.memref_slice %arg4[%add3A_123] : memref<4194304xf32, #tpu.memory_space<hbm>> -> memref<512xf32, #tpu.memory_space<hbm>>
        %dma_start3A_130 = tpu.memref_slice %arg4[%add3A_123] : memref<4194304xf32, #tpu.memory_space<hbm>> -> memref<512xf32, #tpu.memory_space<hbm>>
        %dma_start3A_131 = arith.constant 0 : i32
        %dma_start3A_132 = tpu.memref_slice %arg12[%dma_start3A_131] : memref<1024xf32, #tpu.memory_space<vmem>> -> memref<512xf32, #tpu.memory_space<vmem>>
        tpu.enqueue_dma source(%dma_start3A_132 : memref<512xf32, #tpu.memory_space<vmem>>) target(%dma_start3A_130 : memref<512xf32, #tpu.memory_space<hbm>>) target_semaphore(%run_scoped3A : memref<!tpu.dma_semaphore, #tpu.memory_space<semaphore_mem>>)
        %dma_wait3A_133 = arith.constant 0 : i32
        %dma_wait3A_134 = tpu.memref_slice %arg12[%dma_wait3A_133] : memref<1024xf32, #tpu.memory_space<vmem>> -> memref<512xf32, #tpu.memory_space<vmem>>
        %dma_wait3A_135 = tpu.memref_slice %arg4[%add3A_123] : memref<4194304xf32, #tpu.memory_space<hbm>> -> memref<512xf32, #tpu.memory_space<hbm>>
        %dma_wait3A_136 = tpu.memref_slice %arg4[%add3A_123] : memref<4194304xf32, #tpu.memory_space<hbm>> -> memref<512xf32, #tpu.memory_space<hbm>>
        %dma_wait3A_137 = arith.constant 0 : i32
        %dma_wait3A_138 = tpu.memref_slice %arg12[%dma_wait3A_137] : memref<1024xf32, #tpu.memory_space<vmem>> -> memref<512xf32, #tpu.memory_space<vmem>>
        tpu.wait_dma2 semaphore(%run_scoped3A : memref<!tpu.dma_semaphore, #tpu.memory_space<semaphore_mem>>) src(%dma_wait3A_138 : memref<512xf32, #tpu.memory_space<vmem>>) dst(%dma_wait3A_136 : memref<512xf32, #tpu.memory_space<hbm>>)
        tpu.yield
      }) : () -> ()
      %add3A_124 = arith.constant 131072 : i32
      %add3A_125 = arith.addi %add3A_123, %add3A_124 : i32
      "tpu.region"() ({
        %run_scoped3A = tpu.sem_alloc : memref<!tpu.dma_semaphore, #tpu.memory_space<semaphore_mem>>
        %dma_start3A_127 = arith.constant 512 : i32
        %dma_start3A_128 = tpu.memref_slice %arg12[%dma_start3A_127] : memref<1024xf32, #tpu.memory_space<vmem>> -> memref<512xf32, #tpu.memory_space<vmem>>
        %dma_start3A_129 = tpu.memref_slice %arg4[%add3A_125] : memref<4194304xf32, #tpu.memory_space<hbm>> -> memref<512xf32, #tpu.memory_space<hbm>>
        %dma_start3A_130 = tpu.memref_slice %arg4[%add3A_125] : memref<4194304xf32, #tpu.memory_space<hbm>> -> memref<512xf32, #tpu.memory_space<hbm>>
        %dma_start3A_131 = arith.constant 512 : i32
        %dma_start3A_132 = tpu.memref_slice %arg12[%dma_start3A_131] : memref<1024xf32, #tpu.memory_space<vmem>> -> memref<512xf32, #tpu.memory_space<vmem>>
        tpu.enqueue_dma source(%dma_start3A_132 : memref<512xf32, #tpu.memory_space<vmem>>) target(%dma_start3A_130 : memref<512xf32, #tpu.memory_space<hbm>>) target_semaphore(%run_scoped3A : memref<!tpu.dma_semaphore, #tpu.memory_space<semaphore_mem>>)
        %dma_wait3A_133 = arith.constant 512 : i32
        %dma_wait3A_134 = tpu.memref_slice %arg12[%dma_wait3A_133] : memref<1024xf32, #tpu.memory_space<vmem>> -> memref<512xf32, #tpu.memory_space<vmem>>
        %dma_wait3A_135 = tpu.memref_slice %arg4[%add3A_125] : memref<4194304xf32, #tpu.memory_space<hbm>> -> memref<512xf32, #tpu.memory_space<hbm>>
        %dma_wait3A_136 = tpu.memref_slice %arg4[%add3A_125] : memref<4194304xf32, #tpu.memory_space<hbm>> -> memref<512xf32, #tpu.memory_space<hbm>>
        %dma_wait3A_137 = arith.constant 512 : i32
        %dma_wait3A_138 = tpu.memref_slice %arg12[%dma_wait3A_137] : memref<1024xf32, #tpu.memory_space<vmem>> -> memref<512xf32, #tpu.memory_space<vmem>>
        tpu.wait_dma2 semaphore(%run_scoped3A : memref<!tpu.dma_semaphore, #tpu.memory_space<semaphore_mem>>) src(%dma_wait3A_138 : memref<512xf32, #tpu.memory_space<vmem>>) dst(%dma_wait3A_136 : memref<512xf32, #tpu.memory_space<hbm>>)
        tpu.yield
      }) : () -> ()
      %scan3A_126 = arith.constant 0 : i32
      scf.yield %scan3A_126 : i32
    }
    %scan3A_6 = arith.constant 8 : i32
    return
  }
}

</mosaic_0001>

<sc_bundles>
// kernel: kernel.3.cloned.1.call-start
scs
__scs_entry_jumppad:
0x0: {  	(pc) =	sbr.rel $0x88, $3  }
0x1: {  	(tag) =	ssettag $0x0;
	lr =	simm.s32 $0x1  }
0x2: {  	[smem:$0x3F9F] =	sst lr;
	_ =	strace $0xD0000000  }
0x3: {  	_ = 	snop  }
0x4: {  	_ = 	snop  }
0x5: {  	_ = 	snop  }
0x6: {  	_ = 	snop  }
0x7: {  	_ = 	snop  }
__scs_overlays_trampoline_lowered:
0x8: {  	[smem:$0x3FAE] =	sst s0  }
0x9: {  	[smem:$0x3FAF] =	sst s1  }
0xa: {  	[smem:$0x3FB0] =	sst s2  }
0xb: {  	[smem:$0x3FB1] =	sst s3  }
0xc: {  	[smem:$0x3FB2] =	sst s4  }
0xd: {  	[smem:$0x3FB3] =	sst s5  }
0xe: {  	[smem:$0x3FB4] =	sst s6  }
0xf: {  	[smem:$0x3FB5] =	sst s7  }
0x10: {  	[smem:$0x3FB6] =	sst s8  }
0x11: {  	[smem:$0x3FB7] =	sst s9;
	s0 =	simm.s32 @!p0 $0x0  }
0x12: {  	s1 =	sld [smem:$0x3F9D];
	s0 =	simm.s32 @p0 $0x1  }
0x13: {  	[smem:$0x3FB8] =	sst s0;
	s0 =	simm.s32 @!p1 $0x0  }
0x14: {  	s2 =	sld [smem:$0x3F9C];
	s0 =	simm.s32 @p1 $0x1  }
0x15: {  	[smem:$0x3FB9] =	sst s0;
	s0 =	simm.s32 @!p2 $0x0  }
0x16: {  	s3 =	sld [smem:$0x3FDB];
	s0 =	simm.s32 @p2 $0x1  }
0x17: {  	s4 =	simm.s32 $0x1BF5;
	[smem:$0x3FBB] =	sst s0  }
0x18: {  	s0 =	sld [smem:$0x3F9E];
	_ =	swait.ge [sflag:s4], $0x0  }
0x19: {  	s7 =	sld [smem:$0x3F9F]  }
0x1a: {  	s8 =	sadd.s32 $0xFFFFE003, lr  }
0x1b: {  	s9 =	sadd.s32 $0xFFFFFEF7, lr;
	s5 =	simm.s32 $0xFFFFFFFF;
	p2 =	slt.u32 s8, $0xFFFFF086  }
0x1c: {  	p1 =	slt.u32 s9, $0xF7A;
	s5 =	simm.s32 @!p2 $0x0  }
0x1d: {  	s5 =	simm.s32 @p1 $0x1;
	p0 =	seq.s32 s7, s2  }
0x1e: {  	s7 =	smul.u32 @!p0 $0xF7A, s2;
	p2 =	seq.s32 @!p0 s5, $0x0  }
0x1f: {  	s9 =	smul.u32 $0xF7A, s1;
	s8 =	simm.s32 @!p0 $0x1BF5;
	p2 =	por !p2, p0  }
0x20: {  	[sflag:s8] =	ssyncset.s32 @!p0 $0xFFFFF086;
	s6 =	sadd.s32 @!p0 s3, s7;
	s7 =	simm.s32 @!p0 $0x108  }
0x21: {  	s3 =	sadd.s32 s3, s9;
	s6 =	sadd.s32 @!p0 $0x88, s6;
	s7 =	simm.s32 @p2 $0x1082  }
0x22: {  	[simem:s7], [sflag:s8] =	dma.local @!p0 [hbm:s6], $0xF7A  }
0x23: {  	s9 =	sor.u32 $0xD0000000, s2;
	s6 =	simm.s32 $0x108;
	_ =	swait.ge @!p0 [sflag:s8], $0x0  }
0x24: {  	s3 =	sadd.s32 $0x88, s3;
	s6 =	simm.s32 @!p1 $0x1082;
	[sflag:s4] =	ssyncset.s32 $0xFFFFF086  }
0x25: {  	[simem:s6], [sflag:s4] =	dma.local [hbm:s3], $0xF7A  }
0x26: {  	[smem:$0x3F9F] =	sst s1;
	(tag) =	ssettag s2;
	_ =	strace s9  }
0x27: {  	s1 =	sld [smem:$0x3FAF]  }
0x28: {  	s2 =	sld [smem:$0x3FB0]  }
0x29: {  	s4 =	sld [smem:$0x3FB2]  }
0x2a: {  	p0 =	seq.s32 s5, $0x0;
	s5 =	sld [smem:$0x3FB3]  }
0x2b: {  	s6 =	sld [smem:$0x3FB4]  }
0x2c: {  	s7 =	sld [smem:$0x3FB5]  }
0x2d: {  	s3 =	simm.s32 $0x108;
	s8 =	sld [smem:$0x3FB6]  }
0x2e: {  	s3 =	simm.s32 @!p0 $0x1082;
	s9 =	sld [smem:$0x3FB7]  }
0x2f: {  	lr =	sadd.s32 s0, s3;
	s0 =	sld [smem:$0x3FAE]  }
0x30: {  	s3 =	sld [smem:$0x3FB1]  }
0x31: {  	[smem:$0x3FBA] =	sst s10  }
0x32: {  	s10 =	sld [smem:$0x3FB8];
	_ =	sdelay $0x3  }
0x33: {  	p0 =	seq.s32 s10, $0x1;
	s10 =	sld [smem:$0x3FBA];
	_ =	sdelay $0x3  }
0x34: {  	[smem:$0x3FBA] =	sst s10  }
0x35: {  	s10 =	sld [smem:$0x3FB9];
	_ =	sdelay $0x3  }
0x36: {  	p1 =	seq.s32 s10, $0x1;
	s10 =	sld [smem:$0x3FBA];
	_ =	sdelay $0x3  }
0x37: {  	[smem:$0x3FBA] =	sst s10  }
0x38: {  	s10 =	sld [smem:$0x3FBB]  }
0x39: {  	_ = 	snop;
	(pc) =	sbr.ind lr, $3  }
0x3a: {  	_ = 	snop  }
0x3b: {  	_ = 	snop  }
0x3c: {  	p2 =	seq.s32 s10, $0x1;
	s10 =	sld [smem:$0x3FBA]  }
0x3d: {  	_ =	shalt  }
0x3e: {  	_ =	shalt  }
0x3f: {  	_ =	shalt  }
0x40: {  	_ =	shalt  }
0x41: {  	_ =	shalt  }
0x42: {  	_ =	shalt  }
0x43: {  	_ =	shalt  }
0x44: {  	_ =	shalt  }
0x45: {  	_ =	shalt  }
0x46: {  	_ =	shalt  }
0x47: {  	_ =	shalt  }
0x48: {  	_ =	shalt  }
0x49: {  	_ =	shalt  }
0x4a: {  	_ =	shalt  }
0x4b: {  	_ =	shalt  }
0x4c: {  	_ =	shalt  }
0x4d: {  	_ =	shalt  }
0x4e: {  	_ =	shalt  }
0x4f: {  	_ =	shalt  }
0x50: {  	_ =	shalt  }
0x51: {  	_ =	shalt  }
0x52: {  	_ =	shalt  }
0x53: {  	_ =	shalt  }
0x54: {  	_ =	shalt  }
0x55: {  	_ =	shalt  }
0x56: {  	_ =	shalt  }
0x57: {  	_ =	shalt  }
0x58: {  	_ =	shalt  }
0x59: {  	_ =	shalt  }
0x5a: {  	_ =	shalt  }
0x5b: {  	_ =	shalt  }
0x5c: {  	_ =	shalt  }
0x5d: {  	_ =	shalt  }
0x5e: {  	_ =	shalt  }
0x5f: {  	_ =	shalt  }
0x60: {  	_ =	shalt  }
0x61: {  	_ =	shalt  }
0x62: {  	_ =	shalt  }
0x63: {  	_ =	shalt  }
0x64: {  	_ =	shalt  }
0x65: {  	_ =	shalt  }
0x66: {  	_ =	shalt  }
0x67: {  	_ =	shalt  }
0x68: {  	_ =	shalt  }
0x69: {  	_ =	shalt  }
0x6a: {  	_ =	shalt  }
0x6b: {  	_ =	shalt  }
0x6c: {  	_ =	shalt  }
0x6d: {  	_ =	shalt  }
0x6e: {  	_ =	shalt  }
0x6f: {  	_ =	shalt  }
0x70: {  	_ =	shalt  }
0x71: {  	_ =	shalt  }
0x72: {  	_ =	shalt  }
0x73: {  	_ =	shalt  }
0x74: {  	_ =	shalt  }
0x75: {  	_ =	shalt  }
0x76: {  	_ =	shalt  }
0x77: {  	_ =	shalt  }
0x78: {  	_ =	shalt  }
0x79: {  	_ =	shalt  }
0x7a: {  	_ =	shalt  }
0x7b: {  	_ =	shalt  }
0x7c: {  	_ =	shalt  }
0x7d: {  	_ =	shalt  }
0x7e: {  	_ =	shalt  }
0x7f: {  	_ =	shalt  }
0x80: {  	_ =	shalt  }
0x81: {  	_ =	shalt  }
0x82: {  	_ =	shalt  }
0x83: {  	_ =	shalt  }
0x84: {  	_ =	shalt  }
0x85: {  	_ =	shalt  }
0x86: {  	_ =	shalt  }
0x87: {  	_ =	shalt  }
.Lfunc_end0:
.L_simem_size_0:
called_computation_lowered:
.L_overlay_start_0:
0x88: {  	s2 =	sld [smem:$0x3FD9]  }
0x89: {  	s3 =	sld [smem:$0x3FFE];
	_ =	sdelay $0x1  }
0x8a: {  	s1 =	srdreg.scid  }
0x8b: {  	s0 =	sand.u32 $0x1, s1  }
0x8c: {  	s17 =	sshll.u32 s0, $0xA;
	s2 =	sadd.s32 s3, s2  }
0x8d: {  	s2 =	sadd.s32 s2, s17  }
0x8e: {  	[smem:$0x3FC6] =	sst s2  }
0x8f: {  	_ = 	snop  }
0x90: {  	s2 =	sld [smem:$0x3FD0];
	(tm) =	ssettm $0x1  }
0x91: {  	s18 =	sld [smem:$0x3FFB];
	_ =	sdelay $0x3  }
0x92: {  	_ =	strace s18  }
0x93: {  	s3 =	sld [smem:$0x3FFC];
	_ =	sdelay $0x3  }
0x94: {  	_ =	strace s3  }
0x95: {  	s3 =	sld [smem:$0x3FFD];
	_ =	sdelay $0x3  }
0x96: {  	_ =	strace s3  }
0x97: {  	_ =	strace $0x8FFFFFFF  }
0x98: {  	s19 =	sld [smem:$0x3FDB];
	_ =	sdelay $0x1  }
0x99: {  	s4 =	simm.s32 $_scs_section_size  }
0x9a: {  	s5 =	simm.s32 $_size__tile_overlayer_lowered;
	s6 =	simm.s32 $_tile_overlayer_lowered  }
0x9b: {  	s22 =	simm.s32 $0x1BFF;
	s21 =	sshll.u32 s6, $0x1;
	s3 =	sadd.s32 s4, s19  }
0x9c: {  	s7 =	simm.s32 $0x0;
	s20 =	sshll.u32 s5, $0x1;
	s5 =	sadd.s32 s21, s3  }
0x9d: {  	[timem:s7], [sflag:s22] =	dma.local [hbm:s5], s20  }
0x9e: {  	_ =	swait.ge [sflag:s22], s20  }
0x9f: {  	s4 =	ssub.s32 $0x0, s20;
	[sflag:s22] =	ssyncset.done $0x0  }
0xa0: {  	[sflag:s22] =	ssyncadd.s32 s4;
	_ =	sdelay $0x1  }
0xa1: {  	s23 =	simm.s32 $0x1B8B  }
0xa2: {  	_ =	swait.ge [sflag:s23], $0x1  }
0xa3: {  	[sflag:s23] =	ssyncset.done $0x0  }
0xa4: {  	s25 =	simm.s32 $0x1B8E;
	s24 =	sld [smem:$0x3FFE];
	[sflag:s23] =	ssyncadd.s32 $0xFFFFFFFF  }
0xa5: {  	s26 =	simm.s32 $execute0_lowered;
	[smem:$0x3FD2] =	sst s25  }
0xa6: {  	s5 =	sshll.u32 s26, $0x1;
	_ =	strace $0x80000046;
	[dreg:$0x1] =	wrdreg $0xFFFFFFFF  }
0xa7: {  	s28 =	simm.s32 $_size_execute0_lowered;
	s3 =	sadd.s32 s3, s5;
	[dreg:$0x0] =	wrdreg $0x0  }
0xa8: {  	s5 =	sshll.u32 s28, $0x1;
	[dreg:$0x2] =	wrdreg s3  }
0xa9: {  	[dreg:$0x3] =	wrdreg s5  }
0xaa: {  	[dreg:$0x4] =	wrdreg $0xC0  }
0xab: {  	_ =	task [dreg:s7], $0x5FFFF  }
0xac: {  	[dreg:$0x1] =	wrdreg $0xFFFFFFFF  }
0xad: {  	[dreg:$0x0] =	wrdreg $0x60  }
0xae: {  	[dreg:$0x2] =	wrdreg s24  }
0xaf: {  	[dreg:$0x3] =	wrdreg s2  }
0xb0: {  	[dreg:$0x4] =	wrdreg $0x9  }
0xb1: {  	_ =	task.clear_ibuf [dreg:s7], $0x5FFFF;
	_ =	strace $0x90000046  }
0xb2: {  	s29 =	simm.s32 $0x9;
	_ =	strace $0x80000048  }
0xb3: {  	_ =	swait.ge [sflag:s29], $0x1  }
0xb4: {  	[sflag:s29] =	ssyncadd.s32 $0xFFFFFFFF  }
0xb5: {  	_ =	strace $0x90000048  }
0xb6: {  	_ =	sfence  }
0xb7: {  	s30 =	sld [smem:$0x0];
	_ =	sdelay $0x2  }
0xb8: {  	s31 =	sshll.u32 s1, $0xD;
	s1 =	sshrl.u32 s1, $0x2  }
0xb9: {  	s3 =	sand.u32 $0x4000, s31;
	s1 =	sadd.s32 s1, s30  }
0xba: {  	s0 =	sor.u32 s3, s0;
	s1 =	sshll.u32 s1, $0x11  }
0xbb: {  	s0 =	sor.u32 s1, s0  }
0xbc: {  	s0 =	sadd.s32 $0x8F2B, s0  }
0xbd: {  	[sflag:s0] =	ssyncadd.remote.s32 $0x1  }
0xbe: {  	_ =	sfence.sel $0xFFFF  }
0xbf: {  	[dreg:$0x0] =	wrdreg $0xFFFFFFFF;
	(pc) =	sbr.abs _section_cstart, $3  }
0xc0: {  	[dreg:$0x1] =	wrdreg $0xFFFFFFFF  }
0xc1: {  	_ =	task.clear_ibuf [dreg:s7], $0x2FFFF;
	_ =	strace $0x9FFFFFFF  }
0xc2: {  	(tm) =	ssettm $0x7FFFFFFF  }
0xc3: {  	_ =	shalt  }
tec
execute0_lowered:
.L_overlay_start_1:
0x0: {  	(tag) =	ssettag $0x1  }
0x1: {  	s0 =	rddreg [dreg:$0x0]  }
0x2: {  	s1 =	rddreg [dreg:$0x1];
	s2 =	simm.s32 $0x0;
	s3 =	srdreg.scid  }
0x3: {  	s7 =	stileid.u32;
	s13 =	simm.s32 $0x3;
	s14 =	simm.s32 $0x200  }
0x4: {  	s15 =	simm.s32 $0x2000;
	s16 =	simm.s32 $0x600;
	s17 =	simm.s32 $0x3600  }
0x5: {  	s18 =	simm.s32 $0x5600;
	s19 =	simm.s32 $0x8600;
	s20 =	simm.s32 $0x1  }
0x6: {  	s21 =	simm.s32 $0xA600;
	s22 =	simm.s32 $0xA800;
	s23 =	simm.s32 $0x2  }
0x7: {  	s24 =	simm.s32 $0x100;
	[smem:$0x7FF] =	sst s2;
	s4 =	sadd.s32 $0x600, s0  }
0x8: {  	s3 =	sand.u32 $0x1, s3;
	s5 =	sadd.s32 $0x6CD0E00, s0;
	s7 =	sshll.u32 s7, $0xD  }
0x9: {  	s29 =	sadd.s32 $0xC000, s1;
	s30 =	sadd.s32 $0x10000, s1;
	s31 =	sadd.s32 $0x14000, s1  }
0xa: {  	_ =	strace $0x80000047;
	s28 =	ssub.s32 $0x2, s3;
	[dreg:$0x4] =	wrdreg s29  }
0xb: {  	s3 =	sshll.u32 s3, $0xC;
	[dreg:$0x5] =	wrdreg s30;
	s6 =	sshrl.u32 s28, $0x1  }
0xc: {  	[dreg:$0x6] =	wrdreg s31;
	s3 =	sor.u32 s3, s7;
	s0 =	ssub.s32 s28, s6  }
0xd: {  	s10 =	sadd.s32 $0x78000, s1;
	[dreg:$0x3] =	wrdreg s3;
	s0 =	smax.u32 s0, $0x1  }
0xe: {  	s11 =	sadd.s32 $0x7C000, s1;
	s3 =	simm.s32 $0x0;
	[dreg:$0x7] =	wrdreg s0  }
.LBB2_1:
0xf: {  	[dreg:$0x8] =	wrdreg s3;
	s26 =	simm.s32 $0x0  }
.LBB2_2:
0x10: {  	s0 =	sshll.u32 s26, $0x9;
	s3 =	rddreg [dreg:$0x3]  }
0x11: {  	s29 =	sadd.s32 s3, s0  }
0x12: {  	s28 =	sshrl.u32 s29, $0x3  }
0x13: {  	s7 =	simm.s32 $0x0;
	s25 =	sadd.s32 s4, s28  }
0x14: {  	[tilespmem:s7], [sflag:$0x3] =	stream.linear.gather [hbm4b:s25+s7], $0x200, $0x38;
	[tilespmem:$0xAA00] =	vst v63  }
0x15: {  	_ =	swait.ge [sflag:s13], $0x200  }
0x16: {  	s0 =	sor.u32 $0x4000, s28;
	[sflag:s13] =	ssyncset.done $0x0  }
0x17: {  	s31 =	sadd.s32 s4, s0;
	[sflag:s13] =	ssyncadd.s32 $0xFFFFFE00  }
0x18: {  	[tilespmem:s14], [sflag:$0x3] =	stream.linear.gather [hbm4b:s31+s7], $0x200, $0x38;
	[tilespmem:$0xAA00] =	vst v63  }
0x19: {  	_ =	swait.ge [sflag:s13], $0x200  }
0x1a: {  	s30 =	sor.u32 $0x8000, s28;
	[sflag:s13] =	ssyncset.done $0x0  }
0x1b: {  	s3 =	simm.s32 $0x400;
	s6 =	sadd.s32 s4, s30;
	[sflag:s13] =	ssyncadd.s32 $0xFFFFFE00  }
0x1c: {  	[tilespmem:s3], [sflag:$0x3] =	stream.linear.gather [hbm4b:s6+s7], $0x200, $0x38;
	[tilespmem:$0xAA00] =	vst v63  }
0x1d: {  	_ =	swait.ge [sflag:s13], $0x200  }
0x1e: {  	[sflag:s13] =	ssyncset.done $0x0  }
0x1f: {  	[sflag:s13] =	ssyncadd.s32 $0xFFFFFE00  }
0x20: {  	v0 =	vld [tilespmem:s3+$0xFFFFFC00]  }
0x21: {  	v1 =	vld [tilespmem:s3+$0xFFFFFE00]  }
0x22: {  	v2 =	vld [tilespmem:s3+$0x0];
	_ =	sdelay $0x3  }
0x23: {  	v0 =	vmul.f32 $1.500000000e+01, v0  }
0x24: {  	v1 =	vmul.f32 $1.500000000e+01, v1;
	v2 =	vmul.f32 $1.500000000e+01, v2  }
0x25: {  	v0 =	vadd.f32 $5.000000000e-01, v0  }
0x26: {  	v1 =	vadd.f32 $5.000000000e-01, v1;
	v2 =	vadd.f32 $5.000000000e-01, v2  }
0x27: {  	v3 =	vtrunc.f32 v0  }
0x28: {  	v4 =	vtrunc.f32 v1;
	v5 =	vtrunc.f32 v2  }
0x29: {  	v3 =	vcvt.f32.s32 v3;
	v4 =	vcvt.f32.s32 v4  }
0x2a: {  	v5 =	vcvt.f32.s32 v5  }
0x2b: {  	v6 =	vcvt.s32.f32 v3;
	v7 =	vcvt.s32.f32 v4  }
0x2c: {  	v53 =	vcvt.s32.f32 v5  }
0x2d: {  	v0 =	vsub.f32 v0, v6;
	v1 =	vsub.f32 v1, v7  }
0x2e: {  	v2 =	vsub.f32 v2, v53  }
0x2f: {  	v4 =	vshll.u32 v4, $0x4;
	v54 =	vsub.f32 $1.000000000e+00, v0;
	v55 =	vsub.f32 $1.000000000e+00, v1  }
0x30: {  	v5 =	vshll.u32 v5, $0x8;
	v8 =	vadd.s32 v3, v4  }
0x31: {  	v9 =	vadd.s32 v5, v8;
	v10 =	vsub.f32 $1.000000000e+00, v2;
	v11 =	vmul.f32 v55, v54  }
0x32: {  	s6 =	simm.s32 $0xE00;
	v12 =	vadd.s32 $0x1, v3;
	v9 =	vshll.u32 v9, $0x1  }
0x33: {  	s9 =	sand.u32 $0x1F0, s7;
	v13 =	vadd.s32 v12, v4;
	[tilespmem:s6+$0xFFFFF800] =	vst v9;
	v9 =	vor.u32 $0x1, v9;
	v14 =	vmul.f32 v10, v11  }
0x34: {  	s7 =	simm.s32 $0x2E00;
	v15 =	vadd.s32 v5, v13;
	[tilespmem:s9+$0x1600] =	vst v9;
	v6 =	vmul.f32 v55, v0  }
0x35: {  	v4 =	vadd.s32 $0x10, v4;
	v56 =	vshll.u32 v15, $0x1;
	[tilespmem:s7+$0xFFFFF800] =	vst v14  }
0x36: {  	v3 =	vadd.s32 v3, v4;
	v9 =	vor.u32 $0x1, v56;
	v57 =	vmul.f32 v10, v6;
	[tilespmem:s6+$0xFFFFFA00] =	vst v56  }
0x37: {  	v58 =	vadd.s32 v5, v3;
	v7 =	vmul.f32 v1, v54;
	[tilespmem:s9+$0x1800] =	vst v9  }
0x38: {  	v59 =	vshll.u32 v58, $0x1;
	[tilespmem:s7+$0xFFFFFA00] =	vst v57  }
0x39: {  	v4 =	vadd.s32 v12, v4;
	v60 =	vmul.f32 v10, v7;
	v9 =	vor.u32 $0x1, v59;
	[tilespmem:s6+$0xFFFFFC00] =	vst v59  }
0x3a: {  	v0 =	vmul.f32 v1, v0;
	v1 =	vadd.s32 v5, v4;
	[tilespmem:s9+$0x1A00] =	vst v9  }
0x3b: {  	v1 =	vshll.u32 v1, $0x1;
	[tilespmem:s7+$0xFFFFFC00] =	vst v60  }
0x3c: {  	v5 =	vadd.s32 $0x100, v5;
	v61 =	vmul.f32 v10, v0;
	[tilespmem:s6+$0xFFFFFE00] =	vst v1;
	v1 =	vor.u32 $0x1, v1  }
0x3d: {  	v8 =	vadd.s32 v8, v5;
	[tilespmem:s9+$0x1C00] =	vst v1  }
0x3e: {  	v1 =	vshll.u32 v8, $0x1;
	[tilespmem:s7+$0xFFFFFE00] =	vst v61  }
0x3f: {  	v62 =	vmul.f32 v11, v2;
	[tilespmem:s6+$0x0] =	vst v1;
	v1 =	vor.u32 $0x1, v1  }
0x40: {  	v63 =	vadd.s32 v13, v5;
	[tilespmem:s9+$0x1E00] =	vst v1  }
0x41: {  	v1 =	vshll.u32 v63, $0x1;
	[tilespmem:s7+$0x0] =	vst v62  }
0x42: {  	v6 =	vmul.f32 v6, v2;
	[tilespmem:s6+$0x200] =	vst v1;
	v1 =	vor.u32 $0x1, v1  }
0x43: {  	v3 =	vadd.s32 v5, v3;
	[tilespmem:s9+$0x2000] =	vst v1  }
0x44: {  	v1 =	vshll.u32 v3, $0x1;
	[tilespmem:s7+$0x200] =	vst v6  }
0x45: {  	v3 =	vmul.f32 v2, v7;
	[tilespmem:s6+$0x400] =	vst v1;
	v1 =	vor.u32 $0x1, v1  }
0x46: {  	v4 =	vadd.s32 v5, v4;
	[tilespmem:s9+$0x2200] =	vst v1  }
0x47: {  	v1 =	vshll.u32 v4, $0x1;
	[tilespmem:s7+$0x400] =	vst v3  }
0x48: {  	v0 =	vmul.f32 v2, v0;
	[tilespmem:s6+$0x600] =	vst v1;
	v1 =	vor.u32 $0x1, v1  }
0x49: {  	s8 =	simm.s32 $0x10;
	[tilespmem:s9+$0x2400] =	vst v1  }
.LBB2_3:
0x4a: {  	[tilespmem:s7+$0x600] =	vst v0;
	s3 =	sadd.s32 $0x10, s3;
	s6 =	sadd.s32 $0x10, s6;
	s7 =	sadd.s32 $0x10, s7  }
0x4b: {  	p0 =	sne.s32 s8, $0x1F0;
	s9 =	smov.u32 s8;
	s8 =	sadd.s32 $0x10, s8;
	v0 =	vld [tilespmem:s3+$0xFFFFFC00]  }
0x4c: {  	v1 =	vld [tilespmem:s3+$0xFFFFFE00];
	_ =	sdelay $0x1  }
0x4d: {  	v2 =	vld [tilespmem:s3+$0x0];
	_ =	sdelay $0x1  }
0x4e: {  	v0 =	vmul.f32 $1.500000000e+01, v0  }
0x4f: {  	v1 =	vmul.f32 $1.500000000e+01, v1  }
0x50: {  	v0 =	vadd.f32 $5.000000000e-01, v0  }
0x51: {  	v1 =	vadd.f32 $5.000000000e-01, v1;
	v2 =	vmul.f32 $1.500000000e+01, v2  }
0x52: {  	v3 =	vtrunc.f32 v0  }
0x53: {  	v2 =	vadd.f32 $5.000000000e-01, v2;
	v3 =	vcvt.f32.s32 v3;
	v4 =	vtrunc.f32 v1  }
0x54: {  	v4 =	vcvt.f32.s32 v4  }
0x55: {  	v5 =	vtrunc.f32 v2;
	v6 =	vcvt.s32.f32 v3;
	v7 =	vadd.s32 $0x1, v3  }
0x56: {  	v5 =	vcvt.f32.s32 v5;
	v8 =	vcvt.s32.f32 v4;
	v4 =	vshll.u32 v4, $0x4  }
0x57: {  	v0 =	vsub.f32 v0, v6;
	v6 =	vadd.s32 v3, v4;
	v9 =	vadd.s32 v7, v4  }
0x58: {  	v1 =	vsub.f32 v1, v8;
	v8 =	vcvt.s32.f32 v5;
	v5 =	vshll.u32 v5, $0x8  }
0x59: {  	v10 =	vsub.f32 $1.000000000e+00, v0;
	v11 =	vadd.s32 v5, v6;
	v12 =	vadd.s32 v5, v9  }
0x5a: {  	v2 =	vsub.f32 v2, v8;
	v8 =	vsub.f32 $1.000000000e+00, v1;
	v11 =	vshll.u32 v11, $0x1  }
0x5b: {  	v4 =	vadd.s32 $0x10, v4;
	v13 =	vmul.f32 v1, v10;
	v1 =	vmul.f32 v1, v0  }
0x5c: {  	v14 =	vsub.f32 $1.000000000e+00, v2;
	v10 =	vmul.f32 v8, v10;
	v0 =	vmul.f32 v8, v0  }
0x5d: {  	v3 =	vadd.s32 v3, v4;
	v4 =	vadd.s32 v7, v4;
	v8 =	vadd.s32 $0x100, v5  }
0x5e: {  	s9 =	sand.u32 $0x1F0, s9;
	v7 =	vmul.f32 v14, v10;
	[tilespmem:s6+$0xFFFFF800] =	vst v11;
	v11 =	vor.u32 $0x1, v11;
	v15 =	vmul.f32 v14, v0  }
0x5f: {  	v10 =	vmul.f32 v10, v2;
	[tilespmem:s9+$0x1600] =	vst v11;
	v11 =	vadd.s32 v5, v3;
	v5 =	vadd.s32 v5, v4  }
0x60: {  	v6 =	vadd.s32 v6, v8;
	v9 =	vadd.s32 v9, v8;
	[tilespmem:s7+$0xFFFFF800] =	vst v7;
	v7 =	vshll.u32 v12, $0x1  }
0x61: {  	v3 =	vadd.s32 v8, v3;
	v12 =	vmul.f32 v0, v2;
	[tilespmem:s6+$0xFFFFFA00] =	vst v7;
	v7 =	vor.u32 $0x1, v7  }
0x62: {  	v4 =	vadd.s32 v8, v4;
	v0 =	vmul.f32 v2, v1;
	[tilespmem:s9+$0x1800] =	vst v7;
	v7 =	vmul.f32 v2, v13  }
0x63: {  	v2 =	vshll.u32 v11, $0x1;
	[tilespmem:s7+$0xFFFFFA00] =	vst v15  }
0x64: {  	v8 =	vmul.f32 v14, v13;
	[tilespmem:s6+$0xFFFFFC00] =	vst v2;
	v2 =	vor.u32 $0x1, v2  }
0x65: {  	[tilespmem:s9+$0x1A00] =	vst v2  }
0x66: {  	v2 =	vshll.u32 v5, $0x1;
	[tilespmem:s7+$0xFFFFFC00] =	vst v8  }
0x67: {  	v1 =	vmul.f32 v14, v1;
	[tilespmem:s6+$0xFFFFFE00] =	vst v2;
	v2 =	vor.u32 $0x1, v2  }
0x68: {  	[tilespmem:s9+$0x1C00] =	vst v2  }
0x69: {  	[tilespmem:s7+$0xFFFFFE00] =	vst v1;
	v1 =	vshll.u32 v6, $0x1  }
0x6a: {  	[tilespmem:s6+$0x0] =	vst v1;
	v1 =	vor.u32 $0x1, v1  }
0x6b: {  	[tilespmem:s9+$0x1E00] =	vst v1  }
0x6c: {  	v1 =	vshll.u32 v9, $0x1;
	[tilespmem:s7+$0x0] =	vst v10  }
0x6d: {  	[tilespmem:s6+$0x200] =	vst v1;
	v1 =	vor.u32 $0x1, v1  }
0x6e: {  	[tilespmem:s9+$0x2000] =	vst v1  }
0x6f: {  	v1 =	vshll.u32 v3, $0x1;
	[tilespmem:s7+$0x200] =	vst v12  }
.Ltmp0:
0x70: {  	[tilespmem:s6+$0x400] =	vst v1;
	v1 =	vor.u32 $0x1, v1;
	(pc) =	sbr.rel @p0 .LBB2_3-.Ltmp0, $4  }
0x71: {  	[tilespmem:s9+$0x2200] =	vst v1  }
0x72: {  	v1 =	vshll.u32 v4, $0x1;
	[tilespmem:s7+$0x400] =	vst v7  }
0x73: {  	[tilespmem:s6+$0x600] =	vst v1;
	v1 =	vor.u32 $0x1, v1  }
0x74: {  	[tilespmem:s9+$0x2400] =	vst v1  }
0x75: {  	[tilespmem:s7+$0x600] =	vst v0;
	s3 =	simm.s32 $0x400  }
0x76: {  	[tilespmem:s17], [sflag:$0x1] =	stream.indirect.gather [hbm4b:s5+s15], $0x1, s16, s15, $0xb8;
	[tilespmem:$0xAA00] =	vst v63  }
0x77: {  	v0 =	vld [tilespmem:s3+$0xFFFFFC00]  }
0x78: {  	v1 =	vld [tilespmem:s3+$0xFFFFFE00]  }
0x79: {  	v2 =	vld [tilespmem:s3+$0x0];
	_ =	sdelay $0x3  }
0x7a: {  	v0 =	vmul.f32 $3.100000000e+01, v0  }
0x7b: {  	v1 =	vmul.f32 $3.100000000e+01, v1;
	v2 =	vmul.f32 $3.100000000e+01, v2  }
0x7c: {  	v0 =	vadd.f32 $5.000000000e-01, v0  }
0x7d: {  	v1 =	vadd.f32 $5.000000000e-01, v1;
	v2 =	vadd.f32 $5.000000000e-01, v2  }
0x7e: {  	v3 =	vtrunc.f32 v0  }
0x7f: {  	v4 =	vtrunc.f32 v1;
	v5 =	vtrunc.f32 v2  }
0x80: {  	v3 =	vcvt.f32.s32 v3;
	v4 =	vcvt.f32.s32 v4  }
0x81: {  	v5 =	vcvt.f32.s32 v5  }
0x82: {  	v6 =	vcvt.s32.f32 v3;
	v7 =	vcvt.s32.f32 v4  }
0x83: {  	v45 =	vcvt.s32.f32 v5  }
0x84: {  	v0 =	vsub.f32 v0, v6;
	v1 =	vsub.f32 v1, v7  }
0x85: {  	v4 =	vshll.u32 v4, $0x5;
	v5 =	vshll.u32 v5, $0xA;
	v2 =	vsub.f32 v2, v45  }
0x86: {  	v46 =	vadd.s32 v3, v4;
	v8 =	vsub.f32 $1.000000000e+00, v0;
	v47 =	vsub.f32 $1.000000000e+00, v1  }
0x87: {  	v9 =	vadd.s32 $0x1, v3;
	v10 =	vadd.s32 v5, v46  }
0x88: {  	v10 =	vshll.u32 v10, $0x1;
	v11 =	vsub.f32 $1.000000000e+00, v2;
	v12 =	vmul.f32 v47, v8  }
0x89: {  	s31 =	simm.s32 $0x0;
	s6 =	simm.s32 $0x5E00;
	v13 =	vadd.s32 v9, v4;
	v14 =	vadd.s32 $0x2670, v10  }
0x8a: {  	s9 =	sand.u32 $0x1F0, s31;
	v15 =	vadd.s32 v5, v13;
	v10 =	vadd.s32 $0x2671, v10;
	[tilespmem:s6+$0xFFFFF800] =	vst v14;
	v16 =	vmul.f32 v11, v12  }
0x8b: {  	s7 =	simm.s32 $0x7E00;
	v4 =	vadd.s32 $0x20, v4;
	v48 =	vshll.u32 v15, $0x1;
	v6 =	vmul.f32 v47, v0;
	[tilespmem:s9+$0x6600] =	vst v10  }
0x8c: {  	v3 =	vadd.s32 v3, v4;
	v49 =	vadd.s32 $0x2670, v48;
	[tilespmem:s7+$0xFFFFF800] =	vst v16  }
0x8d: {  	v51 =	vadd.s32 v5, v3;
	v52 =	vadd.s32 $0x2671, v48;
	v50 =	vmul.f32 v11, v6;
	[tilespmem:s6+$0xFFFFFA00] =	vst v49  }
0x8e: {  	v53 =	vshll.u32 v51, $0x1;
	v8 =	vmul.f32 v1, v8;
	[tilespmem:s9+$0x6800] =	vst v52  }
0x8f: {  	v4 =	vadd.s32 v9, v4;
	v54 =	vadd.s32 $0x2670, v53;
	[tilespmem:s7+$0xFFFFFA00] =	vst v50  }
0x90: {  	v55 =	vadd.s32 v5, v4;
	v57 =	vadd.s32 $0x2671, v53;
	v56 =	vmul.f32 v11, v8;
	[tilespmem:s6+$0xFFFFFC00] =	vst v54  }
0x91: {  	v0 =	vmul.f32 v1, v0;
	v1 =	vshll.u32 v55, $0x1;
	[tilespmem:s9+$0x6A00] =	vst v57  }
0x92: {  	v5 =	vadd.s32 $0x400, v5;
	v58 =	vadd.s32 $0x2670, v1;
	[tilespmem:s7+$0xFFFFFC00] =	vst v56  }
0x93: {  	v7 =	vadd.s32 v46, v5;
	v1 =	vadd.s32 $0x2671, v1;
	v59 =	vmul.f32 v11, v0;
	[tilespmem:s6+$0xFFFFFE00] =	vst v58  }
0x94: {  	v7 =	vshll.u32 v7, $0x1;
	[tilespmem:s9+$0x6C00] =	vst v1  }
0x95: {  	v1 =	vadd.s32 $0x2670, v7;
	[tilespmem:s7+$0xFFFFFE00] =	vst v59  }
0x96: {  	v60 =	vadd.s32 v13, v5;
	v61 =	vmul.f32 v12, v2;
	[tilespmem:s6+$0x0] =	vst v1;
	v1 =	vadd.s32 $0x2671, v7  }
0x97: {  	v62 =	vshll.u32 v60, $0x1;
	[tilespmem:s9+$0x6E00] =	vst v1  }
0x98: {  	v1 =	vadd.s32 $0x2670, v62;
	[tilespmem:s7+$0x0] =	vst v61  }
0x99: {  	v3 =	vadd.s32 v5, v3;
	v6 =	vmul.f32 v6, v2;
	[tilespmem:s6+$0x200] =	vst v1;
	v1 =	vadd.s32 $0x2671, v62  }
0x9a: {  	v3 =	vshll.u32 v3, $0x1;
	[tilespmem:s9+$0x7000] =	vst v1  }
0x9b: {  	v1 =	vadd.s32 $0x2670, v3;
	[tilespmem:s7+$0x200] =	vst v6  }
0x9c: {  	v4 =	vadd.s32 v5, v4;
	v63 =	vmul.f32 v2, v8;
	[tilespmem:s6+$0x400] =	vst v1;
	v1 =	vadd.s32 $0x2671, v3  }
0x9d: {  	v3 =	vshll.u32 v4, $0x1;
	[tilespmem:s9+$0x7200] =	vst v1  }
0x9e: {  	v1 =	vadd.s32 $0x2670, v3;
	[tilespmem:s7+$0x400] =	vst v63  }
0x9f: {  	v0 =	vmul.f32 v2, v0;
	[tilespmem:s6+$0x600] =	vst v1;
	v1 =	vadd.s32 $0x2671, v3  }
0xa0: {  	s8 =	simm.s32 $0x10;
	[tilespmem:s9+$0x7400] =	vst v1  }
.LBB2_5:
0xa1: {  	[tilespmem:s7+$0x600] =	vst v0;
	s3 =	sadd.s32 $0x10, s3;
	s6 =	sadd.s32 $0x10, s6;
	s7 =	sadd.s32 $0x10, s7  }
0xa2: {  	p0 =	sne.s32 s8, $0x1F0;
	s9 =	smov.u32 s8;
	s8 =	sadd.s32 $0x10, s8;
	v0 =	vld [tilespmem:s3+$0xFFFFFC00]  }
0xa3: {  	v1 =	vld [tilespmem:s3+$0xFFFFFE00];
	_ =	sdelay $0x1  }
0xa4: {  	v2 =	vld [tilespmem:s3+$0x0];
	_ =	sdelay $0x1  }
0xa5: {  	v0 =	vmul.f32 $3.100000000e+01, v0  }
0xa6: {  	v1 =	vmul.f32 $3.100000000e+01, v1  }
0xa7: {  	v0 =	vadd.f32 $5.000000000e-01, v0  }
0xa8: {  	v1 =	vadd.f32 $5.000000000e-01, v1;
	v2 =	vmul.f32 $3.100000000e+01, v2  }
0xa9: {  	v3 =	vtrunc.f32 v0  }
0xaa: {  	v2 =	vadd.f32 $5.000000000e-01, v2;
	v3 =	vcvt.f32.s32 v3;
	v4 =	vtrunc.f32 v1  }
0xab: {  	v4 =	vcvt.f32.s32 v4  }
0xac: {  	v5 =	vtrunc.f32 v2;
	v6 =	vcvt.s32.f32 v3;
	v7 =	vadd.s32 $0x1, v3  }
0xad: {  	v5 =	vcvt.f32.s32 v5;
	v8 =	vcvt.s32.f32 v4;
	v4 =	vshll.u32 v4, $0x5  }
0xae: {  	v0 =	vsub.f32 v0, v6;
	v6 =	vadd.s32 v3, v4;
	v9 =	vadd.s32 v7, v4  }
0xaf: {  	v1 =	vsub.f32 v1, v8;
	v8 =	vcvt.s32.f32 v5;
	v5 =	vshll.u32 v5, $0xA  }
0xb0: {  	v10 =	vsub.f32 $1.000000000e+00, v0;
	v11 =	vadd.s32 v5, v6;
	v12 =	vadd.s32 v5, v9  }
0xb1: {  	v2 =	vsub.f32 v2, v8;
	v8 =	vsub.f32 $1.000000000e+00, v1;
	v11 =	vshll.u32 v11, $0x1  }
0xb2: {  	v12 =	vshll.u32 v12, $0x1;
	v13 =	vmul.f32 v1, v10;
	v14 =	vadd.s32 $0x2670, v11  }
0xb3: {  	v15 =	vsub.f32 $1.000000000e+00, v2;
	v10 =	vmul.f32 v8, v10;
	v8 =	vmul.f32 v8, v0  }
0xb4: {  	v1 =	vmul.f32 v1, v0;
	v0 =	vadd.s32 $0x20, v4;
	v4 =	vadd.s32 $0x400, v5  }
0xb5: {  	s9 =	sand.u32 $0x1F0, s9;
	v11 =	vadd.s32 $0x2671, v11;
	v16 =	vmul.f32 v15, v10;
	[tilespmem:s6+$0xFFFFF800] =	vst v14;
	v14 =	vmul.f32 v15, v8  }
0xb6: {  	v3 =	vadd.s32 v3, v0;
	v0 =	vadd.s32 v7, v0;
	v7 =	vadd.s32 v9, v4;
	[tilespmem:s9+$0x6600] =	vst v11  }
0xb7: {  	v9 =	vadd.s32 $0x2670, v12;
	v11 =	vadd.s32 v5, v3;
	v5 =	vadd.s32 v5, v0;
	[tilespmem:s7+$0xFFFFF800] =	vst v16  }
0xb8: {  	v11 =	vshll.u32 v11, $0x1;
	v5 =	vshll.u32 v5, $0x1;
	[tilespmem:s6+$0xFFFFFA00] =	vst v9;
	v9 =	vadd.s32 $0x2671, v12  }
0xb9: {  	v6 =	vadd.s32 v6, v4;
	v7 =	vshll.u32 v7, $0x1;
	v3 =	vadd.s32 v4, v3;
	[tilespmem:s9+$0x6800] =	vst v9  }
0xba: {  	v6 =	vshll.u32 v6, $0x1;
	v3 =	vshll.u32 v3, $0x1;
	v9 =	vadd.s32 $0x2670, v11;
	[tilespmem:s7+$0xFFFFFA00] =	vst v14  }
0xbb: {  	v8 =	vmul.f32 v8, v2;
	v12 =	vmul.f32 v15, v13;
	[tilespmem:s6+$0xFFFFFC00] =	vst v9;
	v9 =	vadd.s32 $0x2671, v11  }
0xbc: {  	v0 =	vadd.s32 v4, v0;
	[tilespmem:s9+$0x6A00] =	vst v9;
	v9 =	vmul.f32 v10, v2;
	v10 =	vmul.f32 v2, v13  }
0xbd: {  	v4 =	vadd.s32 $0x2670, v5;
	v11 =	vshll.u32 v0, $0x1;
	v0 =	vmul.f32 v2, v1;
	[tilespmem:s7+$0xFFFFFC00] =	vst v12  }
0xbe: {  	v1 =	vmul.f32 v15, v1;
	v2 =	vadd.s32 $0x2671, v5;
	[tilespmem:s6+$0xFFFFFE00] =	vst v4  }
0xbf: {  	[tilespmem:s9+$0x6C00] =	vst v2  }
0xc0: {  	[tilespmem:s7+$0xFFFFFE00] =	vst v1;
	v1 =	vadd.s32 $0x2670, v6  }
0xc1: {  	[tilespmem:s6+$0x0] =	vst v1;
	v1 =	vadd.s32 $0x2671, v6  }
0xc2: {  	[tilespmem:s9+$0x6E00] =	vst v1  }
0xc3: {  	v1 =	vadd.s32 $0x2670, v7;
	[tilespmem:s7+$0x0] =	vst v9  }
0xc4: {  	[tilespmem:s6+$0x200] =	vst v1;
	v1 =	vadd.s32 $0x2671, v7  }
0xc5: {  	[tilespmem:s9+$0x7000] =	vst v1  }
0xc6: {  	v1 =	vadd.s32 $0x2670, v3;
	[tilespmem:s7+$0x200] =	vst v8  }
.Ltmp1:
0xc7: {  	[tilespmem:s6+$0x400] =	vst v1;
	v1 =	vadd.s32 $0x2671, v3;
	(pc) =	sbr.rel @p0 .LBB2_5-.Ltmp1, $4  }
0xc8: {  	[tilespmem:s9+$0x7200] =	vst v1  }
0xc9: {  	v1 =	vadd.s32 $0x2670, v11;
	[tilespmem:s7+$0x400] =	vst v10  }
0xca: {  	[tilespmem:s6+$0x600] =	vst v1;
	v1 =	vadd.s32 $0x2671, v11  }
0xcb: {  	[tilespmem:s9+$0x7400] =	vst v1  }
0xcc: {  	[tilespmem:s7+$0x600] =	vst v0  }
0xcd: {  	[tilespmem:s19], [sflag:$0x2] =	stream.indirect.gather [hbm4b:s5+s15], $0x1, s18, s15, $0xb8;
	[tilespmem:$0xAA00] =	vst v63  }
0xce: {  	_ =	swait.ge [sflag:s20], $0x2000  }
0xcf: {  	[sflag:s20] =	ssyncset.done $0x0  }
0xd0: {  	s3 =	simm.s32 $0x3E00;
	[sflag:s20] =	ssyncadd.s32 $0xFFFFE000  }
0xd1: {  	v0 =	vld [tilespmem:s3+$0x600]  }
0xd2: {  	v1 =	vld [tilespmem:s3+$0x400]  }
0xd3: {  	v2 =	vld [tilespmem:s3+$0x200]  }
0xd4: {  	v3 =	vld [tilespmem:s3+$0x0]  }
0xd5: {  	v4 =	vld [tilespmem:s3+$0xFFFFFE00]  }
0xd6: {  	v5 =	vld [tilespmem:s3+$0xFFFFFC00]  }
0xd7: {  	s6 =	simm.s32 $0x2E00;
	v6 =	vld [tilespmem:s3+$0xFFFFFA00]  }
0xd8: {  	s31 =	simm.s32 $0x0;
	v7 =	vld [tilespmem:s6+$0xFFFFF800]  }
0xd9: {  	s7 =	sand.u32 $0x1F0, s31;
	v8 =	vld [tilespmem:s3+$0xFFFFF800]  }
0xda: {  	v9 =	vld [tilespmem:s7+$0x4600]  }
0xdb: {  	v10 =	vld [tilespmem:s6+$0xFFFFFA00]  }
0xdc: {  	v11 =	vld [tilespmem:s7+$0x4800]  }
0xdd: {  	v12 =	vld [tilespmem:s6+$0xFFFFFC00]  }
0xde: {  	v13 =	vld [tilespmem:s7+$0x4A00];
	v8 =	vmul.f32 v8, v7  }
0xdf: {  	v54 =	vld [tilespmem:s6+$0xFFFFFE00];
	v7 =	vmul.f32 v9, v7  }
0xe0: {  	v14 =	vld [tilespmem:s7+$0x4C00];
	v6 =	vmul.f32 v6, v10;
	v8 =	vadd.f32 $0.0e+00, v8  }
0xe1: {  	v55 =	vld [tilespmem:s6+$0x0];
	v10 =	vmul.f32 v11, v10;
	v7 =	vadd.f32 $0.0e+00, v7  }
0xe2: {  	v56 =	vld [tilespmem:s7+$0x4E00];
	v5 =	vmul.f32 v5, v12;
	v6 =	vadd.f32 v6, v8  }
0xe3: {  	v58 =	vld [tilespmem:s6+$0x200];
	v57 =	vmul.f32 v13, v12;
	v7 =	vadd.f32 v10, v7  }
0xe4: {  	v59 =	vld [tilespmem:s7+$0x5000];
	v4 =	vmul.f32 v4, v54;
	v5 =	vadd.f32 v5, v6  }
0xe5: {  	v60 =	vld [tilespmem:s6+$0x400];
	v9 =	vmul.f32 v14, v54;
	v7 =	vadd.f32 v57, v7  }
0xe6: {  	v61 =	vld [tilespmem:s7+$0x5200];
	v3 =	vmul.f32 v3, v55;
	v4 =	vadd.f32 v4, v5  }
0xe7: {  	v62 =	vld [tilespmem:s6+$0x600];
	v8 =	vmul.f32 v56, v55;
	v7 =	vadd.f32 v9, v7  }
0xe8: {  	v63 =	vld [tilespmem:s7+$0x5400];
	v2 =	vmul.f32 v2, v58;
	v3 =	vadd.f32 v3, v4  }
0xe9: {  	v6 =	vmul.f32 v59, v58;
	v7 =	vadd.f32 v8, v7  }
0xea: {  	v1 =	vmul.f32 v1, v60;
	v2 =	vadd.f32 v2, v3  }
0xeb: {  	v5 =	vmul.f32 v61, v60;
	v3 =	vadd.f32 v6, v7  }
0xec: {  	v0 =	vmul.f32 v0, v62;
	v1 =	vadd.f32 v1, v2  }
0xed: {  	v2 =	vadd.f32 v5, v3;
	v3 =	vmul.f32 v63, v62  }
0xee: {  	v1 =	vadd.f32 v0, v1  }
0xef: {  	s7 =	simm.s32 $0xA800;
	v0 =	vadd.f32 v3, v2  }
0xf0: {  	s8 =	simm.s32 $0x10;
	[tilespmem:s7+$0xFFFFFE00] =	vst v1  }
.LBB2_7:
0xf1: {  	[tilespmem:s7+$0x0] =	vst v0;
	s7 =	sadd.s32 $0x10, s7;
	s6 =	sadd.s32 $0x10, s6;
	s3 =	sadd.s32 $0x10, s3  }
0xf2: {  	p0 =	sne.s32 s8, $0x1F0;
	s9 =	smov.u32 s8;
	s8 =	sadd.s32 $0x10, s8;
	v0 =	vld [tilespmem:s3+$0x600]  }
0xf3: {  	v1 =	vld [tilespmem:s3+$0x400]  }
0xf4: {  	v2 =	vld [tilespmem:s3+$0x200]  }
0xf5: {  	v3 =	vld [tilespmem:s3+$0x0]  }
0xf6: {  	v4 =	vld [tilespmem:s3+$0xFFFFFE00]  }
0xf7: {  	v5 =	vld [tilespmem:s3+$0xFFFFFC00]  }
0xf8: {  	v6 =	vld [tilespmem:s3+$0xFFFFFA00]  }
0xf9: {  	v7 =	vld [tilespmem:s6+$0xFFFFF800]  }
0xfa: {  	s9 =	sand.u32 $0x1F0, s9;
	v8 =	vld [tilespmem:s3+$0xFFFFF800]  }
0xfb: {  	v9 =	vld [tilespmem:s9+$0x4600]  }
0xfc: {  	v10 =	vld [tilespmem:s6+$0xFFFFFA00]  }
0xfd: {  	v11 =	vld [tilespmem:s9+$0x4800]  }
0xfe: {  	v12 =	vld [tilespmem:s6+$0xFFFFFC00]  }
0xff: {  	v8 =	vmul.f32 v8, v7;
	v13 =	vld [tilespmem:s9+$0x4A00]  }
0x100: {  	v7 =	vmul.f32 v9, v7;
	v9 =	vld [tilespmem:s6+$0xFFFFFE00]  }
0x101: {  	v8 =	vadd.f32 $0.0e+00, v8;
	v6 =	vmul.f32 v6, v10;
	v14 =	vld [tilespmem:s9+$0x4C00]  }
0x102: {  	v7 =	vadd.f32 $0.0e+00, v7;
	v10 =	vmul.f32 v11, v10;
	v11 =	vld [tilespmem:s6+$0x0]  }
0x103: {  	v6 =	vadd.f32 v6, v8;
	v5 =	vmul.f32 v5, v12;
	v8 =	vld [tilespmem:s9+$0x4E00]  }
0x104: {  	v7 =	vadd.f32 v10, v7;
	v10 =	vmul.f32 v13, v12;
	v12 =	vld [tilespmem:s6+$0x200]  }
0x105: {  	v5 =	vadd.f32 v5, v6;
	v4 =	vmul.f32 v4, v9;
	v6 =	vld [tilespmem:s9+$0x5000]  }
0x106: {  	v7 =	vadd.f32 v10, v7;
	v9 =	vmul.f32 v14, v9;
	v10 =	vld [tilespmem:s6+$0x400]  }
0x107: {  	v4 =	vadd.f32 v4, v5;
	v3 =	vmul.f32 v3, v11;
	v5 =	vld [tilespmem:s9+$0x5200]  }
0x108: {  	v7 =	vadd.f32 v9, v7;
	v8 =	vmul.f32 v8, v11;
	v9 =	vld [tilespmem:s6+$0x600]  }
0x109: {  	v3 =	vadd.f32 v3, v4;
	v2 =	vmul.f32 v2, v12;
	v4 =	vld [tilespmem:s9+$0x5400]  }
0x10a: {  	v7 =	vadd.f32 v8, v7;
	v6 =	vmul.f32 v6, v12  }
0x10b: {  	v2 =	vadd.f32 v2, v3;
	v1 =	vmul.f32 v1, v10  }
0x10c: {  	v3 =	vadd.f32 v6, v7;
	v5 =	vmul.f32 v5, v10  }
.Ltmp2:
0x10d: {  	v1 =	vadd.f32 v1, v2;
	v0 =	vmul.f32 v0, v9;
	(pc) =	sbr.rel @p0 .LBB2_7-.Ltmp2, $4  }
0x10e: {  	v2 =	vadd.f32 v5, v3;
	v3 =	vmul.f32 v4, v9  }
0x10f: {  	v1 =	vadd.f32 v0, v1  }
0x110: {  	v0 =	vadd.f32 v3, v2  }
0x111: {  	[tilespmem:s7+$0xFFFFFE00] =	vst v1  }
0x112: {  	[tilespmem:s7+$0x0] =	vst v0;
	s3 =	sadd.s32 s1, s28;
	s6 =	simm.s32 $0x0  }
0x113: {  	[hbm4b:s3+s6] =	stream.linear.scatter [tilespmem:s21], [sflag:$0x3], $0x200, $0x38;
	[tilespmem:$0xAA00] =	vst v63  }
0x114: {  	_ =	swait.ge [sflag:s13], $0x200  }
0x115: {  	[sflag:s13] =	ssyncset.done $0x0  }
0x116: {  	s0 =	sadd.s32 s1, s0;
	[sflag:s13] =	ssyncadd.s32 $0xFFFFFE00  }
0x117: {  	[hbm4b:s0+s6] =	stream.linear.scatter [tilespmem:s22], [sflag:$0x3], $0x200, $0x38;
	[tilespmem:$0xAA00] =	vst v63  }
0x118: {  	_ =	swait.ge [sflag:s13], $0x200  }
0x119: {  	[sflag:s13] =	ssyncset.done $0x0  }
0x11a: {  	s0 =	simm.s32 $0x400;
	[sflag:s13] =	ssyncadd.s32 $0xFFFFFE00  }
0x11b: {  	v0 =	vld [tilespmem:s0+$0xFFFFFC00]  }
0x11c: {  	v1 =	vld [tilespmem:s0+$0xFFFFFE00]  }
0x11d: {  	v2 =	vld [tilespmem:s0+$0x0];
	_ =	sdelay $0x3  }
0x11e: {  	v0 =	vmul.f32 $6.300000000e+01, v0  }
0x11f: {  	v1 =	vmul.f32 $6.300000000e+01, v1;
	v2 =	vmul.f32 $6.300000000e+01, v2  }
0x120: {  	v0 =	vadd.f32 $5.000000000e-01, v0  }
0x121: {  	v1 =	vadd.f32 $5.000000000e-01, v1;
	v2 =	vadd.f32 $5.000000000e-01, v2  }
0x122: {  	v3 =	vtrunc.f32 v0  }
0x123: {  	v4 =	vtrunc.f32 v1;
	v5 =	vtrunc.f32 v2  }
0x124: {  	v3 =	vcvt.f32.s32 v3;
	v4 =	vcvt.f32.s32 v4  }
0x125: {  	v5 =	vcvt.f32.s32 v5  }
0x126: {  	v6 =	vcvt.s32.f32 v3;
	v7 =	vcvt.s32.f32 v4  }
0x127: {  	v45 =	vcvt.s32.f32 v5  }
0x128: {  	v0 =	vsub.f32 v0, v6;
	v1 =	vsub.f32 v1, v7  }
0x129: {  	v4 =	vshll.u32 v4, $0x6;
	v5 =	vshll.u32 v5, $0xC;
	v2 =	vsub.f32 v2, v45  }
0x12a: {  	v46 =	vadd.s32 v3, v4;
	v8 =	vsub.f32 $1.000000000e+00, v0;
	v47 =	vsub.f32 $1.000000000e+00, v1  }
0x12b: {  	v9 =	vadd.s32 $0x1, v3;
	v10 =	vadd.s32 v5, v46  }
0x12c: {  	v10 =	vshll.u32 v10, $0x1;
	v11 =	vsub.f32 $1.000000000e+00, v2;
	v12 =	vmul.f32 v47, v8  }
0x12d: {  	s3 =	simm.s32 $0xE00;
	v13 =	vadd.s32 v9, v4;
	v14 =	vadd.s32 $0x13F40, v10  }
0x12e: {  	s8 =	sand.u32 $0x1F0, s6;
	v15 =	vadd.s32 v5, v13;
	v10 =	vadd.s32 $0x13F41, v10;
	[tilespmem:s3+$0xFFFFF800] =	vst v14;
	v16 =	vmul.f32 v11, v12  }
0x12f: {  	s6 =	simm.s32 $0x2E00;
	v4 =	vadd.s32 $0x40, v4;
	v48 =	vshll.u32 v15, $0x1;
	v6 =	vmul.f32 v47, v0;
	[tilespmem:s8+$0x1600] =	vst v10  }
0x130: {  	v3 =	vadd.s32 v3, v4;
	v49 =	vadd.s32 $0x13F40, v48;
	[tilespmem:s6+$0xFFFFF800] =	vst v16  }
0x131: {  	v51 =	vadd.s32 v5, v3;
	v52 =	vadd.s32 $0x13F41, v48;
	v50 =	vmul.f32 v11, v6;
	[tilespmem:s3+$0xFFFFFA00] =	vst v49  }
0x132: {  	v53 =	vshll.u32 v51, $0x1;
	v8 =	vmul.f32 v1, v8;
	[tilespmem:s8+$0x1800] =	vst v52  }
0x133: {  	v4 =	vadd.s32 v9, v4;
	v54 =	vadd.s32 $0x13F40, v53;
	[tilespmem:s6+$0xFFFFFA00] =	vst v50  }
0x134: {  	v55 =	vadd.s32 v5, v4;
	v57 =	vadd.s32 $0x13F41, v53;
	v56 =	vmul.f32 v11, v8;
	[tilespmem:s3+$0xFFFFFC00] =	vst v54  }
0x135: {  	v0 =	vmul.f32 v1, v0;
	v1 =	vshll.u32 v55, $0x1;
	[tilespmem:s8+$0x1A00] =	vst v57  }
0x136: {  	v5 =	vadd.s32 $0x1000, v5;
	v58 =	vadd.s32 $0x13F40, v1;
	[tilespmem:s6+$0xFFFFFC00] =	vst v56  }
0x137: {  	v7 =	vadd.s32 v46, v5;
	v1 =	vadd.s32 $0x13F41, v1;
	v59 =	vmul.f32 v11, v0;
	[tilespmem:s3+$0xFFFFFE00] =	vst v58  }
0x138: {  	v7 =	vshll.u32 v7, $0x1;
	[tilespmem:s8+$0x1C00] =	vst v1  }
0x139: {  	v1 =	vadd.s32 $0x13F40, v7;
	[tilespmem:s6+$0xFFFFFE00] =	vst v59  }
0x13a: {  	v60 =	vadd.s32 v13, v5;
	v61 =	vmul.f32 v12, v2;
	[tilespmem:s3+$0x0] =	vst v1;
	v1 =	vadd.s32 $0x13F41, v7  }
0x13b: {  	v62 =	vshll.u32 v60, $0x1;
	[tilespmem:s8+$0x1E00] =	vst v1  }
0x13c: {  	v1 =	vadd.s32 $0x13F40, v62;
	[tilespmem:s6+$0x0] =	vst v61  }
0x13d: {  	v3 =	vadd.s32 v5, v3;
	v6 =	vmul.f32 v6, v2;
	[tilespmem:s3+$0x200] =	vst v1;
	v1 =	vadd.s32 $0x13F41, v62  }
0x13e: {  	v3 =	vshll.u32 v3, $0x1;
	[tilespmem:s8+$0x2000] =	vst v1  }
0x13f: {  	v1 =	vadd.s32 $0x13F40, v3;
	[tilespmem:s6+$0x200] =	vst v6  }
0x140: {  	v4 =	vadd.s32 v5, v4;
	v63 =	vmul.f32 v2, v8;
	[tilespmem:s3+$0x400] =	vst v1;
	v1 =	vadd.s32 $0x13F41, v3  }
0x141: {  	v3 =	vshll.u32 v4, $0x1;
	[tilespmem:s8+$0x2200] =	vst v1  }
0x142: {  	v1 =	vadd.s32 $0x13F40, v3;
	[tilespmem:s6+$0x400] =	vst v63  }
0x143: {  	v0 =	vmul.f32 v2, v0;
	[tilespmem:s3+$0x600] =	vst v1;
	v1 =	vadd.s32 $0x13F41, v3  }
0x144: {  	s7 =	simm.s32 $0x10;
	[tilespmem:s8+$0x2400] =	vst v1  }
.LBB2_9:
0x145: {  	[tilespmem:s6+$0x600] =	vst v0;
	s0 =	sadd.s32 $0x10, s0;
	s3 =	sadd.s32 $0x10, s3;
	s6 =	sadd.s32 $0x10, s6  }
0x146: {  	p0 =	sne.s32 s7, $0x1F0;
	s8 =	smov.u32 s7;
	s7 =	sadd.s32 $0x10, s7;
	v0 =	vld [tilespmem:s0+$0xFFFFFC00]  }
0x147: {  	v1 =	vld [tilespmem:s0+$0xFFFFFE00];
	_ =	sdelay $0x1  }
0x148: {  	v2 =	vld [tilespmem:s0+$0x0];
	_ =	sdelay $0x1  }
0x149: {  	v0 =	vmul.f32 $6.300000000e+01, v0  }
0x14a: {  	v1 =	vmul.f32 $6.300000000e+01, v1  }
0x14b: {  	v0 =	vadd.f32 $5.000000000e-01, v0  }
0x14c: {  	v1 =	vadd.f32 $5.000000000e-01, v1;
	v2 =	vmul.f32 $6.300000000e+01, v2  }
0x14d: {  	v3 =	vtrunc.f32 v0  }
0x14e: {  	v2 =	vadd.f32 $5.000000000e-01, v2;
	v3 =	vcvt.f32.s32 v3;
	v4 =	vtrunc.f32 v1  }
0x14f: {  	v4 =	vcvt.f32.s32 v4  }
0x150: {  	v5 =	vtrunc.f32 v2;
	v6 =	vcvt.s32.f32 v3;
	v7 =	vadd.s32 $0x1, v3  }
0x151: {  	v5 =	vcvt.f32.s32 v5;
	v8 =	vcvt.s32.f32 v4;
	v4 =	vshll.u32 v4, $0x6  }
0x152: {  	v0 =	vsub.f32 v0, v6;
	v6 =	vadd.s32 v3, v4;
	v9 =	vadd.s32 v7, v4  }
0x153: {  	v1 =	vsub.f32 v1, v8;
	v8 =	vcvt.s32.f32 v5;
	v5 =	vshll.u32 v5, $0xC  }
0x154: {  	v10 =	vsub.f32 $1.000000000e+00, v0;
	v11 =	vadd.s32 v5, v6;
	v12 =	vadd.s32 v5, v9  }
0x155: {  	v2 =	vsub.f32 v2, v8;
	v8 =	vsub.f32 $1.000000000e+00, v1;
	v11 =	vshll.u32 v11, $0x1  }
0x156: {  	v12 =	vshll.u32 v12, $0x1;
	v13 =	vmul.f32 v1, v10;
	v14 =	vadd.s32 $0x13F40, v11  }
0x157: {  	v15 =	vsub.f32 $1.000000000e+00, v2;
	v10 =	vmul.f32 v8, v10;
	v8 =	vmul.f32 v8, v0  }
0x158: {  	v1 =	vmul.f32 v1, v0;
	v0 =	vadd.s32 $0x40, v4;
	v4 =	vadd.s32 $0x1000, v5  }
0x159: {  	s8 =	sand.u32 $0x1F0, s8;
	v11 =	vadd.s32 $0x13F41, v11;
	v16 =	vmul.f32 v15, v10;
	[tilespmem:s3+$0xFFFFF800] =	vst v14;
	v14 =	vmul.f32 v15, v8  }
0x15a: {  	v3 =	vadd.s32 v3, v0;
	v0 =	vadd.s32 v7, v0;
	v7 =	vadd.s32 v9, v4;
	[tilespmem:s8+$0x1600] =	vst v11  }
0x15b: {  	v9 =	vadd.s32 $0x13F40, v12;
	v11 =	vadd.s32 v5, v3;
	v5 =	vadd.s32 v5, v0;
	[tilespmem:s6+$0xFFFFF800] =	vst v16  }
0x15c: {  	v11 =	vshll.u32 v11, $0x1;
	v5 =	vshll.u32 v5, $0x1;
	[tilespmem:s3+$0xFFFFFA00] =	vst v9;
	v9 =	vadd.s32 $0x13F41, v12  }
0x15d: {  	v6 =	vadd.s32 v6, v4;
	v7 =	vshll.u32 v7, $0x1;
	v3 =	vadd.s32 v4, v3;
	[tilespmem:s8+$0x1800] =	vst v9  }
0x15e: {  	v6 =	vshll.u32 v6, $0x1;
	v3 =	vshll.u32 v3, $0x1;
	v9 =	vadd.s32 $0x13F40, v11;
	[tilespmem:s6+$0xFFFFFA00] =	vst v14  }
0x15f: {  	v8 =	vmul.f32 v8, v2;
	v12 =	vmul.f32 v15, v13;
	[tilespmem:s3+$0xFFFFFC00] =	vst v9;
	v9 =	vadd.s32 $0x13F41, v11  }
0x160: {  	v0 =	vadd.s32 v4, v0;
	[tilespmem:s8+$0x1A00] =	vst v9;
	v9 =	vmul.f32 v10, v2;
	v10 =	vmul.f32 v2, v13  }
0x161: {  	v4 =	vadd.s32 $0x13F40, v5;
	v11 =	vshll.u32 v0, $0x1;
	v0 =	vmul.f32 v2, v1;
	[tilespmem:s6+$0xFFFFFC00] =	vst v12  }
0x162: {  	v1 =	vmul.f32 v15, v1;
	v2 =	vadd.s32 $0x13F41, v5;
	[tilespmem:s3+$0xFFFFFE00] =	vst v4  }
0x163: {  	[tilespmem:s8+$0x1C00] =	vst v2  }
0x164: {  	[tilespmem:s6+$0xFFFFFE00] =	vst v1;
	v1 =	vadd.s32 $0x13F40, v6  }
0x165: {  	[tilespmem:s3+$0x0] =	vst v1;
	v1 =	vadd.s32 $0x13F41, v6  }
0x166: {  	[tilespmem:s8+$0x1E00] =	vst v1  }
0x167: {  	v1 =	vadd.s32 $0x13F40, v7;
	[tilespmem:s6+$0x0] =	vst v9  }
0x168: {  	[tilespmem:s3+$0x200] =	vst v1;
	v1 =	vadd.s32 $0x13F41, v7  }
0x169: {  	[tilespmem:s8+$0x2000] =	vst v1  }
0x16a: {  	v1 =	vadd.s32 $0x13F40, v3;
	[tilespmem:s6+$0x200] =	vst v8  }
.Ltmp3:
0x16b: {  	[tilespmem:s3+$0x400] =	vst v1;
	v1 =	vadd.s32 $0x13F41, v3;
	(pc) =	sbr.rel @p0 .LBB2_9-.Ltmp3, $4  }
0x16c: {  	[tilespmem:s8+$0x2200] =	vst v1  }
0x16d: {  	v1 =	vadd.s32 $0x13F40, v11;
	[tilespmem:s6+$0x400] =	vst v10  }
0x16e: {  	[tilespmem:s3+$0x600] =	vst v1;
	v1 =	vadd.s32 $0x13F41, v11  }
0x16f: {  	[tilespmem:s8+$0x2400] =	vst v1  }
0x170: {  	[tilespmem:s6+$0x600] =	vst v0  }
0x171: {  	[tilespmem:s17], [sflag:$0x1] =	stream.indirect.gather [hbm4b:s5+s15], $0x1, s16, s15, $0xb8;
	[tilespmem:$0xAA00] =	vst v63  }
0x172: {  	_ =	swait.ge [sflag:s23], $0x2000  }
0x173: {  	[sflag:s23] =	ssyncset.done $0x0  }
0x174: {  	s0 =	simm.s32 $0x8E00;
	[sflag:s23] =	ssyncadd.s32 $0xFFFFE000  }
0x175: {  	v0 =	vld [tilespmem:s0+$0x600]  }
0x176: {  	v1 =	vld [tilespmem:s0+$0x400]  }
0x177: {  	v2 =	vld [tilespmem:s0+$0x200]  }
0x178: {  	v3 =	vld [tilespmem:s0+$0x0]  }
0x179: {  	v4 =	vld [tilespmem:s0+$0xFFFFFE00]  }
0x17a: {  	v5 =	vld [tilespmem:s0+$0xFFFFFC00]  }
0x17b: {  	s3 =	simm.s32 $0x7E00;
	v6 =	vld [tilespmem:s0+$0xFFFFFA00]  }
0x17c: {  	s31 =	simm.s32 $0x0;
	v7 =	vld [tilespmem:s3+$0xFFFFF800]  }
0x17d: {  	s6 =	sand.u32 $0x1F0, s31;
	v8 =	vld [tilespmem:s0+$0xFFFFF800]  }
0x17e: {  	v9 =	vld [tilespmem:s6+$0x9600]  }
0x17f: {  	v10 =	vld [tilespmem:s3+$0xFFFFFA00]  }
0x180: {  	v11 =	vld [tilespmem:s6+$0x9800]  }
0x181: {  	v12 =	vld [tilespmem:s3+$0xFFFFFC00]  }
0x182: {  	v13 =	vld [tilespmem:s6+$0x9A00];
	v8 =	vmul.f32 v8, v7  }
0x183: {  	v54 =	vld [tilespmem:s3+$0xFFFFFE00];
	v7 =	vmul.f32 v9, v7  }
0x184: {  	v14 =	vld [tilespmem:s6+$0x9C00];
	v6 =	vmul.f32 v6, v10;
	v8 =	vadd.f32 $0.0e+00, v8  }
0x185: {  	v55 =	vld [tilespmem:s3+$0x0];
	v10 =	vmul.f32 v11, v10;
	v7 =	vadd.f32 $0.0e+00, v7  }
0x186: {  	v56 =	vld [tilespmem:s6+$0x9E00];
	v5 =	vmul.f32 v5, v12;
	v6 =	vadd.f32 v6, v8  }
0x187: {  	v58 =	vld [tilespmem:s3+$0x200];
	v57 =	vmul.f32 v13, v12;
	v7 =	vadd.f32 v10, v7  }
0x188: {  	v59 =	vld [tilespmem:s6+$0xA000];
	v4 =	vmul.f32 v4, v54;
	v5 =	vadd.f32 v5, v6  }
0x189: {  	v60 =	vld [tilespmem:s3+$0x400];
	v9 =	vmul.f32 v14, v54;
	v7 =	vadd.f32 v57, v7  }
0x18a: {  	v61 =	vld [tilespmem:s6+$0xA200];
	v3 =	vmul.f32 v3, v55;
	v4 =	vadd.f32 v4, v5  }
0x18b: {  	v62 =	vld [tilespmem:s3+$0x600];
	v8 =	vmul.f32 v56, v55;
	v7 =	vadd.f32 v9, v7  }
0x18c: {  	v63 =	vld [tilespmem:s6+$0xA400];
	v2 =	vmul.f32 v2, v58;
	v3 =	vadd.f32 v3, v4  }
0x18d: {  	v6 =	vmul.f32 v59, v58;
	v7 =	vadd.f32 v8, v7  }
0x18e: {  	v1 =	vmul.f32 v1, v60;
	v2 =	vadd.f32 v2, v3  }
0x18f: {  	v5 =	vmul.f32 v61, v60;
	v3 =	vadd.f32 v6, v7  }
0x190: {  	v0 =	vmul.f32 v0, v62;
	v1 =	vadd.f32 v1, v2  }
0x191: {  	v2 =	vadd.f32 v5, v3;
	v3 =	vmul.f32 v63, v62  }
0x192: {  	v1 =	vadd.f32 v0, v1  }
0x193: {  	s6 =	simm.s32 $0xA800;
	v0 =	vadd.f32 v3, v2  }
0x194: {  	s7 =	simm.s32 $0x10;
	[tilespmem:s6+$0xFFFFFE00] =	vst v1  }
.LBB2_11:
0x195: {  	[tilespmem:s6+$0x0] =	vst v0;
	s6 =	sadd.s32 $0x10, s6;
	s3 =	sadd.s32 $0x10, s3;
	s0 =	sadd.s32 $0x10, s0  }
0x196: {  	p0 =	sne.s32 s7, $0x1F0;
	s8 =	smov.u32 s7;
	s7 =	sadd.s32 $0x10, s7;
	v0 =	vld [tilespmem:s0+$0x600]  }
0x197: {  	v1 =	vld [tilespmem:s0+$0x400]  }
0x198: {  	v2 =	vld [tilespmem:s0+$0x200]  }
0x199: {  	v3 =	vld [tilespmem:s0+$0x0]  }
0x19a: {  	v4 =	vld [tilespmem:s0+$0xFFFFFE00]  }
0x19b: {  	v5 =	vld [tilespmem:s0+$0xFFFFFC00]  }
0x19c: {  	v6 =	vld [tilespmem:s0+$0xFFFFFA00]  }
0x19d: {  	v7 =	vld [tilespmem:s3+$0xFFFFF800]  }
0x19e: {  	s8 =	sand.u32 $0x1F0, s8;
	v8 =	vld [tilespmem:s0+$0xFFFFF800]  }
0x19f: {  	v9 =	vld [tilespmem:s8+$0x9600]  }
0x1a0: {  	v10 =	vld [tilespmem:s3+$0xFFFFFA00]  }
0x1a1: {  	v11 =	vld [tilespmem:s8+$0x9800]  }
0x1a2: {  	v12 =	vld [tilespmem:s3+$0xFFFFFC00]  }
0x1a3: {  	v8 =	vmul.f32 v8, v7;
	v13 =	vld [tilespmem:s8+$0x9A00]  }
0x1a4: {  	v7 =	vmul.f32 v9, v7;
	v9 =	vld [tilespmem:s3+$0xFFFFFE00]  }
0x1a5: {  	v8 =	vadd.f32 $0.0e+00, v8;
	v6 =	vmul.f32 v6, v10;
	v14 =	vld [tilespmem:s8+$0x9C00]  }
0x1a6: {  	v7 =	vadd.f32 $0.0e+00, v7;
	v10 =	vmul.f32 v11, v10;
	v11 =	vld [tilespmem:s3+$0x0]  }
0x1a7: {  	v6 =	vadd.f32 v6, v8;
	v5 =	vmul.f32 v5, v12;
	v8 =	vld [tilespmem:s8+$0x9E00]  }
0x1a8: {  	v7 =	vadd.f32 v10, v7;
	v10 =	vmul.f32 v13, v12;
	v12 =	vld [tilespmem:s3+$0x200]  }
0x1a9: {  	v5 =	vadd.f32 v5, v6;
	v4 =	vmul.f32 v4, v9;
	v6 =	vld [tilespmem:s8+$0xA000]  }
0x1aa: {  	v7 =	vadd.f32 v10, v7;
	v9 =	vmul.f32 v14, v9;
	v10 =	vld [tilespmem:s3+$0x400]  }
0x1ab: {  	v4 =	vadd.f32 v4, v5;
	v3 =	vmul.f32 v3, v11;
	v5 =	vld [tilespmem:s8+$0xA200]  }
0x1ac: {  	v7 =	vadd.f32 v9, v7;
	v8 =	vmul.f32 v8, v11;
	v9 =	vld [tilespmem:s3+$0x600]  }
0x1ad: {  	v3 =	vadd.f32 v3, v4;
	v2 =	vmul.f32 v2, v12;
	v4 =	vld [tilespmem:s8+$0xA400]  }
0x1ae: {  	v7 =	vadd.f32 v8, v7;
	v6 =	vmul.f32 v6, v12  }
0x1af: {  	v2 =	vadd.f32 v2, v3;
	v1 =	vmul.f32 v1, v10  }
0x1b0: {  	v3 =	vadd.f32 v6, v7;
	v5 =	vmul.f32 v5, v10  }
.Ltmp4:
0x1b1: {  	v1 =	vadd.f32 v1, v2;
	v0 =	vmul.f32 v0, v9;
	(pc) =	sbr.rel @p0 .LBB2_11-.Ltmp4, $4  }
0x1b2: {  	v2 =	vadd.f32 v5, v3;
	v3 =	vmul.f32 v4, v9  }
0x1b3: {  	v1 =	vadd.f32 v0, v1  }
0x1b4: {  	v0 =	vadd.f32 v3, v2  }
0x1b5: {  	[tilespmem:s6+$0xFFFFFE00] =	vst v1  }
0x1b6: {  	[tilespmem:s6+$0x0] =	vst v0;
	s0 =	sadd.s32 s1, s30;
	s30 =	simm.s32 $0x0  }
0x1b7: {  	[hbm4b:s0+s30] =	stream.linear.scatter [tilespmem:s21], [sflag:$0x3], $0x200, $0x38;
	[tilespmem:$0xAA00] =	vst v63  }
0x1b8: {  	_ =	swait.ge [sflag:s13], $0x200  }
0x1b9: {  	[sflag:s13] =	ssyncset.done $0x0;
	s31 =	rddreg [dreg:$0x4]  }
0x1ba: {  	[sflag:s13] =	ssyncadd.s32 $0xFFFFFE00;
	s0 =	sadd.s32 s28, s31  }
0x1bb: {  	[hbm4b:s0+s30] =	stream.linear.scatter [tilespmem:s22], [sflag:$0x3], $0x200, $0x38;
	[tilespmem:$0xAA00] =	vst v63  }
0x1bc: {  	_ =	swait.ge [sflag:s13], $0x200  }
0x1bd: {  	[sflag:s13] =	ssyncset.done $0x0  }
0x1be: {  	s0 =	simm.s32 $0x400;
	[sflag:s13] =	ssyncadd.s32 $0xFFFFFE00  }
0x1bf: {  	v0 =	vld [tilespmem:s0+$0xFFFFFC00]  }
0x1c0: {  	v1 =	vld [tilespmem:s0+$0xFFFFFE00]  }
0x1c1: {  	v2 =	vld [tilespmem:s0+$0x0];
	_ =	sdelay $0x3  }
0x1c2: {  	v0 =	vmul.f32 $1.270000000e+02, v0  }
0x1c3: {  	v1 =	vmul.f32 $1.270000000e+02, v1;
	v2 =	vmul.f32 $1.270000000e+02, v2  }
0x1c4: {  	v0 =	vadd.f32 $5.000000000e-01, v0  }
0x1c5: {  	v1 =	vadd.f32 $5.000000000e-01, v1;
	v2 =	vadd.f32 $5.000000000e-01, v2  }
0x1c6: {  	v3 =	vtrunc.f32 v0  }
0x1c7: {  	v4 =	vtrunc.f32 v1;
	v5 =	vtrunc.f32 v2  }
0x1c8: {  	v3 =	vcvt.f32.s32 v3;
	v4 =	vcvt.f32.s32 v4  }
0x1c9: {  	v5 =	vcvt.f32.s32 v5  }
0x1ca: {  	v6 =	vcvt.s32.f32 v3;
	v7 =	vcvt.s32.f32 v4  }
0x1cb: {  	v4 =	vmul.u32 $0x9E3779B1, v4;
	v8 =	vcvt.s32.f32 v5  }
0x1cc: {  	v5 =	vmul.u32 $0x30025795, v5;
	v0 =	vsub.f32 v0, v6;
	v1 =	vsub.f32 v1, v7  }
0x1cd: {  	v45 =	vadd.s32 $0x1, v3;
	v46 =	vxor.u32 v3, v4;
	v2 =	vsub.f32 v2, v8  }
0x1ce: {  	v47 =	vxor.u32 v5, v46;
	v9 =	vsub.f32 $1.000000000e+00, v0;
	v10 =	vsub.f32 $1.000000000e+00, v1  }
0x1cf: {  	v11 =	vxor.u32 v45, v4;
	v8 =	vshll.u32 v47, $0x1  }
0x1d0: {  	v12 =	vsub.f32 $1.000000000e+00, v2;
	v8 =	vand.u32 $0xFFFFE, v8;
	v13 =	vmul.f32 v10, v9  }
0x1d1: {  	s3 =	simm.s32 $0x5E00;
	v4 =	vadd.s32 $0x9E3779B1, v4;
	v14 =	vxor.u32 v5, v11;
	v15 =	vadd.s32 $0x9A0D0, v8  }
0x1d2: {  	s8 =	sand.u32 $0x1F0, s30;
	v14 =	vshll.u32 v14, $0x1;
	v8 =	vadd.s32 $0x9A0D1, v8;
	[tilespmem:s3+$0xFFFFF800] =	vst v15;
	v16 =	vmul.f32 v12, v13  }
0x1d3: {  	s6 =	simm.s32 $0x7E00;
	v3 =	vxor.u32 v3, v4;
	v14 =	vand.u32 $0xFFFFE, v14;
	v10 =	vmul.f32 v10, v0;
	[tilespmem:s8+$0x6600] =	vst v8  }
0x1d4: {  	v48 =	vxor.u32 v5, v3;
	v49 =	vadd.s32 $0x9A0D0, v14;
	[tilespmem:s6+$0xFFFFF800] =	vst v16  }
0x1d5: {  	v14 =	vadd.s32 $0x9A0D1, v14;
	v50 =	vmul.f32 v12, v10;
	v8 =	vshll.u32 v48, $0x1;
	[tilespmem:s3+$0xFFFFFA00] =	vst v49  }
0x1d6: {  	v4 =	vxor.u32 v45, v4;
	v9 =	vmul.f32 v1, v9;
	v8 =	vand.u32 $0xFFFFE, v8;
	[tilespmem:s8+$0x6800] =	vst v14  }
0x1d7: {  	v6 =	vxor.u32 v5, v4;
	v51 =	vadd.s32 $0x9A0D0, v8;
	[tilespmem:s6+$0xFFFFFA00] =	vst v50  }
0x1d8: {  	v6 =	vshll.u32 v6, $0x1;
	v52 =	vmul.f32 v12, v9;
	v8 =	vadd.s32 $0x9A0D1, v8;
	[tilespmem:s3+$0xFFFFFC00] =	vst v51  }
0x1d9: {  	v0 =	vmul.f32 v1, v0;
	v1 =	vadd.s32 $0x30025795, v5;
	v53 =	vand.u32 $0xFFFFE, v6;
	[tilespmem:s8+$0x6A00] =	vst v8  }
0x1da: {  	v54 =	vxor.u32 v46, v1;
	v55 =	vadd.s32 $0x9A0D0, v53;
	[tilespmem:s6+$0xFFFFFC00] =	vst v52  }
0x1db: {  	v5 =	vadd.s32 $0x9A0D1, v53;
	v6 =	vshll.u32 v54, $0x1;
	v56 =	vmul.f32 v12, v0;
	[tilespmem:s3+$0xFFFFFE00] =	vst v55  }
0x1dc: {  	v6 =	vand.u32 $0xFFFFE, v6;
	[tilespmem:s8+$0x6C00] =	vst v5  }
0x1dd: {  	v57 =	vxor.u32 v11, v1;
	v58 =	vadd.s32 $0x9A0D0, v6;
	[tilespmem:s6+$0xFFFFFE00] =	vst v56  }
0x1de: {  	v59 =	vmul.f32 v13, v2;
	v6 =	vadd.s32 $0x9A0D1, v6;
	v5 =	vshll.u32 v57, $0x1;
	[tilespmem:s3+$0x0] =	vst v58  }
0x1df: {  	v5 =	vand.u32 $0xFFFFE, v5;
	[tilespmem:s8+$0x6E00] =	vst v6  }
0x1e0: {  	v3 =	vxor.u32 v1, v3;
	v60 =	vadd.s32 $0x9A0D0, v5;
	[tilespmem:s6+$0x0] =	vst v59  }
0x1e1: {  	v3 =	vshll.u32 v3, $0x1;
	v61 =	vmul.f32 v10, v2;
	v5 =	vadd.s32 $0x9A0D1, v5;
	[tilespmem:s3+$0x200] =	vst v60  }
0x1e2: {  	v3 =	vand.u32 $0xFFFFE, v3;
	[tilespmem:s8+$0x7000] =	vst v5  }
0x1e3: {  	v1 =	vxor.u32 v1, v4;
	v62 =	vadd.s32 $0x9A0D0, v3;
	[tilespmem:s6+$0x200] =	vst v61  }
0x1e4: {  	v63 =	vmul.f32 v2, v9;
	v1 =	vshll.u32 v1, $0x1;
	v3 =	vadd.s32 $0x9A0D1, v3;
	[tilespmem:s3+$0x400] =	vst v62  }
0x1e5: {  	v1 =	vand.u32 $0xFFFFE, v1;
	[tilespmem:s8+$0x7200] =	vst v3  }
0x1e6: {  	v3 =	vadd.s32 $0x9A0D0, v1;
	[tilespmem:s6+$0x400] =	vst v63  }
0x1e7: {  	v0 =	vmul.f32 v2, v0;
	v1 =	vadd.s32 $0x9A0D1, v1;
	[tilespmem:s3+$0x600] =	vst v3  }
0x1e8: {  	s7 =	simm.s32 $0x10;
	[tilespmem:s8+$0x7400] =	vst v1  }
.LBB2_13:
0x1e9: {  	[tilespmem:s6+$0x600] =	vst v0;
	s0 =	sadd.s32 $0x10, s0;
	s3 =	sadd.s32 $0x10, s3;
	s6 =	sadd.s32 $0x10, s6  }
0x1ea: {  	p0 =	sne.s32 s7, $0x1F0;
	s8 =	smov.u32 s7;
	s7 =	sadd.s32 $0x10, s7;
	v0 =	vld [tilespmem:s0+$0xFFFFFC00]  }
0x1eb: {  	v1 =	vld [tilespmem:s0+$0xFFFFFE00]  }
0x1ec: {  	v2 =	vld [tilespmem:s0+$0x0];
	_ =	sdelay $0x2  }
0x1ed: {  	v0 =	vmul.f32 $1.270000000e+02, v0  }
0x1ee: {  	v1 =	vmul.f32 $1.270000000e+02, v1  }
0x1ef: {  	v0 =	vadd.f32 $5.000000000e-01, v0;
	v2 =	vmul.f32 $1.270000000e+02, v2  }
0x1f0: {  	v1 =	vadd.f32 $5.000000000e-01, v1  }
0x1f1: {  	v2 =	vadd.f32 $5.000000000e-01, v2;
	v3 =	vtrunc.f32 v0  }
0x1f2: {  	v3 =	vcvt.f32.s32 v3;
	v4 =	vtrunc.f32 v1  }
0x1f3: {  	v4 =	vcvt.f32.s32 v4;
	v5 =	vtrunc.f32 v2  }
0x1f4: {  	v5 =	vcvt.f32.s32 v5;
	v6 =	vcvt.s32.f32 v3  }
0x1f5: {  	v8 =	vadd.s32 $0x1, v3;
	v7 =	vcvt.s32.f32 v4;
	v4 =	vmul.u32 $0x9E3779B1, v4  }
0x1f6: {  	v0 =	vsub.f32 v0, v6;
	v6 =	vcvt.s32.f32 v5;
	v5 =	vmul.u32 $0x30025795, v5  }
0x1f7: {  	v1 =	vsub.f32 v1, v7;
	v7 =	vxor.u32 v3, v4;
	v9 =	vxor.u32 v8, v4  }
0x1f8: {  	v2 =	vsub.f32 v2, v6;
	v6 =	vxor.u32 v5, v7;
	v10 =	vxor.u32 v5, v9  }
0x1f9: {  	v11 =	vsub.f32 $1.000000000e+00, v0;
	v12 =	vsub.f32 $1.000000000e+00, v1;
	v6 =	vshll.u32 v6, $0x1  }
0x1fa: {  	v4 =	vadd.s32 $0x9E3779B1, v4;
	v10 =	vshll.u32 v10, $0x1;
	v6 =	vand.u32 $0xFFFFE, v6  }
0x1fb: {  	v13 =	vsub.f32 $1.000000000e+00, v2;
	v14 =	vmul.f32 v12, v11;
	v15 =	vadd.s32 $0x9A0D0, v6  }
0x1fc: {  	v3 =	vxor.u32 v3, v4;
	v10 =	vand.u32 $0xFFFFE, v10;
	v12 =	vmul.f32 v12, v0  }
0x1fd: {  	s8 =	sand.u32 $0x1F0, s8;
	v6 =	vadd.s32 $0x9A0D1, v6;
	v16 =	vmul.f32 v13, v14;
	[tilespmem:s3+$0xFFFFF800] =	vst v15;
	v15 =	vxor.u32 v5, v3  }
0x1fe: {  	v11 =	vmul.f32 v1, v11;
	[tilespmem:s8+$0x6600] =	vst v6;
	v6 =	vmul.f32 v13, v12;
	v15 =	vshll.u32 v15, $0x1  }
0x1ff: {  	v4 =	vxor.u32 v8, v4;
	[tilespmem:s6+$0xFFFFF800] =	vst v16;
	v16 =	vadd.s32 $0x9A0D0, v10;
	v15 =	vand.u32 $0xFFFFE, v15  }
0x200: {  	v8 =	vadd.s32 $0x9A0D1, v10;
	v10 =	vmul.f32 v13, v11;
	[tilespmem:s3+$0xFFFFFA00] =	vst v16;
	v16 =	vxor.u32 v5, v4  }
0x201: {  	v0 =	vmul.f32 v1, v0;
	v1 =	vadd.s32 $0x30025795, v5;
	[tilespmem:s8+$0x6800] =	vst v8;
	v5 =	vshll.u32 v16, $0x1  }
0x202: {  	v7 =	vxor.u32 v7, v1;
	[tilespmem:s6+$0xFFFFFA00] =	vst v6;
	v6 =	vadd.s32 $0x9A0D0, v15;
	v5 =	vand.u32 $0xFFFFE, v5  }
0x203: {  	v7 =	vshll.u32 v7, $0x1;
	v8 =	vxor.u32 v9, v1;
	[tilespmem:s3+$0xFFFFFC00] =	vst v6;
	v6 =	vadd.s32 $0x9A0D1, v15  }
0x204: {  	v3 =	vxor.u32 v1, v3;
	[tilespmem:s8+$0x6A00] =	vst v6;
	v6 =	vand.u32 $0xFFFFE, v7;
	v7 =	vshll.u32 v8, $0x1  }
0x205: {  	v3 =	vshll.u32 v3, $0x1;
	v9 =	vmul.f32 v14, v2;
	v8 =	vadd.s32 $0x9A0D0, v5;
	[tilespmem:s6+$0xFFFFFC00] =	vst v10  }
0x206: {  	v3 =	vand.u32 $0xFFFFE, v3;
	v5 =	vadd.s32 $0x9A0D1, v5;
	v10 =	vmul.f32 v13, v0;
	[tilespmem:s3+$0xFFFFFE00] =	vst v8  }
0x207: {  	v1 =	vxor.u32 v1, v4;
	v8 =	vmul.f32 v2, v11;
	[tilespmem:s8+$0x6C00] =	vst v5;
	v5 =	vmul.f32 v12, v2  }
0x208: {  	v1 =	vshll.u32 v1, $0x1;
	v4 =	vadd.s32 $0x9A0D0, v6;
	v0 =	vmul.f32 v2, v0;
	[tilespmem:s6+$0xFFFFFE00] =	vst v10  }
0x209: {  	v1 =	vand.u32 $0xFFFFE, v1;
	v2 =	vadd.s32 $0x9A0D1, v6;
	[tilespmem:s3+$0x0] =	vst v4  }
0x20a: {  	[tilespmem:s8+$0x6E00] =	vst v2;
	v2 =	vand.u32 $0xFFFFE, v7  }
0x20b: {  	[tilespmem:s6+$0x0] =	vst v9;
	v4 =	vadd.s32 $0x9A0D0, v2  }
0x20c: {  	v2 =	vadd.s32 $0x9A0D1, v2;
	[tilespmem:s3+$0x200] =	vst v4  }
0x20d: {  	[tilespmem:s8+$0x7000] =	vst v2  }
0x20e: {  	v2 =	vadd.s32 $0x9A0D0, v3;
	[tilespmem:s6+$0x200] =	vst v5  }
.Ltmp5:
0x20f: {  	[tilespmem:s3+$0x400] =	vst v2;
	v2 =	vadd.s32 $0x9A0D1, v3;
	(pc) =	sbr.rel @p0 .LBB2_13-.Ltmp5, $4  }
0x210: {  	[tilespmem:s8+$0x7200] =	vst v2  }
0x211: {  	v2 =	vadd.s32 $0x9A0D0, v1;
	[tilespmem:s6+$0x400] =	vst v8  }
0x212: {  	v1 =	vadd.s32 $0x9A0D1, v1;
	[tilespmem:s3+$0x600] =	vst v2  }
0x213: {  	[tilespmem:s8+$0x7400] =	vst v1  }
0x214: {  	[tilespmem:s6+$0x600] =	vst v0  }
0x215: {  	[tilespmem:s19], [sflag:$0x2] =	stream.indirect.gather [hbm4b:s5+s15], $0x1, s18, s15, $0xb8;
	[tilespmem:$0xAA00] =	vst v63  }
0x216: {  	_ =	swait.ge [sflag:s20], $0x2000  }
0x217: {  	[sflag:s20] =	ssyncset.done $0x0  }
0x218: {  	s0 =	simm.s32 $0x3E00;
	[sflag:s20] =	ssyncadd.s32 $0xFFFFE000  }
0x219: {  	v0 =	vld [tilespmem:s0+$0x600]  }
0x21a: {  	v1 =	vld [tilespmem:s0+$0x400]  }
0x21b: {  	v2 =	vld [tilespmem:s0+$0x200]  }
0x21c: {  	v3 =	vld [tilespmem:s0+$0x0]  }
0x21d: {  	v4 =	vld [tilespmem:s0+$0xFFFFFE00]  }
0x21e: {  	v5 =	vld [tilespmem:s0+$0xFFFFFC00]  }
0x21f: {  	s3 =	simm.s32 $0x2E00;
	v6 =	vld [tilespmem:s0+$0xFFFFFA00]  }
0x220: {  	s31 =	simm.s32 $0x0;
	v7 =	vld [tilespmem:s3+$0xFFFFF800]  }
0x221: {  	s6 =	sand.u32 $0x1F0, s31;
	v8 =	vld [tilespmem:s0+$0xFFFFF800]  }
0x222: {  	v9 =	vld [tilespmem:s6+$0x4600]  }
0x223: {  	v10 =	vld [tilespmem:s3+$0xFFFFFA00]  }
0x224: {  	v11 =	vld [tilespmem:s6+$0x4800]  }
0x225: {  	v12 =	vld [tilespmem:s3+$0xFFFFFC00]  }
0x226: {  	v13 =	vld [tilespmem:s6+$0x4A00];
	v8 =	vmul.f32 v8, v7  }
0x227: {  	v54 =	vld [tilespmem:s3+$0xFFFFFE00];
	v7 =	vmul.f32 v9, v7  }
0x228: {  	v14 =	vld [tilespmem:s6+$0x4C00];
	v6 =	vmul.f32 v6, v10;
	v8 =	vadd.f32 $0.0e+00, v8  }
0x229: {  	v55 =	vld [tilespmem:s3+$0x0];
	v10 =	vmul.f32 v11, v10;
	v7 =	vadd.f32 $0.0e+00, v7  }
0x22a: {  	v56 =	vld [tilespmem:s6+$0x4E00];
	v5 =	vmul.f32 v5, v12;
	v6 =	vadd.f32 v6, v8  }
0x22b: {  	v58 =	vld [tilespmem:s3+$0x200];
	v57 =	vmul.f32 v13, v12;
	v7 =	vadd.f32 v10, v7  }
0x22c: {  	v59 =	vld [tilespmem:s6+$0x5000];
	v4 =	vmul.f32 v4, v54;
	v5 =	vadd.f32 v5, v6  }
0x22d: {  	v60 =	vld [tilespmem:s3+$0x400];
	v9 =	vmul.f32 v14, v54;
	v7 =	vadd.f32 v57, v7  }
0x22e: {  	v61 =	vld [tilespmem:s6+$0x5200];
	v3 =	vmul.f32 v3, v55;
	v4 =	vadd.f32 v4, v5  }
0x22f: {  	v62 =	vld [tilespmem:s3+$0x600];
	v8 =	vmul.f32 v56, v55;
	v7 =	vadd.f32 v9, v7  }
0x230: {  	v63 =	vld [tilespmem:s6+$0x5400];
	v2 =	vmul.f32 v2, v58;
	v3 =	vadd.f32 v3, v4  }
0x231: {  	v6 =	vmul.f32 v59, v58;
	v7 =	vadd.f32 v8, v7  }
0x232: {  	v1 =	vmul.f32 v1, v60;
	v2 =	vadd.f32 v2, v3  }
0x233: {  	v5 =	vmul.f32 v61, v60;
	v3 =	vadd.f32 v6, v7  }
0x234: {  	v0 =	vmul.f32 v0, v62;
	v1 =	vadd.f32 v1, v2  }
0x235: {  	v2 =	vadd.f32 v5, v3;
	v3 =	vmul.f32 v63, v62  }
0x236: {  	v1 =	vadd.f32 v0, v1  }
0x237: {  	s6 =	simm.s32 $0xA800;
	v0 =	vadd.f32 v3, v2  }
0x238: {  	s7 =	simm.s32 $0x10;
	[tilespmem:s6+$0xFFFFFE00] =	vst v1  }
.LBB2_15:
0x239: {  	[tilespmem:s6+$0x0] =	vst v0;
	s6 =	sadd.s32 $0x10, s6;
	s3 =	sadd.s32 $0x10, s3;
	s0 =	sadd.s32 $0x10, s0  }
0x23a: {  	p0 =	sne.s32 s7, $0x1F0;
	s8 =	smov.u32 s7;
	s7 =	sadd.s32 $0x10, s7;
	v0 =	vld [tilespmem:s0+$0x600]  }
0x23b: {  	v1 =	vld [tilespmem:s0+$0x400]  }
0x23c: {  	v2 =	vld [tilespmem:s0+$0x200]  }
0x23d: {  	v3 =	vld [tilespmem:s0+$0x0]  }
0x23e: {  	v4 =	vld [tilespmem:s0+$0xFFFFFE00]  }
0x23f: {  	v5 =	vld [tilespmem:s0+$0xFFFFFC00]  }
0x240: {  	v6 =	vld [tilespmem:s0+$0xFFFFFA00]  }
0x241: {  	v7 =	vld [tilespmem:s3+$0xFFFFF800]  }
0x242: {  	s8 =	sand.u32 $0x1F0, s8;
	v8 =	vld [tilespmem:s0+$0xFFFFF800]  }
0x243: {  	v9 =	vld [tilespmem:s8+$0x4600]  }
0x244: {  	v10 =	vld [tilespmem:s3+$0xFFFFFA00]  }
0x245: {  	v11 =	vld [tilespmem:s8+$0x4800]  }
0x246: {  	v12 =	vld [tilespmem:s3+$0xFFFFFC00]  }
0x247: {  	v8 =	vmul.f32 v8, v7;
	v13 =	vld [tilespmem:s8+$0x4A00]  }
0x248: {  	v7 =	vmul.f32 v9, v7;
	v9 =	vld [tilespmem:s3+$0xFFFFFE00]  }
0x249: {  	v8 =	vadd.f32 $0.0e+00, v8;
	v6 =	vmul.f32 v6, v10;
	v14 =	vld [tilespmem:s8+$0x4C00]  }
0x24a: {  	v7 =	vadd.f32 $0.0e+00, v7;
	v10 =	vmul.f32 v11, v10;
	v11 =	vld [tilespmem:s3+$0x0]  }
0x24b: {  	v6 =	vadd.f32 v6, v8;
	v5 =	vmul.f32 v5, v12;
	v8 =	vld [tilespmem:s8+$0x4E00]  }
0x24c: {  	v7 =	vadd.f32 v10, v7;
	v10 =	vmul.f32 v13, v12;
	v12 =	vld [tilespmem:s3+$0x200]  }
0x24d: {  	v5 =	vadd.f32 v5, v6;
	v4 =	vmul.f32 v4, v9;
	v6 =	vld [tilespmem:s8+$0x5000]  }
0x24e: {  	v7 =	vadd.f32 v10, v7;
	v9 =	vmul.f32 v14, v9;
	v10 =	vld [tilespmem:s3+$0x400]  }
0x24f: {  	v4 =	vadd.f32 v4, v5;
	v3 =	vmul.f32 v3, v11;
	v5 =	vld [tilespmem:s8+$0x5200]  }
0x250: {  	v7 =	vadd.f32 v9, v7;
	v8 =	vmul.f32 v8, v11;
	v9 =	vld [tilespmem:s3+$0x600]  }
0x251: {  	v3 =	vadd.f32 v3, v4;
	v2 =	vmul.f32 v2, v12;
	v4 =	vld [tilespmem:s8+$0x5400]  }
0x252: {  	v7 =	vadd.f32 v8, v7;
	v6 =	vmul.f32 v6, v12  }
0x253: {  	v2 =	vadd.f32 v2, v3;
	v1 =	vmul.f32 v1, v10  }
0x254: {  	v3 =	vadd.f32 v6, v7;
	v5 =	vmul.f32 v5, v10  }
.Ltmp6:
0x255: {  	v1 =	vadd.f32 v1, v2;
	v0 =	vmul.f32 v0, v9;
	(pc) =	sbr.rel @p0 .LBB2_15-.Ltmp6, $4  }
0x256: {  	v2 =	vadd.f32 v5, v3;
	v3 =	vmul.f32 v4, v9  }
0x257: {  	v1 =	vadd.f32 v0, v1  }
0x258: {  	v0 =	vadd.f32 v3, v2  }
0x259: {  	[tilespmem:s6+$0xFFFFFE00] =	vst v1  }
0x25a: {  	s0 =	rddreg [dreg:$0x5]  }
0x25b: {  	[tilespmem:s6+$0x0] =	vst v0;
	s30 =	simm.s32 $0x0;
	s0 =	sadd.s32 s28, s0  }
0x25c: {  	[hbm4b:s0+s30] =	stream.linear.scatter [tilespmem:s21], [sflag:$0x3], $0x200, $0x38;
	[tilespmem:$0xAA00] =	vst v63  }
0x25d: {  	_ =	swait.ge [sflag:s13], $0x200  }
0x25e: {  	[sflag:s13] =	ssyncset.done $0x0;
	s25 =	rddreg [dreg:$0x6]  }
0x25f: {  	[sflag:s13] =	ssyncadd.s32 $0xFFFFFE00;
	s0 =	sadd.s32 s28, s25  }
0x260: {  	[hbm4b:s0+s30] =	stream.linear.scatter [tilespmem:s22], [sflag:$0x3], $0x200, $0x38;
	[tilespmem:$0xAA00] =	vst v63  }
0x261: {  	_ =	swait.ge [sflag:s13], $0x200  }
0x262: {  	s31 =	sadd.s32 $0xC0000, s29;
	[sflag:s13] =	ssyncset.done $0x0  }
0x263: {  	s29 =	sadd.s32 $0x100000, s29;
	s0 =	simm.s32 $0x0;
	[sflag:s13] =	ssyncadd.s32 $0xFFFFFE00  }
.LBB2_17:
0x264: {  	s25 =	simm.s32 $0x400  }
0x265: {  	s12 =	sshll.u32 s0, $0x1;
	v1 =	vld [tilespmem:s25+$0xFFFFFC00]  }
0x266: {  	s3 =	sshll.u32 s24, s12;
	v2 =	vld [tilespmem:s25+$0xFFFFFE00]  }
0x267: {  	v3 =	vld [tilespmem:s25+$0x0];
	s3 =	sadd.s32 $0xFFFFFFFF, s3  }
0x268: {  	s3 =	scvt.s32.f32 s3;
	_ =	sdelay $0x1  }
0x269: {  	v0 =	vmov s3  }
0x26a: {  	v1 =	vmul.f32 v1, v0  }
0x26b: {  	v2 =	vmul.f32 v2, v0;
	v3 =	vmul.f32 v3, v0  }
0x26c: {  	v1 =	vadd.f32 $5.000000000e-01, v1  }
0x26d: {  	v2 =	vadd.f32 $5.000000000e-01, v2;
	v3 =	vadd.f32 $5.000000000e-01, v3  }
0x26e: {  	v4 =	vtrunc.f32 v1  }
0x26f: {  	v5 =	vtrunc.f32 v2;
	v6 =	vtrunc.f32 v3  }
0x270: {  	v4 =	vcvt.f32.s32 v4;
	v5 =	vcvt.f32.s32 v5  }
0x271: {  	v6 =	vcvt.f32.s32 v6  }
0x272: {  	v7 =	vcvt.s32.f32 v4;
	v8 =	vcvt.s32.f32 v5  }
0x273: {  	v5 =	vmul.u32 $0x9E3779B1, v5;
	v9 =	vcvt.s32.f32 v6  }
0x274: {  	v6 =	vmul.u32 $0x30025795, v6;
	v7 =	vsub.f32 v1, v7;
	v2 =	vsub.f32 v2, v8  }
0x275: {  	s3 =	sshll.u32 s0, $0x15;
	v47 =	vadd.s32 $0x1, v4;
	v10 =	vxor.u32 v4, v5;
	v3 =	vsub.f32 v3, v9  }
0x276: {  	s6 =	sor.u32 $0x19A0D0, s3;
	v48 =	vxor.u32 v6, v10;
	v11 =	vsub.f32 $1.000000000e+00, v7;
	v12 =	vsub.f32 $1.000000000e+00, v2  }
0x277: {  	v1 =	vmov s6;
	v13 =	vxor.u32 v47, v5;
	v9 =	vshll.u32 v48, $0x1  }
0x278: {  	v14 =	vsub.f32 $1.000000000e+00, v3;
	v9 =	vand.u32 $0xFFFFE, v9;
	v15 =	vmul.f32 v12, v11  }
0x279: {  	s6 =	simm.s32 $0xE00;
	v5 =	vadd.s32 $0x9E3779B1, v5;
	v16 =	vxor.u32 v6, v13;
	v9 =	vadd.s32 v1, v9  }
0x27a: {  	s9 =	sand.u32 $0x1F0, s30;
	v16 =	vshll.u32 v16, $0x1;
	v17 =	vor.u32 $0x1, v9;
	[tilespmem:s6+$0xFFFFF800] =	vst v9;
	v18 =	vmul.f32 v14, v15  }
0x27b: {  	s7 =	simm.s32 $0x2E00;
	v4 =	vxor.u32 v4, v5;
	v50 =	vand.u32 $0xFFFFE, v16;
	v49 =	vmul.f32 v12, v7;
	[tilespmem:s9+$0x1600] =	vst v17  }
0x27c: {  	v51 =	vxor.u32 v6, v4;
	v12 =	vadd.s32 v1, v50;
	[tilespmem:s7+$0xFFFFF800] =	vst v18  }
0x27d: {  	v16 =	vshll.u32 v51, $0x1;
	v52 =	vmul.f32 v14, v49;
	[tilespmem:s6+$0xFFFFFA00] =	vst v12;
	v12 =	vor.u32 $0x1, v12  }
0x27e: {  	v5 =	vxor.u32 v47, v5;
	v11 =	vmul.f32 v2, v11;
	v53 =	vand.u32 $0xFFFFE, v16;
	[tilespmem:s9+$0x1800] =	vst v12  }
0x27f: {  	v54 =	vxor.u32 v6, v5;
	v8 =	vadd.s32 v1, v53;
	[tilespmem:s7+$0xFFFFFA00] =	vst v52  }
0x280: {  	v55 =	vmul.f32 v14, v11;
	v12 =	vshll.u32 v54, $0x1;
	[tilespmem:s6+$0xFFFFFC00] =	vst v8;
	v8 =	vor.u32 $0x1, v8  }
0x281: {  	v6 =	vadd.s32 $0x30025795, v6;
	v2 =	vmul.f32 v2, v7;
	v56 =	vand.u32 $0xFFFFE, v12;
	[tilespmem:s9+$0x1A00] =	vst v8  }
0x282: {  	v57 =	vxor.u32 v10, v6;
	v7 =	vadd.s32 v1, v56;
	[tilespmem:s7+$0xFFFFFC00] =	vst v55  }
0x283: {  	v58 =	vmul.f32 v14, v2;
	v8 =	vshll.u32 v57, $0x1;
	[tilespmem:s6+$0xFFFFFE00] =	vst v7;
	v7 =	vor.u32 $0x1, v7  }
0x284: {  	v8 =	vand.u32 $0xFFFFE, v8;
	[tilespmem:s9+$0x1C00] =	vst v7  }
0x285: {  	v59 =	vxor.u32 v13, v6;
	v8 =	vadd.s32 v1, v8;
	[tilespmem:s7+$0xFFFFFE00] =	vst v58  }
0x286: {  	v60 =	vmul.f32 v15, v3;
	v7 =	vshll.u32 v59, $0x1;
	[tilespmem:s6+$0x0] =	vst v8;
	v8 =	vor.u32 $0x1, v8  }
0x287: {  	v7 =	vand.u32 $0xFFFFE, v7;
	[tilespmem:s9+$0x1E00] =	vst v8  }
0x288: {  	v4 =	vxor.u32 v6, v4;
	v7 =	vadd.s32 v1, v7;
	[tilespmem:s7+$0x0] =	vst v60  }
0x289: {  	v4 =	vshll.u32 v4, $0x1;
	v61 =	vmul.f32 v49, v3;
	[tilespmem:s6+$0x200] =	vst v7;
	v7 =	vor.u32 $0x1, v7  }
0x28a: {  	v4 =	vand.u32 $0xFFFFE, v4;
	[tilespmem:s9+$0x2000] =	vst v7  }
0x28b: {  	v5 =	vxor.u32 v6, v5;
	v4 =	vadd.s32 v1, v4;
	[tilespmem:s7+$0x200] =	vst v61  }
0x28c: {  	v5 =	vshll.u32 v5, $0x1;
	v62 =	vmul.f32 v3, v11;
	[tilespmem:s6+$0x400] =	vst v4;
	v4 =	vor.u32 $0x1, v4  }
0x28d: {  	v5 =	vand.u32 $0xFFFFE, v5;
	[tilespmem:s9+$0x2200] =	vst v4  }
0x28e: {  	v63 =	vadd.s32 v1, v5;
	[tilespmem:s7+$0x400] =	vst v62  }
0x28f: {  	v2 =	vmul.f32 v3, v2;
	v4 =	vor.u32 $0x1, v63;
	[tilespmem:s6+$0x600] =	vst v63  }
0x290: {  	s8 =	simm.s32 $0x10;
	[tilespmem:s9+$0x2400] =	vst v4  }
.LBB2_18:
0x291: {  	[tilespmem:s7+$0x600] =	vst v2;
	s25 =	sadd.s32 $0x10, s25;
	s6 =	sadd.s32 $0x10, s6;
	s7 =	sadd.s32 $0x10, s7  }
0x292: {  	p0 =	sne.s32 s8, $0x1F0;
	s9 =	smov.u32 s8;
	s8 =	sadd.s32 $0x10, s8;
	v2 =	vld [tilespmem:s25+$0xFFFFFC00]  }
0x293: {  	v3 =	vld [tilespmem:s25+$0xFFFFFE00]  }
0x294: {  	v4 =	vld [tilespmem:s25+$0x0];
	_ =	sdelay $0x2  }
0x295: {  	v2 =	vmul.f32 v2, v0  }
0x296: {  	v3 =	vmul.f32 v3, v0  }
0x297: {  	v2 =	vadd.f32 $5.000000000e-01, v2;
	v4 =	vmul.f32 v4, v0  }
0x298: {  	v3 =	vadd.f32 $5.000000000e-01, v3  }
0x299: {  	v4 =	vadd.f32 $5.000000000e-01, v4;
	v5 =	vtrunc.f32 v2  }
0x29a: {  	v5 =	vcvt.f32.s32 v5;
	v6 =	vtrunc.f32 v3  }
0x29b: {  	v6 =	vcvt.f32.s32 v6;
	v7 =	vtrunc.f32 v4  }
0x29c: {  	v7 =	vcvt.f32.s32 v7;
	v8 =	vcvt.s32.f32 v5  }
0x29d: {  	v10 =	vadd.s32 $0x1, v5;
	v9 =	vcvt.s32.f32 v6;
	v6 =	vmul.u32 $0x9E3779B1, v6  }
0x29e: {  	v2 =	vsub.f32 v2, v8;
	v8 =	vcvt.s32.f32 v7;
	v7 =	vmul.u32 $0x30025795, v7  }
0x29f: {  	v3 =	vsub.f32 v3, v9;
	v9 =	vxor.u32 v5, v6;
	v11 =	vxor.u32 v10, v6  }
0x2a0: {  	v4 =	vsub.f32 v4, v8;
	v8 =	vxor.u32 v7, v9;
	v12 =	vxor.u32 v7, v11  }
0x2a1: {  	v13 =	vsub.f32 $1.000000000e+00, v2;
	v14 =	vsub.f32 $1.000000000e+00, v3;
	v8 =	vshll.u32 v8, $0x1  }
0x2a2: {  	v6 =	vadd.s32 $0x9E3779B1, v6;
	v12 =	vshll.u32 v12, $0x1;
	v8 =	vand.u32 $0xFFFFE, v8  }
0x2a3: {  	v15 =	vsub.f32 $1.000000000e+00, v4;
	v16 =	vmul.f32 v14, v13;
	v8 =	vadd.s32 v1, v8  }
0x2a4: {  	v12 =	vand.u32 $0xFFFFE, v12;
	v14 =	vmul.f32 v14, v2;
	v17 =	vor.u32 $0x1, v8  }
0x2a5: {  	s9 =	sand.u32 $0x1F0, s9;
	v5 =	vxor.u32 v5, v6;
	v13 =	vmul.f32 v3, v13;
	v18 =	vmul.f32 v15, v16;
	[tilespmem:s6+$0xFFFFF800] =	vst v8  }
0x2a6: {  	v6 =	vxor.u32 v10, v6;
	v8 =	vmul.f32 v15, v14;
	[tilespmem:s9+$0x1600] =	vst v17;
	v17 =	vxor.u32 v7, v5  }
0x2a7: {  	v10 =	vadd.s32 v1, v12;
	[tilespmem:s7+$0xFFFFF800] =	vst v18;
	v12 =	vshll.u32 v17, $0x1;
	v17 =	vmul.f32 v15, v13  }
0x2a8: {  	v18 =	vxor.u32 v7, v6;
	[tilespmem:s6+$0xFFFFFA00] =	vst v10;
	v10 =	vor.u32 $0x1, v10;
	v12 =	vand.u32 $0xFFFFE, v12  }
0x2a9: {  	v2 =	vmul.f32 v3, v2;
	v3 =	vadd.s32 $0x30025795, v7;
	v7 =	vshll.u32 v18, $0x1;
	[tilespmem:s9+$0x1800] =	vst v10  }
0x2aa: {  	v9 =	vxor.u32 v9, v3;
	v7 =	vand.u32 $0xFFFFE, v7;
	[tilespmem:s7+$0xFFFFFA00] =	vst v8;
	v8 =	vadd.s32 v1, v12  }
0x2ab: {  	v9 =	vshll.u32 v9, $0x1;
	v10 =	vxor.u32 v11, v3;
	[tilespmem:s6+$0xFFFFFC00] =	vst v8;
	v8 =	vor.u32 $0x1, v8  }
0x2ac: {  	v5 =	vxor.u32 v3, v5;
	[tilespmem:s9+$0x1A00] =	vst v8;
	v8 =	vand.u32 $0xFFFFE, v9;
	v9 =	vshll.u32 v10, $0x1  }
0x2ad: {  	v5 =	vshll.u32 v5, $0x1;
	v7 =	vadd.s32 v1, v7;
	[tilespmem:s7+$0xFFFFFC00] =	vst v17;
	v9 =	vand.u32 $0xFFFFE, v9  }
0x2ae: {  	v5 =	vand.u32 $0xFFFFE, v5;
	v10 =	vmul.f32 v15, v2;
	[tilespmem:s6+$0xFFFFFE00] =	vst v7;
	v7 =	vor.u32 $0x1, v7  }
0x2af: {  	v11 =	vmul.f32 v14, v4;
	v3 =	vxor.u32 v3, v6;
	[tilespmem:s9+$0x1C00] =	vst v7;
	v7 =	vmul.f32 v16, v4  }
0x2b0: {  	v3 =	vshll.u32 v3, $0x1;
	v2 =	vmul.f32 v4, v2;
	v6 =	vadd.s32 v1, v8;
	[tilespmem:s7+$0xFFFFFE00] =	vst v10  }
0x2b1: {  	v3 =	vand.u32 $0xFFFFE, v3;
	v4 =	vmul.f32 v4, v13;
	[tilespmem:s6+$0x0] =	vst v6;
	v6 =	vor.u32 $0x1, v6  }
0x2b2: {  	[tilespmem:s9+$0x1E00] =	vst v6  }
0x2b3: {  	v6 =	vadd.s32 v1, v9;
	[tilespmem:s7+$0x0] =	vst v7  }
0x2b4: {  	[tilespmem:s6+$0x200] =	vst v6;
	v6 =	vor.u32 $0x1, v6  }
0x2b5: {  	[tilespmem:s9+$0x2000] =	vst v6  }
0x2b6: {  	v5 =	vadd.s32 v1, v5;
	[tilespmem:s7+$0x200] =	vst v11  }
.Ltmp7:
0x2b7: {  	[tilespmem:s6+$0x400] =	vst v5;
	v5 =	vor.u32 $0x1, v5;
	(pc) =	sbr.rel @p0 .LBB2_18-.Ltmp7, $4  }
0x2b8: {  	[tilespmem:s9+$0x2200] =	vst v5  }
0x2b9: {  	v3 =	vadd.s32 v1, v3;
	[tilespmem:s7+$0x400] =	vst v4  }
0x2ba: {  	[tilespmem:s6+$0x600] =	vst v3;
	v3 =	vor.u32 $0x1, v3  }
0x2bb: {  	[tilespmem:s9+$0x2400] =	vst v3  }
0x2bc: {  	[tilespmem:s7+$0x600] =	vst v2  }
0x2bd: {  	[tilespmem:s17], [sflag:$0x1] =	stream.indirect.gather [hbm4b:s5+s15], $0x1, s16, s15, $0xb8;
	[tilespmem:$0xAA00] =	vst v63  }
0x2be: {  	_ =	swait.ge [sflag:s23], $0x2000  }
0x2bf: {  	[sflag:s23] =	ssyncset.done $0x0  }
0x2c0: {  	s6 =	simm.s32 $0x8E00;
	[sflag:s23] =	ssyncadd.s32 $0xFFFFE000  }
0x2c1: {  	v0 =	vld [tilespmem:s6+$0x600]  }
0x2c2: {  	v1 =	vld [tilespmem:s6+$0x400]  }
0x2c3: {  	v2 =	vld [tilespmem:s6+$0x200]  }
0x2c4: {  	v3 =	vld [tilespmem:s6+$0x0]  }
0x2c5: {  	v4 =	vld [tilespmem:s6+$0xFFFFFE00]  }
0x2c6: {  	v5 =	vld [tilespmem:s6+$0xFFFFFC00]  }
0x2c7: {  	s7 =	simm.s32 $0x7E00;
	v6 =	vld [tilespmem:s6+$0xFFFFFA00]  }
0x2c8: {  	s8 =	simm.s32 $0x0;
	v7 =	vld [tilespmem:s7+$0xFFFFF800]  }
0x2c9: {  	s8 =	sand.u32 $0x1F0, s8;
	v8 =	vld [tilespmem:s6+$0xFFFFF800]  }
0x2ca: {  	v9 =	vld [tilespmem:s8+$0x9600]  }
0x2cb: {  	v10 =	vld [tilespmem:s7+$0xFFFFFA00]  }
0x2cc: {  	v11 =	vld [tilespmem:s8+$0x9800]  }
0x2cd: {  	v12 =	vld [tilespmem:s7+$0xFFFFFC00]  }
0x2ce: {  	v13 =	vld [tilespmem:s8+$0x9A00];
	v8 =	vmul.f32 v8, v7  }
0x2cf: {  	v54 =	vld [tilespmem:s7+$0xFFFFFE00];
	v7 =	vmul.f32 v9, v7  }
0x2d0: {  	v14 =	vld [tilespmem:s8+$0x9C00];
	v6 =	vmul.f32 v6, v10;
	v8 =	vadd.f32 $0.0e+00, v8  }
0x2d1: {  	v55 =	vld [tilespmem:s7+$0x0];
	v10 =	vmul.f32 v11, v10;
	v7 =	vadd.f32 $0.0e+00, v7  }
0x2d2: {  	v56 =	vld [tilespmem:s8+$0x9E00];
	v5 =	vmul.f32 v5, v12;
	v6 =	vadd.f32 v6, v8  }
0x2d3: {  	v58 =	vld [tilespmem:s7+$0x200];
	v57 =	vmul.f32 v13, v12;
	v7 =	vadd.f32 v10, v7  }
0x2d4: {  	v59 =	vld [tilespmem:s8+$0xA000];
	v4 =	vmul.f32 v4, v54;
	v5 =	vadd.f32 v5, v6  }
0x2d5: {  	v60 =	vld [tilespmem:s7+$0x400];
	v9 =	vmul.f32 v14, v54;
	v7 =	vadd.f32 v57, v7  }
0x2d6: {  	v61 =	vld [tilespmem:s8+$0xA200];
	v3 =	vmul.f32 v3, v55;
	v4 =	vadd.f32 v4, v5  }
0x2d7: {  	v62 =	vld [tilespmem:s7+$0x600];
	v8 =	vmul.f32 v56, v55;
	v7 =	vadd.f32 v9, v7  }
0x2d8: {  	v63 =	vld [tilespmem:s8+$0xA400];
	v2 =	vmul.f32 v2, v58;
	v3 =	vadd.f32 v3, v4  }
0x2d9: {  	v6 =	vmul.f32 v59, v58;
	v7 =	vadd.f32 v8, v7  }
0x2da: {  	v1 =	vmul.f32 v1, v60;
	v2 =	vadd.f32 v2, v3  }
0x2db: {  	v5 =	vmul.f32 v61, v60;
	v3 =	vadd.f32 v6, v7  }
0x2dc: {  	v0 =	vmul.f32 v0, v62;
	v1 =	vadd.f32 v1, v2  }
0x2dd: {  	v2 =	vadd.f32 v5, v3;
	v3 =	vmul.f32 v63, v62  }
0x2de: {  	v1 =	vadd.f32 v0, v1  }
0x2df: {  	s8 =	simm.s32 $0xA800;
	v0 =	vadd.f32 v3, v2  }
0x2e0: {  	s25 =	simm.s32 $0x10;
	[tilespmem:s8+$0xFFFFFE00] =	vst v1  }
.LBB2_20:
0x2e1: {  	[tilespmem:s8+$0x0] =	vst v0;
	s8 =	sadd.s32 $0x10, s8;
	s7 =	sadd.s32 $0x10, s7;
	s6 =	sadd.s32 $0x10, s6  }
0x2e2: {  	p0 =	sne.s32 s25, $0x1F0;
	s9 =	smov.u32 s25;
	s25 =	sadd.s32 $0x10, s25;
	v0 =	vld [tilespmem:s6+$0x600]  }
0x2e3: {  	v1 =	vld [tilespmem:s6+$0x400]  }
0x2e4: {  	v2 =	vld [tilespmem:s6+$0x200]  }
0x2e5: {  	v3 =	vld [tilespmem:s6+$0x0]  }
0x2e6: {  	v4 =	vld [tilespmem:s6+$0xFFFFFE00]  }
0x2e7: {  	v5 =	vld [tilespmem:s6+$0xFFFFFC00]  }
0x2e8: {  	v6 =	vld [tilespmem:s6+$0xFFFFFA00]  }
0x2e9: {  	v7 =	vld [tilespmem:s7+$0xFFFFF800]  }
0x2ea: {  	s9 =	sand.u32 $0x1F0, s9;
	v8 =	vld [tilespmem:s6+$0xFFFFF800]  }
0x2eb: {  	v9 =	vld [tilespmem:s9+$0x9600]  }
0x2ec: {  	v10 =	vld [tilespmem:s7+$0xFFFFFA00]  }
0x2ed: {  	v11 =	vld [tilespmem:s9+$0x9800]  }
0x2ee: {  	v12 =	vld [tilespmem:s7+$0xFFFFFC00]  }
0x2ef: {  	v8 =	vmul.f32 v8, v7;
	v13 =	vld [tilespmem:s9+$0x9A00]  }
0x2f0: {  	v7 =	vmul.f32 v9, v7;
	v9 =	vld [tilespmem:s7+$0xFFFFFE00]  }
0x2f1: {  	v8 =	vadd.f32 $0.0e+00, v8;
	v6 =	vmul.f32 v6, v10;
	v14 =	vld [tilespmem:s9+$0x9C00]  }
0x2f2: {  	v7 =	vadd.f32 $0.0e+00, v7;
	v10 =	vmul.f32 v11, v10;
	v11 =	vld [tilespmem:s7+$0x0]  }
0x2f3: {  	v6 =	vadd.f32 v6, v8;
	v5 =	vmul.f32 v5, v12;
	v8 =	vld [tilespmem:s9+$0x9E00]  }
0x2f4: {  	v7 =	vadd.f32 v10, v7;
	v10 =	vmul.f32 v13, v12;
	v12 =	vld [tilespmem:s7+$0x200]  }
0x2f5: {  	v5 =	vadd.f32 v5, v6;
	v4 =	vmul.f32 v4, v9;
	v6 =	vld [tilespmem:s9+$0xA000]  }
0x2f6: {  	v7 =	vadd.f32 v10, v7;
	v9 =	vmul.f32 v14, v9;
	v10 =	vld [tilespmem:s7+$0x400]  }
0x2f7: {  	v4 =	vadd.f32 v4, v5;
	v3 =	vmul.f32 v3, v11;
	v5 =	vld [tilespmem:s9+$0xA200]  }
0x2f8: {  	v7 =	vadd.f32 v9, v7;
	v8 =	vmul.f32 v8, v11;
	v9 =	vld [tilespmem:s7+$0x600]  }
0x2f9: {  	v3 =	vadd.f32 v3, v4;
	v2 =	vmul.f32 v2, v12;
	v4 =	vld [tilespmem:s9+$0xA400]  }
0x2fa: {  	v7 =	vadd.f32 v8, v7;
	v6 =	vmul.f32 v6, v12  }
0x2fb: {  	v2 =	vadd.f32 v2, v3;
	v1 =	vmul.f32 v1, v10  }
0x2fc: {  	v3 =	vadd.f32 v6, v7;
	v5 =	vmul.f32 v5, v10  }
.Ltmp8:
0x2fd: {  	v1 =	vadd.f32 v1, v2;
	v0 =	vmul.f32 v0, v9;
	(pc) =	sbr.rel @p0 .LBB2_20-.Ltmp8, $4  }
0x2fe: {  	v2 =	vadd.f32 v5, v3;
	v3 =	vmul.f32 v4, v9  }
0x2ff: {  	v1 =	vadd.f32 v0, v1  }
0x300: {  	v0 =	vadd.f32 v3, v2  }
0x301: {  	[tilespmem:s8+$0xFFFFFE00] =	vst v1  }
0x302: {  	s25 =	sshll.u32 s0, $0x13  }
0x303: {  	s6 =	sadd.s32 s31, s25  }
0x304: {  	s6 =	sshrl.u32 s6, $0x3  }
0x305: {  	[tilespmem:s8+$0x0] =	vst v0;
	s9 =	simm.s32 $0x0;
	s7 =	sadd.s32 s1, s6  }
0x306: {  	[hbm4b:s7+s9] =	stream.linear.scatter [tilespmem:s21], [sflag:$0x3], $0x200, $0x38;
	[tilespmem:$0xAA00] =	vst v63  }
0x307: {  	_ =	swait.ge [sflag:s13], $0x200  }
0x308: {  	s6 =	sor.u32 $0x4000, s6;
	[sflag:s13] =	ssyncset.done $0x0  }
0x309: {  	s6 =	sadd.s32 s1, s6;
	[sflag:s13] =	ssyncadd.s32 $0xFFFFFE00  }
0x30a: {  	[hbm4b:s6+s9] =	stream.linear.scatter [tilespmem:s22], [sflag:$0x3], $0x200, $0x38;
	[tilespmem:$0xAA00] =	vst v63  }
0x30b: {  	_ =	swait.ge [sflag:s13], $0x200  }
0x30c: {  	[sflag:s13] =	ssyncset.done $0x0  }
0x30d: {  	s6 =	simm.s32 $0x400;
	[sflag:s13] =	ssyncadd.s32 $0xFFFFFE00  }
0x30e: {  	v1 =	vld [tilespmem:s6+$0xFFFFFC00]  }
0x30f: {  	s12 =	sshll.u32 s14, s12;
	v2 =	vld [tilespmem:s6+$0xFFFFFE00]  }
0x310: {  	s7 =	sadd.s32 $0xFFFFFFFF, s12;
	v3 =	vld [tilespmem:s6+$0x0]  }
0x311: {  	s7 =	scvt.s32.f32 s7;
	_ =	sdelay $0x1  }
0x312: {  	v0 =	vmov s7  }
0x313: {  	v1 =	vmul.f32 v1, v0  }
0x314: {  	v2 =	vmul.f32 v2, v0;
	v3 =	vmul.f32 v3, v0  }
0x315: {  	v1 =	vadd.f32 $5.000000000e-01, v1  }
0x316: {  	v2 =	vadd.f32 $5.000000000e-01, v2;
	v3 =	vadd.f32 $5.000000000e-01, v3  }
0x317: {  	v4 =	vtrunc.f32 v1  }
0x318: {  	v5 =	vtrunc.f32 v2;
	v6 =	vtrunc.f32 v3  }
0x319: {  	v4 =	vcvt.f32.s32 v4;
	v5 =	vcvt.f32.s32 v5  }
0x31a: {  	v6 =	vcvt.f32.s32 v6  }
0x31b: {  	v7 =	vcvt.s32.f32 v4;
	v8 =	vcvt.s32.f32 v5  }
0x31c: {  	v5 =	vmul.u32 $0x9E3779B1, v5;
	v9 =	vcvt.s32.f32 v6  }
0x31d: {  	v6 =	vmul.u32 $0x30025795, v6;
	v7 =	vsub.f32 v1, v7;
	v2 =	vsub.f32 v2, v8  }
0x31e: {  	v47 =	vadd.s32 $0x1, v4;
	v10 =	vxor.u32 v4, v5;
	v3 =	vsub.f32 v3, v9  }
0x31f: {  	s3 =	sadd.s32 $0x29A0D0, s3;
	v48 =	vxor.u32 v6, v10;
	v11 =	vsub.f32 $1.000000000e+00, v7;
	v12 =	vsub.f32 $1.000000000e+00, v2  }
0x320: {  	v1 =	vmov s3;
	v13 =	vxor.u32 v47, v5;
	v9 =	vshll.u32 v48, $0x1  }
0x321: {  	v14 =	vsub.f32 $1.000000000e+00, v3;
	v9 =	vand.u32 $0xFFFFE, v9;
	v15 =	vmul.f32 v12, v11  }
0x322: {  	s3 =	simm.s32 $0x5E00;
	v5 =	vadd.s32 $0x9E3779B1, v5;
	v16 =	vxor.u32 v6, v13;
	v9 =	vadd.s32 v1, v9  }
0x323: {  	s9 =	sand.u32 $0x1F0, s9;
	v16 =	vshll.u32 v16, $0x1;
	v17 =	vor.u32 $0x1, v9;
	[tilespmem:s3+$0xFFFFF800] =	vst v9;
	v18 =	vmul.f32 v14, v15  }
0x324: {  	s7 =	simm.s32 $0x7E00;
	v4 =	vxor.u32 v4, v5;
	v50 =	vand.u32 $0xFFFFE, v16;
	v49 =	vmul.f32 v12, v7;
	[tilespmem:s9+$0x6600] =	vst v17  }
0x325: {  	v51 =	vxor.u32 v6, v4;
	v12 =	vadd.s32 v1, v50;
	[tilespmem:s7+$0xFFFFF800] =	vst v18  }
0x326: {  	v16 =	vshll.u32 v51, $0x1;
	v52 =	vmul.f32 v14, v49;
	[tilespmem:s3+$0xFFFFFA00] =	vst v12;
	v12 =	vor.u32 $0x1, v12  }
0x327: {  	v5 =	vxor.u32 v47, v5;
	v11 =	vmul.f32 v2, v11;
	v53 =	vand.u32 $0xFFFFE, v16;
	[tilespmem:s9+$0x6800] =	vst v12  }
0x328: {  	v54 =	vxor.u32 v6, v5;
	v8 =	vadd.s32 v1, v53;
	[tilespmem:s7+$0xFFFFFA00] =	vst v52  }
0x329: {  	v55 =	vmul.f32 v14, v11;
	v12 =	vshll.u32 v54, $0x1;
	[tilespmem:s3+$0xFFFFFC00] =	vst v8;
	v8 =	vor.u32 $0x1, v8  }
0x32a: {  	v6 =	vadd.s32 $0x30025795, v6;
	v2 =	vmul.f32 v2, v7;
	v56 =	vand.u32 $0xFFFFE, v12;
	[tilespmem:s9+$0x6A00] =	vst v8  }
0x32b: {  	v57 =	vxor.u32 v10, v6;
	v7 =	vadd.s32 v1, v56;
	[tilespmem:s7+$0xFFFFFC00] =	vst v55  }
0x32c: {  	v58 =	vmul.f32 v14, v2;
	v8 =	vshll.u32 v57, $0x1;
	[tilespmem:s3+$0xFFFFFE00] =	vst v7;
	v7 =	vor.u32 $0x1, v7  }
0x32d: {  	v8 =	vand.u32 $0xFFFFE, v8;
	[tilespmem:s9+$0x6C00] =	vst v7  }
0x32e: {  	v59 =	vxor.u32 v13, v6;
	v8 =	vadd.s32 v1, v8;
	[tilespmem:s7+$0xFFFFFE00] =	vst v58  }
0x32f: {  	v60 =	vmul.f32 v15, v3;
	v7 =	vshll.u32 v59, $0x1;
	[tilespmem:s3+$0x0] =	vst v8;
	v8 =	vor.u32 $0x1, v8  }
0x330: {  	v7 =	vand.u32 $0xFFFFE, v7;
	[tilespmem:s9+$0x6E00] =	vst v8  }
0x331: {  	v4 =	vxor.u32 v6, v4;
	v7 =	vadd.s32 v1, v7;
	[tilespmem:s7+$0x0] =	vst v60  }
0x332: {  	v4 =	vshll.u32 v4, $0x1;
	v61 =	vmul.f32 v49, v3;
	[tilespmem:s3+$0x200] =	vst v7;
	v7 =	vor.u32 $0x1, v7  }
0x333: {  	v4 =	vand.u32 $0xFFFFE, v4;
	[tilespmem:s9+$0x7000] =	vst v7  }
0x334: {  	v5 =	vxor.u32 v6, v5;
	v4 =	vadd.s32 v1, v4;
	[tilespmem:s7+$0x200] =	vst v61  }
0x335: {  	v5 =	vshll.u32 v5, $0x1;
	v62 =	vmul.f32 v3, v11;
	[tilespmem:s3+$0x400] =	vst v4;
	v4 =	vor.u32 $0x1, v4  }
0x336: {  	v5 =	vand.u32 $0xFFFFE, v5;
	[tilespmem:s9+$0x7200] =	vst v4  }
0x337: {  	v63 =	vadd.s32 v1, v5;
	[tilespmem:s7+$0x400] =	vst v62  }
0x338: {  	v2 =	vmul.f32 v3, v2;
	v4 =	vor.u32 $0x1, v63;
	[tilespmem:s3+$0x600] =	vst v63  }
0x339: {  	s8 =	simm.s32 $0x10;
	[tilespmem:s9+$0x7400] =	vst v4  }
.LBB2_22:
0x33a: {  	[tilespmem:s7+$0x600] =	vst v2;
	s6 =	sadd.s32 $0x10, s6;
	s3 =	sadd.s32 $0x10, s3;
	s7 =	sadd.s32 $0x10, s7  }
0x33b: {  	p0 =	sne.s32 s8, $0x1F0;
	s9 =	smov.u32 s8;
	s8 =	sadd.s32 $0x10, s8;
	v2 =	vld [tilespmem:s6+$0xFFFFFC00]  }
0x33c: {  	v3 =	vld [tilespmem:s6+$0xFFFFFE00]  }
0x33d: {  	v4 =	vld [tilespmem:s6+$0x0];
	_ =	sdelay $0x2  }
0x33e: {  	v2 =	vmul.f32 v2, v0  }
0x33f: {  	v3 =	vmul.f32 v3, v0  }
0x340: {  	v2 =	vadd.f32 $5.000000000e-01, v2;
	v4 =	vmul.f32 v4, v0  }
0x341: {  	v3 =	vadd.f32 $5.000000000e-01, v3  }
0x342: {  	v4 =	vadd.f32 $5.000000000e-01, v4;
	v5 =	vtrunc.f32 v2  }
0x343: {  	v5 =	vcvt.f32.s32 v5;
	v6 =	vtrunc.f32 v3  }
0x344: {  	v6 =	vcvt.f32.s32 v6;
	v7 =	vtrunc.f32 v4  }
0x345: {  	v7 =	vcvt.f32.s32 v7;
	v8 =	vcvt.s32.f32 v5  }
0x346: {  	v10 =	vadd.s32 $0x1, v5;
	v9 =	vcvt.s32.f32 v6;
	v6 =	vmul.u32 $0x9E3779B1, v6  }
0x347: {  	v2 =	vsub.f32 v2, v8;
	v8 =	vcvt.s32.f32 v7;
	v7 =	vmul.u32 $0x30025795, v7  }
0x348: {  	v3 =	vsub.f32 v3, v9;
	v9 =	vxor.u32 v5, v6;
	v11 =	vxor.u32 v10, v6  }
0x349: {  	v4 =	vsub.f32 v4, v8;
	v8 =	vxor.u32 v7, v9;
	v12 =	vxor.u32 v7, v11  }
0x34a: {  	v13 =	vsub.f32 $1.000000000e+00, v2;
	v14 =	vsub.f32 $1.000000000e+00, v3;
	v8 =	vshll.u32 v8, $0x1  }
0x34b: {  	v6 =	vadd.s32 $0x9E3779B1, v6;
	v12 =	vshll.u32 v12, $0x1;
	v8 =	vand.u32 $0xFFFFE, v8  }
0x34c: {  	v15 =	vsub.f32 $1.000000000e+00, v4;
	v16 =	vmul.f32 v14, v13;
	v8 =	vadd.s32 v1, v8  }
0x34d: {  	v12 =	vand.u32 $0xFFFFE, v12;
	v14 =	vmul.f32 v14, v2;
	v17 =	vor.u32 $0x1, v8  }
0x34e: {  	s9 =	sand.u32 $0x1F0, s9;
	v5 =	vxor.u32 v5, v6;
	v13 =	vmul.f32 v3, v13;
	v18 =	vmul.f32 v15, v16;
	[tilespmem:s3+$0xFFFFF800] =	vst v8  }
0x34f: {  	v6 =	vxor.u32 v10, v6;
	v8 =	vmul.f32 v15, v14;
	[tilespmem:s9+$0x6600] =	vst v17;
	v17 =	vxor.u32 v7, v5  }
0x350: {  	v10 =	vadd.s32 v1, v12;
	[tilespmem:s7+$0xFFFFF800] =	vst v18;
	v12 =	vshll.u32 v17, $0x1;
	v17 =	vmul.f32 v15, v13  }
0x351: {  	v18 =	vxor.u32 v7, v6;
	[tilespmem:s3+$0xFFFFFA00] =	vst v10;
	v10 =	vor.u32 $0x1, v10;
	v12 =	vand.u32 $0xFFFFE, v12  }
0x352: {  	v2 =	vmul.f32 v3, v2;
	v3 =	vadd.s32 $0x30025795, v7;
	v7 =	vshll.u32 v18, $0x1;
	[tilespmem:s9+$0x6800] =	vst v10  }
0x353: {  	v9 =	vxor.u32 v9, v3;
	v7 =	vand.u32 $0xFFFFE, v7;
	[tilespmem:s7+$0xFFFFFA00] =	vst v8;
	v8 =	vadd.s32 v1, v12  }
0x354: {  	v9 =	vshll.u32 v9, $0x1;
	v10 =	vxor.u32 v11, v3;
	[tilespmem:s3+$0xFFFFFC00] =	vst v8;
	v8 =	vor.u32 $0x1, v8  }
0x355: {  	v5 =	vxor.u32 v3, v5;
	[tilespmem:s9+$0x6A00] =	vst v8;
	v8 =	vand.u32 $0xFFFFE, v9;
	v9 =	vshll.u32 v10, $0x1  }
0x356: {  	v5 =	vshll.u32 v5, $0x1;
	v7 =	vadd.s32 v1, v7;
	[tilespmem:s7+$0xFFFFFC00] =	vst v17;
	v9 =	vand.u32 $0xFFFFE, v9  }
0x357: {  	v5 =	vand.u32 $0xFFFFE, v5;
	v10 =	vmul.f32 v15, v2;
	[tilespmem:s3+$0xFFFFFE00] =	vst v7;
	v7 =	vor.u32 $0x1, v7  }
0x358: {  	v11 =	vmul.f32 v14, v4;
	v3 =	vxor.u32 v3, v6;
	[tilespmem:s9+$0x6C00] =	vst v7;
	v7 =	vmul.f32 v16, v4  }
0x359: {  	v3 =	vshll.u32 v3, $0x1;
	v2 =	vmul.f32 v4, v2;
	v6 =	vadd.s32 v1, v8;
	[tilespmem:s7+$0xFFFFFE00] =	vst v10  }
0x35a: {  	v3 =	vand.u32 $0xFFFFE, v3;
	v4 =	vmul.f32 v4, v13;
	[tilespmem:s3+$0x0] =	vst v6;
	v6 =	vor.u32 $0x1, v6  }
0x35b: {  	[tilespmem:s9+$0x6E00] =	vst v6  }
0x35c: {  	v6 =	vadd.s32 v1, v9;
	[tilespmem:s7+$0x0] =	vst v7  }
0x35d: {  	[tilespmem:s3+$0x200] =	vst v6;
	v6 =	vor.u32 $0x1, v6  }
0x35e: {  	[tilespmem:s9+$0x7000] =	vst v6  }
0x35f: {  	v5 =	vadd.s32 v1, v5;
	[tilespmem:s7+$0x200] =	vst v11  }
.Ltmp9:
0x360: {  	[tilespmem:s3+$0x400] =	vst v5;
	v5 =	vor.u32 $0x1, v5;
	(pc) =	sbr.rel @p0 .LBB2_22-.Ltmp9, $4  }
0x361: {  	[tilespmem:s9+$0x7200] =	vst v5  }
0x362: {  	v3 =	vadd.s32 v1, v3;
	[tilespmem:s7+$0x400] =	vst v4  }
0x363: {  	[tilespmem:s3+$0x600] =	vst v3;
	v3 =	vor.u32 $0x1, v3  }
0x364: {  	[tilespmem:s9+$0x7400] =	vst v3  }
0x365: {  	[tilespmem:s7+$0x600] =	vst v2  }
0x366: {  	[tilespmem:s19], [sflag:$0x2] =	stream.indirect.gather [hbm4b:s5+s15], $0x1, s18, s15, $0xb8;
	[tilespmem:$0xAA00] =	vst v63  }
0x367: {  	_ =	swait.ge [sflag:s20], $0x2000  }
0x368: {  	[sflag:s20] =	ssyncset.done $0x0  }
0x369: {  	s3 =	simm.s32 $0x3E00;
	[sflag:s20] =	ssyncadd.s32 $0xFFFFE000  }
0x36a: {  	v0 =	vld [tilespmem:s3+$0x600]  }
0x36b: {  	v1 =	vld [tilespmem:s3+$0x400]  }
0x36c: {  	v2 =	vld [tilespmem:s3+$0x200]  }
0x36d: {  	v3 =	vld [tilespmem:s3+$0x0]  }
0x36e: {  	v4 =	vld [tilespmem:s3+$0xFFFFFE00]  }
0x36f: {  	v5 =	vld [tilespmem:s3+$0xFFFFFC00]  }
0x370: {  	s6 =	simm.s32 $0x2E00;
	v6 =	vld [tilespmem:s3+$0xFFFFFA00]  }
0x371: {  	s12 =	simm.s32 $0x0;
	v7 =	vld [tilespmem:s6+$0xFFFFF800]  }
0x372: {  	s7 =	sand.u32 $0x1F0, s12;
	v8 =	vld [tilespmem:s3+$0xFFFFF800]  }
0x373: {  	v9 =	vld [tilespmem:s7+$0x4600]  }
0x374: {  	v10 =	vld [tilespmem:s6+$0xFFFFFA00]  }
0x375: {  	v11 =	vld [tilespmem:s7+$0x4800]  }
0x376: {  	v12 =	vld [tilespmem:s6+$0xFFFFFC00]  }
0x377: {  	v13 =	vld [tilespmem:s7+$0x4A00];
	v8 =	vmul.f32 v8, v7  }
0x378: {  	v54 =	vld [tilespmem:s6+$0xFFFFFE00];
	v7 =	vmul.f32 v9, v7  }
0x379: {  	v14 =	vld [tilespmem:s7+$0x4C00];
	v6 =	vmul.f32 v6, v10;
	v8 =	vadd.f32 $0.0e+00, v8  }
0x37a: {  	v55 =	vld [tilespmem:s6+$0x0];
	v10 =	vmul.f32 v11, v10;
	v7 =	vadd.f32 $0.0e+00, v7  }
0x37b: {  	v56 =	vld [tilespmem:s7+$0x4E00];
	v5 =	vmul.f32 v5, v12;
	v6 =	vadd.f32 v6, v8  }
0x37c: {  	v58 =	vld [tilespmem:s6+$0x200];
	v57 =	vmul.f32 v13, v12;
	v7 =	vadd.f32 v10, v7  }
0x37d: {  	v59 =	vld [tilespmem:s7+$0x5000];
	v4 =	vmul.f32 v4, v54;
	v5 =	vadd.f32 v5, v6  }
0x37e: {  	v60 =	vld [tilespmem:s6+$0x400];
	v9 =	vmul.f32 v14, v54;
	v7 =	vadd.f32 v57, v7  }
0x37f: {  	v61 =	vld [tilespmem:s7+$0x5200];
	v3 =	vmul.f32 v3, v55;
	v4 =	vadd.f32 v4, v5  }
0x380: {  	v62 =	vld [tilespmem:s6+$0x600];
	v8 =	vmul.f32 v56, v55;
	v7 =	vadd.f32 v9, v7  }
0x381: {  	v63 =	vld [tilespmem:s7+$0x5400];
	v2 =	vmul.f32 v2, v58;
	v3 =	vadd.f32 v3, v4  }
0x382: {  	v6 =	vmul.f32 v59, v58;
	v7 =	vadd.f32 v8, v7  }
0x383: {  	v1 =	vmul.f32 v1, v60;
	v2 =	vadd.f32 v2, v3  }
0x384: {  	v5 =	vmul.f32 v61, v60;
	v3 =	vadd.f32 v6, v7  }
0x385: {  	v0 =	vmul.f32 v0, v62;
	v1 =	vadd.f32 v1, v2  }
0x386: {  	v2 =	vadd.f32 v5, v3;
	v3 =	vmul.f32 v63, v62  }
0x387: {  	v1 =	vadd.f32 v0, v1  }
0x388: {  	s7 =	simm.s32 $0xA800;
	v0 =	vadd.f32 v3, v2  }
0x389: {  	s8 =	simm.s32 $0x10;
	[tilespmem:s7+$0xFFFFFE00] =	vst v1  }
.LBB2_24:
0x38a: {  	[tilespmem:s7+$0x0] =	vst v0;
	s7 =	sadd.s32 $0x10, s7;
	s6 =	sadd.s32 $0x10, s6;
	s3 =	sadd.s32 $0x10, s3  }
0x38b: {  	p0 =	sne.s32 s8, $0x1F0;
	s9 =	smov.u32 s8;
	s8 =	sadd.s32 $0x10, s8;
	v0 =	vld [tilespmem:s3+$0x600]  }
0x38c: {  	v1 =	vld [tilespmem:s3+$0x400]  }
0x38d: {  	v2 =	vld [tilespmem:s3+$0x200]  }
0x38e: {  	v3 =	vld [tilespmem:s3+$0x0]  }
0x38f: {  	v4 =	vld [tilespmem:s3+$0xFFFFFE00]  }
0x390: {  	v5 =	vld [tilespmem:s3+$0xFFFFFC00]  }
0x391: {  	v6 =	vld [tilespmem:s3+$0xFFFFFA00]  }
0x392: {  	v7 =	vld [tilespmem:s6+$0xFFFFF800]  }
0x393: {  	s9 =	sand.u32 $0x1F0, s9;
	v8 =	vld [tilespmem:s3+$0xFFFFF800]  }
0x394: {  	v9 =	vld [tilespmem:s9+$0x4600]  }
0x395: {  	v10 =	vld [tilespmem:s6+$0xFFFFFA00]  }
0x396: {  	v11 =	vld [tilespmem:s9+$0x4800]  }
0x397: {  	v12 =	vld [tilespmem:s6+$0xFFFFFC00]  }
0x398: {  	v8 =	vmul.f32 v8, v7;
	v13 =	vld [tilespmem:s9+$0x4A00]  }
0x399: {  	v7 =	vmul.f32 v9, v7;
	v9 =	vld [tilespmem:s6+$0xFFFFFE00]  }
0x39a: {  	v8 =	vadd.f32 $0.0e+00, v8;
	v6 =	vmul.f32 v6, v10;
	v14 =	vld [tilespmem:s9+$0x4C00]  }
0x39b: {  	v7 =	vadd.f32 $0.0e+00, v7;
	v10 =	vmul.f32 v11, v10;
	v11 =	vld [tilespmem:s6+$0x0]  }
0x39c: {  	v6 =	vadd.f32 v6, v8;
	v5 =	vmul.f32 v5, v12;
	v8 =	vld [tilespmem:s9+$0x4E00]  }
0x39d: {  	v7 =	vadd.f32 v10, v7;
	v10 =	vmul.f32 v13, v12;
	v12 =	vld [tilespmem:s6+$0x200]  }
0x39e: {  	v5 =	vadd.f32 v5, v6;
	v4 =	vmul.f32 v4, v9;
	v6 =	vld [tilespmem:s9+$0x5000]  }
0x39f: {  	v7 =	vadd.f32 v10, v7;
	v9 =	vmul.f32 v14, v9;
	v10 =	vld [tilespmem:s6+$0x400]  }
0x3a0: {  	v4 =	vadd.f32 v4, v5;
	v3 =	vmul.f32 v3, v11;
	v5 =	vld [tilespmem:s9+$0x5200]  }
0x3a1: {  	v7 =	vadd.f32 v9, v7;
	v8 =	vmul.f32 v8, v11;
	v9 =	vld [tilespmem:s6+$0x600]  }
0x3a2: {  	v3 =	vadd.f32 v3, v4;
	v2 =	vmul.f32 v2, v12;
	v4 =	vld [tilespmem:s9+$0x5400]  }
0x3a3: {  	v7 =	vadd.f32 v8, v7;
	v6 =	vmul.f32 v6, v12  }
0x3a4: {  	v2 =	vadd.f32 v2, v3;
	v1 =	vmul.f32 v1, v10  }
0x3a5: {  	v3 =	vadd.f32 v6, v7;
	v5 =	vmul.f32 v5, v10  }
.Ltmp10:
0x3a6: {  	v1 =	vadd.f32 v1, v2;
	v0 =	vmul.f32 v0, v9;
	(pc) =	sbr.rel @p0 .LBB2_24-.Ltmp10, $4  }
0x3a7: {  	v2 =	vadd.f32 v5, v3;
	v3 =	vmul.f32 v4, v9  }
0x3a8: {  	v1 =	vadd.f32 v0, v1  }
0x3a9: {  	v0 =	vadd.f32 v3, v2  }
0x3aa: {  	[tilespmem:s7+$0xFFFFFE00] =	vst v1  }
0x3ab: {  	s3 =	sadd.s32 s29, s25  }
0x3ac: {  	s3 =	sshrl.u32 s3, $0x3  }
0x3ad: {  	[tilespmem:s7+$0x0] =	vst v0;
	s6 =	sadd.s32 s1, s3  }
0x3ae: {  	[hbm4b:s6+s2] =	stream.linear.scatter [tilespmem:s21], [sflag:$0x3], $0x200, $0x38;
	[tilespmem:$0xAA00] =	vst v63  }
0x3af: {  	s0 =	sadd.s32 $0x1, s0;
	_ =	swait.ge [sflag:s13], $0x200  }
0x3b0: {  	p0 =	sne.s32 s0, $0x6;
	s3 =	sor.u32 $0x4000, s3;
	[sflag:s13] =	ssyncset.done $0x0  }
.Ltmp11:
0x3b1: {  	s3 =	sadd.s32 s1, s3;
	[sflag:s13] =	ssyncadd.s32 $0xFFFFFE00;
	(pc) =	sbr.rel @p0 .LBB2_17-.Ltmp11, $4  }
0x3b2: {  	[hbm4b:s3+s2] =	stream.linear.scatter [tilespmem:s22], [sflag:$0x3], $0x200, $0x38;
	[tilespmem:$0xAA00] =	vst v63  }
0x3b3: {  	_ =	swait.ge [sflag:s13], $0x200  }
0x3b4: {  	[sflag:s13] =	ssyncset.done $0x0  }
0x3b5: {  	[sflag:s13] =	ssyncadd.s32 $0xFFFFFE00  }
0x3b6: {  	_ =	swait.ge [sflag:s23], $0x2000  }
0x3b7: {  	[sflag:s23] =	ssyncset.done $0x0  }
0x3b8: {  	s0 =	simm.s32 $0x8E00;
	[sflag:s23] =	ssyncadd.s32 $0xFFFFE000  }
0x3b9: {  	v0 =	vld [tilespmem:s0+$0x600]  }
0x3ba: {  	v1 =	vld [tilespmem:s0+$0x400]  }
0x3bb: {  	v2 =	vld [tilespmem:s0+$0x200]  }
0x3bc: {  	v3 =	vld [tilespmem:s0+$0x0]  }
0x3bd: {  	v4 =	vld [tilespmem:s0+$0xFFFFFE00]  }
0x3be: {  	v5 =	vld [tilespmem:s0+$0xFFFFFC00]  }
0x3bf: {  	s3 =	simm.s32 $0x7E00;
	v6 =	vld [tilespmem:s0+$0xFFFFFA00]  }
0x3c0: {  	s6 =	simm.s32 $0x0;
	v7 =	vld [tilespmem:s3+$0xFFFFF800]  }
0x3c1: {  	s6 =	sand.u32 $0x1F0, s6;
	v8 =	vld [tilespmem:s0+$0xFFFFF800]  }
0x3c2: {  	v9 =	vld [tilespmem:s6+$0x9600]  }
0x3c3: {  	v10 =	vld [tilespmem:s3+$0xFFFFFA00]  }
0x3c4: {  	v11 =	vld [tilespmem:s6+$0x9800]  }
0x3c5: {  	v12 =	vld [tilespmem:s3+$0xFFFFFC00]  }
0x3c6: {  	v13 =	vld [tilespmem:s6+$0x9A00];
	v8 =	vmul.f32 v8, v7  }
0x3c7: {  	v54 =	vld [tilespmem:s3+$0xFFFFFE00];
	v7 =	vmul.f32 v9, v7  }
0x3c8: {  	v14 =	vld [tilespmem:s6+$0x9C00];
	v6 =	vmul.f32 v6, v10;
	v8 =	vadd.f32 $0.0e+00, v8  }
0x3c9: {  	v55 =	vld [tilespmem:s3+$0x0];
	v10 =	vmul.f32 v11, v10;
	v7 =	vadd.f32 $0.0e+00, v7  }
0x3ca: {  	v56 =	vld [tilespmem:s6+$0x9E00];
	v5 =	vmul.f32 v5, v12;
	v6 =	vadd.f32 v6, v8  }
0x3cb: {  	v58 =	vld [tilespmem:s3+$0x200];
	v57 =	vmul.f32 v13, v12;
	v7 =	vadd.f32 v10, v7  }
0x3cc: {  	v59 =	vld [tilespmem:s6+$0xA000];
	v4 =	vmul.f32 v4, v54;
	v5 =	vadd.f32 v5, v6  }
0x3cd: {  	v60 =	vld [tilespmem:s3+$0x400];
	v9 =	vmul.f32 v14, v54;
	v7 =	vadd.f32 v57, v7  }
0x3ce: {  	v61 =	vld [tilespmem:s6+$0xA200];
	v3 =	vmul.f32 v3, v55;
	v4 =	vadd.f32 v4, v5  }
0x3cf: {  	v62 =	vld [tilespmem:s3+$0x600];
	v8 =	vmul.f32 v56, v55;
	v7 =	vadd.f32 v9, v7  }
0x3d0: {  	v63 =	vld [tilespmem:s6+$0xA400];
	v2 =	vmul.f32 v2, v58;
	v3 =	vadd.f32 v3, v4  }
0x3d1: {  	v6 =	vmul.f32 v59, v58;
	v7 =	vadd.f32 v8, v7  }
0x3d2: {  	v1 =	vmul.f32 v1, v60;
	v2 =	vadd.f32 v2, v3  }
0x3d3: {  	v5 =	vmul.f32 v61, v60;
	v3 =	vadd.f32 v6, v7  }
0x3d4: {  	v0 =	vmul.f32 v0, v62;
	v1 =	vadd.f32 v1, v2  }
0x3d5: {  	v2 =	vadd.f32 v5, v3;
	v3 =	vmul.f32 v63, v62  }
0x3d6: {  	v1 =	vadd.f32 v0, v1  }
0x3d7: {  	s6 =	simm.s32 $0xA800;
	v0 =	vadd.f32 v3, v2  }
0x3d8: {  	s7 =	simm.s32 $0x10;
	[tilespmem:s6+$0xFFFFFE00] =	vst v1  }
.LBB2_27:
0x3d9: {  	[tilespmem:s6+$0x0] =	vst v0;
	s6 =	sadd.s32 $0x10, s6;
	s3 =	sadd.s32 $0x10, s3;
	s0 =	sadd.s32 $0x10, s0  }
0x3da: {  	p0 =	sne.s32 s7, $0x1F0;
	s8 =	smov.u32 s7;
	s7 =	sadd.s32 $0x10, s7;
	v0 =	vld [tilespmem:s0+$0x600]  }
0x3db: {  	v1 =	vld [tilespmem:s0+$0x400]  }
0x3dc: {  	v2 =	vld [tilespmem:s0+$0x200]  }
0x3dd: {  	v3 =	vld [tilespmem:s0+$0x0]  }
0x3de: {  	v4 =	vld [tilespmem:s0+$0xFFFFFE00]  }
0x3df: {  	v5 =	vld [tilespmem:s0+$0xFFFFFC00]  }
0x3e0: {  	v6 =	vld [tilespmem:s0+$0xFFFFFA00]  }
0x3e1: {  	v7 =	vld [tilespmem:s3+$0xFFFFF800]  }
0x3e2: {  	s8 =	sand.u32 $0x1F0, s8;
	v8 =	vld [tilespmem:s0+$0xFFFFF800]  }
0x3e3: {  	v9 =	vld [tilespmem:s8+$0x9600]  }
0x3e4: {  	v10 =	vld [tilespmem:s3+$0xFFFFFA00]  }
0x3e5: {  	v11 =	vld [tilespmem:s8+$0x9800]  }
0x3e6: {  	v12 =	vld [tilespmem:s3+$0xFFFFFC00]  }
0x3e7: {  	v8 =	vmul.f32 v8, v7;
	v13 =	vld [tilespmem:s8+$0x9A00]  }
0x3e8: {  	v7 =	vmul.f32 v9, v7;
	v9 =	vld [tilespmem:s3+$0xFFFFFE00]  }
0x3e9: {  	v8 =	vadd.f32 $0.0e+00, v8;
	v6 =	vmul.f32 v6, v10;
	v14 =	vld [tilespmem:s8+$0x9C00]  }
0x3ea: {  	v7 =	vadd.f32 $0.0e+00, v7;
	v10 =	vmul.f32 v11, v10;
	v11 =	vld [tilespmem:s3+$0x0]  }
0x3eb: {  	v6 =	vadd.f32 v6, v8;
	v5 =	vmul.f32 v5, v12;
	v8 =	vld [tilespmem:s8+$0x9E00]  }
0x3ec: {  	v7 =	vadd.f32 v10, v7;
	v10 =	vmul.f32 v13, v12;
	v12 =	vld [tilespmem:s3+$0x200]  }
0x3ed: {  	v5 =	vadd.f32 v5, v6;
	v4 =	vmul.f32 v4, v9;
	v6 =	vld [tilespmem:s8+$0xA000]  }
0x3ee: {  	v7 =	vadd.f32 v10, v7;
	v9 =	vmul.f32 v14, v9;
	v10 =	vld [tilespmem:s3+$0x400]  }
0x3ef: {  	v4 =	vadd.f32 v4, v5;
	v3 =	vmul.f32 v3, v11;
	v5 =	vld [tilespmem:s8+$0xA200]  }
0x3f0: {  	v7 =	vadd.f32 v9, v7;
	v8 =	vmul.f32 v8, v11;
	v9 =	vld [tilespmem:s3+$0x600]  }
0x3f1: {  	v3 =	vadd.f32 v3, v4;
	v2 =	vmul.f32 v2, v12;
	v4 =	vld [tilespmem:s8+$0xA400]  }
0x3f2: {  	v7 =	vadd.f32 v8, v7;
	v6 =	vmul.f32 v6, v12  }
0x3f3: {  	v2 =	vadd.f32 v2, v3;
	v1 =	vmul.f32 v1, v10  }
0x3f4: {  	v3 =	vadd.f32 v6, v7;
	v5 =	vmul.f32 v5, v10  }
.Ltmp12:
0x3f5: {  	v1 =	vadd.f32 v1, v2;
	v0 =	vmul.f32 v0, v9;
	(pc) =	sbr.rel @p0 .LBB2_27-.Ltmp12, $4  }
0x3f6: {  	v2 =	vadd.f32 v5, v3;
	v3 =	vmul.f32 v4, v9  }
0x3f7: {  	v1 =	vadd.f32 v0, v1  }
0x3f8: {  	v0 =	vadd.f32 v3, v2  }
0x3f9: {  	[tilespmem:s6+$0xFFFFFE00] =	vst v1  }
0x3fa: {  	[tilespmem:s6+$0x0] =	vst v0;
	s0 =	sadd.s32 s28, s10  }
0x3fb: {  	[hbm4b:s0+s2] =	stream.linear.scatter [tilespmem:s21], [sflag:$0x3], $0x200, $0x38;
	[tilespmem:$0xAA00] =	vst v63  }
0x3fc: {  	s26 =	sadd.s32 $0x1, s26;
	_ =	swait.ge [sflag:s13], $0x200  }
0x3fd: {  	p0 =	sne.s32 s26, $0x8;
	[sflag:s13] =	ssyncset.done $0x0  }
.Ltmp13:
0x3fe: {  	s31 =	sadd.s32 s28, s11;
	[sflag:s13] =	ssyncadd.s32 $0xFFFFFE00;
	(pc) =	sbr.rel @p0 .LBB2_2-.Ltmp13, $4  }
0x3ff: {  	[hbm4b:s31+s2] =	stream.linear.scatter [tilespmem:s22], [sflag:$0x3], $0x200, $0x38;
	[tilespmem:$0xAA00] =	vst v63  }
0x400: {  	_ =	swait.ge [sflag:s13], $0x200  }
0x401: {  	[sflag:s13] =	ssyncset.done $0x0  }
0x402: {  	[sflag:s13] =	ssyncadd.s32 $0xFFFFFE00  }
0x403: {  	s3 =	rddreg [dreg:$0x8]  }
0x404: {  	s0 =	rddreg [dreg:$0x7];
	s3 =	sadd.s32 $0x1, s3  }
0x405: {  	p0 =	sne.s32 s3, s0  }
.Ltmp14:
0x406: {  	_ = 	snop;
	(pc) =	sbr.rel @p0 .LBB2_1-.Ltmp14, $1  }
0x407: {  	_ =	sdelay $0x3  }
0x408: {  	_ =	sfence.sel $0x180000  }
0x409: {  	[bflag:$0x0] =	sbarrier.arrive $0xFFFF  }
0x40a: {  	_ =	strace $0x90000047  }
0x40b: {  	s0 =	stileid.u32;
	[bflag:$0x2] =	sbarrier.arrive $0xFFFF  }
0x40c: {  	p0 =	sne.s32 s0, $0x0;
	s0 =	rddreg [dreg:$0x2]  }
0x40d: {  	s0 =	sadd.s32 @!p0 $0x100000, s0  }
0x40e: {  	[sflag:s0] =	ssyncadd.tile.s32 @!p0 $0x1;
	_ =	shalt  }
.Lfunc_end2:
_tile_overlayer_lowered:
.L_overlay_start_2:
0x40f: {  	(tag) =	ssettag $0x2  }
0x410: {  	s0 =	rddreg [dreg:$0x0];
	s2 =	stileid.u32  }
0x411: {  	s1 =	rddreg [dreg:$0x1];
	p0 =	sne.s32 s2, $0x0  }
0x412: {  	s3 =	rddreg [dreg:$0x2];
	[bflag:$0x3] =	sbarrier.arrive $0xFFFF;
	s2 =	simm.s32 @!p0 $0x1C03  }
0x413: {  	[timem:s3], [sflag:s2] =	dma.local @!p0 [hbm:s0], s1  }
0x414: {  	s0 =	simm.s32 @!p0 $0x3  }
0x415: {  	_ =	swait.ge @!p0 [sflag:s0], s1  }
0x416: {  	s1 =	ssub.s32 @!p0 $0x0, s1;
	[sflag:s0] =	ssyncset.done @!p0 $0x0  }
0x417: {  	[sflag:s0] =	ssyncadd.s32 @!p0 s1  }
0x418: {  	[bflag:$0x3] =	sbarrier.arrive $0xFFFF  }
0x419: {  	_ =	shalt  }

</sc_bundles>
